<compile_context>
chip_gen: v7x
topology: tpu7x:2x2x1
jax: 0.10.2.dev20260603
libtpu: 0.0.44.dev20260713+nightly
codegen_flags: <defaults>
</compile_context>

<pallas_src>
import dataclasses
import functools

import jax
import jax.numpy as jnp
from jax import lax
from jax.experimental import pallas as pl
from jax.experimental.pallas import tpu as pltpu, tpu_sc as plsc

N = 10000
E = 320000
NP = 10240
NC, NS = 2, 16
NW = NC * NS
C = 112
NBLK = 92
EPW = C * NBLK
EP = NW * EPW
RPT = NP // NS

_mesh = plsc.VectorSubcoreMesh(core_axis_name="c", subcore_axis_name="s")
_sc_params = dataclasses.replace(
    pltpu.CompilerParams(use_tc_tiling_on_sc=False),
    needs_layout_passes=False)


def _bcast(v16, lane):
    idx = jnp.full((16, 1), lane, dtype=jnp.int32)
    dn = lax.GatherDimensionNumbers(offset_dims=(), collapsed_slice_dims=(0,),
                                    start_index_map=(0,))
    return lax.gather(v16, idx, dn, (1,),
                      mode=lax.GatherScatterMode.PROMISE_IN_BOUNDS)


def _interleave(x):
    n, w = x.shape
    return x.reshape(n, w // 32, 2, 16).transpose(0, 1, 3, 2).reshape(n, w)


def _sc_edge_layer(he, er, edges, heads, F):
    FA = F + 16
    HCH = F // 32
    HE = 32 * HCH + 32
    D = F // heads

    @functools.partial(
        pl.kernel,
        out_type=jax.ShapeDtypeStruct((NC, NP, FA), jnp.float32),
        mesh=_mesh,
        compiler_params=_sc_params,
        scratch_types=[
            pltpu.VMEM((4, 2, C), jnp.int32),
            pltpu.VMEM((2, C, 16), jnp.float32),
            pltpu.VMEM((2, C, HE), jnp.bfloat16),
            pltpu.VMEM((C, FA), jnp.float32),
            pltpu.VMEM_SHARED((NP, FA), jnp.float32),
            pltpu.SemaphoreType.DMA,
            pltpu.SemaphoreType.DMA,
            pltpu.SemaphoreType.DMA,
            pltpu.SemaphoreType.DMA,
            pltpu.SemaphoreType.DMA,
            pltpu.SemaphoreType.DMA,
            pltpu.SemaphoreType.DMA,
        ],
    )
    def k(he_hbm, er_hbm, edges_hbm, acc_out,
          idx, B, Hbf, msg, acc_sh, i0, i1, i2, i3, g0, g1, ssem):
        cid = lax.axis_index("c")
        sid = lax.axis_index("s")
        wid = cid * NS + sid
        r0 = sid * RPT
        isem = (i0, i1, i2, i3)
        gsem = (g0, g1)
        base = wid * EPW

        @pl.loop(0, C)
        def _(i):
            for j in range(FA // 16):
                msg[i, pl.ds(j * 16, 16)] = jnp.zeros((16,), jnp.float32)

        nfull, rem = divmod(RPT, C)
        for j in range(nfull):
            pltpu.sync_copy(msg, acc_sh.at[pl.ds(r0 + j * C, C)])
        if rem:
            pltpu.sync_copy(msg.at[pl.ds(0, rem)],
                            acc_sh.at[pl.ds(r0 + nfull * C, rem)])
        plsc.subcore_barrier()

        def issue_idx(g, ib):
            pltpu.async_copy(edges_hbm.at[:, pl.ds(base + g * C, C)], idx.at[ib], isem[ib])

        def wait_idx(ib):
            pltpu.make_async_copy(edges_hbm.at[:, pl.ds(0, C)], idx.at[ib], isem[ib]).wait()

        def issue_gathers(b, ib):
            pltpu.async_copy(er_hbm.at[idx.at[ib, 1]], B.at[b], gsem[b])
            pltpu.async_copy(he_hbm.at[idx.at[ib, 0]], Hbf.at[b], gsem[b])

        def wait_gathers(b, ib):
            pltpu.make_async_copy(er_hbm.at[idx.at[ib, 1]], B.at[b], gsem[b]).wait()
            pltpu.make_async_copy(he_hbm.at[idx.at[ib, 0]], Hbf.at[b], gsem[b]).wait()

        def issue_scatter(ib):
            pltpu.async_copy(msg, acc_sh.at[idx.at[ib, 1]], ssem, add=True)

        def wait_scatter(ib):
            pltpu.make_async_copy(msg, acc_sh.at[idx.at[ib, 1]], ssem).wait()

        def compute(b):
            @pl.loop(0, C)
            def _(i):
                ev = Hbf[b, i, pl.ds(HCH * 32, 32)]
                el_f, _ = plsc.unpack(ev, format=plsc.PackFormat.INTERLEAVED)
                z = el_f + B[b, i]
                sv = jnp.exp(jnp.maximum(z, 0.2 * z))
                msg[i, pl.ds(F, 16)] = sv
                for q in range(HCH):
                    v = Hbf[b, i, pl.ds(32 * q, 32)]
                    c0, c1 = plsc.unpack(v, format=plsc.PackFormat.INTERLEAVED)
                    bc0 = _bcast(sv, (32 * q) // D)
                    bc1 = _bcast(sv, (32 * q + 16) // D)
                    msg[i, pl.ds(32 * q, 16)] = c0 * bc0
                    msg[i, pl.ds(32 * q + 16, 16)] = c1 * bc1

        issue_idx(0, 0)
        issue_idx(1, 1)
        wait_idx(0)
        issue_gathers(0, 0)

        def body(g, k_):
            b = k_ % 2
            bp = (k_ + 1) % 2
            ib1 = (k_ + 1) % 4
            ib2 = (k_ + 2) % 4
            ibp = (k_ + 3) % 4

            @pl.when(g + 1 < NBLK)
            def _():
                wait_idx(ib1)
                issue_gathers(bp, ib1)

            @pl.when(g + 2 < NBLK)
            def _():
                issue_idx(g + 2, ib2)

            wait_gathers(b, k_)

            @pl.when(g >= 1)
            def _():
                wait_scatter(ibp)

            compute(b)
            issue_scatter(k_)

        @pl.loop(0, NBLK // 4)
        def _(p):
            for k_ in range(4):
                body(4 * p + k_, k_)

        wait_scatter((NBLK - 1) % 4)
        plsc.subcore_barrier()
        pltpu.sync_copy(acc_sh.at[pl.ds(r0, RPT)], acc_out.at[cid, pl.ds(r0, RPT)])

    return k(he, er, edges)


def _dense1_body(x_ref, W_ref, al_ref, ar_ref, he_ref, er_ref, *, heads, out_dim):
    x = x_ref[...]
    n = x.shape[0]
    h = lax.dot(x, W_ref[...], precision=lax.Precision.HIGHEST)
    hr = h.reshape(n, heads, out_dim)
    el = jnp.sum(hr * al_ref[...][None], axis=-1)
    er = jnp.sum(hr * ar_ref[...][None], axis=-1)
    pad = jnp.zeros((n, 16 - heads), jnp.float32)
    el16 = jnp.concatenate([el, pad], axis=1)
    elz = jnp.stack([el16, jnp.zeros_like(el16)], axis=-1).reshape(n, 32)
    he = jnp.concatenate([_interleave(h), elz], axis=1)
    he_ref[...] = he.astype(jnp.bfloat16)
    er_ref[...] = jnp.concatenate([er, pad], axis=1)


NB = 1000


def _dense1(x, W, al, ar, heads, out_dim):
    n = x.shape[0]
    d_in = x.shape[1]
    body = functools.partial(_dense1_body, heads=heads, out_dim=out_dim)
    return pl.pallas_call(
        body,
        grid=(n // NB,),
        in_specs=[
            pl.BlockSpec((NB, d_in), lambda i: (i, 0)),
            pl.BlockSpec((d_in, heads * out_dim), lambda i: (0, 0)),
            pl.BlockSpec((heads, out_dim), lambda i: (0, 0)),
            pl.BlockSpec((heads, out_dim), lambda i: (0, 0)),
        ],
        out_specs=(
            pl.BlockSpec((NB, heads * out_dim + 32), lambda i: (i, 0)),
            pl.BlockSpec((NB, 16), lambda i: (i, 0)),
        ),
        out_shape=(
            jax.ShapeDtypeStruct((n, heads * out_dim + 32), jnp.bfloat16),
            jax.ShapeDtypeStruct((n, 16), jnp.float32),
        ),
    )(x, W, al, ar)


def _epi1_body(acc_ref, b_ref, W2_ref, al2_ref, ar2_ref, he2_ref, er2_ref):
    acc = acc_ref[0, :, :128] + acc_ref[1, :, :128]
    den = acc_ref[0, :, 128:136] + acc_ref[1, :, 128:136]
    val = acc.reshape(NB, 8, 16) / (den[:, :, None] + 1e-9)
    out1 = jnp.maximum(val.reshape(NB, 128) + b_ref[...][None, :], 0.0)
    h2 = lax.dot(out1, W2_ref[...], precision=lax.Precision.HIGHEST)
    hr = h2.reshape(NB, 1, 32)
    el2 = jnp.sum(hr * al2_ref[...][None], axis=-1)
    er2 = jnp.sum(hr * ar2_ref[...][None], axis=-1)
    pad = jnp.zeros((NB, 15), jnp.float32)
    el16 = jnp.concatenate([el2, pad], axis=1)
    elz = jnp.stack([el16, jnp.zeros_like(el16)], axis=-1).reshape(NB, 32)
    he2 = jnp.concatenate([_interleave(h2), elz], axis=1)
    he2_ref[...] = he2.astype(jnp.bfloat16)
    er2_ref[...] = jnp.concatenate([er2, pad], axis=1)


def _epi2_body(acc_ref, b_ref, out_ref):
    acc = acc_ref[0, :, :32] + acc_ref[1, :, :32]
    den = acc_ref[0, :, 32:33] + acc_ref[1, :, 32:33]
    val = acc / (den + 1e-9) + b_ref[...][None, :]
    m = jnp.max(val, axis=1, keepdims=True)
    ex = jnp.exp(val - m)
    out_ref[...] = val - m - jnp.log(jnp.sum(ex, axis=1, keepdims=True))


def kernel(inputs, edge_index, W1, al1, ar1, b1, W2, al2, ar2, b2):
    pad_src = jnp.zeros((EP - E,), jnp.int32)
    pad_dst = N + (jnp.arange(EP - E, dtype=jnp.int32) % (NP - N))
    edges = jnp.concatenate([edge_index, jnp.stack([pad_src, pad_dst])], axis=1)

    he1, er1 = _dense1(inputs, W1, al1, ar1, 8, 16)
    er1 = jnp.pad(er1, ((0, NP - N), (0, 0)))
    acc1 = _sc_edge_layer(he1, er1, edges, 8, 128)

    he2, er2 = pl.pallas_call(
        _epi1_body,
        grid=(N // NB,),
        in_specs=[
            pl.BlockSpec((2, NB, 144), lambda i: (0, i, 0)),
            pl.BlockSpec((128,), lambda i: (0,)),
            pl.BlockSpec((128, 32), lambda i: (0, 0)),
            pl.BlockSpec((1, 32), lambda i: (0, 0)),
            pl.BlockSpec((1, 32), lambda i: (0, 0)),
        ],
        out_specs=(
            pl.BlockSpec((NB, 64), lambda i: (i, 0)),
            pl.BlockSpec((NB, 16), lambda i: (i, 0)),
        ),
        out_shape=(
            jax.ShapeDtypeStruct((N, 64), jnp.bfloat16),
            jax.ShapeDtypeStruct((N, 16), jnp.float32),
        ),
    )(acc1, b1, W2, al2, ar2)

    er2 = jnp.pad(er2, ((0, NP - N), (0, 0)))
    acc2 = _sc_edge_layer(he2, er2, edges, 1, 32)

    out = pl.pallas_call(
        _epi2_body,
        grid=(N // NB,),
        in_specs=[
            pl.BlockSpec((2, NB, 48), lambda i: (0, i, 0)),
            pl.BlockSpec((32,), lambda i: (0,)),
        ],
        out_specs=pl.BlockSpec((NB, 32), lambda i: (i, 0)),
        out_shape=jax.ShapeDtypeStruct((N, 32), jnp.float32),
    )(acc2, b2)
    return out

# --- scband reference (transcript-rebuilt; emitter-appended) ---
"""Pipeline reference for scband-gat-dgl-58110907515580 (READ-ONLY COPY).

The authoritative reference and input builder live on the scoring server;
editing this copy changes nothing except your own understanding.
"""

import jax, jax.numpy as jnp
import numpy as np

N = 10000
E = 320000
D_IN = 128
H1, D1 = 8, 16
H2, D2 = 1, 32


def gat_conv(x, W, al, ar, b, src, dst, heads, out_dim):
    # h = feat @ W, reshaped to [N, heads, out_dim]  (DGL GATConv fc)
    h = (x @ W).reshape(-1, heads, out_dim)
    # attention logits: a_l . h_src + a_r . h_dst, leaky relu (slope 0.2)
    el = jnp.sum(h * al[None, :, :], axis=-1)  # [N, heads]
    er = jnp.sum(h * ar[None, :, :], axis=-1)  # [N, heads]
    e = jax.nn.leaky_relu(el[src] + er[dst], negative_slope=0.2)  # [E, heads]
    # edge softmax grouped by destination node
    emax = jax.lax.stop_gradient(jax.ops.segment_max(e, dst, num_segments=N))
    ee = jnp.exp(e - emax[dst])
    esum = jax.ops.segment_sum(ee, dst, num_segments=N)
    alpha = ee / (esum[dst] + 1e-9)  # [E, heads]
    # weighted message aggregation (scatter-add over dst)
    msg = h[src] * alpha[:, :, None]  # [E, heads, out_dim]
    out = jax.ops.segment_sum(msg, dst, num_segments=N)  # [N, heads, out_dim]
    return out + b.reshape(1, heads, out_dim)


def setup_inputs(seed: int = 0):
    key = jax.random.key(seed)
    ks = jax.random.split(key, 10)
    inputs = jax.random.normal(ks[0], (N, D_IN), dtype=jnp.float32)
    edge_index = jax.random.randint(ks[1], (2, E), 0, N, dtype=jnp.int32)
    W1 = jax.random.normal(ks[2], (D_IN, H1 * D1), dtype=jnp.float32) * 0.1
    al1 = jax.random.normal(ks[3], (H1, D1), dtype=jnp.float32) * 0.1
    ar1 = jax.random.normal(ks[4], (H1, D1), dtype=jnp.float32) * 0.1
    b1 = jnp.zeros((H1 * D1,), dtype=jnp.float32)
    W2 = jax.random.normal(ks[5], (H1 * D1, H2 * D2), dtype=jnp.float32) * 0.1
    al2 = jax.random.normal(ks[6], (H2, D2), dtype=jnp.float32) * 0.1
    ar2 = jax.random.normal(ks[7], (H2, D2), dtype=jnp.float32) * 0.1
    b2 = jnp.zeros((H2 * D2,), dtype=jnp.float32)
    return {"inputs": inputs, "edge_index": edge_index,
            "W1": W1, "al1": al1, "ar1": ar1, "b1": b1,
            "W2": W2, "al2": al2, "ar2": ar2, "b2": b2}


def reference(inputs, edge_index, W1, al1, ar1, b1, W2, al2, ar2, b2):
    src = edge_index[0]
    dst = edge_index[1]
    # eval mode: feat dropout is identity
    h = gat_conv(inputs, W1, al1, ar1, b1, src, dst, H1, D1)
    h = h.reshape(N, H1 * D1)  # flatten(1)
    h = jax.nn.relu(h)
    h = gat_conv(h, W2, al2, ar2, b2, src, dst, H2, D2)
    h = jnp.mean(h, axis=1)  # mean over heads (1 head)
    return jax.nn.log_softmax(h, axis=1)

if __name__ == "__main__":
    import jax
    _d = setup_inputs()
    print(jax.jit(kernel)(*tuple(_d.values())))

</pallas_src>

<mosaic_0001>
#map = affine_map<(d0, d1) -> (0, 0)>
#map1 = affine_map<(d0, d1) -> (0, 0, 0)>
module attributes {stable_mosaic.version = 14 : i64} {
  func.func @k(%arg0: i32, %arg1: i32, %arg2: memref<10000x160xbf16, #tpu.memory_space<hbm>>, %arg3: memref<10240x16xf32, #tpu.memory_space<hbm>>, %arg4: memref<2x329728xi32, #tpu.memory_space<hbm>>, %arg5: memref<2x10240x144xf32, #tpu.memory_space<hbm>>, %arg6: memref<4x2x112xi32, #tpu.memory_space<vmem>>, %arg7: memref<2x112x16xf32, #tpu.memory_space<vmem>>, %arg8: memref<2x112x160xbf16, #tpu.memory_space<vmem>>, %arg9: memref<112x144xf32, #tpu.memory_space<vmem>>, %arg10: memref<10240x144xf32, #tpu.memory_space<vmem_shared>>, %arg11: memref<!tpu.dma_semaphore, #tpu.memory_space<semaphore_mem>>, %arg12: memref<!tpu.dma_semaphore, #tpu.memory_space<semaphore_mem>>, %arg13: memref<!tpu.dma_semaphore, #tpu.memory_space<semaphore_mem>>, %arg14: memref<!tpu.dma_semaphore, #tpu.memory_space<semaphore_mem>>, %arg15: memref<!tpu.dma_semaphore, #tpu.memory_space<semaphore_mem>>, %arg16: memref<!tpu.dma_semaphore, #tpu.memory_space<semaphore_mem>>, %arg17: memref<!tpu.dma_semaphore, #tpu.memory_space<semaphore_mem>>) attributes {dimension_semantics = [#tpu.dimension_semantics<core_parallel>, #tpu.dimension_semantics<subcore_parallel>], iteration_bounds = array<i64: 2, 16>, scalar_prefetch = 0 : i64, scratch_operands = 12 : i64, tpu.core_type = #tpu.core_type<sc_vector_subcore>, window_params = [{transform_indices = #map}, {transform_indices = #map}, {transform_indices = #map}, {transform_indices = #map1}]} {
    %mul3A = arith.constant 16 : i32
    %mul3A_0 = arith.muli %arg0, %mul3A : i32
    %add3A = arith.addi %mul3A_0, %arg1 : i32
    %mul3A_1 = arith.constant 640 : i32
    %mul3A_2 = arith.muli %arg1, %mul3A_1 : i32
    %mul3A_3 = arith.constant 10304 : i32
    %mul3A_4 = arith.muli %add3A, %mul3A_3 : i32
    %scan3A = arith.constant 0 : i32
    %scan3A_5 = arith.constant 112 : i32
    %scan3A_6 = arith.addi %scan3A, %scan3A_5 : i32
    %scan3A_7 = arith.constant 1 : i32
    scf.for %scan3A_104 = %scan3A to %scan3A_6 step %scan3A_7  : i32 {
      %mul3A_105 = arith.constant 1 : i32
      %mul3A_106 = arith.muli %scan3A_104, %mul3A_105 : i32
      %add3A_107 = arith.constant 0 : i32
      %add3A_108 = arith.addi %add3A_107, %mul3A_106 : i32
      %broadcast_in_dim3A = arith.constant 0.000000e+00 : f32
      %broadcast_in_dim3A_109 = vector.broadcast %broadcast_in_dim3A : f32 to vector<16xf32>
      %swap3A = arith.index_cast %add3A_108 : i32 to index
      %swap3A_110 = arith.constant 0 : index
      %swap3A_111 = tpu.vector_load %arg9[%swap3A, %swap3A_110] {strides = array<i32>} : memref<112x144xf32, #tpu.memory_space<vmem>>, vector<16xf32>,
      tpu.vector_store %arg9[%swap3A, %swap3A_110], %broadcast_in_dim3A_109 {strides = array<i32>} : memref<112x144xf32, #tpu.memory_space<vmem>>, vector<16xf32>,
      %broadcast_in_dim3A_112 = arith.constant 0.000000e+00 : f32
      %broadcast_in_dim3A_113 = vector.broadcast %broadcast_in_dim3A_112 : f32 to vector<16xf32>
      %swap3A_114 = arith.index_cast %add3A_108 : i32 to index
      %swap3A_115 = arith.constant 16 : index
      %swap3A_116 = tpu.vector_load %arg9[%swap3A_114, %swap3A_115] {strides = array<i32>} : memref<112x144xf32, #tpu.memory_space<vmem>>, vector<16xf32>,
      tpu.vector_store %arg9[%swap3A_114, %swap3A_115], %broadcast_in_dim3A_113 {strides = array<i32>} : memref<112x144xf32, #tpu.memory_space<vmem>>, vector<16xf32>,
      %broadcast_in_dim3A_117 = arith.constant 0.000000e+00 : f32
      %broadcast_in_dim3A_118 = vector.broadcast %broadcast_in_dim3A_117 : f32 to vector<16xf32>
      %swap3A_119 = arith.index_cast %add3A_108 : i32 to index
      %swap3A_120 = arith.constant 32 : index
      %swap3A_121 = tpu.vector_load %arg9[%swap3A_119, %swap3A_120] {strides = array<i32>} : memref<112x144xf32, #tpu.memory_space<vmem>>, vector<16xf32>,
      tpu.vector_store %arg9[%swap3A_119, %swap3A_120], %broadcast_in_dim3A_118 {strides = array<i32>} : memref<112x144xf32, #tpu.memory_space<vmem>>, vector<16xf32>,
      %broadcast_in_dim3A_122 = arith.constant 0.000000e+00 : f32
      %broadcast_in_dim3A_123 = vector.broadcast %broadcast_in_dim3A_122 : f32 to vector<16xf32>
      %swap3A_124 = arith.index_cast %add3A_108 : i32 to index
      %swap3A_125 = arith.constant 48 : index
      %swap3A_126 = tpu.vector_load %arg9[%swap3A_124, %swap3A_125] {strides = array<i32>} : memref<112x144xf32, #tpu.memory_space<vmem>>, vector<16xf32>,
      tpu.vector_store %arg9[%swap3A_124, %swap3A_125], %broadcast_in_dim3A_123 {strides = array<i32>} : memref<112x144xf32, #tpu.memory_space<vmem>>, vector<16xf32>,
      %broadcast_in_dim3A_127 = arith.constant 0.000000e+00 : f32
      %broadcast_in_dim3A_128 = vector.broadcast %broadcast_in_dim3A_127 : f32 to vector<16xf32>
      %swap3A_129 = arith.index_cast %add3A_108 : i32 to index
      %swap3A_130 = arith.constant 64 : index
      %swap3A_131 = tpu.vector_load %arg9[%swap3A_129, %swap3A_130] {strides = array<i32>} : memref<112x144xf32, #tpu.memory_space<vmem>>, vector<16xf32>,
      tpu.vector_store %arg9[%swap3A_129, %swap3A_130], %broadcast_in_dim3A_128 {strides = array<i32>} : memref<112x144xf32, #tpu.memory_space<vmem>>, vector<16xf32>,
      %broadcast_in_dim3A_132 = arith.constant 0.000000e+00 : f32
      %broadcast_in_dim3A_133 = vector.broadcast %broadcast_in_dim3A_132 : f32 to vector<16xf32>
      %swap3A_134 = arith.index_cast %add3A_108 : i32 to index
      %swap3A_135 = arith.constant 80 : index
      %swap3A_136 = tpu.vector_load %arg9[%swap3A_134, %swap3A_135] {strides = array<i32>} : memref<112x144xf32, #tpu.memory_space<vmem>>, vector<16xf32>,
      tpu.vector_store %arg9[%swap3A_134, %swap3A_135], %broadcast_in_dim3A_133 {strides = array<i32>} : memref<112x144xf32, #tpu.memory_space<vmem>>, vector<16xf32>,
      %broadcast_in_dim3A_137 = arith.constant 0.000000e+00 : f32
      %broadcast_in_dim3A_138 = vector.broadcast %broadcast_in_dim3A_137 : f32 to vector<16xf32>
      %swap3A_139 = arith.index_cast %add3A_108 : i32 to index
      %swap3A_140 = arith.constant 96 : index
      %swap3A_141 = tpu.vector_load %arg9[%swap3A_139, %swap3A_140] {strides = array<i32>} : memref<112x144xf32, #tpu.memory_space<vmem>>, vector<16xf32>,
      tpu.vector_store %arg9[%swap3A_139, %swap3A_140], %broadcast_in_dim3A_138 {strides = array<i32>} : memref<112x144xf32, #tpu.memory_space<vmem>>, vector<16xf32>,
      %broadcast_in_dim3A_142 = arith.constant 0.000000e+00 : f32
      %broadcast_in_dim3A_143 = vector.broadcast %broadcast_in_dim3A_142 : f32 to vector<16xf32>
      %swap3A_144 = arith.index_cast %add3A_108 : i32 to index
      %swap3A_145 = arith.constant 112 : index
      %swap3A_146 = tpu.vector_load %arg9[%swap3A_144, %swap3A_145] {strides = array<i32>} : memref<112x144xf32, #tpu.memory_space<vmem>>, vector<16xf32>,
      tpu.vector_store %arg9[%swap3A_144, %swap3A_145], %broadcast_in_dim3A_143 {strides = array<i32>} : memref<112x144xf32, #tpu.memory_space<vmem>>, vector<16xf32>,
      %broadcast_in_dim3A_147 = arith.constant 0.000000e+00 : f32
      %broadcast_in_dim3A_148 = vector.broadcast %broadcast_in_dim3A_147 : f32 to vector<16xf32>
      %swap3A_149 = arith.index_cast %add3A_108 : i32 to index
      %swap3A_150 = arith.constant 128 : index
      %swap3A_151 = tpu.vector_load %arg9[%swap3A_149, %swap3A_150] {strides = array<i32>} : memref<112x144xf32, #tpu.memory_space<vmem>>, vector<16xf32>,
      tpu.vector_store %arg9[%swap3A_149, %swap3A_150], %broadcast_in_dim3A_148 {strides = array<i32>} : memref<112x144xf32, #tpu.memory_space<vmem>>, vector<16xf32>,
    }
    %scan3A_8 = arith.constant 112 : i32
    %add3A_9 = arith.constant 0 : i32
    %add3A_10 = arith.addi %mul3A_2, %add3A_9 : i32
    "tpu.region"() ({
      %run_scoped3A = tpu.sem_alloc : memref<!tpu.dma_semaphore, #tpu.memory_space<semaphore_mem>>
      %dma_start3A_104 = arith.constant 0 : i32
      %dma_start3A_105 = tpu.memref_slice %arg10[%add3A_10, %dma_start3A_104] : memref<10240x144xf32, #tpu.memory_space<vmem_shared>> -> memref<112x144xf32, #tpu.memory_space<vmem_shared>>
      %dma_start3A_106 = arith.constant 0 : i32
      %dma_start3A_107 = tpu.memref_slice %arg10[%add3A_10, %dma_start3A_106] : memref<10240x144xf32, #tpu.memory_space<vmem_shared>> -> memref<112x144xf32, #tpu.memory_space<vmem_shared>>
      tpu.enqueue_dma source(%arg9 : memref<112x144xf32, #tpu.memory_space<vmem>>) target(%dma_start3A_107 : memref<112x144xf32, #tpu.memory_space<vmem_shared>>) target_semaphore(%run_scoped3A : memref<!tpu.dma_semaphore, #tpu.memory_space<semaphore_mem>>)
      %dma_wait3A_108 = arith.constant 0 : i32
      %dma_wait3A_109 = tpu.memref_slice %arg10[%add3A_10, %dma_wait3A_108] : memref<10240x144xf32, #tpu.memory_space<vmem_shared>> -> memref<112x144xf32, #tpu.memory_space<vmem_shared>>
      %dma_wait3A_110 = arith.constant 0 : i32
      %dma_wait3A_111 = tpu.memref_slice %arg10[%add3A_10, %dma_wait3A_110] : memref<10240x144xf32, #tpu.memory_space<vmem_shared>> -> memref<112x144xf32, #tpu.memory_space<vmem_shared>>
      tpu.wait_dma2 semaphore(%run_scoped3A : memref<!tpu.dma_semaphore, #tpu.memory_space<semaphore_mem>>) src(%arg9 : memref<112x144xf32, #tpu.memory_space<vmem>>) dst(%dma_wait3A_111 : memref<112x144xf32, #tpu.memory_space<vmem_shared>>)
      tpu.yield
    }) : () -> ()
    %add3A_11 = arith.constant 112 : i32
    %add3A_12 = arith.addi %mul3A_2, %add3A_11 : i32
    "tpu.region"() ({
      %run_scoped3A = tpu.sem_alloc : memref<!tpu.dma_semaphore, #tpu.memory_space<semaphore_mem>>
      %dma_start3A_104 = arith.constant 0 : i32
      %dma_start3A_105 = tpu.memref_slice %arg10[%add3A_12, %dma_start3A_104] : memref<10240x144xf32, #tpu.memory_space<vmem_shared>> -> memref<112x144xf32, #tpu.memory_space<vmem_shared>>
      %dma_start3A_106 = arith.constant 0 : i32
      %dma_start3A_107 = tpu.memref_slice %arg10[%add3A_12, %dma_start3A_106] : memref<10240x144xf32, #tpu.memory_space<vmem_shared>> -> memref<112x144xf32, #tpu.memory_space<vmem_shared>>
      tpu.enqueue_dma source(%arg9 : memref<112x144xf32, #tpu.memory_space<vmem>>) target(%dma_start3A_107 : memref<112x144xf32, #tpu.memory_space<vmem_shared>>) target_semaphore(%run_scoped3A : memref<!tpu.dma_semaphore, #tpu.memory_space<semaphore_mem>>)
      %dma_wait3A_108 = arith.constant 0 : i32
      %dma_wait3A_109 = tpu.memref_slice %arg10[%add3A_12, %dma_wait3A_108] : memref<10240x144xf32, #tpu.memory_space<vmem_shared>> -> memref<112x144xf32, #tpu.memory_space<vmem_shared>>
      %dma_wait3A_110 = arith.constant 0 : i32
      %dma_wait3A_111 = tpu.memref_slice %arg10[%add3A_12, %dma_wait3A_110] : memref<10240x144xf32, #tpu.memory_space<vmem_shared>> -> memref<112x144xf32, #tpu.memory_space<vmem_shared>>
      tpu.wait_dma2 semaphore(%run_scoped3A : memref<!tpu.dma_semaphore, #tpu.memory_space<semaphore_mem>>) src(%arg9 : memref<112x144xf32, #tpu.memory_space<vmem>>) dst(%dma_wait3A_111 : memref<112x144xf32, #tpu.memory_space<vmem_shared>>)
      tpu.yield
    }) : () -> ()
    %add3A_13 = arith.constant 224 : i32
    %add3A_14 = arith.addi %mul3A_2, %add3A_13 : i32
    "tpu.region"() ({
      %run_scoped3A = tpu.sem_alloc : memref<!tpu.dma_semaphore, #tpu.memory_space<semaphore_mem>>
      %dma_start3A_104 = arith.constant 0 : i32
      %dma_start3A_105 = tpu.memref_slice %arg10[%add3A_14, %dma_start3A_104] : memref<10240x144xf32, #tpu.memory_space<vmem_shared>> -> memref<112x144xf32, #tpu.memory_space<vmem_shared>>
      %dma_start3A_106 = arith.constant 0 : i32
      %dma_start3A_107 = tpu.memref_slice %arg10[%add3A_14, %dma_start3A_106] : memref<10240x144xf32, #tpu.memory_space<vmem_shared>> -> memref<112x144xf32, #tpu.memory_space<vmem_shared>>
      tpu.enqueue_dma source(%arg9 : memref<112x144xf32, #tpu.memory_space<vmem>>) target(%dma_start3A_107 : memref<112x144xf32, #tpu.memory_space<vmem_shared>>) target_semaphore(%run_scoped3A : memref<!tpu.dma_semaphore, #tpu.memory_space<semaphore_mem>>)
      %dma_wait3A_108 = arith.constant 0 : i32
      %dma_wait3A_109 = tpu.memref_slice %arg10[%add3A_14, %dma_wait3A_108] : memref<10240x144xf32, #tpu.memory_space<vmem_shared>> -> memref<112x144xf32, #tpu.memory_space<vmem_shared>>
      %dma_wait3A_110 = arith.constant 0 : i32
      %dma_wait3A_111 = tpu.memref_slice %arg10[%add3A_14, %dma_wait3A_110] : memref<10240x144xf32, #tpu.memory_space<vmem_shared>> -> memref<112x144xf32, #tpu.memory_space<vmem_shared>>
      tpu.wait_dma2 semaphore(%run_scoped3A : memref<!tpu.dma_semaphore, #tpu.memory_space<semaphore_mem>>) src(%arg9 : memref<112x144xf32, #tpu.memory_space<vmem>>) dst(%dma_wait3A_111 : memref<112x144xf32, #tpu.memory_space<vmem_shared>>)
      tpu.yield
    }) : () -> ()
    %add3A_15 = arith.constant 336 : i32
    %add3A_16 = arith.addi %mul3A_2, %add3A_15 : i32
    "tpu.region"() ({
      %run_scoped3A = tpu.sem_alloc : memref<!tpu.dma_semaphore, #tpu.memory_space<semaphore_mem>>
      %dma_start3A_104 = arith.constant 0 : i32
      %dma_start3A_105 = tpu.memref_slice %arg10[%add3A_16, %dma_start3A_104] : memref<10240x144xf32, #tpu.memory_space<vmem_shared>> -> memref<112x144xf32, #tpu.memory_space<vmem_shared>>
      %dma_start3A_106 = arith.constant 0 : i32
      %dma_start3A_107 = tpu.memref_slice %arg10[%add3A_16, %dma_start3A_106] : memref<10240x144xf32, #tpu.memory_space<vmem_shared>> -> memref<112x144xf32, #tpu.memory_space<vmem_shared>>
      tpu.enqueue_dma source(%arg9 : memref<112x144xf32, #tpu.memory_space<vmem>>) target(%dma_start3A_107 : memref<112x144xf32, #tpu.memory_space<vmem_shared>>) target_semaphore(%run_scoped3A : memref<!tpu.dma_semaphore, #tpu.memory_space<semaphore_mem>>)
      %dma_wait3A_108 = arith.constant 0 : i32
      %dma_wait3A_109 = tpu.memref_slice %arg10[%add3A_16, %dma_wait3A_108] : memref<10240x144xf32, #tpu.memory_space<vmem_shared>> -> memref<112x144xf32, #tpu.memory_space<vmem_shared>>
      %dma_wait3A_110 = arith.constant 0 : i32
      %dma_wait3A_111 = tpu.memref_slice %arg10[%add3A_16, %dma_wait3A_110] : memref<10240x144xf32, #tpu.memory_space<vmem_shared>> -> memref<112x144xf32, #tpu.memory_space<vmem_shared>>
      tpu.wait_dma2 semaphore(%run_scoped3A : memref<!tpu.dma_semaphore, #tpu.memory_space<semaphore_mem>>) src(%arg9 : memref<112x144xf32, #tpu.memory_space<vmem>>) dst(%dma_wait3A_111 : memref<112x144xf32, #tpu.memory_space<vmem_shared>>)
      tpu.yield
    }) : () -> ()
    %add3A_17 = arith.constant 448 : i32
    %add3A_18 = arith.addi %mul3A_2, %add3A_17 : i32
    "tpu.region"() ({
      %run_scoped3A = tpu.sem_alloc : memref<!tpu.dma_semaphore, #tpu.memory_space<semaphore_mem>>
      %dma_start3A_104 = arith.constant 0 : i32
      %dma_start3A_105 = tpu.memref_slice %arg10[%add3A_18, %dma_start3A_104] : memref<10240x144xf32, #tpu.memory_space<vmem_shared>> -> memref<112x144xf32, #tpu.memory_space<vmem_shared>>
      %dma_start3A_106 = arith.constant 0 : i32
      %dma_start3A_107 = tpu.memref_slice %arg10[%add3A_18, %dma_start3A_106] : memref<10240x144xf32, #tpu.memory_space<vmem_shared>> -> memref<112x144xf32, #tpu.memory_space<vmem_shared>>
      tpu.enqueue_dma source(%arg9 : memref<112x144xf32, #tpu.memory_space<vmem>>) target(%dma_start3A_107 : memref<112x144xf32, #tpu.memory_space<vmem_shared>>) target_semaphore(%run_scoped3A : memref<!tpu.dma_semaphore, #tpu.memory_space<semaphore_mem>>)
      %dma_wait3A_108 = arith.constant 0 : i32
      %dma_wait3A_109 = tpu.memref_slice %arg10[%add3A_18, %dma_wait3A_108] : memref<10240x144xf32, #tpu.memory_space<vmem_shared>> -> memref<112x144xf32, #tpu.memory_space<vmem_shared>>
      %dma_wait3A_110 = arith.constant 0 : i32
      %dma_wait3A_111 = tpu.memref_slice %arg10[%add3A_18, %dma_wait3A_110] : memref<10240x144xf32, #tpu.memory_space<vmem_shared>> -> memref<112x144xf32, #tpu.memory_space<vmem_shared>>
      tpu.wait_dma2 semaphore(%run_scoped3A : memref<!tpu.dma_semaphore, #tpu.memory_space<semaphore_mem>>) src(%arg9 : memref<112x144xf32, #tpu.memory_space<vmem>>) dst(%dma_wait3A_111 : memref<112x144xf32, #tpu.memory_space<vmem_shared>>)
      tpu.yield
    }) : () -> ()
    %add3A_19 = arith.constant 560 : i32
    %add3A_20 = arith.addi %mul3A_2, %add3A_19 : i32
    "tpu.region"() ({
      %run_scoped3A = tpu.sem_alloc : memref<!tpu.dma_semaphore, #tpu.memory_space<semaphore_mem>>
      %dma_start3A_104 = arith.constant 0 : i32
      %dma_start3A_105 = arith.constant 0 : i32
      %dma_start3A_106 = tpu.memref_slice %arg9[%dma_start3A_104, %dma_start3A_105] : memref<112x144xf32, #tpu.memory_space<vmem>> -> memref<80x144xf32, #tpu.memory_space<vmem>>
      %dma_start3A_107 = arith.constant 0 : i32
      %dma_start3A_108 = tpu.memref_slice %arg10[%add3A_20, %dma_start3A_107] : memref<10240x144xf32, #tpu.memory_space<vmem_shared>> -> memref<80x144xf32, #tpu.memory_space<vmem_shared>>
      %dma_start3A_109 = arith.constant 0 : i32
      %dma_start3A_110 = tpu.memref_slice %arg10[%add3A_20, %dma_start3A_109] : memref<10240x144xf32, #tpu.memory_space<vmem_shared>> -> memref<80x144xf32, #tpu.memory_space<vmem_shared>>
      %dma_start3A_111 = arith.constant 0 : i32
      %dma_start3A_112 = arith.constant 0 : i32
      %dma_start3A_113 = tpu.memref_slice %arg9[%dma_start3A_111, %dma_start3A_112] : memref<112x144xf32, #tpu.memory_space<vmem>> -> memref<80x144xf32, #tpu.memory_space<vmem>>
      tpu.enqueue_dma source(%dma_start3A_113 : memref<80x144xf32, #tpu.memory_space<vmem>>) target(%dma_start3A_110 : memref<80x144xf32, #tpu.memory_space<vmem_shared>>) target_semaphore(%run_scoped3A : memref<!tpu.dma_semaphore, #tpu.memory_space<semaphore_mem>>)
      %dma_wait3A_114 = arith.constant 0 : i32
      %dma_wait3A_115 = arith.constant 0 : i32
      %dma_wait3A_116 = tpu.memref_slice %arg9[%dma_wait3A_114, %dma_wait3A_115] : memref<112x144xf32, #tpu.memory_space<vmem>> -> memref<80x144xf32, #tpu.memory_space<vmem>>
      %dma_wait3A_117 = arith.constant 0 : i32
      %dma_wait3A_118 = tpu.memref_slice %arg10[%add3A_20, %dma_wait3A_117] : memref<10240x144xf32, #tpu.memory_space<vmem_shared>> -> memref<80x144xf32, #tpu.memory_space<vmem_shared>>
      %dma_wait3A_119 = arith.constant 0 : i32
      %dma_wait3A_120 = tpu.memref_slice %arg10[%add3A_20, %dma_wait3A_119] : memref<10240x144xf32, #tpu.memory_space<vmem_shared>> -> memref<80x144xf32, #tpu.memory_space<vmem_shared>>
      %dma_wait3A_121 = arith.constant 0 : i32
      %dma_wait3A_122 = arith.constant 0 : i32
      %dma_wait3A_123 = tpu.memref_slice %arg9[%dma_wait3A_121, %dma_wait3A_122] : memref<112x144xf32, #tpu.memory_space<vmem>> -> memref<80x144xf32, #tpu.memory_space<vmem>>
      tpu.wait_dma2 semaphore(%run_scoped3A : memref<!tpu.dma_semaphore, #tpu.memory_space<semaphore_mem>>) src(%dma_wait3A_123 : memref<80x144xf32, #tpu.memory_space<vmem>>) dst(%dma_wait3A_120 : memref<80x144xf32, #tpu.memory_space<vmem_shared>>)
      tpu.yield
    }) : () -> ()
    %barrier3A = arith.constant 0 : index
    tpu.barrier barrier_id(%barrier3A)
    %add3A_21 = arith.constant 0 : i32
    %add3A_22 = arith.addi %mul3A_4, %add3A_21 : i32
    %dma_start3A = arith.constant 0 : i32
    %dma_start3A_23 = arith.constant 0 : i32
    %dma_start3A_24 = arith.constant 0 : i32
    %dma_start3A_25 = tpu.memref_slice %arg6[%dma_start3A, %dma_start3A_23, %dma_start3A_24] : memref<4x2x112xi32, #tpu.memory_space<vmem>> -> memref<1x2x112xi32, #tpu.memory_space<vmem>>
    %dma_start3A_26 = tpu.memref_squeeze %dma_start3A_25 : memref<1x2x112xi32, #tpu.memory_space<vmem>> -> memref<2x112xi32, #tpu.memory_space<vmem>>
    %dma_start3A_27 = arith.constant 0 : i32
    %dma_start3A_28 = tpu.memref_slice %arg4[%dma_start3A_27, %add3A_22] : memref<2x329728xi32, #tpu.memory_space<hbm>> -> memref<2x112xi32, #tpu.memory_space<hbm>>
    %dma_start3A_29 = arith.constant 0 : i32
    %dma_start3A_30 = arith.constant 0 : i32
    %dma_start3A_31 = tpu.memref_slice %arg6[%dma_start3A, %dma_start3A_29, %dma_start3A_30] : memref<4x2x112xi32, #tpu.memory_space<vmem>> -> memref<1x2x112xi32, #tpu.memory_space<vmem>>
    %dma_start3A_32 = tpu.memref_squeeze %dma_start3A_31 : memref<1x2x112xi32, #tpu.memory_space<vmem>> -> memref<2x112xi32, #tpu.memory_space<vmem>>
    %dma_start3A_33 = arith.constant 0 : i32
    %dma_start3A_34 = tpu.memref_slice %arg4[%dma_start3A_33, %add3A_22] : memref<2x329728xi32, #tpu.memory_space<hbm>> -> memref<2x112xi32, #tpu.memory_space<hbm>>
    tpu.enqueue_dma source(%dma_start3A_34 : memref<2x112xi32, #tpu.memory_space<hbm>>) target(%dma_start3A_32 : memref<2x112xi32, #tpu.memory_space<vmem>>) target_semaphore(%arg11 : memref<!tpu.dma_semaphore, #tpu.memory_space<semaphore_mem>>)
    %add3A_35 = arith.constant 112 : i32
    %add3A_36 = arith.addi %mul3A_4, %add3A_35 : i32
    %dma_start3A_37 = arith.constant 1 : i32
    %dma_start3A_38 = arith.constant 0 : i32
    %dma_start3A_39 = arith.constant 0 : i32
    %dma_start3A_40 = tpu.memref_slice %arg6[%dma_start3A_37, %dma_start3A_38, %dma_start3A_39] : memref<4x2x112xi32, #tpu.memory_space<vmem>> -> memref<1x2x112xi32, #tpu.memory_space<vmem>>
    %dma_start3A_41 = tpu.memref_squeeze %dma_start3A_40 : memref<1x2x112xi32, #tpu.memory_space<vmem>> -> memref<2x112xi32, #tpu.memory_space<vmem>>
    %dma_start3A_42 = arith.constant 0 : i32
    %dma_start3A_43 = tpu.memref_slice %arg4[%dma_start3A_42, %add3A_36] : memref<2x329728xi32, #tpu.memory_space<hbm>> -> memref<2x112xi32, #tpu.memory_space<hbm>>
    %dma_start3A_44 = arith.constant 0 : i32
    %dma_start3A_45 = arith.constant 0 : i32
    %dma_start3A_46 = tpu.memref_slice %arg6[%dma_start3A_37, %dma_start3A_44, %dma_start3A_45] : memref<4x2x112xi32, #tpu.memory_space<vmem>> -> memref<1x2x112xi32, #tpu.memory_space<vmem>>
    %dma_start3A_47 = tpu.memref_squeeze %dma_start3A_46 : memref<1x2x112xi32, #tpu.memory_space<vmem>> -> memref<2x112xi32, #tpu.memory_space<vmem>>
    %dma_start3A_48 = arith.constant 0 : i32
    %dma_start3A_49 = tpu.memref_slice %arg4[%dma_start3A_48, %add3A_36] : memref<2x329728xi32, #tpu.memory_space<hbm>> -> memref<2x112xi32, #tpu.memory_space<hbm>>
    tpu.enqueue_dma source(%dma_start3A_49 : memref<2x112xi32, #tpu.memory_space<hbm>>) target(%dma_start3A_47 : memref<2x112xi32, #tpu.memory_space<vmem>>) target_semaphore(%arg12 : memref<!tpu.dma_semaphore, #tpu.memory_space<semaphore_mem>>)
    %dma_wait3A = arith.constant 0 : i32
    %dma_wait3A_50 = arith.constant 0 : i32
    %dma_wait3A_51 = arith.constant 0 : i32
    %dma_wait3A_52 = tpu.memref_slice %arg6[%dma_wait3A, %dma_wait3A_50, %dma_wait3A_51] : memref<4x2x112xi32, #tpu.memory_space<vmem>> -> memref<1x2x112xi32, #tpu.memory_space<vmem>>
    %dma_wait3A_53 = tpu.memref_squeeze %dma_wait3A_52 : memref<1x2x112xi32, #tpu.memory_space<vmem>> -> memref<2x112xi32, #tpu.memory_space<vmem>>
    %dma_wait3A_54 = arith.constant 0 : i32
    %dma_wait3A_55 = arith.constant 0 : i32
    %dma_wait3A_56 = tpu.memref_slice %arg4[%dma_wait3A_54, %dma_wait3A_55] : memref<2x329728xi32, #tpu.memory_space<hbm>> -> memref<2x112xi32, #tpu.memory_space<hbm>>
    %dma_wait3A_57 = arith.constant 0 : i32
    %dma_wait3A_58 = arith.constant 0 : i32
    %dma_wait3A_59 = tpu.memref_slice %arg6[%dma_wait3A, %dma_wait3A_57, %dma_wait3A_58] : memref<4x2x112xi32, #tpu.memory_space<vmem>> -> memref<1x2x112xi32, #tpu.memory_space<vmem>>
    %dma_wait3A_60 = tpu.memref_squeeze %dma_wait3A_59 : memref<1x2x112xi32, #tpu.memory_space<vmem>> -> memref<2x112xi32, #tpu.memory_space<vmem>>
    %dma_wait3A_61 = arith.constant 0 : i32
    %dma_wait3A_62 = arith.constant 0 : i32
    %dma_wait3A_63 = tpu.memref_slice %arg4[%dma_wait3A_61, %dma_wait3A_62] : memref<2x329728xi32, #tpu.memory_space<hbm>> -> memref<2x112xi32, #tpu.memory_space<hbm>>
    tpu.wait_dma2 semaphore(%arg11 : memref<!tpu.dma_semaphore, #tpu.memory_space<semaphore_mem>>) src(%dma_wait3A_63 : memref<2x112xi32, #tpu.memory_space<hbm>>) dst(%dma_wait3A_60 : memref<2x112xi32, #tpu.memory_space<vmem>>)
    %dma_start3A_64 = arith.constant 0 : i32
    %dma_start3A_65 = arith.constant 1 : i32
    %dma_start3A_66 = arith.constant 0 : i32
    %dma_start3A_67 = arith.constant 0 : i32
    %dma_start3A_68 = arith.constant 0 : i32
    %dma_start3A_69 = tpu.memref_slice %arg7[%dma_start3A_66, %dma_start3A_67, %dma_start3A_68] : memref<2x112x16xf32, #tpu.memory_space<vmem>> -> memref<1x112x16xf32, #tpu.memory_space<vmem>>
    %dma_start3A_70 = tpu.memref_squeeze %dma_start3A_69 : memref<1x112x16xf32, #tpu.memory_space<vmem>> -> memref<112x16xf32, #tpu.memory_space<vmem>>
    %dma_start3A_71 = arith.constant 0 : i32
    %dma_start3A_72 = tpu.memref_slice %arg6[%dma_start3A_64, %dma_start3A_65, %dma_start3A_71] : memref<4x2x112xi32, #tpu.memory_space<vmem>> -> memref<1x1x112xi32, #tpu.memory_space<vmem>>
    %dma_start3A_73 = tpu.memref_squeeze %dma_start3A_72 : memref<1x1x112xi32, #tpu.memory_space<vmem>> -> memref<112xi32, #tpu.memory_space<vmem>>
    %dma_start3A_74 = arith.constant 0 : i32
    %dma_start3A_75 = arith.constant 0 : i32
    %dma_start3A_76 = tpu.memref_slice %arg3[%dma_start3A_74, %dma_start3A_75] : memref<10240x16xf32, #tpu.memory_space<hbm>> -> memref<10240x16xf32, #tpu.memory_space<hbm>>
    tpu.enqueue_indirect_dma source(%dma_start3A_76 : memref<10240x16xf32, #tpu.memory_space<hbm>>) target(%dma_start3A_70 : memref<112x16xf32, #tpu.memory_space<vmem>>) offsets(%dma_start3A_73 : memref<112xi32, #tpu.memory_space<vmem>>) semaphore(%arg15 : memref<!tpu.dma_semaphore, #tpu.memory_space<semaphore_mem>>)
    %dma_start3A_77 = arith.constant 0 : i32
    %dma_start3A_78 = arith.constant 0 : i32
    %dma_start3A_79 = arith.constant 0 : i32
    %dma_start3A_80 = arith.constant 0 : i32
    %dma_start3A_81 = arith.constant 0 : i32
    %dma_start3A_82 = tpu.memref_slice %arg8[%dma_start3A_79, %dma_start3A_80, %dma_start3A_81] : memref<2x112x160xbf16, #tpu.memory_space<vmem>> -> memref<1x112x160xbf16, #tpu.memory_space<vmem>>
    %dma_start3A_83 = tpu.memref_squeeze %dma_start3A_82 : memref<1x112x160xbf16, #tpu.memory_space<vmem>> -> memref<112x160xbf16, #tpu.memory_space<vmem>>
    %dma_start3A_84 = arith.constant 0 : i32
    %dma_start3A_85 = tpu.memref_slice %arg6[%dma_start3A_77, %dma_start3A_78, %dma_start3A_84] : memref<4x2x112xi32, #tpu.memory_space<vmem>> -> memref<1x1x112xi32, #tpu.memory_space<vmem>>
    %dma_start3A_86 = tpu.memref_squeeze %dma_start3A_85 : memref<1x1x112xi32, #tpu.memory_space<vmem>> -> memref<112xi32, #tpu.memory_space<vmem>>
    %dma_start3A_87 = arith.constant 0 : i32
    %dma_start3A_88 = arith.constant 0 : i32
    %dma_start3A_89 = tpu.memref_slice %arg2[%dma_start3A_87, %dma_start3A_88] : memref<10000x160xbf16, #tpu.memory_space<hbm>> -> memref<10000x160xbf16, #tpu.memory_space<hbm>>
    tpu.enqueue_indirect_dma source(%dma_start3A_89 : memref<10000x160xbf16, #tpu.memory_space<hbm>>) target(%dma_start3A_83 : memref<112x160xbf16, #tpu.memory_space<vmem>>) offsets(%dma_start3A_86 : memref<112xi32, #tpu.memory_space<vmem>>) semaphore(%arg15 : memref<!tpu.dma_semaphore, #tpu.memory_space<semaphore_mem>>)
    %scan3A_90 = arith.constant 0 : i32
    %scan3A_91 = arith.constant 23 : i32
    %scan3A_92 = arith.addi %scan3A_90, %scan3A_91 : i32
    %scan3A_93 = arith.constant 1 : i32
    scf.for %scan3A_104 = %scan3A_90 to %scan3A_92 step %scan3A_93  : i32 {
      %mul3A_105 = arith.constant 1 : i32
      %mul3A_106 = arith.muli %scan3A_104, %mul3A_105 : i32
      %add3A_107 = arith.constant 0 : i32
      %add3A_108 = arith.addi %add3A_107, %mul3A_106 : i32
      %mul3A_109 = arith.constant 4 : i32
      %mul3A_110 = arith.muli %mul3A_109, %add3A_108 : i32
      %add3A_111 = arith.constant 0 : i32
      %add3A_112 = arith.addi %mul3A_110, %add3A_111 : i32
      %add3A_113 = arith.constant 1 : i32
      %add3A_114 = arith.addi %add3A_112, %add3A_113 : i32
      %lt3A = arith.constant 92 : i32
      %lt3A_115 = arith.cmpi slt, %add3A_114, %lt3A : i32
      %convert_element_type3A = arith.extui %lt3A_115 : i1 to i32
      %cond3A = arith.constant 0 : i32
      %cond3A_116 = arith.cmpi ne, %convert_element_type3A, %cond3A : i32
      scf.if %cond3A_116 {
        %dma_wait3A_353 = arith.constant 1 : i32
        %dma_wait3A_354 = arith.constant 0 : i32
        %dma_wait3A_355 = arith.constant 0 : i32
        %dma_wait3A_356 = tpu.memref_slice %arg6[%dma_wait3A_353, %dma_wait3A_354, %dma_wait3A_355] : memref<4x2x112xi32, #tpu.memory_space<vmem>> -> memref<1x2x112xi32, #tpu.memory_space<vmem>>
        %dma_wait3A_357 = tpu.memref_squeeze %dma_wait3A_356 : memref<1x2x112xi32, #tpu.memory_space<vmem>> -> memref<2x112xi32, #tpu.memory_space<vmem>>
        %dma_wait3A_358 = arith.constant 0 : i32
        %dma_wait3A_359 = arith.constant 0 : i32
        %dma_wait3A_360 = tpu.memref_slice %arg4[%dma_wait3A_358, %dma_wait3A_359] : memref<2x329728xi32, #tpu.memory_space<hbm>> -> memref<2x112xi32, #tpu.memory_space<hbm>>
        %dma_wait3A_361 = arith.constant 0 : i32
        %dma_wait3A_362 = arith.constant 0 : i32
        %dma_wait3A_363 = tpu.memref_slice %arg6[%dma_wait3A_353, %dma_wait3A_361, %dma_wait3A_362] : memref<4x2x112xi32, #tpu.memory_space<vmem>> -> memref<1x2x112xi32, #tpu.memory_space<vmem>>
        %dma_wait3A_364 = tpu.memref_squeeze %dma_wait3A_363 : memref<1x2x112xi32, #tpu.memory_space<vmem>> -> memref<2x112xi32, #tpu.memory_space<vmem>>
        %dma_wait3A_365 = arith.constant 0 : i32
        %dma_wait3A_366 = arith.constant 0 : i32
        %dma_wait3A_367 = tpu.memref_slice %arg4[%dma_wait3A_365, %dma_wait3A_366] : memref<2x329728xi32, #tpu.memory_space<hbm>> -> memref<2x112xi32, #tpu.memory_space<hbm>>
        tpu.wait_dma2 semaphore(%arg12 : memref<!tpu.dma_semaphore, #tpu.memory_space<semaphore_mem>>) src(%dma_wait3A_367 : memref<2x112xi32, #tpu.memory_space<hbm>>) dst(%dma_wait3A_364 : memref<2x112xi32, #tpu.memory_space<vmem>>)
        %dma_start3A_368 = arith.constant 1 : i32
        %dma_start3A_369 = arith.constant 1 : i32
        %dma_start3A_370 = arith.constant 1 : i32
        %dma_start3A_371 = arith.constant 0 : i32
        %dma_start3A_372 = arith.constant 0 : i32
        %dma_start3A_373 = tpu.memref_slice %arg7[%dma_start3A_370, %dma_start3A_371, %dma_start3A_372] : memref<2x112x16xf32, #tpu.memory_space<vmem>> -> memref<1x112x16xf32, #tpu.memory_space<vmem>>
        %dma_start3A_374 = tpu.memref_squeeze %dma_start3A_373 : memref<1x112x16xf32, #tpu.memory_space<vmem>> -> memref<112x16xf32, #tpu.memory_space<vmem>>
        %dma_start3A_375 = arith.constant 0 : i32
        %dma_start3A_376 = tpu.memref_slice %arg6[%dma_start3A_368, %dma_start3A_369, %dma_start3A_375] : memref<4x2x112xi32, #tpu.memory_space<vmem>> -> memref<1x1x112xi32, #tpu.memory_space<vmem>>
        %dma_start3A_377 = tpu.memref_squeeze %dma_start3A_376 : memref<1x1x112xi32, #tpu.memory_space<vmem>> -> memref<112xi32, #tpu.memory_space<vmem>>
        %dma_start3A_378 = arith.constant 0 : i32
        %dma_start3A_379 = arith.constant 0 : i32
        %dma_start3A_380 = tpu.memref_slice %arg3[%dma_start3A_378, %dma_start3A_379] : memref<10240x16xf32, #tpu.memory_space<hbm>> -> memref<10240x16xf32, #tpu.memory_space<hbm>>
        tpu.enqueue_indirect_dma source(%dma_start3A_380 : memref<10240x16xf32, #tpu.memory_space<hbm>>) target(%dma_start3A_374 : memref<112x16xf32, #tpu.memory_space<vmem>>) offsets(%dma_start3A_377 : memref<112xi32, #tpu.memory_space<vmem>>) semaphore(%arg16 : memref<!tpu.dma_semaphore, #tpu.memory_space<semaphore_mem>>)
        %dma_start3A_381 = arith.constant 1 : i32
        %dma_start3A_382 = arith.constant 0 : i32
        %dma_start3A_383 = arith.constant 1 : i32
        %dma_start3A_384 = arith.constant 0 : i32
        %dma_start3A_385 = arith.constant 0 : i32
        %dma_start3A_386 = tpu.memref_slice %arg8[%dma_start3A_383, %dma_start3A_384, %dma_start3A_385] : memref<2x112x160xbf16, #tpu.memory_space<vmem>> -> memref<1x112x160xbf16, #tpu.memory_space<vmem>>
        %dma_start3A_387 = tpu.memref_squeeze %dma_start3A_386 : memref<1x112x160xbf16, #tpu.memory_space<vmem>> -> memref<112x160xbf16, #tpu.memory_space<vmem>>
        %dma_start3A_388 = arith.constant 0 : i32
        %dma_start3A_389 = tpu.memref_slice %arg6[%dma_start3A_381, %dma_start3A_382, %dma_start3A_388] : memref<4x2x112xi32, #tpu.memory_space<vmem>> -> memref<1x1x112xi32, #tpu.memory_space<vmem>>
        %dma_start3A_390 = tpu.memref_squeeze %dma_start3A_389 : memref<1x1x112xi32, #tpu.memory_space<vmem>> -> memref<112xi32, #tpu.memory_space<vmem>>
        %dma_start3A_391 = arith.constant 0 : i32
        %dma_start3A_392 = arith.constant 0 : i32
        %dma_start3A_393 = tpu.memref_slice %arg2[%dma_start3A_391, %dma_start3A_392] : memref<10000x160xbf16, #tpu.memory_space<hbm>> -> memref<10000x160xbf16, #tpu.memory_space<hbm>>
        tpu.enqueue_indirect_dma source(%dma_start3A_393 : memref<10000x160xbf16, #tpu.memory_space<hbm>>) target(%dma_start3A_387 : memref<112x160xbf16, #tpu.memory_space<vmem>>) offsets(%dma_start3A_390 : memref<112xi32, #tpu.memory_space<vmem>>) semaphore(%arg16 : memref<!tpu.dma_semaphore, #tpu.memory_space<semaphore_mem>>)
      } else {
      }
      %add3A_117 = arith.constant 2 : i32
      %add3A_118 = arith.addi %add3A_112, %add3A_117 : i32
      %lt3A_119 = arith.constant 92 : i32
      %lt3A_120 = arith.cmpi slt, %add3A_118, %lt3A_119 : i32
      %convert_element_type3A_121 = arith.extui %lt3A_120 : i1 to i32
      %cond3A_122 = arith.constant 0 : i32
      %cond3A_123 = arith.cmpi ne, %convert_element_type3A_121, %cond3A_122 : i32
      scf.if %cond3A_123 {
        %add3A_353 = arith.constant 2 : i32
        %add3A_354 = arith.addi %add3A_112, %add3A_353 : i32
        %mul3A_355 = arith.constant 112 : i32
        %mul3A_356 = arith.muli %add3A_354, %mul3A_355 : i32
        %add3A_357 = arith.addi %mul3A_4, %mul3A_356 : i32
        %dma_start3A_358 = arith.constant 2 : i32
        %dma_start3A_359 = arith.constant 0 : i32
        %dma_start3A_360 = arith.constant 0 : i32
        %dma_start3A_361 = tpu.memref_slice %arg6[%dma_start3A_358, %dma_start3A_359, %dma_start3A_360] : memref<4x2x112xi32, #tpu.memory_space<vmem>> -> memref<1x2x112xi32, #tpu.memory_space<vmem>>
        %dma_start3A_362 = tpu.memref_squeeze %dma_start3A_361 : memref<1x2x112xi32, #tpu.memory_space<vmem>> -> memref<2x112xi32, #tpu.memory_space<vmem>>
        %dma_start3A_363 = arith.constant 0 : i32
        %dma_start3A_364 = tpu.memref_slice %arg4[%dma_start3A_363, %add3A_357] : memref<2x329728xi32, #tpu.memory_space<hbm>> -> memref<2x112xi32, #tpu.memory_space<hbm>>
        %dma_start3A_365 = arith.constant 0 : i32
        %dma_start3A_366 = arith.constant 0 : i32
        %dma_start3A_367 = tpu.memref_slice %arg6[%dma_start3A_358, %dma_start3A_365, %dma_start3A_366] : memref<4x2x112xi32, #tpu.memory_space<vmem>> -> memref<1x2x112xi32, #tpu.memory_space<vmem>>
        %dma_start3A_368 = tpu.memref_squeeze %dma_start3A_367 : memref<1x2x112xi32, #tpu.memory_space<vmem>> -> memref<2x112xi32, #tpu.memory_space<vmem>>
        %dma_start3A_369 = arith.constant 0 : i32
        %dma_start3A_370 = tpu.memref_slice %arg4[%dma_start3A_369, %add3A_357] : memref<2x329728xi32, #tpu.memory_space<hbm>> -> memref<2x112xi32, #tpu.memory_space<hbm>>
        tpu.enqueue_dma source(%dma_start3A_370 : memref<2x112xi32, #tpu.memory_space<hbm>>) target(%dma_start3A_368 : memref<2x112xi32, #tpu.memory_space<vmem>>) target_semaphore(%arg13 : memref<!tpu.dma_semaphore, #tpu.memory_space<semaphore_mem>>)
      } else {
      }
      %dma_wait3A_124 = arith.constant 0 : i32
      %dma_wait3A_125 = arith.constant 1 : i32
      %dma_wait3A_126 = arith.constant 0 : i32
      %dma_wait3A_127 = arith.constant 0 : i32
      %dma_wait3A_128 = arith.constant 0 : i32
      %dma_wait3A_129 = tpu.memref_slice %arg7[%dma_wait3A_126, %dma_wait3A_127, %dma_wait3A_128] : memref<2x112x16xf32, #tpu.memory_space<vmem>> -> memref<1x112x16xf32, #tpu.memory_space<vmem>>
      %dma_wait3A_130 = tpu.memref_squeeze %dma_wait3A_129 : memref<1x112x16xf32, #tpu.memory_space<vmem>> -> memref<112x16xf32, #tpu.memory_space<vmem>>
      %dma_wait3A_131 = arith.constant 0 : i32
      %dma_wait3A_132 = tpu.memref_slice %arg6[%dma_wait3A_124, %dma_wait3A_125, %dma_wait3A_131] : memref<4x2x112xi32, #tpu.memory_space<vmem>> -> memref<1x1x112xi32, #tpu.memory_space<vmem>>
      %dma_wait3A_133 = tpu.memref_squeeze %dma_wait3A_132 : memref<1x1x112xi32, #tpu.memory_space<vmem>> -> memref<112xi32, #tpu.memory_space<vmem>>
      %dma_wait3A_134 = arith.constant 0 : i32
      %dma_wait3A_135 = arith.constant 0 : i32
      %dma_wait3A_136 = tpu.memref_slice %arg3[%dma_wait3A_134, %dma_wait3A_135] : memref<10240x16xf32, #tpu.memory_space<hbm>> -> memref<10240x16xf32, #tpu.memory_space<hbm>>
      tpu.wait_indirect_dma semaphore(%arg15 : memref<!tpu.dma_semaphore, #tpu.memory_space<semaphore_mem>>) src(%dma_wait3A_136 : memref<10240x16xf32, #tpu.memory_space<hbm>>) dst(%dma_wait3A_130 : memref<112x16xf32, #tpu.memory_space<vmem>>)
      %dma_wait3A_137 = arith.constant 0 : i32
      %dma_wait3A_138 = arith.constant 0 : i32
      %dma_wait3A_139 = arith.constant 0 : i32
      %dma_wait3A_140 = arith.constant 0 : i32
      %dma_wait3A_141 = arith.constant 0 : i32
      %dma_wait3A_142 = tpu.memref_slice %arg8[%dma_wait3A_139, %dma_wait3A_140, %dma_wait3A_141] : memref<2x112x160xbf16, #tpu.memory_space<vmem>> -> memref<1x112x160xbf16, #tpu.memory_space<vmem>>
      %dma_wait3A_143 = tpu.memref_squeeze %dma_wait3A_142 : memref<1x112x160xbf16, #tpu.memory_space<vmem>> -> memref<112x160xbf16, #tpu.memory_space<vmem>>
      %dma_wait3A_144 = arith.constant 0 : i32
      %dma_wait3A_145 = tpu.memref_slice %arg6[%dma_wait3A_137, %dma_wait3A_138, %dma_wait3A_144] : memref<4x2x112xi32, #tpu.memory_space<vmem>> -> memref<1x1x112xi32, #tpu.memory_space<vmem>>
      %dma_wait3A_146 = tpu.memref_squeeze %dma_wait3A_145 : memref<1x1x112xi32, #tpu.memory_space<vmem>> -> memref<112xi32, #tpu.memory_space<vmem>>
      %dma_wait3A_147 = arith.constant 0 : i32
      %dma_wait3A_148 = arith.constant 0 : i32
      %dma_wait3A_149 = tpu.memref_slice %arg2[%dma_wait3A_147, %dma_wait3A_148] : memref<10000x160xbf16, #tpu.memory_space<hbm>> -> memref<10000x160xbf16, #tpu.memory_space<hbm>>
      tpu.wait_indirect_dma semaphore(%arg15 : memref<!tpu.dma_semaphore, #tpu.memory_space<semaphore_mem>>) src(%dma_wait3A_149 : memref<10000x160xbf16, #tpu.memory_space<hbm>>) dst(%dma_wait3A_143 : memref<112x160xbf16, #tpu.memory_space<vmem>>)
      %ge3A = arith.constant 1 : i32
      %ge3A_150 = arith.cmpi sge, %add3A_112, %ge3A : i32
      %convert_element_type3A_151 = arith.extui %ge3A_150 : i1 to i32
      %cond3A_152 = arith.constant 0 : i32
      %cond3A_153 = arith.cmpi ne, %convert_element_type3A_151, %cond3A_152 : i32
      scf.if %cond3A_153 {
        %dma_wait3A_353 = arith.constant 3 : i32
        %dma_wait3A_354 = arith.constant 1 : i32
        %dma_wait3A_355 = arith.constant 0 : i32
        %dma_wait3A_356 = tpu.memref_slice %arg6[%dma_wait3A_353, %dma_wait3A_354, %dma_wait3A_355] : memref<4x2x112xi32, #tpu.memory_space<vmem>> -> memref<1x1x112xi32, #tpu.memory_space<vmem>>
        %dma_wait3A_357 = tpu.memref_squeeze %dma_wait3A_356 : memref<1x1x112xi32, #tpu.memory_space<vmem>> -> memref<112xi32, #tpu.memory_space<vmem>>
        %dma_wait3A_358 = arith.constant 0 : i32
        %dma_wait3A_359 = arith.constant 0 : i32
        %dma_wait3A_360 = tpu.memref_slice %arg10[%dma_wait3A_358, %dma_wait3A_359] : memref<10240x144xf32, #tpu.memory_space<vmem_shared>> -> memref<10240x144xf32, #tpu.memory_space<vmem_shared>>
        tpu.wait_indirect_dma semaphore(%arg17 : memref<!tpu.dma_semaphore, #tpu.memory_space<semaphore_mem>>) src(%arg9 : memref<112x144xf32, #tpu.memory_space<vmem>>) dst(%dma_wait3A_360 : memref<10240x144xf32, #tpu.memory_space<vmem_shared>>)
      } else {
      }
      %scan3A_154 = arith.constant 0 : i32
      %scan3A_155 = arith.constant 112 : i32
      %scan3A_156 = arith.addi %scan3A_154, %scan3A_155 : i32
      %scan3A_157 = arith.constant 1 : i32
      scf.for %scan3A_353 = %scan3A_154 to %scan3A_156 step %scan3A_157  : i32 {
        %mul3A_354 = arith.constant 1 : i32
        %mul3A_355 = arith.muli %scan3A_353, %mul3A_354 : i32
        %add3A_356 = arith.constant 0 : i32
        %add3A_357 = arith.addi %add3A_356, %mul3A_355 : i32
        %get3A = arith.constant 0 : i32
        %get3A_358 = arith.index_cast %get3A : i32 to index
        %get3A_359 = arith.index_cast %add3A_357 : i32 to index
        %get3A_360 = arith.constant 128 : index
        %get3A_361 = tpu.vector_load %arg8[%get3A_358, %get3A_359, %get3A_360] {strides = array<i32>} : memref<2x112x160xbf16, #tpu.memory_space<vmem>>, vector<32xbf16>,
        %unpack3A = tpu.unpack_subelements %get3A_361, 0 {pack_format = #tpu.pack_format<interleaved>} : vector<32xbf16> -> vector<16xf32>
        %unpack3A_362 = tpu.unpack_subelements %get3A_361, 1 {pack_format = #tpu.pack_format<interleaved>} : vector<32xbf16> -> vector<16xf32>
        %get3A_363 = arith.constant 0 : i32
        %get3A_364 = arith.index_cast %get3A_363 : i32 to index
        %get3A_365 = arith.index_cast %add3A_357 : i32 to index
        %get3A_366 = arith.constant 0 : index
        %get3A_367 = tpu.vector_load %arg7[%get3A_364, %get3A_365, %get3A_366] {strides = array<i32>} : memref<2x112x16xf32, #tpu.memory_space<vmem>>, vector<16xf32>,
        %add3A_368 = arith.addf %unpack3A, %get3A_367 : vector<16xf32>
        %mul3A_369 = arith.constant 2.000000e-01 : f32
        %mul3A_370 = vector.broadcast %mul3A_369 : f32 to vector<16xf32>
        %mul3A_371 = arith.mulf %mul3A_370, %add3A_368 : vector<16xf32>
        %max3A = arith.maximumf %add3A_368, %mul3A_371 : vector<16xf32>
        %exp3A = math.exp %max3A : vector<16xf32>
        %swap3A = arith.index_cast %add3A_357 : i32 to index
        %swap3A_372 = arith.constant 128 : index
        %swap3A_373 = tpu.vector_load %arg9[%swap3A, %swap3A_372] {strides = array<i32>} : memref<112x144xf32, #tpu.memory_space<vmem>>, vector<16xf32>,
        tpu.vector_store %arg9[%swap3A, %swap3A_372], %exp3A {strides = array<i32>} : memref<112x144xf32, #tpu.memory_space<vmem>>, vector<16xf32>,
        %get3A_374 = arith.constant 0 : i32
        %get3A_375 = arith.index_cast %get3A_374 : i32 to index
        %get3A_376 = arith.index_cast %add3A_357 : i32 to index
        %get3A_377 = arith.constant 0 : index
        %get3A_378 = tpu.vector_load %arg8[%get3A_375, %get3A_376, %get3A_377] {strides = array<i32>} : memref<2x112x160xbf16, #tpu.memory_space<vmem>>, vector<32xbf16>,
        %unpack3A_379 = tpu.unpack_subelements %get3A_378, 0 {pack_format = #tpu.pack_format<interleaved>} : vector<32xbf16> -> vector<16xf32>
        %unpack3A_380 = tpu.unpack_subelements %get3A_378, 1 {pack_format = #tpu.pack_format<interleaved>} : vector<32xbf16> -> vector<16xf32>
        %broadcast_in_dim3A = arith.constant 0 : i32
        %broadcast_in_dim3A_381 = vector.broadcast %broadcast_in_dim3A : i32 to vector<16x1xi32>
        %gather3A = vector.shape_cast %broadcast_in_dim3A_381 : vector<16x1xi32> to vector<16xi32>
        %gather3A_382 = tpu.dynamic_gather %exp3A[%gather3A] in [0] : vector<16xf32>, vector<16xi32> -> vector<16xf32>
        %broadcast_in_dim3A_383 = arith.constant 1 : i32
        %broadcast_in_dim3A_384 = vector.broadcast %broadcast_in_dim3A_383 : i32 to vector<16x1xi32>
        %gather3A_385 = vector.shape_cast %broadcast_in_dim3A_384 : vector<16x1xi32> to vector<16xi32>
        %gather3A_386 = tpu.dynamic_gather %exp3A[%gather3A_385] in [0] : vector<16xf32>, vector<16xi32> -> vector<16xf32>
        %mul3A_387 = arith.mulf %unpack3A_379, %gather3A_382 : vector<16xf32>
        %swap3A_388 = arith.index_cast %add3A_357 : i32 to index
        %swap3A_389 = arith.constant 0 : index
        %swap3A_390 = tpu.vector_load %arg9[%swap3A_388, %swap3A_389] {strides = array<i32>} : memref<112x144xf32, #tpu.memory_space<vmem>>, vector<16xf32>,
        tpu.vector_store %arg9[%swap3A_388, %swap3A_389], %mul3A_387 {strides = array<i32>} : memref<112x144xf32, #tpu.memory_space<vmem>>, vector<16xf32>,
        %mul3A_391 = arith.mulf %unpack3A_380, %gather3A_386 : vector<16xf32>
        %swap3A_392 = arith.index_cast %add3A_357 : i32 to index
        %swap3A_393 = arith.constant 16 : index
        %swap3A_394 = tpu.vector_load %arg9[%swap3A_392, %swap3A_393] {strides = array<i32>} : memref<112x144xf32, #tpu.memory_space<vmem>>, vector<16xf32>,
        tpu.vector_store %arg9[%swap3A_392, %swap3A_393], %mul3A_391 {strides = array<i32>} : memref<112x144xf32, #tpu.memory_space<vmem>>, vector<16xf32>,
        %get3A_395 = arith.constant 0 : i32
        %get3A_396 = arith.index_cast %get3A_395 : i32 to index
        %get3A_397 = arith.index_cast %add3A_357 : i32 to index
        %get3A_398 = arith.constant 32 : index
        %get3A_399 = tpu.vector_load %arg8[%get3A_396, %get3A_397, %get3A_398] {strides = array<i32>} : memref<2x112x160xbf16, #tpu.memory_space<vmem>>, vector<32xbf16>,
        %unpack3A_400 = tpu.unpack_subelements %get3A_399, 0 {pack_format = #tpu.pack_format<interleaved>} : vector<32xbf16> -> vector<16xf32>
        %unpack3A_401 = tpu.unpack_subelements %get3A_399, 1 {pack_format = #tpu.pack_format<interleaved>} : vector<32xbf16> -> vector<16xf32>
        %broadcast_in_dim3A_402 = arith.constant 2 : i32
        %broadcast_in_dim3A_403 = vector.broadcast %broadcast_in_dim3A_402 : i32 to vector<16x1xi32>
        %gather3A_404 = vector.shape_cast %broadcast_in_dim3A_403 : vector<16x1xi32> to vector<16xi32>
        %gather3A_405 = tpu.dynamic_gather %exp3A[%gather3A_404] in [0] : vector<16xf32>, vector<16xi32> -> vector<16xf32>
        %broadcast_in_dim3A_406 = arith.constant 3 : i32
        %broadcast_in_dim3A_407 = vector.broadcast %broadcast_in_dim3A_406 : i32 to vector<16x1xi32>
        %gather3A_408 = vector.shape_cast %broadcast_in_dim3A_407 : vector<16x1xi32> to vector<16xi32>
        %gather3A_409 = tpu.dynamic_gather %exp3A[%gather3A_408] in [0] : vector<16xf32>, vector<16xi32> -> vector<16xf32>
        %mul3A_410 = arith.mulf %unpack3A_400, %gather3A_405 : vector<16xf32>
        %swap3A_411 = arith.index_cast %add3A_357 : i32 to index
        %swap3A_412 = arith.constant 32 : index
        %swap3A_413 = tpu.vector_load %arg9[%swap3A_411, %swap3A_412] {strides = array<i32>} : memref<112x144xf32, #tpu.memory_space<vmem>>, vector<16xf32>,
        tpu.vector_store %arg9[%swap3A_411, %swap3A_412], %mul3A_410 {strides = array<i32>} : memref<112x144xf32, #tpu.memory_space<vmem>>, vector<16xf32>,
        %mul3A_414 = arith.mulf %unpack3A_401, %gather3A_409 : vector<16xf32>
        %swap3A_415 = arith.index_cast %add3A_357 : i32 to index
        %swap3A_416 = arith.constant 48 : index
        %swap3A_417 = tpu.vector_load %arg9[%swap3A_415, %swap3A_416] {strides = array<i32>} : memref<112x144xf32, #tpu.memory_space<vmem>>, vector<16xf32>,
        tpu.vector_store %arg9[%swap3A_415, %swap3A_416], %mul3A_414 {strides = array<i32>} : memref<112x144xf32, #tpu.memory_space<vmem>>, vector<16xf32>,
        %get3A_418 = arith.constant 0 : i32
        %get3A_419 = arith.index_cast %get3A_418 : i32 to index
        %get3A_420 = arith.index_cast %add3A_357 : i32 to index
        %get3A_421 = arith.constant 64 : index
        %get3A_422 = tpu.vector_load %arg8[%get3A_419, %get3A_420, %get3A_421] {strides = array<i32>} : memref<2x112x160xbf16, #tpu.memory_space<vmem>>, vector<32xbf16>,
        %unpack3A_423 = tpu.unpack_subelements %get3A_422, 0 {pack_format = #tpu.pack_format<interleaved>} : vector<32xbf16> -> vector<16xf32>
        %unpack3A_424 = tpu.unpack_subelements %get3A_422, 1 {pack_format = #tpu.pack_format<interleaved>} : vector<32xbf16> -> vector<16xf32>
        %broadcast_in_dim3A_425 = arith.constant 4 : i32
        %broadcast_in_dim3A_426 = vector.broadcast %broadcast_in_dim3A_425 : i32 to vector<16x1xi32>
        %gather3A_427 = vector.shape_cast %broadcast_in_dim3A_426 : vector<16x1xi32> to vector<16xi32>
        %gather3A_428 = tpu.dynamic_gather %exp3A[%gather3A_427] in [0] : vector<16xf32>, vector<16xi32> -> vector<16xf32>
        %broadcast_in_dim3A_429 = arith.constant 5 : i32
        %broadcast_in_dim3A_430 = vector.broadcast %broadcast_in_dim3A_429 : i32 to vector<16x1xi32>
        %gather3A_431 = vector.shape_cast %broadcast_in_dim3A_430 : vector<16x1xi32> to vector<16xi32>
        %gather3A_432 = tpu.dynamic_gather %exp3A[%gather3A_431] in [0] : vector<16xf32>, vector<16xi32> -> vector<16xf32>
        %mul3A_433 = arith.mulf %unpack3A_423, %gather3A_428 : vector<16xf32>
        %swap3A_434 = arith.index_cast %add3A_357 : i32 to index
        %swap3A_435 = arith.constant 64 : index
        %swap3A_436 = tpu.vector_load %arg9[%swap3A_434, %swap3A_435] {strides = array<i32>} : memref<112x144xf32, #tpu.memory_space<vmem>>, vector<16xf32>,
        tpu.vector_store %arg9[%swap3A_434, %swap3A_435], %mul3A_433 {strides = array<i32>} : memref<112x144xf32, #tpu.memory_space<vmem>>, vector<16xf32>,
        %mul3A_437 = arith.mulf %unpack3A_424, %gather3A_432 : vector<16xf32>
        %swap3A_438 = arith.index_cast %add3A_357 : i32 to index
        %swap3A_439 = arith.constant 80 : index
        %swap3A_440 = tpu.vector_load %arg9[%swap3A_438, %swap3A_439] {strides = array<i32>} : memref<112x144xf32, #tpu.memory_space<vmem>>, vector<16xf32>,
        tpu.vector_store %arg9[%swap3A_438, %swap3A_439], %mul3A_437 {strides = array<i32>} : memref<112x144xf32, #tpu.memory_space<vmem>>, vector<16xf32>,
        %get3A_441 = arith.constant 0 : i32
        %get3A_442 = arith.index_cast %get3A_441 : i32 to index
        %get3A_443 = arith.index_cast %add3A_357 : i32 to index
        %get3A_444 = arith.constant 96 : index
        %get3A_445 = tpu.vector_load %arg8[%get3A_442, %get3A_443, %get3A_444] {strides = array<i32>} : memref<2x112x160xbf16, #tpu.memory_space<vmem>>, vector<32xbf16>,
        %unpack3A_446 = tpu.unpack_subelements %get3A_445, 0 {pack_format = #tpu.pack_format<interleaved>} : vector<32xbf16> -> vector<16xf32>
        %unpack3A_447 = tpu.unpack_subelements %get3A_445, 1 {pack_format = #tpu.pack_format<interleaved>} : vector<32xbf16> -> vector<16xf32>
        %broadcast_in_dim3A_448 = arith.constant 6 : i32
        %broadcast_in_dim3A_449 = vector.broadcast %broadcast_in_dim3A_448 : i32 to vector<16x1xi32>
        %gather3A_450 = vector.shape_cast %broadcast_in_dim3A_449 : vector<16x1xi32> to vector<16xi32>
        %gather3A_451 = tpu.dynamic_gather %exp3A[%gather3A_450] in [0] : vector<16xf32>, vector<16xi32> -> vector<16xf32>
        %broadcast_in_dim3A_452 = arith.constant 7 : i32
        %broadcast_in_dim3A_453 = vector.broadcast %broadcast_in_dim3A_452 : i32 to vector<16x1xi32>
        %gather3A_454 = vector.shape_cast %broadcast_in_dim3A_453 : vector<16x1xi32> to vector<16xi32>
        %gather3A_455 = tpu.dynamic_gather %exp3A[%gather3A_454] in [0] : vector<16xf32>, vector<16xi32> -> vector<16xf32>
        %mul3A_456 = arith.mulf %unpack3A_446, %gather3A_451 : vector<16xf32>
        %swap3A_457 = arith.index_cast %add3A_357 : i32 to index
        %swap3A_458 = arith.constant 96 : index
        %swap3A_459 = tpu.vector_load %arg9[%swap3A_457, %swap3A_458] {strides = array<i32>} : memref<112x144xf32, #tpu.memory_space<vmem>>, vector<16xf32>,
        tpu.vector_store %arg9[%swap3A_457, %swap3A_458], %mul3A_456 {strides = array<i32>} : memref<112x144xf32, #tpu.memory_space<vmem>>, vector<16xf32>,
        %mul3A_460 = arith.mulf %unpack3A_447, %gather3A_455 : vector<16xf32>
        %swap3A_461 = arith.index_cast %add3A_357 : i32 to index
        %swap3A_462 = arith.constant 112 : index
        %swap3A_463 = tpu.vector_load %arg9[%swap3A_461, %swap3A_462] {strides = array<i32>} : memref<112x144xf32, #tpu.memory_space<vmem>>, vector<16xf32>,
        tpu.vector_store %arg9[%swap3A_461, %swap3A_462], %mul3A_460 {strides = array<i32>} : memref<112x144xf32, #tpu.memory_space<vmem>>, vector<16xf32>,
      }
      %scan3A_158 = arith.constant 112 : i32
      %dma_start3A_159 = arith.constant 0 : i32
      %dma_start3A_160 = arith.constant 1 : i32
      %dma_start3A_161 = arith.constant 0 : i32
      %dma_start3A_162 = tpu.memref_slice %arg6[%dma_start3A_159, %dma_start3A_160, %dma_start3A_161] : memref<4x2x112xi32, #tpu.memory_space<vmem>> -> memref<1x1x112xi32, #tpu.memory_space<vmem>>
      %dma_start3A_163 = tpu.memref_squeeze %dma_start3A_162 : memref<1x1x112xi32, #tpu.memory_space<vmem>> -> memref<112xi32, #tpu.memory_space<vmem>>
      %dma_start3A_164 = arith.constant 0 : i32
      %dma_start3A_165 = arith.constant 0 : i32
      %dma_start3A_166 = tpu.memref_slice %arg10[%dma_start3A_164, %dma_start3A_165] : memref<10240x144xf32, #tpu.memory_space<vmem_shared>> -> memref<10240x144xf32, #tpu.memory_space<vmem_shared>>
      tpu.enqueue_indirect_dma source(%arg9 : memref<112x144xf32, #tpu.memory_space<vmem>>) target(%dma_start3A_166 : memref<10240x144xf32, #tpu.memory_space<vmem_shared>>) offsets(%dma_start3A_163 : memref<112xi32, #tpu.memory_space<vmem>>) semaphore(%arg17 : memref<!tpu.dma_semaphore, #tpu.memory_space<semaphore_mem>>) {add = true}
      %mul3A_167 = arith.constant 4 : i32
      %mul3A_168 = arith.muli %mul3A_167, %add3A_108 : i32
      %add3A_169 = arith.constant 1 : i32
      %add3A_170 = arith.addi %mul3A_168, %add3A_169 : i32
      %add3A_171 = arith.constant 1 : i32
      %add3A_172 = arith.addi %add3A_170, %add3A_171 : i32
      %lt3A_173 = arith.constant 92 : i32
      %lt3A_174 = arith.cmpi slt, %add3A_172, %lt3A_173 : i32
      %convert_element_type3A_175 = arith.extui %lt3A_174 : i1 to i32
      %cond3A_176 = arith.constant 0 : i32
      %cond3A_177 = arith.cmpi ne, %convert_element_type3A_175, %cond3A_176 : i32
      scf.if %cond3A_177 {
        %dma_wait3A_353 = arith.constant 2 : i32
        %dma_wait3A_354 = arith.constant 0 : i32
        %dma_wait3A_355 = arith.constant 0 : i32
        %dma_wait3A_356 = tpu.memref_slice %arg6[%dma_wait3A_353, %dma_wait3A_354, %dma_wait3A_355] : memref<4x2x112xi32, #tpu.memory_space<vmem>> -> memref<1x2x112xi32, #tpu.memory_space<vmem>>
        %dma_wait3A_357 = tpu.memref_squeeze %dma_wait3A_356 : memref<1x2x112xi32, #tpu.memory_space<vmem>> -> memref<2x112xi32, #tpu.memory_space<vmem>>
        %dma_wait3A_358 = arith.constant 0 : i32
        %dma_wait3A_359 = arith.constant 0 : i32
        %dma_wait3A_360 = tpu.memref_slice %arg4[%dma_wait3A_358, %dma_wait3A_359] : memref<2x329728xi32, #tpu.memory_space<hbm>> -> memref<2x112xi32, #tpu.memory_space<hbm>>
        %dma_wait3A_361 = arith.constant 0 : i32
        %dma_wait3A_362 = arith.constant 0 : i32
        %dma_wait3A_363 = tpu.memref_slice %arg6[%dma_wait3A_353, %dma_wait3A_361, %dma_wait3A_362] : memref<4x2x112xi32, #tpu.memory_space<vmem>> -> memref<1x2x112xi32, #tpu.memory_space<vmem>>
        %dma_wait3A_364 = tpu.memref_squeeze %dma_wait3A_363 : memref<1x2x112xi32, #tpu.memory_space<vmem>> -> memref<2x112xi32, #tpu.memory_space<vmem>>
        %dma_wait3A_365 = arith.constant 0 : i32
        %dma_wait3A_366 = arith.constant 0 : i32
        %dma_wait3A_367 = tpu.memref_slice %arg4[%dma_wait3A_365, %dma_wait3A_366] : memref<2x329728xi32, #tpu.memory_space<hbm>> -> memref<2x112xi32, #tpu.memory_space<hbm>>
        tpu.wait_dma2 semaphore(%arg13 : memref<!tpu.dma_semaphore, #tpu.memory_space<semaphore_mem>>) src(%dma_wait3A_367 : memref<2x112xi32, #tpu.memory_space<hbm>>) dst(%dma_wait3A_364 : memref<2x112xi32, #tpu.memory_space<vmem>>)
        %dma_start3A_368 = arith.constant 2 : i32
        %dma_start3A_369 = arith.constant 1 : i32
        %dma_start3A_370 = arith.constant 0 : i32
        %dma_start3A_371 = arith.constant 0 : i32
        %dma_start3A_372 = arith.constant 0 : i32
        %dma_start3A_373 = tpu.memref_slice %arg7[%dma_start3A_370, %dma_start3A_371, %dma_start3A_372] : memref<2x112x16xf32, #tpu.memory_space<vmem>> -> memref<1x112x16xf32, #tpu.memory_space<vmem>>
        %dma_start3A_374 = tpu.memref_squeeze %dma_start3A_373 : memref<1x112x16xf32, #tpu.memory_space<vmem>> -> memref<112x16xf32, #tpu.memory_space<vmem>>
        %dma_start3A_375 = arith.constant 0 : i32
        %dma_start3A_376 = tpu.memref_slice %arg6[%dma_start3A_368, %dma_start3A_369, %dma_start3A_375] : memref<4x2x112xi32, #tpu.memory_space<vmem>> -> memref<1x1x112xi32, #tpu.memory_space<vmem>>
        %dma_start3A_377 = tpu.memref_squeeze %dma_start3A_376 : memref<1x1x112xi32, #tpu.memory_space<vmem>> -> memref<112xi32, #tpu.memory_space<vmem>>
        %dma_start3A_378 = arith.constant 0 : i32
        %dma_start3A_379 = arith.constant 0 : i32
        %dma_start3A_380 = tpu.memref_slice %arg3[%dma_start3A_378, %dma_start3A_379] : memref<10240x16xf32, #tpu.memory_space<hbm>> -> memref<10240x16xf32, #tpu.memory_space<hbm>>
        tpu.enqueue_indirect_dma source(%dma_start3A_380 : memref<10240x16xf32, #tpu.memory_space<hbm>>) target(%dma_start3A_374 : memref<112x16xf32, #tpu.memory_space<vmem>>) offsets(%dma_start3A_377 : memref<112xi32, #tpu.memory_space<vmem>>) semaphore(%arg15 : memref<!tpu.dma_semaphore, #tpu.memory_space<semaphore_mem>>)
        %dma_start3A_381 = arith.constant 2 : i32
        %dma_start3A_382 = arith.constant 0 : i32
        %dma_start3A_383 = arith.constant 0 : i32
        %dma_start3A_384 = arith.constant 0 : i32
        %dma_start3A_385 = arith.constant 0 : i32
        %dma_start3A_386 = tpu.memref_slice %arg8[%dma_start3A_383, %dma_start3A_384, %dma_start3A_385] : memref<2x112x160xbf16, #tpu.memory_space<vmem>> -> memref<1x112x160xbf16, #tpu.memory_space<vmem>>
        %dma_start3A_387 = tpu.memref_squeeze %dma_start3A_386 : memref<1x112x160xbf16, #tpu.memory_space<vmem>> -> memref<112x160xbf16, #tpu.memory_space<vmem>>
        %dma_start3A_388 = arith.constant 0 : i32
        %dma_start3A_389 = tpu.memref_slice %arg6[%dma_start3A_381, %dma_start3A_382, %dma_start3A_388] : memref<4x2x112xi32, #tpu.memory_space<vmem>> -> memref<1x1x112xi32, #tpu.memory_space<vmem>>
        %dma_start3A_390 = tpu.memref_squeeze %dma_start3A_389 : memref<1x1x112xi32, #tpu.memory_space<vmem>> -> memref<112xi32, #tpu.memory_space<vmem>>
        %dma_start3A_391 = arith.constant 0 : i32
        %dma_start3A_392 = arith.constant 0 : i32
        %dma_start3A_393 = tpu.memref_slice %arg2[%dma_start3A_391, %dma_start3A_392] : memref<10000x160xbf16, #tpu.memory_space<hbm>> -> memref<10000x160xbf16, #tpu.memory_space<hbm>>
        tpu.enqueue_indirect_dma source(%dma_start3A_393 : memref<10000x160xbf16, #tpu.memory_space<hbm>>) target(%dma_start3A_387 : memref<112x160xbf16, #tpu.memory_space<vmem>>) offsets(%dma_start3A_390 : memref<112xi32, #tpu.memory_space<vmem>>) semaphore(%arg15 : memref<!tpu.dma_semaphore, #tpu.memory_space<semaphore_mem>>)
      } else {
      }
      %add3A_178 = arith.constant 2 : i32
      %add3A_179 = arith.addi %add3A_170, %add3A_178 : i32
      %lt3A_180 = arith.constant 92 : i32
      %lt3A_181 = arith.cmpi slt, %add3A_179, %lt3A_180 : i32
      %convert_element_type3A_182 = arith.extui %lt3A_181 : i1 to i32
      %cond3A_183 = arith.constant 0 : i32
      %cond3A_184 = arith.cmpi ne, %convert_element_type3A_182, %cond3A_183 : i32
      scf.if %cond3A_184 {
        %add3A_353 = arith.constant 2 : i32
        %add3A_354 = arith.addi %add3A_170, %add3A_353 : i32
        %mul3A_355 = arith.constant 112 : i32
        %mul3A_356 = arith.muli %add3A_354, %mul3A_355 : i32
        %add3A_357 = arith.addi %mul3A_4, %mul3A_356 : i32
        %dma_start3A_358 = arith.constant 3 : i32
        %dma_start3A_359 = arith.constant 0 : i32
        %dma_start3A_360 = arith.constant 0 : i32
        %dma_start3A_361 = tpu.memref_slice %arg6[%dma_start3A_358, %dma_start3A_359, %dma_start3A_360] : memref<4x2x112xi32, #tpu.memory_space<vmem>> -> memref<1x2x112xi32, #tpu.memory_space<vmem>>
        %dma_start3A_362 = tpu.memref_squeeze %dma_start3A_361 : memref<1x2x112xi32, #tpu.memory_space<vmem>> -> memref<2x112xi32, #tpu.memory_space<vmem>>
        %dma_start3A_363 = arith.constant 0 : i32
        %dma_start3A_364 = tpu.memref_slice %arg4[%dma_start3A_363, %add3A_357] : memref<2x329728xi32, #tpu.memory_space<hbm>> -> memref<2x112xi32, #tpu.memory_space<hbm>>
        %dma_start3A_365 = arith.constant 0 : i32
        %dma_start3A_366 = arith.constant 0 : i32
        %dma_start3A_367 = tpu.memref_slice %arg6[%dma_start3A_358, %dma_start3A_365, %dma_start3A_366] : memref<4x2x112xi32, #tpu.memory_space<vmem>> -> memref<1x2x112xi32, #tpu.memory_space<vmem>>
        %dma_start3A_368 = tpu.memref_squeeze %dma_start3A_367 : memref<1x2x112xi32, #tpu.memory_space<vmem>> -> memref<2x112xi32, #tpu.memory_space<vmem>>
        %dma_start3A_369 = arith.constant 0 : i32
        %dma_start3A_370 = tpu.memref_slice %arg4[%dma_start3A_369, %add3A_357] : memref<2x329728xi32, #tpu.memory_space<hbm>> -> memref<2x112xi32, #tpu.memory_space<hbm>>
        tpu.enqueue_dma source(%dma_start3A_370 : memref<2x112xi32, #tpu.memory_space<hbm>>) target(%dma_start3A_368 : memref<2x112xi32, #tpu.memory_space<vmem>>) target_semaphore(%arg14 : memref<!tpu.dma_semaphore, #tpu.memory_space<semaphore_mem>>)
      } else {
      }
      %dma_wait3A_185 = arith.constant 1 : i32
      %dma_wait3A_186 = arith.constant 1 : i32
      %dma_wait3A_187 = arith.constant 1 : i32
      %dma_wait3A_188 = arith.constant 0 : i32
      %dma_wait3A_189 = arith.constant 0 : i32
      %dma_wait3A_190 = tpu.memref_slice %arg7[%dma_wait3A_187, %dma_wait3A_188, %dma_wait3A_189] : memref<2x112x16xf32, #tpu.memory_space<vmem>> -> memref<1x112x16xf32, #tpu.memory_space<vmem>>
      %dma_wait3A_191 = tpu.memref_squeeze %dma_wait3A_190 : memref<1x112x16xf32, #tpu.memory_space<vmem>> -> memref<112x16xf32, #tpu.memory_space<vmem>>
      %dma_wait3A_192 = arith.constant 0 : i32
      %dma_wait3A_193 = tpu.memref_slice %arg6[%dma_wait3A_185, %dma_wait3A_186, %dma_wait3A_192] : memref<4x2x112xi32, #tpu.memory_space<vmem>> -> memref<1x1x112xi32, #tpu.memory_space<vmem>>
      %dma_wait3A_194 = tpu.memref_squeeze %dma_wait3A_193 : memref<1x1x112xi32, #tpu.memory_space<vmem>> -> memref<112xi32, #tpu.memory_space<vmem>>
      %dma_wait3A_195 = arith.constant 0 : i32
      %dma_wait3A_196 = arith.constant 0 : i32
      %dma_wait3A_197 = tpu.memref_slice %arg3[%dma_wait3A_195, %dma_wait3A_196] : memref<10240x16xf32, #tpu.memory_space<hbm>> -> memref<10240x16xf32, #tpu.memory_space<hbm>>
      tpu.wait_indirect_dma semaphore(%arg16 : memref<!tpu.dma_semaphore, #tpu.memory_space<semaphore_mem>>) src(%dma_wait3A_197 : memref<10240x16xf32, #tpu.memory_space<hbm>>) dst(%dma_wait3A_191 : memref<112x16xf32, #tpu.memory_space<vmem>>)
      %dma_wait3A_198 = arith.constant 1 : i32
      %dma_wait3A_199 = arith.constant 0 : i32
      %dma_wait3A_200 = arith.constant 1 : i32
      %dma_wait3A_201 = arith.constant 0 : i32
      %dma_wait3A_202 = arith.constant 0 : i32
      %dma_wait3A_203 = tpu.memref_slice %arg8[%dma_wait3A_200, %dma_wait3A_201, %dma_wait3A_202] : memref<2x112x160xbf16, #tpu.memory_space<vmem>> -> memref<1x112x160xbf16, #tpu.memory_space<vmem>>
      %dma_wait3A_204 = tpu.memref_squeeze %dma_wait3A_203 : memref<1x112x160xbf16, #tpu.memory_space<vmem>> -> memref<112x160xbf16, #tpu.memory_space<vmem>>
      %dma_wait3A_205 = arith.constant 0 : i32
      %dma_wait3A_206 = tpu.memref_slice %arg6[%dma_wait3A_198, %dma_wait3A_199, %dma_wait3A_205] : memref<4x2x112xi32, #tpu.memory_space<vmem>> -> memref<1x1x112xi32, #tpu.memory_space<vmem>>
      %dma_wait3A_207 = tpu.memref_squeeze %dma_wait3A_206 : memref<1x1x112xi32, #tpu.memory_space<vmem>> -> memref<112xi32, #tpu.memory_space<vmem>>
      %dma_wait3A_208 = arith.constant 0 : i32
      %dma_wait3A_209 = arith.constant 0 : i32
      %dma_wait3A_210 = tpu.memref_slice %arg2[%dma_wait3A_208, %dma_wait3A_209] : memref<10000x160xbf16, #tpu.memory_space<hbm>> -> memref<10000x160xbf16, #tpu.memory_space<hbm>>
      tpu.wait_indirect_dma semaphore(%arg16 : memref<!tpu.dma_semaphore, #tpu.memory_space<semaphore_mem>>) src(%dma_wait3A_210 : memref<10000x160xbf16, #tpu.memory_space<hbm>>) dst(%dma_wait3A_204 : memref<112x160xbf16, #tpu.memory_space<vmem>>)
      %ge3A_211 = arith.constant 1 : i32
      %ge3A_212 = arith.cmpi sge, %add3A_170, %ge3A_211 : i32
      %convert_element_type3A_213 = arith.extui %ge3A_212 : i1 to i32
      %cond3A_214 = arith.constant 0 : i32
      %cond3A_215 = arith.cmpi ne, %convert_element_type3A_213, %cond3A_214 : i32
      scf.if %cond3A_215 {
        %dma_wait3A_353 = arith.constant 0 : i32
        %dma_wait3A_354 = arith.constant 1 : i32
        %dma_wait3A_355 = arith.constant 0 : i32
        %dma_wait3A_356 = tpu.memref_slice %arg6[%dma_wait3A_353, %dma_wait3A_354, %dma_wait3A_355] : memref<4x2x112xi32, #tpu.memory_space<vmem>> -> memref<1x1x112xi32, #tpu.memory_space<vmem>>
        %dma_wait3A_357 = tpu.memref_squeeze %dma_wait3A_356 : memref<1x1x112xi32, #tpu.memory_space<vmem>> -> memref<112xi32, #tpu.memory_space<vmem>>
        %dma_wait3A_358 = arith.constant 0 : i32
        %dma_wait3A_359 = arith.constant 0 : i32
        %dma_wait3A_360 = tpu.memref_slice %arg10[%dma_wait3A_358, %dma_wait3A_359] : memref<10240x144xf32, #tpu.memory_space<vmem_shared>> -> memref<10240x144xf32, #tpu.memory_space<vmem_shared>>
        tpu.wait_indirect_dma semaphore(%arg17 : memref<!tpu.dma_semaphore, #tpu.memory_space<semaphore_mem>>) src(%arg9 : memref<112x144xf32, #tpu.memory_space<vmem>>) dst(%dma_wait3A_360 : memref<10240x144xf32, #tpu.memory_space<vmem_shared>>)
      } else {
      }
      %scan3A_216 = arith.constant 0 : i32
      %scan3A_217 = arith.constant 112 : i32
      %scan3A_218 = arith.addi %scan3A_216, %scan3A_217 : i32
      %scan3A_219 = arith.constant 1 : i32
      scf.for %scan3A_353 = %scan3A_216 to %scan3A_218 step %scan3A_219  : i32 {
        %mul3A_354 = arith.constant 1 : i32
        %mul3A_355 = arith.muli %scan3A_353, %mul3A_354 : i32
        %add3A_356 = arith.constant 0 : i32
        %add3A_357 = arith.addi %add3A_356, %mul3A_355 : i32
        %get3A = arith.constant 1 : i32
        %get3A_358 = arith.index_cast %get3A : i32 to index
        %get3A_359 = arith.index_cast %add3A_357 : i32 to index
        %get3A_360 = arith.constant 128 : index
        %get3A_361 = tpu.vector_load %arg8[%get3A_358, %get3A_359, %get3A_360] {strides = array<i32>} : memref<2x112x160xbf16, #tpu.memory_space<vmem>>, vector<32xbf16>,
        %unpack3A = tpu.unpack_subelements %get3A_361, 0 {pack_format = #tpu.pack_format<interleaved>} : vector<32xbf16> -> vector<16xf32>
        %unpack3A_362 = tpu.unpack_subelements %get3A_361, 1 {pack_format = #tpu.pack_format<interleaved>} : vector<32xbf16> -> vector<16xf32>
        %get3A_363 = arith.constant 1 : i32
        %get3A_364 = arith.index_cast %get3A_363 : i32 to index
        %get3A_365 = arith.index_cast %add3A_357 : i32 to index
        %get3A_366 = arith.constant 0 : index
        %get3A_367 = tpu.vector_load %arg7[%get3A_364, %get3A_365, %get3A_366] {strides = array<i32>} : memref<2x112x16xf32, #tpu.memory_space<vmem>>, vector<16xf32>,
        %add3A_368 = arith.addf %unpack3A, %get3A_367 : vector<16xf32>
        %mul3A_369 = arith.constant 2.000000e-01 : f32
        %mul3A_370 = vector.broadcast %mul3A_369 : f32 to vector<16xf32>
        %mul3A_371 = arith.mulf %mul3A_370, %add3A_368 : vector<16xf32>
        %max3A = arith.maximumf %add3A_368, %mul3A_371 : vector<16xf32>
        %exp3A = math.exp %max3A : vector<16xf32>
        %swap3A = arith.index_cast %add3A_357 : i32 to index
        %swap3A_372 = arith.constant 128 : index
        %swap3A_373 = tpu.vector_load %arg9[%swap3A, %swap3A_372] {strides = array<i32>} : memref<112x144xf32, #tpu.memory_space<vmem>>, vector<16xf32>,
        tpu.vector_store %arg9[%swap3A, %swap3A_372], %exp3A {strides = array<i32>} : memref<112x144xf32, #tpu.memory_space<vmem>>, vector<16xf32>,
        %get3A_374 = arith.constant 1 : i32
        %get3A_375 = arith.index_cast %get3A_374 : i32 to index
        %get3A_376 = arith.index_cast %add3A_357 : i32 to index
        %get3A_377 = arith.constant 0 : index
        %get3A_378 = tpu.vector_load %arg8[%get3A_375, %get3A_376, %get3A_377] {strides = array<i32>} : memref<2x112x160xbf16, #tpu.memory_space<vmem>>, vector<32xbf16>,
        %unpack3A_379 = tpu.unpack_subelements %get3A_378, 0 {pack_format = #tpu.pack_format<interleaved>} : vector<32xbf16> -> vector<16xf32>
        %unpack3A_380 = tpu.unpack_subelements %get3A_378, 1 {pack_format = #tpu.pack_format<interleaved>} : vector<32xbf16> -> vector<16xf32>
        %broadcast_in_dim3A = arith.constant 0 : i32
        %broadcast_in_dim3A_381 = vector.broadcast %broadcast_in_dim3A : i32 to vector<16x1xi32>
        %gather3A = vector.shape_cast %broadcast_in_dim3A_381 : vector<16x1xi32> to vector<16xi32>
        %gather3A_382 = tpu.dynamic_gather %exp3A[%gather3A] in [0] : vector<16xf32>, vector<16xi32> -> vector<16xf32>
        %broadcast_in_dim3A_383 = arith.constant 1 : i32
        %broadcast_in_dim3A_384 = vector.broadcast %broadcast_in_dim3A_383 : i32 to vector<16x1xi32>
        %gather3A_385 = vector.shape_cast %broadcast_in_dim3A_384 : vector<16x1xi32> to vector<16xi32>
        %gather3A_386 = tpu.dynamic_gather %exp3A[%gather3A_385] in [0] : vector<16xf32>, vector<16xi32> -> vector<16xf32>
        %mul3A_387 = arith.mulf %unpack3A_379, %gather3A_382 : vector<16xf32>
        %swap3A_388 = arith.index_cast %add3A_357 : i32 to index
        %swap3A_389 = arith.constant 0 : index
        %swap3A_390 = tpu.vector_load %arg9[%swap3A_388, %swap3A_389] {strides = array<i32>} : memref<112x144xf32, #tpu.memory_space<vmem>>, vector<16xf32>,
        tpu.vector_store %arg9[%swap3A_388, %swap3A_389], %mul3A_387 {strides = array<i32>} : memref<112x144xf32, #tpu.memory_space<vmem>>, vector<16xf32>,
        %mul3A_391 = arith.mulf %unpack3A_380, %gather3A_386 : vector<16xf32>
        %swap3A_392 = arith.index_cast %add3A_357 : i32 to index
        %swap3A_393 = arith.constant 16 : index
        %swap3A_394 = tpu.vector_load %arg9[%swap3A_392, %swap3A_393] {strides = array<i32>} : memref<112x144xf32, #tpu.memory_space<vmem>>, vector<16xf32>,
        tpu.vector_store %arg9[%swap3A_392, %swap3A_393], %mul3A_391 {strides = array<i32>} : memref<112x144xf32, #tpu.memory_space<vmem>>, vector<16xf32>,
        %get3A_395 = arith.constant 1 : i32
        %get3A_396 = arith.index_cast %get3A_395 : i32 to index
        %get3A_397 = arith.index_cast %add3A_357 : i32 to index
        %get3A_398 = arith.constant 32 : index
        %get3A_399 = tpu.vector_load %arg8[%get3A_396, %get3A_397, %get3A_398] {strides = array<i32>} : memref<2x112x160xbf16, #tpu.memory_space<vmem>>, vector<32xbf16>,
        %unpack3A_400 = tpu.unpack_subelements %get3A_399, 0 {pack_format = #tpu.pack_format<interleaved>} : vector<32xbf16> -> vector<16xf32>
        %unpack3A_401 = tpu.unpack_subelements %get3A_399, 1 {pack_format = #tpu.pack_format<interleaved>} : vector<32xbf16> -> vector<16xf32>
        %broadcast_in_dim3A_402 = arith.constant 2 : i32
        %broadcast_in_dim3A_403 = vector.broadcast %broadcast_in_dim3A_402 : i32 to vector<16x1xi32>
        %gather3A_404 = vector.shape_cast %broadcast_in_dim3A_403 : vector<16x1xi32> to vector<16xi32>
        %gather3A_405 = tpu.dynamic_gather %exp3A[%gather3A_404] in [0] : vector<16xf32>, vector<16xi32> -> vector<16xf32>
        %broadcast_in_dim3A_406 = arith.constant 3 : i32
        %broadcast_in_dim3A_407 = vector.broadcast %broadcast_in_dim3A_406 : i32 to vector<16x1xi32>
        %gather3A_408 = vector.shape_cast %broadcast_in_dim3A_407 : vector<16x1xi32> to vector<16xi32>
        %gather3A_409 = tpu.dynamic_gather %exp3A[%gather3A_408] in [0] : vector<16xf32>, vector<16xi32> -> vector<16xf32>
        %mul3A_410 = arith.mulf %unpack3A_400, %gather3A_405 : vector<16xf32>
        %swap3A_411 = arith.index_cast %add3A_357 : i32 to index
        %swap3A_412 = arith.constant 32 : index
        %swap3A_413 = tpu.vector_load %arg9[%swap3A_411, %swap3A_412] {strides = array<i32>} : memref<112x144xf32, #tpu.memory_space<vmem>>, vector<16xf32>,
        tpu.vector_store %arg9[%swap3A_411, %swap3A_412], %mul3A_410 {strides = array<i32>} : memref<112x144xf32, #tpu.memory_space<vmem>>, vector<16xf32>,
        %mul3A_414 = arith.mulf %unpack3A_401, %gather3A_409 : vector<16xf32>
        %swap3A_415 = arith.index_cast %add3A_357 : i32 to index
        %swap3A_416 = arith.constant 48 : index
        %swap3A_417 = tpu.vector_load %arg9[%swap3A_415, %swap3A_416] {strides = array<i32>} : memref<112x144xf32, #tpu.memory_space<vmem>>, vector<16xf32>,
        tpu.vector_store %arg9[%swap3A_415, %swap3A_416], %mul3A_414 {strides = array<i32>} : memref<112x144xf32, #tpu.memory_space<vmem>>, vector<16xf32>,
        %get3A_418 = arith.constant 1 : i32
        %get3A_419 = arith.index_cast %get3A_418 : i32 to index
        %get3A_420 = arith.index_cast %add3A_357 : i32 to index
        %get3A_421 = arith.constant 64 : index
        %get3A_422 = tpu.vector_load %arg8[%get3A_419, %get3A_420, %get3A_421] {strides = array<i32>} : memref<2x112x160xbf16, #tpu.memory_space<vmem>>, vector<32xbf16>,
        %unpack3A_423 = tpu.unpack_subelements %get3A_422, 0 {pack_format = #tpu.pack_format<interleaved>} : vector<32xbf16> -> vector<16xf32>
        %unpack3A_424 = tpu.unpack_subelements %get3A_422, 1 {pack_format = #tpu.pack_format<interleaved>} : vector<32xbf16> -> vector<16xf32>
        %broadcast_in_dim3A_425 = arith.constant 4 : i32
        %broadcast_in_dim3A_426 = vector.broadcast %broadcast_in_dim3A_425 : i32 to vector<16x1xi32>
        %gather3A_427 = vector.shape_cast %broadcast_in_dim3A_426 : vector<16x1xi32> to vector<16xi32>
        %gather3A_428 = tpu.dynamic_gather %exp3A[%gather3A_427] in [0] : vector<16xf32>, vector<16xi32> -> vector<16xf32>
        %broadcast_in_dim3A_429 = arith.constant 5 : i32
        %broadcast_in_dim3A_430 = vector.broadcast %broadcast_in_dim3A_429 : i32 to vector<16x1xi32>
        %gather3A_431 = vector.shape_cast %broadcast_in_dim3A_430 : vector<16x1xi32> to vector<16xi32>
        %gather3A_432 = tpu.dynamic_gather %exp3A[%gather3A_431] in [0] : vector<16xf32>, vector<16xi32> -> vector<16xf32>
        %mul3A_433 = arith.mulf %unpack3A_423, %gather3A_428 : vector<16xf32>
        %swap3A_434 = arith.index_cast %add3A_357 : i32 to index
        %swap3A_435 = arith.constant 64 : index
        %swap3A_436 = tpu.vector_load %arg9[%swap3A_434, %swap3A_435] {strides = array<i32>} : memref<112x144xf32, #tpu.memory_space<vmem>>, vector<16xf32>,
        tpu.vector_store %arg9[%swap3A_434, %swap3A_435], %mul3A_433 {strides = array<i32>} : memref<112x144xf32, #tpu.memory_space<vmem>>, vector<16xf32>,
        %mul3A_437 = arith.mulf %unpack3A_424, %gather3A_432 : vector<16xf32>
        %swap3A_438 = arith.index_cast %add3A_357 : i32 to index
        %swap3A_439 = arith.constant 80 : index
        %swap3A_440 = tpu.vector_load %arg9[%swap3A_438, %swap3A_439] {strides = array<i32>} : memref<112x144xf32, #tpu.memory_space<vmem>>, vector<16xf32>,
        tpu.vector_store %arg9[%swap3A_438, %swap3A_439], %mul3A_437 {strides = array<i32>} : memref<112x144xf32, #tpu.memory_space<vmem>>, vector<16xf32>,
        %get3A_441 = arith.constant 1 : i32
        %get3A_442 = arith.index_cast %get3A_441 : i32 to index
        %get3A_443 = arith.index_cast %add3A_357 : i32 to index
        %get3A_444 = arith.constant 96 : index
        %get3A_445 = tpu.vector_load %arg8[%get3A_442, %get3A_443, %get3A_444] {strides = array<i32>} : memref<2x112x160xbf16, #tpu.memory_space<vmem>>, vector<32xbf16>,
        %unpack3A_446 = tpu.unpack_subelements %get3A_445, 0 {pack_format = #tpu.pack_format<interleaved>} : vector<32xbf16> -> vector<16xf32>
        %unpack3A_447 = tpu.unpack_subelements %get3A_445, 1 {pack_format = #tpu.pack_format<interleaved>} : vector<32xbf16> -> vector<16xf32>
        %broadcast_in_dim3A_448 = arith.constant 6 : i32
        %broadcast_in_dim3A_449 = vector.broadcast %broadcast_in_dim3A_448 : i32 to vector<16x1xi32>
        %gather3A_450 = vector.shape_cast %broadcast_in_dim3A_449 : vector<16x1xi32> to vector<16xi32>
        %gather3A_451 = tpu.dynamic_gather %exp3A[%gather3A_450] in [0] : vector<16xf32>, vector<16xi32> -> vector<16xf32>
        %broadcast_in_dim3A_452 = arith.constant 7 : i32
        %broadcast_in_dim3A_453 = vector.broadcast %broadcast_in_dim3A_452 : i32 to vector<16x1xi32>
        %gather3A_454 = vector.shape_cast %broadcast_in_dim3A_453 : vector<16x1xi32> to vector<16xi32>
        %gather3A_455 = tpu.dynamic_gather %exp3A[%gather3A_454] in [0] : vector<16xf32>, vector<16xi32> -> vector<16xf32>
        %mul3A_456 = arith.mulf %unpack3A_446, %gather3A_451 : vector<16xf32>
        %swap3A_457 = arith.index_cast %add3A_357 : i32 to index
        %swap3A_458 = arith.constant 96 : index
        %swap3A_459 = tpu.vector_load %arg9[%swap3A_457, %swap3A_458] {strides = array<i32>} : memref<112x144xf32, #tpu.memory_space<vmem>>, vector<16xf32>,
        tpu.vector_store %arg9[%swap3A_457, %swap3A_458], %mul3A_456 {strides = array<i32>} : memref<112x144xf32, #tpu.memory_space<vmem>>, vector<16xf32>,
        %mul3A_460 = arith.mulf %unpack3A_447, %gather3A_455 : vector<16xf32>
        %swap3A_461 = arith.index_cast %add3A_357 : i32 to index
        %swap3A_462 = arith.constant 112 : index
        %swap3A_463 = tpu.vector_load %arg9[%swap3A_461, %swap3A_462] {strides = array<i32>} : memref<112x144xf32, #tpu.memory_space<vmem>>, vector<16xf32>,
        tpu.vector_store %arg9[%swap3A_461, %swap3A_462], %mul3A_460 {strides = array<i32>} : memref<112x144xf32, #tpu.memory_space<vmem>>, vector<16xf32>,
      }
      %scan3A_220 = arith.constant 112 : i32
      %dma_start3A_221 = arith.constant 1 : i32
      %dma_start3A_222 = arith.constant 1 : i32
      %dma_start3A_223 = arith.constant 0 : i32
      %dma_start3A_224 = tpu.memref_slice %arg6[%dma_start3A_221, %dma_start3A_222, %dma_start3A_223] : memref<4x2x112xi32, #tpu.memory_space<vmem>> -> memref<1x1x112xi32, #tpu.memory_space<vmem>>
      %dma_start3A_225 = tpu.memref_squeeze %dma_start3A_224 : memref<1x1x112xi32, #tpu.memory_space<vmem>> -> memref<112xi32, #tpu.memory_space<vmem>>
      %dma_start3A_226 = arith.constant 0 : i32
      %dma_start3A_227 = arith.constant 0 : i32
      %dma_start3A_228 = tpu.memref_slice %arg10[%dma_start3A_226, %dma_start3A_227] : memref<10240x144xf32, #tpu.memory_space<vmem_shared>> -> memref<10240x144xf32, #tpu.memory_space<vmem_shared>>
      tpu.enqueue_indirect_dma source(%arg9 : memref<112x144xf32, #tpu.memory_space<vmem>>) target(%dma_start3A_228 : memref<10240x144xf32, #tpu.memory_space<vmem_shared>>) offsets(%dma_start3A_225 : memref<112xi32, #tpu.memory_space<vmem>>) semaphore(%arg17 : memref<!tpu.dma_semaphore, #tpu.memory_space<semaphore_mem>>) {add = true}
      %mul3A_229 = arith.constant 4 : i32
      %mul3A_230 = arith.muli %mul3A_229, %add3A_108 : i32
      %add3A_231 = arith.constant 2 : i32
      %add3A_232 = arith.addi %mul3A_230, %add3A_231 : i32
      %add3A_233 = arith.constant 1 : i32
      %add3A_234 = arith.addi %add3A_232, %add3A_233 : i32
      %lt3A_235 = arith.constant 92 : i32
      %lt3A_236 = arith.cmpi slt, %add3A_234, %lt3A_235 : i32
      %convert_element_type3A_237 = arith.extui %lt3A_236 : i1 to i32
      %cond3A_238 = arith.constant 0 : i32
      %cond3A_239 = arith.cmpi ne, %convert_element_type3A_237, %cond3A_238 : i32
      scf.if %cond3A_239 {
        %dma_wait3A_353 = arith.constant 3 : i32
        %dma_wait3A_354 = arith.constant 0 : i32
        %dma_wait3A_355 = arith.constant 0 : i32
        %dma_wait3A_356 = tpu.memref_slice %arg6[%dma_wait3A_353, %dma_wait3A_354, %dma_wait3A_355] : memref<4x2x112xi32, #tpu.memory_space<vmem>> -> memref<1x2x112xi32, #tpu.memory_space<vmem>>
        %dma_wait3A_357 = tpu.memref_squeeze %dma_wait3A_356 : memref<1x2x112xi32, #tpu.memory_space<vmem>> -> memref<2x112xi32, #tpu.memory_space<vmem>>
        %dma_wait3A_358 = arith.constant 0 : i32
        %dma_wait3A_359 = arith.constant 0 : i32
        %dma_wait3A_360 = tpu.memref_slice %arg4[%dma_wait3A_358, %dma_wait3A_359] : memref<2x329728xi32, #tpu.memory_space<hbm>> -> memref<2x112xi32, #tpu.memory_space<hbm>>
        %dma_wait3A_361 = arith.constant 0 : i32
        %dma_wait3A_362 = arith.constant 0 : i32
        %dma_wait3A_363 = tpu.memref_slice %arg6[%dma_wait3A_353, %dma_wait3A_361, %dma_wait3A_362] : memref<4x2x112xi32, #tpu.memory_space<vmem>> -> memref<1x2x112xi32, #tpu.memory_space<vmem>>
        %dma_wait3A_364 = tpu.memref_squeeze %dma_wait3A_363 : memref<1x2x112xi32, #tpu.memory_space<vmem>> -> memref<2x112xi32, #tpu.memory_space<vmem>>
        %dma_wait3A_365 = arith.constant 0 : i32
        %dma_wait3A_366 = arith.constant 0 : i32
        %dma_wait3A_367 = tpu.memref_slice %arg4[%dma_wait3A_365, %dma_wait3A_366] : memref<2x329728xi32, #tpu.memory_space<hbm>> -> memref<2x112xi32, #tpu.memory_space<hbm>>
        tpu.wait_dma2 semaphore(%arg14 : memref<!tpu.dma_semaphore, #tpu.memory_space<semaphore_mem>>) src(%dma_wait3A_367 : memref<2x112xi32, #tpu.memory_space<hbm>>) dst(%dma_wait3A_364 : memref<2x112xi32, #tpu.memory_space<vmem>>)
        %dma_start3A_368 = arith.constant 3 : i32
        %dma_start3A_369 = arith.constant 1 : i32
        %dma_start3A_370 = arith.constant 1 : i32
        %dma_start3A_371 = arith.constant 0 : i32
        %dma_start3A_372 = arith.constant 0 : i32
        %dma_start3A_373 = tpu.memref_slice %arg7[%dma_start3A_370, %dma_start3A_371, %dma_start3A_372] : memref<2x112x16xf32, #tpu.memory_space<vmem>> -> memref<1x112x16xf32, #tpu.memory_space<vmem>>
        %dma_start3A_374 = tpu.memref_squeeze %dma_start3A_373 : memref<1x112x16xf32, #tpu.memory_space<vmem>> -> memref<112x16xf32, #tpu.memory_space<vmem>>
        %dma_start3A_375 = arith.constant 0 : i32
        %dma_start3A_376 = tpu.memref_slice %arg6[%dma_start3A_368, %dma_start3A_369, %dma_start3A_375] : memref<4x2x112xi32, #tpu.memory_space<vmem>> -> memref<1x1x112xi32, #tpu.memory_space<vmem>>
        %dma_start3A_377 = tpu.memref_squeeze %dma_start3A_376 : memref<1x1x112xi32, #tpu.memory_space<vmem>> -> memref<112xi32, #tpu.memory_space<vmem>>
        %dma_start3A_378 = arith.constant 0 : i32
        %dma_start3A_379 = arith.constant 0 : i32
        %dma_start3A_380 = tpu.memref_slice %arg3[%dma_start3A_378, %dma_start3A_379] : memref<10240x16xf32, #tpu.memory_space<hbm>> -> memref<10240x16xf32, #tpu.memory_space<hbm>>
        tpu.enqueue_indirect_dma source(%dma_start3A_380 : memref<10240x16xf32, #tpu.memory_space<hbm>>) target(%dma_start3A_374 : memref<112x16xf32, #tpu.memory_space<vmem>>) offsets(%dma_start3A_377 : memref<112xi32, #tpu.memory_space<vmem>>) semaphore(%arg16 : memref<!tpu.dma_semaphore, #tpu.memory_space<semaphore_mem>>)
        %dma_start3A_381 = arith.constant 3 : i32
        %dma_start3A_382 = arith.constant 0 : i32
        %dma_start3A_383 = arith.constant 1 : i32
        %dma_start3A_384 = arith.constant 0 : i32
        %dma_start3A_385 = arith.constant 0 : i32
        %dma_start3A_386 = tpu.memref_slice %arg8[%dma_start3A_383, %dma_start3A_384, %dma_start3A_385] : memref<2x112x160xbf16, #tpu.memory_space<vmem>> -> memref<1x112x160xbf16, #tpu.memory_space<vmem>>
        %dma_start3A_387 = tpu.memref_squeeze %dma_start3A_386 : memref<1x112x160xbf16, #tpu.memory_space<vmem>> -> memref<112x160xbf16, #tpu.memory_space<vmem>>
        %dma_start3A_388 = arith.constant 0 : i32
        %dma_start3A_389 = tpu.memref_slice %arg6[%dma_start3A_381, %dma_start3A_382, %dma_start3A_388] : memref<4x2x112xi32, #tpu.memory_space<vmem>> -> memref<1x1x112xi32, #tpu.memory_space<vmem>>
        %dma_start3A_390 = tpu.memref_squeeze %dma_start3A_389 : memref<1x1x112xi32, #tpu.memory_space<vmem>> -> memref<112xi32, #tpu.memory_space<vmem>>
        %dma_start3A_391 = arith.constant 0 : i32
        %dma_start3A_392 = arith.constant 0 : i32
        %dma_start3A_393 = tpu.memref_slice %arg2[%dma_start3A_391, %dma_start3A_392] : memref<10000x160xbf16, #tpu.memory_space<hbm>> -> memref<10000x160xbf16, #tpu.memory_space<hbm>>
        tpu.enqueue_indirect_dma source(%dma_start3A_393 : memref<10000x160xbf16, #tpu.memory_space<hbm>>) target(%dma_start3A_387 : memref<112x160xbf16, #tpu.memory_space<vmem>>) offsets(%dma_start3A_390 : memref<112xi32, #tpu.memory_space<vmem>>) semaphore(%arg16 : memref<!tpu.dma_semaphore, #tpu.memory_space<semaphore_mem>>)
      } else {
      }
      %add3A_240 = arith.constant 2 : i32
      %add3A_241 = arith.addi %add3A_232, %add3A_240 : i32
      %lt3A_242 = arith.constant 92 : i32
      %lt3A_243 = arith.cmpi slt, %add3A_241, %lt3A_242 : i32
      %convert_element_type3A_244 = arith.extui %lt3A_243 : i1 to i32
      %cond3A_245 = arith.constant 0 : i32
      %cond3A_246 = arith.cmpi ne, %convert_element_type3A_244, %cond3A_245 : i32
      scf.if %cond3A_246 {
        %add3A_353 = arith.constant 2 : i32
        %add3A_354 = arith.addi %add3A_232, %add3A_353 : i32
        %mul3A_355 = arith.constant 112 : i32
        %mul3A_356 = arith.muli %add3A_354, %mul3A_355 : i32
        %add3A_357 = arith.addi %mul3A_4, %mul3A_356 : i32
        %dma_start3A_358 = arith.constant 0 : i32
        %dma_start3A_359 = arith.constant 0 : i32
        %dma_start3A_360 = arith.constant 0 : i32
        %dma_start3A_361 = tpu.memref_slice %arg6[%dma_start3A_358, %dma_start3A_359, %dma_start3A_360] : memref<4x2x112xi32, #tpu.memory_space<vmem>> -> memref<1x2x112xi32, #tpu.memory_space<vmem>>
        %dma_start3A_362 = tpu.memref_squeeze %dma_start3A_361 : memref<1x2x112xi32, #tpu.memory_space<vmem>> -> memref<2x112xi32, #tpu.memory_space<vmem>>
        %dma_start3A_363 = arith.constant 0 : i32
        %dma_start3A_364 = tpu.memref_slice %arg4[%dma_start3A_363, %add3A_357] : memref<2x329728xi32, #tpu.memory_space<hbm>> -> memref<2x112xi32, #tpu.memory_space<hbm>>
        %dma_start3A_365 = arith.constant 0 : i32
        %dma_start3A_366 = arith.constant 0 : i32
        %dma_start3A_367 = tpu.memref_slice %arg6[%dma_start3A_358, %dma_start3A_365, %dma_start3A_366] : memref<4x2x112xi32, #tpu.memory_space<vmem>> -> memref<1x2x112xi32, #tpu.memory_space<vmem>>
        %dma_start3A_368 = tpu.memref_squeeze %dma_start3A_367 : memref<1x2x112xi32, #tpu.memory_space<vmem>> -> memref<2x112xi32, #tpu.memory_space<vmem>>
        %dma_start3A_369 = arith.constant 0 : i32
        %dma_start3A_370 = tpu.memref_slice %arg4[%dma_start3A_369, %add3A_357] : memref<2x329728xi32, #tpu.memory_space<hbm>> -> memref<2x112xi32, #tpu.memory_space<hbm>>
        tpu.enqueue_dma source(%dma_start3A_370 : memref<2x112xi32, #tpu.memory_space<hbm>>) target(%dma_start3A_368 : memref<2x112xi32, #tpu.memory_space<vmem>>) target_semaphore(%arg11 : memref<!tpu.dma_semaphore, #tpu.memory_space<semaphore_mem>>)
      } else {
      }
      %dma_wait3A_247 = arith.constant 2 : i32
      %dma_wait3A_248 = arith.constant 1 : i32
      %dma_wait3A_249 = arith.constant 0 : i32
      %dma_wait3A_250 = arith.constant 0 : i32
      %dma_wait3A_251 = arith.constant 0 : i32
      %dma_wait3A_252 = tpu.memref_slice %arg7[%dma_wait3A_249, %dma_wait3A_250, %dma_wait3A_251] : memref<2x112x16xf32, #tpu.memory_space<vmem>> -> memref<1x112x16xf32, #tpu.memory_space<vmem>>
      %dma_wait3A_253 = tpu.memref_squeeze %dma_wait3A_252 : memref<1x112x16xf32, #tpu.memory_space<vmem>> -> memref<112x16xf32, #tpu.memory_space<vmem>>
      %dma_wait3A_254 = arith.constant 0 : i32
      %dma_wait3A_255 = tpu.memref_slice %arg6[%dma_wait3A_247, %dma_wait3A_248, %dma_wait3A_254] : memref<4x2x112xi32, #tpu.memory_space<vmem>> -> memref<1x1x112xi32, #tpu.memory_space<vmem>>
      %dma_wait3A_256 = tpu.memref_squeeze %dma_wait3A_255 : memref<1x1x112xi32, #tpu.memory_space<vmem>> -> memref<112xi32, #tpu.memory_space<vmem>>
      %dma_wait3A_257 = arith.constant 0 : i32
      %dma_wait3A_258 = arith.constant 0 : i32
      %dma_wait3A_259 = tpu.memref_slice %arg3[%dma_wait3A_257, %dma_wait3A_258] : memref<10240x16xf32, #tpu.memory_space<hbm>> -> memref<10240x16xf32, #tpu.memory_space<hbm>>
      tpu.wait_indirect_dma semaphore(%arg15 : memref<!tpu.dma_semaphore, #tpu.memory_space<semaphore_mem>>) src(%dma_wait3A_259 : memref<10240x16xf32, #tpu.memory_space<hbm>>) dst(%dma_wait3A_253 : memref<112x16xf32, #tpu.memory_space<vmem>>)
      %dma_wait3A_260 = arith.constant 2 : i32
      %dma_wait3A_261 = arith.constant 0 : i32
      %dma_wait3A_262 = arith.constant 0 : i32
      %dma_wait3A_263 = arith.constant 0 : i32
      %dma_wait3A_264 = arith.constant 0 : i32
      %dma_wait3A_265 = tpu.memref_slice %arg8[%dma_wait3A_262, %dma_wait3A_263, %dma_wait3A_264] : memref<2x112x160xbf16, #tpu.memory_space<vmem>> -> memref<1x112x160xbf16, #tpu.memory_space<vmem>>
      %dma_wait3A_266 = tpu.memref_squeeze %dma_wait3A_265 : memref<1x112x160xbf16, #tpu.memory_space<vmem>> -> memref<112x160xbf16, #tpu.memory_space<vmem>>
      %dma_wait3A_267 = arith.constant 0 : i32
      %dma_wait3A_268 = tpu.memref_slice %arg6[%dma_wait3A_260, %dma_wait3A_261, %dma_wait3A_267] : memref<4x2x112xi32, #tpu.memory_space<vmem>> -> memref<1x1x112xi32, #tpu.memory_space<vmem>>
      %dma_wait3A_269 = tpu.memref_squeeze %dma_wait3A_268 : memref<1x1x112xi32, #tpu.memory_space<vmem>> -> memref<112xi32, #tpu.memory_space<vmem>>
      %dma_wait3A_270 = arith.constant 0 : i32
      %dma_wait3A_271 = arith.constant 0 : i32
      %dma_wait3A_272 = tpu.memref_slice %arg2[%dma_wait3A_270, %dma_wait3A_271] : memref<10000x160xbf16, #tpu.memory_space<hbm>> -> memref<10000x160xbf16, #tpu.memory_space<hbm>>
      tpu.wait_indirect_dma semaphore(%arg15 : memref<!tpu.dma_semaphore, #tpu.memory_space<semaphore_mem>>) src(%dma_wait3A_272 : memref<10000x160xbf16, #tpu.memory_space<hbm>>) dst(%dma_wait3A_266 : memref<112x160xbf16, #tpu.memory_space<vmem>>)
      %ge3A_273 = arith.constant 1 : i32
      %ge3A_274 = arith.cmpi sge, %add3A_232, %ge3A_273 : i32
      %convert_element_type3A_275 = arith.extui %ge3A_274 : i1 to i32
      %cond3A_276 = arith.constant 0 : i32
      %cond3A_277 = arith.cmpi ne, %convert_element_type3A_275, %cond3A_276 : i32
      scf.if %cond3A_277 {
        %dma_wait3A_353 = arith.constant 1 : i32
        %dma_wait3A_354 = arith.constant 1 : i32
        %dma_wait3A_355 = arith.constant 0 : i32
        %dma_wait3A_356 = tpu.memref_slice %arg6[%dma_wait3A_353, %dma_wait3A_354, %dma_wait3A_355] : memref<4x2x112xi32, #tpu.memory_space<vmem>> -> memref<1x1x112xi32, #tpu.memory_space<vmem>>
        %dma_wait3A_357 = tpu.memref_squeeze %dma_wait3A_356 : memref<1x1x112xi32, #tpu.memory_space<vmem>> -> memref<112xi32, #tpu.memory_space<vmem>>
        %dma_wait3A_358 = arith.constant 0 : i32
        %dma_wait3A_359 = arith.constant 0 : i32
        %dma_wait3A_360 = tpu.memref_slice %arg10[%dma_wait3A_358, %dma_wait3A_359] : memref<10240x144xf32, #tpu.memory_space<vmem_shared>> -> memref<10240x144xf32, #tpu.memory_space<vmem_shared>>
        tpu.wait_indirect_dma semaphore(%arg17 : memref<!tpu.dma_semaphore, #tpu.memory_space<semaphore_mem>>) src(%arg9 : memref<112x144xf32, #tpu.memory_space<vmem>>) dst(%dma_wait3A_360 : memref<10240x144xf32, #tpu.memory_space<vmem_shared>>)
      } else {
      }
      %scan3A_278 = arith.constant 0 : i32
      %scan3A_279 = arith.constant 112 : i32
      %scan3A_280 = arith.addi %scan3A_278, %scan3A_279 : i32
      %scan3A_281 = arith.constant 1 : i32
      scf.for %scan3A_353 = %scan3A_278 to %scan3A_280 step %scan3A_281  : i32 {
        %mul3A_354 = arith.constant 1 : i32
        %mul3A_355 = arith.muli %scan3A_353, %mul3A_354 : i32
        %add3A_356 = arith.constant 0 : i32
        %add3A_357 = arith.addi %add3A_356, %mul3A_355 : i32
        %get3A = arith.constant 0 : i32
        %get3A_358 = arith.index_cast %get3A : i32 to index
        %get3A_359 = arith.index_cast %add3A_357 : i32 to index
        %get3A_360 = arith.constant 128 : index
        %get3A_361 = tpu.vector_load %arg8[%get3A_358, %get3A_359, %get3A_360] {strides = array<i32>} : memref<2x112x160xbf16, #tpu.memory_space<vmem>>, vector<32xbf16>,
        %unpack3A = tpu.unpack_subelements %get3A_361, 0 {pack_format = #tpu.pack_format<interleaved>} : vector<32xbf16> -> vector<16xf32>
        %unpack3A_362 = tpu.unpack_subelements %get3A_361, 1 {pack_format = #tpu.pack_format<interleaved>} : vector<32xbf16> -> vector<16xf32>
        %get3A_363 = arith.constant 0 : i32
        %get3A_364 = arith.index_cast %get3A_363 : i32 to index
        %get3A_365 = arith.index_cast %add3A_357 : i32 to index
        %get3A_366 = arith.constant 0 : index
        %get3A_367 = tpu.vector_load %arg7[%get3A_364, %get3A_365, %get3A_366] {strides = array<i32>} : memref<2x112x16xf32, #tpu.memory_space<vmem>>, vector<16xf32>,
        %add3A_368 = arith.addf %unpack3A, %get3A_367 : vector<16xf32>
        %mul3A_369 = arith.constant 2.000000e-01 : f32
        %mul3A_370 = vector.broadcast %mul3A_369 : f32 to vector<16xf32>
        %mul3A_371 = arith.mulf %mul3A_370, %add3A_368 : vector<16xf32>
        %max3A = arith.maximumf %add3A_368, %mul3A_371 : vector<16xf32>
        %exp3A = math.exp %max3A : vector<16xf32>
        %swap3A = arith.index_cast %add3A_357 : i32 to index
        %swap3A_372 = arith.constant 128 : index
        %swap3A_373 = tpu.vector_load %arg9[%swap3A, %swap3A_372] {strides = array<i32>} : memref<112x144xf32, #tpu.memory_space<vmem>>, vector<16xf32>,
        tpu.vector_store %arg9[%swap3A, %swap3A_372], %exp3A {strides = array<i32>} : memref<112x144xf32, #tpu.memory_space<vmem>>, vector<16xf32>,
        %get3A_374 = arith.constant 0 : i32
        %get3A_375 = arith.index_cast %get3A_374 : i32 to index
        %get3A_376 = arith.index_cast %add3A_357 : i32 to index
        %get3A_377 = arith.constant 0 : index
        %get3A_378 = tpu.vector_load %arg8[%get3A_375, %get3A_376, %get3A_377] {strides = array<i32>} : memref<2x112x160xbf16, #tpu.memory_space<vmem>>, vector<32xbf16>,
        %unpack3A_379 = tpu.unpack_subelements %get3A_378, 0 {pack_format = #tpu.pack_format<interleaved>} : vector<32xbf16> -> vector<16xf32>
        %unpack3A_380 = tpu.unpack_subelements %get3A_378, 1 {pack_format = #tpu.pack_format<interleaved>} : vector<32xbf16> -> vector<16xf32>
        %broadcast_in_dim3A = arith.constant 0 : i32
        %broadcast_in_dim3A_381 = vector.broadcast %broadcast_in_dim3A : i32 to vector<16x1xi32>
        %gather3A = vector.shape_cast %broadcast_in_dim3A_381 : vector<16x1xi32> to vector<16xi32>
        %gather3A_382 = tpu.dynamic_gather %exp3A[%gather3A] in [0] : vector<16xf32>, vector<16xi32> -> vector<16xf32>
        %broadcast_in_dim3A_383 = arith.constant 1 : i32
        %broadcast_in_dim3A_384 = vector.broadcast %broadcast_in_dim3A_383 : i32 to vector<16x1xi32>
        %gather3A_385 = vector.shape_cast %broadcast_in_dim3A_384 : vector<16x1xi32> to vector<16xi32>
        %gather3A_386 = tpu.dynamic_gather %exp3A[%gather3A_385] in [0] : vector<16xf32>, vector<16xi32> -> vector<16xf32>
        %mul3A_387 = arith.mulf %unpack3A_379, %gather3A_382 : vector<16xf32>
        %swap3A_388 = arith.index_cast %add3A_357 : i32 to index
        %swap3A_389 = arith.constant 0 : index
        %swap3A_390 = tpu.vector_load %arg9[%swap3A_388, %swap3A_389] {strides = array<i32>} : memref<112x144xf32, #tpu.memory_space<vmem>>, vector<16xf32>,
        tpu.vector_store %arg9[%swap3A_388, %swap3A_389], %mul3A_387 {strides = array<i32>} : memref<112x144xf32, #tpu.memory_space<vmem>>, vector<16xf32>,
        %mul3A_391 = arith.mulf %unpack3A_380, %gather3A_386 : vector<16xf32>
        %swap3A_392 = arith.index_cast %add3A_357 : i32 to index
        %swap3A_393 = arith.constant 16 : index
        %swap3A_394 = tpu.vector_load %arg9[%swap3A_392, %swap3A_393] {strides = array<i32>} : memref<112x144xf32, #tpu.memory_space<vmem>>, vector<16xf32>,
        tpu.vector_store %arg9[%swap3A_392, %swap3A_393], %mul3A_391 {strides = array<i32>} : memref<112x144xf32, #tpu.memory_space<vmem>>, vector<16xf32>,
        %get3A_395 = arith.constant 0 : i32
        %get3A_396 = arith.index_cast %get3A_395 : i32 to index
        %get3A_397 = arith.index_cast %add3A_357 : i32 to index
        %get3A_398 = arith.constant 32 : index
        %get3A_399 = tpu.vector_load %arg8[%get3A_396, %get3A_397, %get3A_398] {strides = array<i32>} : memref<2x112x160xbf16, #tpu.memory_space<vmem>>, vector<32xbf16>,
        %unpack3A_400 = tpu.unpack_subelements %get3A_399, 0 {pack_format = #tpu.pack_format<interleaved>} : vector<32xbf16> -> vector<16xf32>
        %unpack3A_401 = tpu.unpack_subelements %get3A_399, 1 {pack_format = #tpu.pack_format<interleaved>} : vector<32xbf16> -> vector<16xf32>
        %broadcast_in_dim3A_402 = arith.constant 2 : i32
        %broadcast_in_dim3A_403 = vector.broadcast %broadcast_in_dim3A_402 : i32 to vector<16x1xi32>
        %gather3A_404 = vector.shape_cast %broadcast_in_dim3A_403 : vector<16x1xi32> to vector<16xi32>
        %gather3A_405 = tpu.dynamic_gather %exp3A[%gather3A_404] in [0] : vector<16xf32>, vector<16xi32> -> vector<16xf32>
        %broadcast_in_dim3A_406 = arith.constant 3 : i32
        %broadcast_in_dim3A_407 = vector.broadcast %broadcast_in_dim3A_406 : i32 to vector<16x1xi32>
        %gather3A_408 = vector.shape_cast %broadcast_in_dim3A_407 : vector<16x1xi32> to vector<16xi32>
        %gather3A_409 = tpu.dynamic_gather %exp3A[%gather3A_408] in [0] : vector<16xf32>, vector<16xi32> -> vector<16xf32>
        %mul3A_410 = arith.mulf %unpack3A_400, %gather3A_405 : vector<16xf32>
        %swap3A_411 = arith.index_cast %add3A_357 : i32 to index
        %swap3A_412 = arith.constant 32 : index
        %swap3A_413 = tpu.vector_load %arg9[%swap3A_411, %swap3A_412] {strides = array<i32>} : memref<112x144xf32, #tpu.memory_space<vmem>>, vector<16xf32>,
        tpu.vector_store %arg9[%swap3A_411, %swap3A_412], %mul3A_410 {strides = array<i32>} : memref<112x144xf32, #tpu.memory_space<vmem>>, vector<16xf32>,
        %mul3A_414 = arith.mulf %unpack3A_401, %gather3A_409 : vector<16xf32>
        %swap3A_415 = arith.index_cast %add3A_357 : i32 to index
        %swap3A_416 = arith.constant 48 : index
        %swap3A_417 = tpu.vector_load %arg9[%swap3A_415, %swap3A_416] {strides = array<i32>} : memref<112x144xf32, #tpu.memory_space<vmem>>, vector<16xf32>,
        tpu.vector_store %arg9[%swap3A_415, %swap3A_416], %mul3A_414 {strides = array<i32>} : memref<112x144xf32, #tpu.memory_space<vmem>>, vector<16xf32>,
        %get3A_418 = arith.constant 0 : i32
        %get3A_419 = arith.index_cast %get3A_418 : i32 to index
        %get3A_420 = arith.index_cast %add3A_357 : i32 to index
        %get3A_421 = arith.constant 64 : index
        %get3A_422 = tpu.vector_load %arg8[%get3A_419, %get3A_420, %get3A_421] {strides = array<i32>} : memref<2x112x160xbf16, #tpu.memory_space<vmem>>, vector<32xbf16>,
        %unpack3A_423 = tpu.unpack_subelements %get3A_422, 0 {pack_format = #tpu.pack_format<interleaved>} : vector<32xbf16> -> vector<16xf32>
        %unpack3A_424 = tpu.unpack_subelements %get3A_422, 1 {pack_format = #tpu.pack_format<interleaved>} : vector<32xbf16> -> vector<16xf32>
        %broadcast_in_dim3A_425 = arith.constant 4 : i32
        %broadcast_in_dim3A_426 = vector.broadcast %broadcast_in_dim3A_425 : i32 to vector<16x1xi32>
        %gather3A_427 = vector.shape_cast %broadcast_in_dim3A_426 : vector<16x1xi32> to vector<16xi32>
        %gather3A_428 = tpu.dynamic_gather %exp3A[%gather3A_427] in [0] : vector<16xf32>, vector<16xi32> -> vector<16xf32>
        %broadcast_in_dim3A_429 = arith.constant 5 : i32
        %broadcast_in_dim3A_430 = vector.broadcast %broadcast_in_dim3A_429 : i32 to vector<16x1xi32>
        %gather3A_431 = vector.shape_cast %broadcast_in_dim3A_430 : vector<16x1xi32> to vector<16xi32>
        %gather3A_432 = tpu.dynamic_gather %exp3A[%gather3A_431] in [0] : vector<16xf32>, vector<16xi32> -> vector<16xf32>
        %mul3A_433 = arith.mulf %unpack3A_423, %gather3A_428 : vector<16xf32>
        %swap3A_434 = arith.index_cast %add3A_357 : i32 to index
        %swap3A_435 = arith.constant 64 : index
        %swap3A_436 = tpu.vector_load %arg9[%swap3A_434, %swap3A_435] {strides = array<i32>} : memref<112x144xf32, #tpu.memory_space<vmem>>, vector<16xf32>,
        tpu.vector_store %arg9[%swap3A_434, %swap3A_435], %mul3A_433 {strides = array<i32>} : memref<112x144xf32, #tpu.memory_space<vmem>>, vector<16xf32>,
        %mul3A_437 = arith.mulf %unpack3A_424, %gather3A_432 : vector<16xf32>
        %swap3A_438 = arith.index_cast %add3A_357 : i32 to index
        %swap3A_439 = arith.constant 80 : index
        %swap3A_440 = tpu.vector_load %arg9[%swap3A_438, %swap3A_439] {strides = array<i32>} : memref<112x144xf32, #tpu.memory_space<vmem>>, vector<16xf32>,
        tpu.vector_store %arg9[%swap3A_438, %swap3A_439], %mul3A_437 {strides = array<i32>} : memref<112x144xf32, #tpu.memory_space<vmem>>, vector<16xf32>,
        %get3A_441 = arith.constant 0 : i32
        %get3A_442 = arith.index_cast %get3A_441 : i32 to index
        %get3A_443 = arith.index_cast %add3A_357 : i32 to index
        %get3A_444 = arith.constant 96 : index
        %get3A_445 = tpu.vector_load %arg8[%get3A_442, %get3A_443, %get3A_444] {strides = array<i32>} : memref<2x112x160xbf16, #tpu.memory_space<vmem>>, vector<32xbf16>,
        %unpack3A_446 = tpu.unpack_subelements %get3A_445, 0 {pack_format = #tpu.pack_format<interleaved>} : vector<32xbf16> -> vector<16xf32>
        %unpack3A_447 = tpu.unpack_subelements %get3A_445, 1 {pack_format = #tpu.pack_format<interleaved>} : vector<32xbf16> -> vector<16xf32>
        %broadcast_in_dim3A_448 = arith.constant 6 : i32
        %broadcast_in_dim3A_449 = vector.broadcast %broadcast_in_dim3A_448 : i32 to vector<16x1xi32>
        %gather3A_450 = vector.shape_cast %broadcast_in_dim3A_449 : vector<16x1xi32> to vector<16xi32>
        %gather3A_451 = tpu.dynamic_gather %exp3A[%gather3A_450] in [0] : vector<16xf32>, vector<16xi32> -> vector<16xf32>
        %broadcast_in_dim3A_452 = arith.constant 7 : i32
        %broadcast_in_dim3A_453 = vector.broadcast %broadcast_in_dim3A_452 : i32 to vector<16x1xi32>
        %gather3A_454 = vector.shape_cast %broadcast_in_dim3A_453 : vector<16x1xi32> to vector<16xi32>
        %gather3A_455 = tpu.dynamic_gather %exp3A[%gather3A_454] in [0] : vector<16xf32>, vector<16xi32> -> vector<16xf32>
        %mul3A_456 = arith.mulf %unpack3A_446, %gather3A_451 : vector<16xf32>
        %swap3A_457 = arith.index_cast %add3A_357 : i32 to index
        %swap3A_458 = arith.constant 96 : index
        %swap3A_459 = tpu.vector_load %arg9[%swap3A_457, %swap3A_458] {strides = array<i32>} : memref<112x144xf32, #tpu.memory_space<vmem>>, vector<16xf32>,
        tpu.vector_store %arg9[%swap3A_457, %swap3A_458], %mul3A_456 {strides = array<i32>} : memref<112x144xf32, #tpu.memory_space<vmem>>, vector<16xf32>,
        %mul3A_460 = arith.mulf %unpack3A_447, %gather3A_455 : vector<16xf32>
        %swap3A_461 = arith.index_cast %add3A_357 : i32 to index
        %swap3A_462 = arith.constant 112 : index
        %swap3A_463 = tpu.vector_load %arg9[%swap3A_461, %swap3A_462] {strides = array<i32>} : memref<112x144xf32, #tpu.memory_space<vmem>>, vector<16xf32>,
        tpu.vector_store %arg9[%swap3A_461, %swap3A_462], %mul3A_460 {strides = array<i32>} : memref<112x144xf32, #tpu.memory_space<vmem>>, vector<16xf32>,
      }
      %scan3A_282 = arith.constant 112 : i32
      %dma_start3A_283 = arith.constant 2 : i32
      %dma_start3A_284 = arith.constant 1 : i32
      %dma_start3A_285 = arith.constant 0 : i32
      %dma_start3A_286 = tpu.memref_slice %arg6[%dma_start3A_283, %dma_start3A_284, %dma_start3A_285] : memref<4x2x112xi32, #tpu.memory_space<vmem>> -> memref<1x1x112xi32, #tpu.memory_space<vmem>>
      %dma_start3A_287 = tpu.memref_squeeze %dma_start3A_286 : memref<1x1x112xi32, #tpu.memory_space<vmem>> -> memref<112xi32, #tpu.memory_space<vmem>>
      %dma_start3A_288 = arith.constant 0 : i32
      %dma_start3A_289 = arith.constant 0 : i32
      %dma_start3A_290 = tpu.memref_slice %arg10[%dma_start3A_288, %dma_start3A_289] : memref<10240x144xf32, #tpu.memory_space<vmem_shared>> -> memref<10240x144xf32, #tpu.memory_space<vmem_shared>>
      tpu.enqueue_indirect_dma source(%arg9 : memref<112x144xf32, #tpu.memory_space<vmem>>) target(%dma_start3A_290 : memref<10240x144xf32, #tpu.memory_space<vmem_shared>>) offsets(%dma_start3A_287 : memref<112xi32, #tpu.memory_space<vmem>>) semaphore(%arg17 : memref<!tpu.dma_semaphore, #tpu.memory_space<semaphore_mem>>) {add = true}
      %mul3A_291 = arith.constant 4 : i32
      %mul3A_292 = arith.muli %mul3A_291, %add3A_108 : i32
      %add3A_293 = arith.constant 3 : i32
      %add3A_294 = arith.addi %mul3A_292, %add3A_293 : i32
      %add3A_295 = arith.constant 1 : i32
      %add3A_296 = arith.addi %add3A_294, %add3A_295 : i32
      %lt3A_297 = arith.constant 92 : i32
      %lt3A_298 = arith.cmpi slt, %add3A_296, %lt3A_297 : i32
      %convert_element_type3A_299 = arith.extui %lt3A_298 : i1 to i32
      %cond3A_300 = arith.constant 0 : i32
      %cond3A_301 = arith.cmpi ne, %convert_element_type3A_299, %cond3A_300 : i32
      scf.if %cond3A_301 {
        %dma_wait3A_353 = arith.constant 0 : i32
        %dma_wait3A_354 = arith.constant 0 : i32
        %dma_wait3A_355 = arith.constant 0 : i32
        %dma_wait3A_356 = tpu.memref_slice %arg6[%dma_wait3A_353, %dma_wait3A_354, %dma_wait3A_355] : memref<4x2x112xi32, #tpu.memory_space<vmem>> -> memref<1x2x112xi32, #tpu.memory_space<vmem>>
        %dma_wait3A_357 = tpu.memref_squeeze %dma_wait3A_356 : memref<1x2x112xi32, #tpu.memory_space<vmem>> -> memref<2x112xi32, #tpu.memory_space<vmem>>
        %dma_wait3A_358 = arith.constant 0 : i32
        %dma_wait3A_359 = arith.constant 0 : i32
        %dma_wait3A_360 = tpu.memref_slice %arg4[%dma_wait3A_358, %dma_wait3A_359] : memref<2x329728xi32, #tpu.memory_space<hbm>> -> memref<2x112xi32, #tpu.memory_space<hbm>>
        %dma_wait3A_361 = arith.constant 0 : i32
        %dma_wait3A_362 = arith.constant 0 : i32
        %dma_wait3A_363 = tpu.memref_slice %arg6[%dma_wait3A_353, %dma_wait3A_361, %dma_wait3A_362] : memref<4x2x112xi32, #tpu.memory_space<vmem>> -> memref<1x2x112xi32, #tpu.memory_space<vmem>>
        %dma_wait3A_364 = tpu.memref_squeeze %dma_wait3A_363 : memref<1x2x112xi32, #tpu.memory_space<vmem>> -> memref<2x112xi32, #tpu.memory_space<vmem>>
        %dma_wait3A_365 = arith.constant 0 : i32
        %dma_wait3A_366 = arith.constant 0 : i32
        %dma_wait3A_367 = tpu.memref_slice %arg4[%dma_wait3A_365, %dma_wait3A_366] : memref<2x329728xi32, #tpu.memory_space<hbm>> -> memref<2x112xi32, #tpu.memory_space<hbm>>
        tpu.wait_dma2 semaphore(%arg11 : memref<!tpu.dma_semaphore, #tpu.memory_space<semaphore_mem>>) src(%dma_wait3A_367 : memref<2x112xi32, #tpu.memory_space<hbm>>) dst(%dma_wait3A_364 : memref<2x112xi32, #tpu.memory_space<vmem>>)
        %dma_start3A_368 = arith.constant 0 : i32
        %dma_start3A_369 = arith.constant 1 : i32
        %dma_start3A_370 = arith.constant 0 : i32
        %dma_start3A_371 = arith.constant 0 : i32
        %dma_start3A_372 = arith.constant 0 : i32
        %dma_start3A_373 = tpu.memref_slice %arg7[%dma_start3A_370, %dma_start3A_371, %dma_start3A_372] : memref<2x112x16xf32, #tpu.memory_space<vmem>> -> memref<1x112x16xf32, #tpu.memory_space<vmem>>
        %dma_start3A_374 = tpu.memref_squeeze %dma_start3A_373 : memref<1x112x16xf32, #tpu.memory_space<vmem>> -> memref<112x16xf32, #tpu.memory_space<vmem>>
        %dma_start3A_375 = arith.constant 0 : i32
        %dma_start3A_376 = tpu.memref_slice %arg6[%dma_start3A_368, %dma_start3A_369, %dma_start3A_375] : memref<4x2x112xi32, #tpu.memory_space<vmem>> -> memref<1x1x112xi32, #tpu.memory_space<vmem>>
        %dma_start3A_377 = tpu.memref_squeeze %dma_start3A_376 : memref<1x1x112xi32, #tpu.memory_space<vmem>> -> memref<112xi32, #tpu.memory_space<vmem>>
        %dma_start3A_378 = arith.constant 0 : i32
        %dma_start3A_379 = arith.constant 0 : i32
        %dma_start3A_380 = tpu.memref_slice %arg3[%dma_start3A_378, %dma_start3A_379] : memref<10240x16xf32, #tpu.memory_space<hbm>> -> memref<10240x16xf32, #tpu.memory_space<hbm>>
        tpu.enqueue_indirect_dma source(%dma_start3A_380 : memref<10240x16xf32, #tpu.memory_space<hbm>>) target(%dma_start3A_374 : memref<112x16xf32, #tpu.memory_space<vmem>>) offsets(%dma_start3A_377 : memref<112xi32, #tpu.memory_space<vmem>>) semaphore(%arg15 : memref<!tpu.dma_semaphore, #tpu.memory_space<semaphore_mem>>)
        %dma_start3A_381 = arith.constant 0 : i32
        %dma_start3A_382 = arith.constant 0 : i32
        %dma_start3A_383 = arith.constant 0 : i32
        %dma_start3A_384 = arith.constant 0 : i32
        %dma_start3A_385 = arith.constant 0 : i32
        %dma_start3A_386 = tpu.memref_slice %arg8[%dma_start3A_383, %dma_start3A_384, %dma_start3A_385] : memref<2x112x160xbf16, #tpu.memory_space<vmem>> -> memref<1x112x160xbf16, #tpu.memory_space<vmem>>
        %dma_start3A_387 = tpu.memref_squeeze %dma_start3A_386 : memref<1x112x160xbf16, #tpu.memory_space<vmem>> -> memref<112x160xbf16, #tpu.memory_space<vmem>>
        %dma_start3A_388 = arith.constant 0 : i32
        %dma_start3A_389 = tpu.memref_slice %arg6[%dma_start3A_381, %dma_start3A_382, %dma_start3A_388] : memref<4x2x112xi32, #tpu.memory_space<vmem>> -> memref<1x1x112xi32, #tpu.memory_space<vmem>>
        %dma_start3A_390 = tpu.memref_squeeze %dma_start3A_389 : memref<1x1x112xi32, #tpu.memory_space<vmem>> -> memref<112xi32, #tpu.memory_space<vmem>>
        %dma_start3A_391 = arith.constant 0 : i32
        %dma_start3A_392 = arith.constant 0 : i32
        %dma_start3A_393 = tpu.memref_slice %arg2[%dma_start3A_391, %dma_start3A_392] : memref<10000x160xbf16, #tpu.memory_space<hbm>> -> memref<10000x160xbf16, #tpu.memory_space<hbm>>
        tpu.enqueue_indirect_dma source(%dma_start3A_393 : memref<10000x160xbf16, #tpu.memory_space<hbm>>) target(%dma_start3A_387 : memref<112x160xbf16, #tpu.memory_space<vmem>>) offsets(%dma_start3A_390 : memref<112xi32, #tpu.memory_space<vmem>>) semaphore(%arg15 : memref<!tpu.dma_semaphore, #tpu.memory_space<semaphore_mem>>)
      } else {
      }
      %add3A_302 = arith.constant 2 : i32
      %add3A_303 = arith.addi %add3A_294, %add3A_302 : i32
      %lt3A_304 = arith.constant 92 : i32
      %lt3A_305 = arith.cmpi slt, %add3A_303, %lt3A_304 : i32
      %convert_element_type3A_306 = arith.extui %lt3A_305 : i1 to i32
      %cond3A_307 = arith.constant 0 : i32
      %cond3A_308 = arith.cmpi ne, %convert_element_type3A_306, %cond3A_307 : i32
      scf.if %cond3A_308 {
        %add3A_353 = arith.constant 2 : i32
        %add3A_354 = arith.addi %add3A_294, %add3A_353 : i32
        %mul3A_355 = arith.constant 112 : i32
        %mul3A_356 = arith.muli %add3A_354, %mul3A_355 : i32
        %add3A_357 = arith.addi %mul3A_4, %mul3A_356 : i32
        %dma_start3A_358 = arith.constant 1 : i32
        %dma_start3A_359 = arith.constant 0 : i32
        %dma_start3A_360 = arith.constant 0 : i32
        %dma_start3A_361 = tpu.memref_slice %arg6[%dma_start3A_358, %dma_start3A_359, %dma_start3A_360] : memref<4x2x112xi32, #tpu.memory_space<vmem>> -> memref<1x2x112xi32, #tpu.memory_space<vmem>>
        %dma_start3A_362 = tpu.memref_squeeze %dma_start3A_361 : memref<1x2x112xi32, #tpu.memory_space<vmem>> -> memref<2x112xi32, #tpu.memory_space<vmem>>
        %dma_start3A_363 = arith.constant 0 : i32
        %dma_start3A_364 = tpu.memref_slice %arg4[%dma_start3A_363, %add3A_357] : memref<2x329728xi32, #tpu.memory_space<hbm>> -> memref<2x112xi32, #tpu.memory_space<hbm>>
        %dma_start3A_365 = arith.constant 0 : i32
        %dma_start3A_366 = arith.constant 0 : i32
        %dma_start3A_367 = tpu.memref_slice %arg6[%dma_start3A_358, %dma_start3A_365, %dma_start3A_366] : memref<4x2x112xi32, #tpu.memory_space<vmem>> -> memref<1x2x112xi32, #tpu.memory_space<vmem>>
        %dma_start3A_368 = tpu.memref_squeeze %dma_start3A_367 : memref<1x2x112xi32, #tpu.memory_space<vmem>> -> memref<2x112xi32, #tpu.memory_space<vmem>>
        %dma_start3A_369 = arith.constant 0 : i32
        %dma_start3A_370 = tpu.memref_slice %arg4[%dma_start3A_369, %add3A_357] : memref<2x329728xi32, #tpu.memory_space<hbm>> -> memref<2x112xi32, #tpu.memory_space<hbm>>
        tpu.enqueue_dma source(%dma_start3A_370 : memref<2x112xi32, #tpu.memory_space<hbm>>) target(%dma_start3A_368 : memref<2x112xi32, #tpu.memory_space<vmem>>) target_semaphore(%arg12 : memref<!tpu.dma_semaphore, #tpu.memory_space<semaphore_mem>>)
      } else {
      }
      %dma_wait3A_309 = arith.constant 3 : i32
      %dma_wait3A_310 = arith.constant 1 : i32
      %dma_wait3A_311 = arith.constant 1 : i32
      %dma_wait3A_312 = arith.constant 0 : i32
      %dma_wait3A_313 = arith.constant 0 : i32
      %dma_wait3A_314 = tpu.memref_slice %arg7[%dma_wait3A_311, %dma_wait3A_312, %dma_wait3A_313] : memref<2x112x16xf32, #tpu.memory_space<vmem>> -> memref<1x112x16xf32, #tpu.memory_space<vmem>>
      %dma_wait3A_315 = tpu.memref_squeeze %dma_wait3A_314 : memref<1x112x16xf32, #tpu.memory_space<vmem>> -> memref<112x16xf32, #tpu.memory_space<vmem>>
      %dma_wait3A_316 = arith.constant 0 : i32
      %dma_wait3A_317 = tpu.memref_slice %arg6[%dma_wait3A_309, %dma_wait3A_310, %dma_wait3A_316] : memref<4x2x112xi32, #tpu.memory_space<vmem>> -> memref<1x1x112xi32, #tpu.memory_space<vmem>>
      %dma_wait3A_318 = tpu.memref_squeeze %dma_wait3A_317 : memref<1x1x112xi32, #tpu.memory_space<vmem>> -> memref<112xi32, #tpu.memory_space<vmem>>
      %dma_wait3A_319 = arith.constant 0 : i32
      %dma_wait3A_320 = arith.constant 0 : i32
      %dma_wait3A_321 = tpu.memref_slice %arg3[%dma_wait3A_319, %dma_wait3A_320] : memref<10240x16xf32, #tpu.memory_space<hbm>> -> memref<10240x16xf32, #tpu.memory_space<hbm>>
      tpu.wait_indirect_dma semaphore(%arg16 : memref<!tpu.dma_semaphore, #tpu.memory_space<semaphore_mem>>) src(%dma_wait3A_321 : memref<10240x16xf32, #tpu.memory_space<hbm>>) dst(%dma_wait3A_315 : memref<112x16xf32, #tpu.memory_space<vmem>>)
      %dma_wait3A_322 = arith.constant 3 : i32
      %dma_wait3A_323 = arith.constant 0 : i32
      %dma_wait3A_324 = arith.constant 1 : i32
      %dma_wait3A_325 = arith.constant 0 : i32
      %dma_wait3A_326 = arith.constant 0 : i32
      %dma_wait3A_327 = tpu.memref_slice %arg8[%dma_wait3A_324, %dma_wait3A_325, %dma_wait3A_326] : memref<2x112x160xbf16, #tpu.memory_space<vmem>> -> memref<1x112x160xbf16, #tpu.memory_space<vmem>>
      %dma_wait3A_328 = tpu.memref_squeeze %dma_wait3A_327 : memref<1x112x160xbf16, #tpu.memory_space<vmem>> -> memref<112x160xbf16, #tpu.memory_space<vmem>>
      %dma_wait3A_329 = arith.constant 0 : i32
      %dma_wait3A_330 = tpu.memref_slice %arg6[%dma_wait3A_322, %dma_wait3A_323, %dma_wait3A_329] : memref<4x2x112xi32, #tpu.memory_space<vmem>> -> memref<1x1x112xi32, #tpu.memory_space<vmem>>
      %dma_wait3A_331 = tpu.memref_squeeze %dma_wait3A_330 : memref<1x1x112xi32, #tpu.memory_space<vmem>> -> memref<112xi32, #tpu.memory_space<vmem>>
      %dma_wait3A_332 = arith.constant 0 : i32
      %dma_wait3A_333 = arith.constant 0 : i32
      %dma_wait3A_334 = tpu.memref_slice %arg2[%dma_wait3A_332, %dma_wait3A_333] : memref<10000x160xbf16, #tpu.memory_space<hbm>> -> memref<10000x160xbf16, #tpu.memory_space<hbm>>
      tpu.wait_indirect_dma semaphore(%arg16 : memref<!tpu.dma_semaphore, #tpu.memory_space<semaphore_mem>>) src(%dma_wait3A_334 : memref<10000x160xbf16, #tpu.memory_space<hbm>>) dst(%dma_wait3A_328 : memref<112x160xbf16, #tpu.memory_space<vmem>>)
      %ge3A_335 = arith.constant 1 : i32
      %ge3A_336 = arith.cmpi sge, %add3A_294, %ge3A_335 : i32
      %convert_element_type3A_337 = arith.extui %ge3A_336 : i1 to i32
      %cond3A_338 = arith.constant 0 : i32
      %cond3A_339 = arith.cmpi ne, %convert_element_type3A_337, %cond3A_338 : i32
      scf.if %cond3A_339 {
        %dma_wait3A_353 = arith.constant 2 : i32
        %dma_wait3A_354 = arith.constant 1 : i32
        %dma_wait3A_355 = arith.constant 0 : i32
        %dma_wait3A_356 = tpu.memref_slice %arg6[%dma_wait3A_353, %dma_wait3A_354, %dma_wait3A_355] : memref<4x2x112xi32, #tpu.memory_space<vmem>> -> memref<1x1x112xi32, #tpu.memory_space<vmem>>
        %dma_wait3A_357 = tpu.memref_squeeze %dma_wait3A_356 : memref<1x1x112xi32, #tpu.memory_space<vmem>> -> memref<112xi32, #tpu.memory_space<vmem>>
        %dma_wait3A_358 = arith.constant 0 : i32
        %dma_wait3A_359 = arith.constant 0 : i32
        %dma_wait3A_360 = tpu.memref_slice %arg10[%dma_wait3A_358, %dma_wait3A_359] : memref<10240x144xf32, #tpu.memory_space<vmem_shared>> -> memref<10240x144xf32, #tpu.memory_space<vmem_shared>>
        tpu.wait_indirect_dma semaphore(%arg17 : memref<!tpu.dma_semaphore, #tpu.memory_space<semaphore_mem>>) src(%arg9 : memref<112x144xf32, #tpu.memory_space<vmem>>) dst(%dma_wait3A_360 : memref<10240x144xf32, #tpu.memory_space<vmem_shared>>)
      } else {
      }
      %scan3A_340 = arith.constant 0 : i32
      %scan3A_341 = arith.constant 112 : i32
      %scan3A_342 = arith.addi %scan3A_340, %scan3A_341 : i32
      %scan3A_343 = arith.constant 1 : i32
      scf.for %scan3A_353 = %scan3A_340 to %scan3A_342 step %scan3A_343  : i32 {
        %mul3A_354 = arith.constant 1 : i32
        %mul3A_355 = arith.muli %scan3A_353, %mul3A_354 : i32
        %add3A_356 = arith.constant 0 : i32
        %add3A_357 = arith.addi %add3A_356, %mul3A_355 : i32
        %get3A = arith.constant 1 : i32
        %get3A_358 = arith.index_cast %get3A : i32 to index
        %get3A_359 = arith.index_cast %add3A_357 : i32 to index
        %get3A_360 = arith.constant 128 : index
        %get3A_361 = tpu.vector_load %arg8[%get3A_358, %get3A_359, %get3A_360] {strides = array<i32>} : memref<2x112x160xbf16, #tpu.memory_space<vmem>>, vector<32xbf16>,
        %unpack3A = tpu.unpack_subelements %get3A_361, 0 {pack_format = #tpu.pack_format<interleaved>} : vector<32xbf16> -> vector<16xf32>
        %unpack3A_362 = tpu.unpack_subelements %get3A_361, 1 {pack_format = #tpu.pack_format<interleaved>} : vector<32xbf16> -> vector<16xf32>
        %get3A_363 = arith.constant 1 : i32
        %get3A_364 = arith.index_cast %get3A_363 : i32 to index
        %get3A_365 = arith.index_cast %add3A_357 : i32 to index
        %get3A_366 = arith.constant 0 : index
        %get3A_367 = tpu.vector_load %arg7[%get3A_364, %get3A_365, %get3A_366] {strides = array<i32>} : memref<2x112x16xf32, #tpu.memory_space<vmem>>, vector<16xf32>,
        %add3A_368 = arith.addf %unpack3A, %get3A_367 : vector<16xf32>
        %mul3A_369 = arith.constant 2.000000e-01 : f32
        %mul3A_370 = vector.broadcast %mul3A_369 : f32 to vector<16xf32>
        %mul3A_371 = arith.mulf %mul3A_370, %add3A_368 : vector<16xf32>
        %max3A = arith.maximumf %add3A_368, %mul3A_371 : vector<16xf32>
        %exp3A = math.exp %max3A : vector<16xf32>
        %swap3A = arith.index_cast %add3A_357 : i32 to index
        %swap3A_372 = arith.constant 128 : index
        %swap3A_373 = tpu.vector_load %arg9[%swap3A, %swap3A_372] {strides = array<i32>} : memref<112x144xf32, #tpu.memory_space<vmem>>, vector<16xf32>,
        tpu.vector_store %arg9[%swap3A, %swap3A_372], %exp3A {strides = array<i32>} : memref<112x144xf32, #tpu.memory_space<vmem>>, vector<16xf32>,
        %get3A_374 = arith.constant 1 : i32
        %get3A_375 = arith.index_cast %get3A_374 : i32 to index
        %get3A_376 = arith.index_cast %add3A_357 : i32 to index
        %get3A_377 = arith.constant 0 : index
        %get3A_378 = tpu.vector_load %arg8[%get3A_375, %get3A_376, %get3A_377] {strides = array<i32>} : memref<2x112x160xbf16, #tpu.memory_space<vmem>>, vector<32xbf16>,
        %unpack3A_379 = tpu.unpack_subelements %get3A_378, 0 {pack_format = #tpu.pack_format<interleaved>} : vector<32xbf16> -> vector<16xf32>
        %unpack3A_380 = tpu.unpack_subelements %get3A_378, 1 {pack_format = #tpu.pack_format<interleaved>} : vector<32xbf16> -> vector<16xf32>
        %broadcast_in_dim3A = arith.constant 0 : i32
        %broadcast_in_dim3A_381 = vector.broadcast %broadcast_in_dim3A : i32 to vector<16x1xi32>
        %gather3A = vector.shape_cast %broadcast_in_dim3A_381 : vector<16x1xi32> to vector<16xi32>
        %gather3A_382 = tpu.dynamic_gather %exp3A[%gather3A] in [0] : vector<16xf32>, vector<16xi32> -> vector<16xf32>
        %broadcast_in_dim3A_383 = arith.constant 1 : i32
        %broadcast_in_dim3A_384 = vector.broadcast %broadcast_in_dim3A_383 : i32 to vector<16x1xi32>
        %gather3A_385 = vector.shape_cast %broadcast_in_dim3A_384 : vector<16x1xi32> to vector<16xi32>
        %gather3A_386 = tpu.dynamic_gather %exp3A[%gather3A_385] in [0] : vector<16xf32>, vector<16xi32> -> vector<16xf32>
        %mul3A_387 = arith.mulf %unpack3A_379, %gather3A_382 : vector<16xf32>
        %swap3A_388 = arith.index_cast %add3A_357 : i32 to index
        %swap3A_389 = arith.constant 0 : index
        %swap3A_390 = tpu.vector_load %arg9[%swap3A_388, %swap3A_389] {strides = array<i32>} : memref<112x144xf32, #tpu.memory_space<vmem>>, vector<16xf32>,
        tpu.vector_store %arg9[%swap3A_388, %swap3A_389], %mul3A_387 {strides = array<i32>} : memref<112x144xf32, #tpu.memory_space<vmem>>, vector<16xf32>,
        %mul3A_391 = arith.mulf %unpack3A_380, %gather3A_386 : vector<16xf32>
        %swap3A_392 = arith.index_cast %add3A_357 : i32 to index
        %swap3A_393 = arith.constant 16 : index
        %swap3A_394 = tpu.vector_load %arg9[%swap3A_392, %swap3A_393] {strides = array<i32>} : memref<112x144xf32, #tpu.memory_space<vmem>>, vector<16xf32>,
        tpu.vector_store %arg9[%swap3A_392, %swap3A_393], %mul3A_391 {strides = array<i32>} : memref<112x144xf32, #tpu.memory_space<vmem>>, vector<16xf32>,
        %get3A_395 = arith.constant 1 : i32
        %get3A_396 = arith.index_cast %get3A_395 : i32 to index
        %get3A_397 = arith.index_cast %add3A_357 : i32 to index
        %get3A_398 = arith.constant 32 : index
        %get3A_399 = tpu.vector_load %arg8[%get3A_396, %get3A_397, %get3A_398] {strides = array<i32>} : memref<2x112x160xbf16, #tpu.memory_space<vmem>>, vector<32xbf16>,
        %unpack3A_400 = tpu.unpack_subelements %get3A_399, 0 {pack_format = #tpu.pack_format<interleaved>} : vector<32xbf16> -> vector<16xf32>
        %unpack3A_401 = tpu.unpack_subelements %get3A_399, 1 {pack_format = #tpu.pack_format<interleaved>} : vector<32xbf16> -> vector<16xf32>
        %broadcast_in_dim3A_402 = arith.constant 2 : i32
        %broadcast_in_dim3A_403 = vector.broadcast %broadcast_in_dim3A_402 : i32 to vector<16x1xi32>
        %gather3A_404 = vector.shape_cast %broadcast_in_dim3A_403 : vector<16x1xi32> to vector<16xi32>
        %gather3A_405 = tpu.dynamic_gather %exp3A[%gather3A_404] in [0] : vector<16xf32>, vector<16xi32> -> vector<16xf32>
        %broadcast_in_dim3A_406 = arith.constant 3 : i32
        %broadcast_in_dim3A_407 = vector.broadcast %broadcast_in_dim3A_406 : i32 to vector<16x1xi32>
        %gather3A_408 = vector.shape_cast %broadcast_in_dim3A_407 : vector<16x1xi32> to vector<16xi32>
        %gather3A_409 = tpu.dynamic_gather %exp3A[%gather3A_408] in [0] : vector<16xf32>, vector<16xi32> -> vector<16xf32>
        %mul3A_410 = arith.mulf %unpack3A_400, %gather3A_405 : vector<16xf32>
        %swap3A_411 = arith.index_cast %add3A_357 : i32 to index
        %swap3A_412 = arith.constant 32 : index
        %swap3A_413 = tpu.vector_load %arg9[%swap3A_411, %swap3A_412] {strides = array<i32>} : memref<112x144xf32, #tpu.memory_space<vmem>>, vector<16xf32>,
        tpu.vector_store %arg9[%swap3A_411, %swap3A_412], %mul3A_410 {strides = array<i32>} : memref<112x144xf32, #tpu.memory_space<vmem>>, vector<16xf32>,
        %mul3A_414 = arith.mulf %unpack3A_401, %gather3A_409 : vector<16xf32>
        %swap3A_415 = arith.index_cast %add3A_357 : i32 to index
        %swap3A_416 = arith.constant 48 : index
        %swap3A_417 = tpu.vector_load %arg9[%swap3A_415, %swap3A_416] {strides = array<i32>} : memref<112x144xf32, #tpu.memory_space<vmem>>, vector<16xf32>,
        tpu.vector_store %arg9[%swap3A_415, %swap3A_416], %mul3A_414 {strides = array<i32>} : memref<112x144xf32, #tpu.memory_space<vmem>>, vector<16xf32>,
        %get3A_418 = arith.constant 1 : i32
        %get3A_419 = arith.index_cast %get3A_418 : i32 to index
        %get3A_420 = arith.index_cast %add3A_357 : i32 to index
        %get3A_421 = arith.constant 64 : index
        %get3A_422 = tpu.vector_load %arg8[%get3A_419, %get3A_420, %get3A_421] {strides = array<i32>} : memref<2x112x160xbf16, #tpu.memory_space<vmem>>, vector<32xbf16>,
        %unpack3A_423 = tpu.unpack_subelements %get3A_422, 0 {pack_format = #tpu.pack_format<interleaved>} : vector<32xbf16> -> vector<16xf32>
        %unpack3A_424 = tpu.unpack_subelements %get3A_422, 1 {pack_format = #tpu.pack_format<interleaved>} : vector<32xbf16> -> vector<16xf32>
        %broadcast_in_dim3A_425 = arith.constant 4 : i32
        %broadcast_in_dim3A_426 = vector.broadcast %broadcast_in_dim3A_425 : i32 to vector<16x1xi32>
        %gather3A_427 = vector.shape_cast %broadcast_in_dim3A_426 : vector<16x1xi32> to vector<16xi32>
        %gather3A_428 = tpu.dynamic_gather %exp3A[%gather3A_427] in [0] : vector<16xf32>, vector<16xi32> -> vector<16xf32>
        %broadcast_in_dim3A_429 = arith.constant 5 : i32
        %broadcast_in_dim3A_430 = vector.broadcast %broadcast_in_dim3A_429 : i32 to vector<16x1xi32>
        %gather3A_431 = vector.shape_cast %broadcast_in_dim3A_430 : vector<16x1xi32> to vector<16xi32>
        %gather3A_432 = tpu.dynamic_gather %exp3A[%gather3A_431] in [0] : vector<16xf32>, vector<16xi32> -> vector<16xf32>
        %mul3A_433 = arith.mulf %unpack3A_423, %gather3A_428 : vector<16xf32>
        %swap3A_434 = arith.index_cast %add3A_357 : i32 to index
        %swap3A_435 = arith.constant 64 : index
        %swap3A_436 = tpu.vector_load %arg9[%swap3A_434, %swap3A_435] {strides = array<i32>} : memref<112x144xf32, #tpu.memory_space<vmem>>, vector<16xf32>,
        tpu.vector_store %arg9[%swap3A_434, %swap3A_435], %mul3A_433 {strides = array<i32>} : memref<112x144xf32, #tpu.memory_space<vmem>>, vector<16xf32>,
        %mul3A_437 = arith.mulf %unpack3A_424, %gather3A_432 : vector<16xf32>
        %swap3A_438 = arith.index_cast %add3A_357 : i32 to index
        %swap3A_439 = arith.constant 80 : index
        %swap3A_440 = tpu.vector_load %arg9[%swap3A_438, %swap3A_439] {strides = array<i32>} : memref<112x144xf32, #tpu.memory_space<vmem>>, vector<16xf32>,
        tpu.vector_store %arg9[%swap3A_438, %swap3A_439], %mul3A_437 {strides = array<i32>} : memref<112x144xf32, #tpu.memory_space<vmem>>, vector<16xf32>,
        %get3A_441 = arith.constant 1 : i32
        %get3A_442 = arith.index_cast %get3A_441 : i32 to index
        %get3A_443 = arith.index_cast %add3A_357 : i32 to index
        %get3A_444 = arith.constant 96 : index
        %get3A_445 = tpu.vector_load %arg8[%get3A_442, %get3A_443, %get3A_444] {strides = array<i32>} : memref<2x112x160xbf16, #tpu.memory_space<vmem>>, vector<32xbf16>,
        %unpack3A_446 = tpu.unpack_subelements %get3A_445, 0 {pack_format = #tpu.pack_format<interleaved>} : vector<32xbf16> -> vector<16xf32>
        %unpack3A_447 = tpu.unpack_subelements %get3A_445, 1 {pack_format = #tpu.pack_format<interleaved>} : vector<32xbf16> -> vector<16xf32>
        %broadcast_in_dim3A_448 = arith.constant 6 : i32
        %broadcast_in_dim3A_449 = vector.broadcast %broadcast_in_dim3A_448 : i32 to vector<16x1xi32>
        %gather3A_450 = vector.shape_cast %broadcast_in_dim3A_449 : vector<16x1xi32> to vector<16xi32>
        %gather3A_451 = tpu.dynamic_gather %exp3A[%gather3A_450] in [0] : vector<16xf32>, vector<16xi32> -> vector<16xf32>
        %broadcast_in_dim3A_452 = arith.constant 7 : i32
        %broadcast_in_dim3A_453 = vector.broadcast %broadcast_in_dim3A_452 : i32 to vector<16x1xi32>
        %gather3A_454 = vector.shape_cast %broadcast_in_dim3A_453 : vector<16x1xi32> to vector<16xi32>
        %gather3A_455 = tpu.dynamic_gather %exp3A[%gather3A_454] in [0] : vector<16xf32>, vector<16xi32> -> vector<16xf32>
        %mul3A_456 = arith.mulf %unpack3A_446, %gather3A_451 : vector<16xf32>
        %swap3A_457 = arith.index_cast %add3A_357 : i32 to index
        %swap3A_458 = arith.constant 96 : index
        %swap3A_459 = tpu.vector_load %arg9[%swap3A_457, %swap3A_458] {strides = array<i32>} : memref<112x144xf32, #tpu.memory_space<vmem>>, vector<16xf32>,
        tpu.vector_store %arg9[%swap3A_457, %swap3A_458], %mul3A_456 {strides = array<i32>} : memref<112x144xf32, #tpu.memory_space<vmem>>, vector<16xf32>,
        %mul3A_460 = arith.mulf %unpack3A_447, %gather3A_455 : vector<16xf32>
        %swap3A_461 = arith.index_cast %add3A_357 : i32 to index
        %swap3A_462 = arith.constant 112 : index
        %swap3A_463 = tpu.vector_load %arg9[%swap3A_461, %swap3A_462] {strides = array<i32>} : memref<112x144xf32, #tpu.memory_space<vmem>>, vector<16xf32>,
        tpu.vector_store %arg9[%swap3A_461, %swap3A_462], %mul3A_460 {strides = array<i32>} : memref<112x144xf32, #tpu.memory_space<vmem>>, vector<16xf32>,
      }
      %scan3A_344 = arith.constant 112 : i32
      %dma_start3A_345 = arith.constant 3 : i32
      %dma_start3A_346 = arith.constant 1 : i32
      %dma_start3A_347 = arith.constant 0 : i32
      %dma_start3A_348 = tpu.memref_slice %arg6[%dma_start3A_345, %dma_start3A_346, %dma_start3A_347] : memref<4x2x112xi32, #tpu.memory_space<vmem>> -> memref<1x1x112xi32, #tpu.memory_space<vmem>>
      %dma_start3A_349 = tpu.memref_squeeze %dma_start3A_348 : memref<1x1x112xi32, #tpu.memory_space<vmem>> -> memref<112xi32, #tpu.memory_space<vmem>>
      %dma_start3A_350 = arith.constant 0 : i32
      %dma_start3A_351 = arith.constant 0 : i32
      %dma_start3A_352 = tpu.memref_slice %arg10[%dma_start3A_350, %dma_start3A_351] : memref<10240x144xf32, #tpu.memory_space<vmem_shared>> -> memref<10240x144xf32, #tpu.memory_space<vmem_shared>>
      tpu.enqueue_indirect_dma source(%arg9 : memref<112x144xf32, #tpu.memory_space<vmem>>) target(%dma_start3A_352 : memref<10240x144xf32, #tpu.memory_space<vmem_shared>>) offsets(%dma_start3A_349 : memref<112xi32, #tpu.memory_space<vmem>>) semaphore(%arg17 : memref<!tpu.dma_semaphore, #tpu.memory_space<semaphore_mem>>) {add = true}
    }
    %scan3A_94 = arith.constant 23 : i32
    %dma_wait3A_95 = arith.constant 3 : i32
    %dma_wait3A_96 = arith.constant 1 : i32
    %dma_wait3A_97 = arith.constant 0 : i32
    %dma_wait3A_98 = tpu.memref_slice %arg6[%dma_wait3A_95, %dma_wait3A_96, %dma_wait3A_97] : memref<4x2x112xi32, #tpu.memory_space<vmem>> -> memref<1x1x112xi32, #tpu.memory_space<vmem>>
    %dma_wait3A_99 = tpu.memref_squeeze %dma_wait3A_98 : memref<1x1x112xi32, #tpu.memory_space<vmem>> -> memref<112xi32, #tpu.memory_space<vmem>>
    %dma_wait3A_100 = arith.constant 0 : i32
    %dma_wait3A_101 = arith.constant 0 : i32
    %dma_wait3A_102 = tpu.memref_slice %arg10[%dma_wait3A_100, %dma_wait3A_101] : memref<10240x144xf32, #tpu.memory_space<vmem_shared>> -> memref<10240x144xf32, #tpu.memory_space<vmem_shared>>
    tpu.wait_indirect_dma semaphore(%arg17 : memref<!tpu.dma_semaphore, #tpu.memory_space<semaphore_mem>>) src(%arg9 : memref<112x144xf32, #tpu.memory_space<vmem>>) dst(%dma_wait3A_102 : memref<10240x144xf32, #tpu.memory_space<vmem_shared>>)
    %barrier3A_103 = arith.constant 0 : index
    tpu.barrier barrier_id(%barrier3A_103)
    "tpu.region"() ({
      %run_scoped3A = tpu.sem_alloc : memref<!tpu.dma_semaphore, #tpu.memory_space<semaphore_mem>>
      %dma_start3A_104 = arith.constant 0 : i32
      %dma_start3A_105 = tpu.memref_slice %arg5[%arg0, %mul3A_2, %dma_start3A_104] : memref<2x10240x144xf32, #tpu.memory_space<hbm>> -> memref<1x640x144xf32, #tpu.memory_space<hbm>>
      %dma_start3A_106 = tpu.memref_squeeze %dma_start3A_105 : memref<1x640x144xf32, #tpu.memory_space<hbm>> -> memref<640x144xf32, #tpu.memory_space<hbm>>
      %dma_start3A_107 = arith.constant 0 : i32
      %dma_start3A_108 = tpu.memref_slice %arg10[%mul3A_2, %dma_start3A_107] : memref<10240x144xf32, #tpu.memory_space<vmem_shared>> -> memref<640x144xf32, #tpu.memory_space<vmem_shared>>
      tpu.enqueue_dma source(%dma_start3A_108 : memref<640x144xf32, #tpu.memory_space<vmem_shared>>) target(%dma_start3A_106 : memref<640x144xf32, #tpu.memory_space<hbm>>) target_semaphore(%run_scoped3A : memref<!tpu.dma_semaphore, #tpu.memory_space<semaphore_mem>>)
      %dma_wait3A_109 = arith.constant 0 : i32
      %dma_wait3A_110 = tpu.memref_slice %arg5[%arg0, %mul3A_2, %dma_wait3A_109] : memref<2x10240x144xf32, #tpu.memory_space<hbm>> -> memref<1x640x144xf32, #tpu.memory_space<hbm>>
      %dma_wait3A_111 = tpu.memref_squeeze %dma_wait3A_110 : memref<1x640x144xf32, #tpu.memory_space<hbm>> -> memref<640x144xf32, #tpu.memory_space<hbm>>
      %dma_wait3A_112 = arith.constant 0 : i32
      %dma_wait3A_113 = tpu.memref_slice %arg10[%mul3A_2, %dma_wait3A_112] : memref<10240x144xf32, #tpu.memory_space<vmem_shared>> -> memref<640x144xf32, #tpu.memory_space<vmem_shared>>
      tpu.wait_dma2 semaphore(%run_scoped3A : memref<!tpu.dma_semaphore, #tpu.memory_space<semaphore_mem>>) src(%dma_wait3A_113 : memref<640x144xf32, #tpu.memory_space<vmem_shared>>) dst(%dma_wait3A_111 : memref<640x144xf32, #tpu.memory_space<hbm>>)
      tpu.yield
    }) : () -> ()
    return
  }
}

#map = affine_map<(d0, d1) -> (0, 0)>
#map1 = affine_map<(d0, d1) -> (0, 0, 0)>
module attributes {stable_mosaic.version = 14 : i64} {
  func.func @k(%arg0: i32, %arg1: i32, %arg2: memref<10000x64xbf16, #tpu.memory_space<hbm>>, %arg3: memref<10240x16xf32, #tpu.memory_space<hbm>>, %arg4: memref<2x329728xi32, #tpu.memory_space<hbm>>, %arg5: memref<2x10240x48xf32, #tpu.memory_space<hbm>>, %arg6: memref<4x2x112xi32, #tpu.memory_space<vmem>>, %arg7: memref<2x112x16xf32, #tpu.memory_space<vmem>>, %arg8: memref<2x112x64xbf16, #tpu.memory_space<vmem>>, %arg9: memref<112x48xf32, #tpu.memory_space<vmem>>, %arg10: memref<10240x48xf32, #tpu.memory_space<vmem_shared>>, %arg11: memref<!tpu.dma_semaphore, #tpu.memory_space<semaphore_mem>>, %arg12: memref<!tpu.dma_semaphore, #tpu.memory_space<semaphore_mem>>, %arg13: memref<!tpu.dma_semaphore, #tpu.memory_space<semaphore_mem>>, %arg14: memref<!tpu.dma_semaphore, #tpu.memory_space<semaphore_mem>>, %arg15: memref<!tpu.dma_semaphore, #tpu.memory_space<semaphore_mem>>, %arg16: memref<!tpu.dma_semaphore, #tpu.memory_space<semaphore_mem>>, %arg17: memref<!tpu.dma_semaphore, #tpu.memory_space<semaphore_mem>>) attributes {dimension_semantics = [#tpu.dimension_semantics<core_parallel>, #tpu.dimension_semantics<subcore_parallel>], iteration_bounds = array<i64: 2, 16>, scalar_prefetch = 0 : i64, scratch_operands = 12 : i64, tpu.core_type = #tpu.core_type<sc_vector_subcore>, window_params = [{transform_indices = #map}, {transform_indices = #map}, {transform_indices = #map}, {transform_indices = #map1}]} {
    %mul3A = arith.constant 16 : i32
    %mul3A_0 = arith.muli %arg0, %mul3A : i32
    %add3A = arith.addi %mul3A_0, %arg1 : i32
    %mul3A_1 = arith.constant 640 : i32
    %mul3A_2 = arith.muli %arg1, %mul3A_1 : i32
    %mul3A_3 = arith.constant 10304 : i32
    %mul3A_4 = arith.muli %add3A, %mul3A_3 : i32
    %scan3A = arith.constant 0 : i32
    %scan3A_5 = arith.constant 112 : i32
    %scan3A_6 = arith.addi %scan3A, %scan3A_5 : i32
    %scan3A_7 = arith.constant 1 : i32
    scf.for %scan3A_104 = %scan3A to %scan3A_6 step %scan3A_7  : i32 {
      %mul3A_105 = arith.constant 1 : i32
      %mul3A_106 = arith.muli %scan3A_104, %mul3A_105 : i32
      %add3A_107 = arith.constant 0 : i32
      %add3A_108 = arith.addi %add3A_107, %mul3A_106 : i32
      %broadcast_in_dim3A = arith.constant 0.000000e+00 : f32
      %broadcast_in_dim3A_109 = vector.broadcast %broadcast_in_dim3A : f32 to vector<16xf32>
      %swap3A = arith.index_cast %add3A_108 : i32 to index
      %swap3A_110 = arith.constant 0 : index
      %swap3A_111 = tpu.vector_load %arg9[%swap3A, %swap3A_110] {strides = array<i32>} : memref<112x48xf32, #tpu.memory_space<vmem>>, vector<16xf32>,
      tpu.vector_store %arg9[%swap3A, %swap3A_110], %broadcast_in_dim3A_109 {strides = array<i32>} : memref<112x48xf32, #tpu.memory_space<vmem>>, vector<16xf32>,
      %broadcast_in_dim3A_112 = arith.constant 0.000000e+00 : f32
      %broadcast_in_dim3A_113 = vector.broadcast %broadcast_in_dim3A_112 : f32 to vector<16xf32>
      %swap3A_114 = arith.index_cast %add3A_108 : i32 to index
      %swap3A_115 = arith.constant 16 : index
      %swap3A_116 = tpu.vector_load %arg9[%swap3A_114, %swap3A_115] {strides = array<i32>} : memref<112x48xf32, #tpu.memory_space<vmem>>, vector<16xf32>,
      tpu.vector_store %arg9[%swap3A_114, %swap3A_115], %broadcast_in_dim3A_113 {strides = array<i32>} : memref<112x48xf32, #tpu.memory_space<vmem>>, vector<16xf32>,
      %broadcast_in_dim3A_117 = arith.constant 0.000000e+00 : f32
      %broadcast_in_dim3A_118 = vector.broadcast %broadcast_in_dim3A_117 : f32 to vector<16xf32>
      %swap3A_119 = arith.index_cast %add3A_108 : i32 to index
      %swap3A_120 = arith.constant 32 : index
      %swap3A_121 = tpu.vector_load %arg9[%swap3A_119, %swap3A_120] {strides = array<i32>} : memref<112x48xf32, #tpu.memory_space<vmem>>, vector<16xf32>,
      tpu.vector_store %arg9[%swap3A_119, %swap3A_120], %broadcast_in_dim3A_118 {strides = array<i32>} : memref<112x48xf32, #tpu.memory_space<vmem>>, vector<16xf32>,
    }
    %scan3A_8 = arith.constant 112 : i32
    %add3A_9 = arith.constant 0 : i32
    %add3A_10 = arith.addi %mul3A_2, %add3A_9 : i32
    "tpu.region"() ({
      %run_scoped3A = tpu.sem_alloc : memref<!tpu.dma_semaphore, #tpu.memory_space<semaphore_mem>>
      %dma_start3A_104 = arith.constant 0 : i32
      %dma_start3A_105 = tpu.memref_slice %arg10[%add3A_10, %dma_start3A_104] : memref<10240x48xf32, #tpu.memory_space<vmem_shared>> -> memref<112x48xf32, #tpu.memory_space<vmem_shared>>
      %dma_start3A_106 = arith.constant 0 : i32
      %dma_start3A_107 = tpu.memref_slice %arg10[%add3A_10, %dma_start3A_106] : memref<10240x48xf32, #tpu.memory_space<vmem_shared>> -> memref<112x48xf32, #tpu.memory_space<vmem_shared>>
      tpu.enqueue_dma source(%arg9 : memref<112x48xf32, #tpu.memory_space<vmem>>) target(%dma_start3A_107 : memref<112x48xf32, #tpu.memory_space<vmem_shared>>) target_semaphore(%run_scoped3A : memref<!tpu.dma_semaphore, #tpu.memory_space<semaphore_mem>>)
      %dma_wait3A_108 = arith.constant 0 : i32
      %dma_wait3A_109 = tpu.memref_slice %arg10[%add3A_10, %dma_wait3A_108] : memref<10240x48xf32, #tpu.memory_space<vmem_shared>> -> memref<112x48xf32, #tpu.memory_space<vmem_shared>>
      %dma_wait3A_110 = arith.constant 0 : i32
      %dma_wait3A_111 = tpu.memref_slice %arg10[%add3A_10, %dma_wait3A_110] : memref<10240x48xf32, #tpu.memory_space<vmem_shared>> -> memref<112x48xf32, #tpu.memory_space<vmem_shared>>
      tpu.wait_dma2 semaphore(%run_scoped3A : memref<!tpu.dma_semaphore, #tpu.memory_space<semaphore_mem>>) src(%arg9 : memref<112x48xf32, #tpu.memory_space<vmem>>) dst(%dma_wait3A_111 : memref<112x48xf32, #tpu.memory_space<vmem_shared>>)
      tpu.yield
    }) : () -> ()
    %add3A_11 = arith.constant 112 : i32
    %add3A_12 = arith.addi %mul3A_2, %add3A_11 : i32
    "tpu.region"() ({
      %run_scoped3A = tpu.sem_alloc : memref<!tpu.dma_semaphore, #tpu.memory_space<semaphore_mem>>
      %dma_start3A_104 = arith.constant 0 : i32
      %dma_start3A_105 = tpu.memref_slice %arg10[%add3A_12, %dma_start3A_104] : memref<10240x48xf32, #tpu.memory_space<vmem_shared>> -> memref<112x48xf32, #tpu.memory_space<vmem_shared>>
      %dma_start3A_106 = arith.constant 0 : i32
      %dma_start3A_107 = tpu.memref_slice %arg10[%add3A_12, %dma_start3A_106] : memref<10240x48xf32, #tpu.memory_space<vmem_shared>> -> memref<112x48xf32, #tpu.memory_space<vmem_shared>>
      tpu.enqueue_dma source(%arg9 : memref<112x48xf32, #tpu.memory_space<vmem>>) target(%dma_start3A_107 : memref<112x48xf32, #tpu.memory_space<vmem_shared>>) target_semaphore(%run_scoped3A : memref<!tpu.dma_semaphore, #tpu.memory_space<semaphore_mem>>)
      %dma_wait3A_108 = arith.constant 0 : i32
      %dma_wait3A_109 = tpu.memref_slice %arg10[%add3A_12, %dma_wait3A_108] : memref<10240x48xf32, #tpu.memory_space<vmem_shared>> -> memref<112x48xf32, #tpu.memory_space<vmem_shared>>
      %dma_wait3A_110 = arith.constant 0 : i32
      %dma_wait3A_111 = tpu.memref_slice %arg10[%add3A_12, %dma_wait3A_110] : memref<10240x48xf32, #tpu.memory_space<vmem_shared>> -> memref<112x48xf32, #tpu.memory_space<vmem_shared>>
      tpu.wait_dma2 semaphore(%run_scoped3A : memref<!tpu.dma_semaphore, #tpu.memory_space<semaphore_mem>>) src(%arg9 : memref<112x48xf32, #tpu.memory_space<vmem>>) dst(%dma_wait3A_111 : memref<112x48xf32, #tpu.memory_space<vmem_shared>>)
      tpu.yield
    }) : () -> ()
    %add3A_13 = arith.constant 224 : i32
    %add3A_14 = arith.addi %mul3A_2, %add3A_13 : i32
    "tpu.region"() ({
      %run_scoped3A = tpu.sem_alloc : memref<!tpu.dma_semaphore, #tpu.memory_space<semaphore_mem>>
      %dma_start3A_104 = arith.constant 0 : i32
      %dma_start3A_105 = tpu.memref_slice %arg10[%add3A_14, %dma_start3A_104] : memref<10240x48xf32, #tpu.memory_space<vmem_shared>> -> memref<112x48xf32, #tpu.memory_space<vmem_shared>>
      %dma_start3A_106 = arith.constant 0 : i32
      %dma_start3A_107 = tpu.memref_slice %arg10[%add3A_14, %dma_start3A_106] : memref<10240x48xf32, #tpu.memory_space<vmem_shared>> -> memref<112x48xf32, #tpu.memory_space<vmem_shared>>
      tpu.enqueue_dma source(%arg9 : memref<112x48xf32, #tpu.memory_space<vmem>>) target(%dma_start3A_107 : memref<112x48xf32, #tpu.memory_space<vmem_shared>>) target_semaphore(%run_scoped3A : memref<!tpu.dma_semaphore, #tpu.memory_space<semaphore_mem>>)
      %dma_wait3A_108 = arith.constant 0 : i32
      %dma_wait3A_109 = tpu.memref_slice %arg10[%add3A_14, %dma_wait3A_108] : memref<10240x48xf32, #tpu.memory_space<vmem_shared>> -> memref<112x48xf32, #tpu.memory_space<vmem_shared>>
      %dma_wait3A_110 = arith.constant 0 : i32
      %dma_wait3A_111 = tpu.memref_slice %arg10[%add3A_14, %dma_wait3A_110] : memref<10240x48xf32, #tpu.memory_space<vmem_shared>> -> memref<112x48xf32, #tpu.memory_space<vmem_shared>>
      tpu.wait_dma2 semaphore(%run_scoped3A : memref<!tpu.dma_semaphore, #tpu.memory_space<semaphore_mem>>) src(%arg9 : memref<112x48xf32, #tpu.memory_space<vmem>>) dst(%dma_wait3A_111 : memref<112x48xf32, #tpu.memory_space<vmem_shared>>)
      tpu.yield
    }) : () -> ()
    %add3A_15 = arith.constant 336 : i32
    %add3A_16 = arith.addi %mul3A_2, %add3A_15 : i32
    "tpu.region"() ({
      %run_scoped3A = tpu.sem_alloc : memref<!tpu.dma_semaphore, #tpu.memory_space<semaphore_mem>>
      %dma_start3A_104 = arith.constant 0 : i32
      %dma_start3A_105 = tpu.memref_slice %arg10[%add3A_16, %dma_start3A_104] : memref<10240x48xf32, #tpu.memory_space<vmem_shared>> -> memref<112x48xf32, #tpu.memory_space<vmem_shared>>
      %dma_start3A_106 = arith.constant 0 : i32
      %dma_start3A_107 = tpu.memref_slice %arg10[%add3A_16, %dma_start3A_106] : memref<10240x48xf32, #tpu.memory_space<vmem_shared>> -> memref<112x48xf32, #tpu.memory_space<vmem_shared>>
      tpu.enqueue_dma source(%arg9 : memref<112x48xf32, #tpu.memory_space<vmem>>) target(%dma_start3A_107 : memref<112x48xf32, #tpu.memory_space<vmem_shared>>) target_semaphore(%run_scoped3A : memref<!tpu.dma_semaphore, #tpu.memory_space<semaphore_mem>>)
      %dma_wait3A_108 = arith.constant 0 : i32
      %dma_wait3A_109 = tpu.memref_slice %arg10[%add3A_16, %dma_wait3A_108] : memref<10240x48xf32, #tpu.memory_space<vmem_shared>> -> memref<112x48xf32, #tpu.memory_space<vmem_shared>>
      %dma_wait3A_110 = arith.constant 0 : i32
      %dma_wait3A_111 = tpu.memref_slice %arg10[%add3A_16, %dma_wait3A_110] : memref<10240x48xf32, #tpu.memory_space<vmem_shared>> -> memref<112x48xf32, #tpu.memory_space<vmem_shared>>
      tpu.wait_dma2 semaphore(%run_scoped3A : memref<!tpu.dma_semaphore, #tpu.memory_space<semaphore_mem>>) src(%arg9 : memref<112x48xf32, #tpu.memory_space<vmem>>) dst(%dma_wait3A_111 : memref<112x48xf32, #tpu.memory_space<vmem_shared>>)
      tpu.yield
    }) : () -> ()
    %add3A_17 = arith.constant 448 : i32
    %add3A_18 = arith.addi %mul3A_2, %add3A_17 : i32
    "tpu.region"() ({
      %run_scoped3A = tpu.sem_alloc : memref<!tpu.dma_semaphore, #tpu.memory_space<semaphore_mem>>
      %dma_start3A_104 = arith.constant 0 : i32
      %dma_start3A_105 = tpu.memref_slice %arg10[%add3A_18, %dma_start3A_104] : memref<10240x48xf32, #tpu.memory_space<vmem_shared>> -> memref<112x48xf32, #tpu.memory_space<vmem_shared>>
      %dma_start3A_106 = arith.constant 0 : i32
      %dma_start3A_107 = tpu.memref_slice %arg10[%add3A_18, %dma_start3A_106] : memref<10240x48xf32, #tpu.memory_space<vmem_shared>> -> memref<112x48xf32, #tpu.memory_space<vmem_shared>>
      tpu.enqueue_dma source(%arg9 : memref<112x48xf32, #tpu.memory_space<vmem>>) target(%dma_start3A_107 : memref<112x48xf32, #tpu.memory_space<vmem_shared>>) target_semaphore(%run_scoped3A : memref<!tpu.dma_semaphore, #tpu.memory_space<semaphore_mem>>)
      %dma_wait3A_108 = arith.constant 0 : i32
      %dma_wait3A_109 = tpu.memref_slice %arg10[%add3A_18, %dma_wait3A_108] : memref<10240x48xf32, #tpu.memory_space<vmem_shared>> -> memref<112x48xf32, #tpu.memory_space<vmem_shared>>
      %dma_wait3A_110 = arith.constant 0 : i32
      %dma_wait3A_111 = tpu.memref_slice %arg10[%add3A_18, %dma_wait3A_110] : memref<10240x48xf32, #tpu.memory_space<vmem_shared>> -> memref<112x48xf32, #tpu.memory_space<vmem_shared>>
      tpu.wait_dma2 semaphore(%run_scoped3A : memref<!tpu.dma_semaphore, #tpu.memory_space<semaphore_mem>>) src(%arg9 : memref<112x48xf32, #tpu.memory_space<vmem>>) dst(%dma_wait3A_111 : memref<112x48xf32, #tpu.memory_space<vmem_shared>>)
      tpu.yield
    }) : () -> ()
    %add3A_19 = arith.constant 560 : i32
    %add3A_20 = arith.addi %mul3A_2, %add3A_19 : i32
    "tpu.region"() ({
      %run_scoped3A = tpu.sem_alloc : memref<!tpu.dma_semaphore, #tpu.memory_space<semaphore_mem>>
      %dma_start3A_104 = arith.constant 0 : i32
      %dma_start3A_105 = arith.constant 0 : i32
      %dma_start3A_106 = tpu.memref_slice %arg9[%dma_start3A_104, %dma_start3A_105] : memref<112x48xf32, #tpu.memory_space<vmem>> -> memref<80x48xf32, #tpu.memory_space<vmem>>
      %dma_start3A_107 = arith.constant 0 : i32
      %dma_start3A_108 = tpu.memref_slice %arg10[%add3A_20, %dma_start3A_107] : memref<10240x48xf32, #tpu.memory_space<vmem_shared>> -> memref<80x48xf32, #tpu.memory_space<vmem_shared>>
      %dma_start3A_109 = arith.constant 0 : i32
      %dma_start3A_110 = tpu.memref_slice %arg10[%add3A_20, %dma_start3A_109] : memref<10240x48xf32, #tpu.memory_space<vmem_shared>> -> memref<80x48xf32, #tpu.memory_space<vmem_shared>>
      %dma_start3A_111 = arith.constant 0 : i32
      %dma_start3A_112 = arith.constant 0 : i32
      %dma_start3A_113 = tpu.memref_slice %arg9[%dma_start3A_111, %dma_start3A_112] : memref<112x48xf32, #tpu.memory_space<vmem>> -> memref<80x48xf32, #tpu.memory_space<vmem>>
      tpu.enqueue_dma source(%dma_start3A_113 : memref<80x48xf32, #tpu.memory_space<vmem>>) target(%dma_start3A_110 : memref<80x48xf32, #tpu.memory_space<vmem_shared>>) target_semaphore(%run_scoped3A : memref<!tpu.dma_semaphore, #tpu.memory_space<semaphore_mem>>)
      %dma_wait3A_114 = arith.constant 0 : i32
      %dma_wait3A_115 = arith.constant 0 : i32
      %dma_wait3A_116 = tpu.memref_slice %arg9[%dma_wait3A_114, %dma_wait3A_115] : memref<112x48xf32, #tpu.memory_space<vmem>> -> memref<80x48xf32, #tpu.memory_space<vmem>>
      %dma_wait3A_117 = arith.constant 0 : i32
      %dma_wait3A_118 = tpu.memref_slice %arg10[%add3A_20, %dma_wait3A_117] : memref<10240x48xf32, #tpu.memory_space<vmem_shared>> -> memref<80x48xf32, #tpu.memory_space<vmem_shared>>
      %dma_wait3A_119 = arith.constant 0 : i32
      %dma_wait3A_120 = tpu.memref_slice %arg10[%add3A_20, %dma_wait3A_119] : memref<10240x48xf32, #tpu.memory_space<vmem_shared>> -> memref<80x48xf32, #tpu.memory_space<vmem_shared>>
      %dma_wait3A_121 = arith.constant 0 : i32
      %dma_wait3A_122 = arith.constant 0 : i32
      %dma_wait3A_123 = tpu.memref_slice %arg9[%dma_wait3A_121, %dma_wait3A_122] : memref<112x48xf32, #tpu.memory_space<vmem>> -> memref<80x48xf32, #tpu.memory_space<vmem>>
      tpu.wait_dma2 semaphore(%run_scoped3A : memref<!tpu.dma_semaphore, #tpu.memory_space<semaphore_mem>>) src(%dma_wait3A_123 : memref<80x48xf32, #tpu.memory_space<vmem>>) dst(%dma_wait3A_120 : memref<80x48xf32, #tpu.memory_space<vmem_shared>>)
      tpu.yield
    }) : () -> ()
    %barrier3A = arith.constant 0 : index
    tpu.barrier barrier_id(%barrier3A)
    %add3A_21 = arith.constant 0 : i32
    %add3A_22 = arith.addi %mul3A_4, %add3A_21 : i32
    %dma_start3A = arith.constant 0 : i32
    %dma_start3A_23 = arith.constant 0 : i32
    %dma_start3A_24 = arith.constant 0 : i32
    %dma_start3A_25 = tpu.memref_slice %arg6[%dma_start3A, %dma_start3A_23, %dma_start3A_24] : memref<4x2x112xi32, #tpu.memory_space<vmem>> -> memref<1x2x112xi32, #tpu.memory_space<vmem>>
    %dma_start3A_26 = tpu.memref_squeeze %dma_start3A_25 : memref<1x2x112xi32, #tpu.memory_space<vmem>> -> memref<2x112xi32, #tpu.memory_space<vmem>>
    %dma_start3A_27 = arith.constant 0 : i32
    %dma_start3A_28 = tpu.memref_slice %arg4[%dma_start3A_27, %add3A_22] : memref<2x329728xi32, #tpu.memory_space<hbm>> -> memref<2x112xi32, #tpu.memory_space<hbm>>
    %dma_start3A_29 = arith.constant 0 : i32
    %dma_start3A_30 = arith.constant 0 : i32
    %dma_start3A_31 = tpu.memref_slice %arg6[%dma_start3A, %dma_start3A_29, %dma_start3A_30] : memref<4x2x112xi32, #tpu.memory_space<vmem>> -> memref<1x2x112xi32, #tpu.memory_space<vmem>>
    %dma_start3A_32 = tpu.memref_squeeze %dma_start3A_31 : memref<1x2x112xi32, #tpu.memory_space<vmem>> -> memref<2x112xi32, #tpu.memory_space<vmem>>
    %dma_start3A_33 = arith.constant 0 : i32
    %dma_start3A_34 = tpu.memref_slice %arg4[%dma_start3A_33, %add3A_22] : memref<2x329728xi32, #tpu.memory_space<hbm>> -> memref<2x112xi32, #tpu.memory_space<hbm>>
    tpu.enqueue_dma source(%dma_start3A_34 : memref<2x112xi32, #tpu.memory_space<hbm>>) target(%dma_start3A_32 : memref<2x112xi32, #tpu.memory_space<vmem>>) target_semaphore(%arg11 : memref<!tpu.dma_semaphore, #tpu.memory_space<semaphore_mem>>)
    %add3A_35 = arith.constant 112 : i32
    %add3A_36 = arith.addi %mul3A_4, %add3A_35 : i32
    %dma_start3A_37 = arith.constant 1 : i32
    %dma_start3A_38 = arith.constant 0 : i32
    %dma_start3A_39 = arith.constant 0 : i32
    %dma_start3A_40 = tpu.memref_slice %arg6[%dma_start3A_37, %dma_start3A_38, %dma_start3A_39] : memref<4x2x112xi32, #tpu.memory_space<vmem>> -> memref<1x2x112xi32, #tpu.memory_space<vmem>>
    %dma_start3A_41 = tpu.memref_squeeze %dma_start3A_40 : memref<1x2x112xi32, #tpu.memory_space<vmem>> -> memref<2x112xi32, #tpu.memory_space<vmem>>
    %dma_start3A_42 = arith.constant 0 : i32
    %dma_start3A_43 = tpu.memref_slice %arg4[%dma_start3A_42, %add3A_36] : memref<2x329728xi32, #tpu.memory_space<hbm>> -> memref<2x112xi32, #tpu.memory_space<hbm>>
    %dma_start3A_44 = arith.constant 0 : i32
    %dma_start3A_45 = arith.constant 0 : i32
    %dma_start3A_46 = tpu.memref_slice %arg6[%dma_start3A_37, %dma_start3A_44, %dma_start3A_45] : memref<4x2x112xi32, #tpu.memory_space<vmem>> -> memref<1x2x112xi32, #tpu.memory_space<vmem>>
    %dma_start3A_47 = tpu.memref_squeeze %dma_start3A_46 : memref<1x2x112xi32, #tpu.memory_space<vmem>> -> memref<2x112xi32, #tpu.memory_space<vmem>>
    %dma_start3A_48 = arith.constant 0 : i32
    %dma_start3A_49 = tpu.memref_slice %arg4[%dma_start3A_48, %add3A_36] : memref<2x329728xi32, #tpu.memory_space<hbm>> -> memref<2x112xi32, #tpu.memory_space<hbm>>
    tpu.enqueue_dma source(%dma_start3A_49 : memref<2x112xi32, #tpu.memory_space<hbm>>) target(%dma_start3A_47 : memref<2x112xi32, #tpu.memory_space<vmem>>) target_semaphore(%arg12 : memref<!tpu.dma_semaphore, #tpu.memory_space<semaphore_mem>>)
    %dma_wait3A = arith.constant 0 : i32
    %dma_wait3A_50 = arith.constant 0 : i32
    %dma_wait3A_51 = arith.constant 0 : i32
    %dma_wait3A_52 = tpu.memref_slice %arg6[%dma_wait3A, %dma_wait3A_50, %dma_wait3A_51] : memref<4x2x112xi32, #tpu.memory_space<vmem>> -> memref<1x2x112xi32, #tpu.memory_space<vmem>>
    %dma_wait3A_53 = tpu.memref_squeeze %dma_wait3A_52 : memref<1x2x112xi32, #tpu.memory_space<vmem>> -> memref<2x112xi32, #tpu.memory_space<vmem>>
    %dma_wait3A_54 = arith.constant 0 : i32
    %dma_wait3A_55 = arith.constant 0 : i32
    %dma_wait3A_56 = tpu.memref_slice %arg4[%dma_wait3A_54, %dma_wait3A_55] : memref<2x329728xi32, #tpu.memory_space<hbm>> -> memref<2x112xi32, #tpu.memory_space<hbm>>
    %dma_wait3A_57 = arith.constant 0 : i32
    %dma_wait3A_58 = arith.constant 0 : i32
    %dma_wait3A_59 = tpu.memref_slice %arg6[%dma_wait3A, %dma_wait3A_57, %dma_wait3A_58] : memref<4x2x112xi32, #tpu.memory_space<vmem>> -> memref<1x2x112xi32, #tpu.memory_space<vmem>>
    %dma_wait3A_60 = tpu.memref_squeeze %dma_wait3A_59 : memref<1x2x112xi32, #tpu.memory_space<vmem>> -> memref<2x112xi32, #tpu.memory_space<vmem>>
    %dma_wait3A_61 = arith.constant 0 : i32
    %dma_wait3A_62 = arith.constant 0 : i32
    %dma_wait3A_63 = tpu.memref_slice %arg4[%dma_wait3A_61, %dma_wait3A_62] : memref<2x329728xi32, #tpu.memory_space<hbm>> -> memref<2x112xi32, #tpu.memory_space<hbm>>
    tpu.wait_dma2 semaphore(%arg11 : memref<!tpu.dma_semaphore, #tpu.memory_space<semaphore_mem>>) src(%dma_wait3A_63 : memref<2x112xi32, #tpu.memory_space<hbm>>) dst(%dma_wait3A_60 : memref<2x112xi32, #tpu.memory_space<vmem>>)
    %dma_start3A_64 = arith.constant 0 : i32
    %dma_start3A_65 = arith.constant 1 : i32
    %dma_start3A_66 = arith.constant 0 : i32
    %dma_start3A_67 = arith.constant 0 : i32
    %dma_start3A_68 = arith.constant 0 : i32
    %dma_start3A_69 = tpu.memref_slice %arg7[%dma_start3A_66, %dma_start3A_67, %dma_start3A_68] : memref<2x112x16xf32, #tpu.memory_space<vmem>> -> memref<1x112x16xf32, #tpu.memory_space<vmem>>
    %dma_start3A_70 = tpu.memref_squeeze %dma_start3A_69 : memref<1x112x16xf32, #tpu.memory_space<vmem>> -> memref<112x16xf32, #tpu.memory_space<vmem>>
    %dma_start3A_71 = arith.constant 0 : i32
    %dma_start3A_72 = tpu.memref_slice %arg6[%dma_start3A_64, %dma_start3A_65, %dma_start3A_71] : memref<4x2x112xi32, #tpu.memory_space<vmem>> -> memref<1x1x112xi32, #tpu.memory_space<vmem>>
    %dma_start3A_73 = tpu.memref_squeeze %dma_start3A_72 : memref<1x1x112xi32, #tpu.memory_space<vmem>> -> memref<112xi32, #tpu.memory_space<vmem>>
    %dma_start3A_74 = arith.constant 0 : i32
    %dma_start3A_75 = arith.constant 0 : i32
    %dma_start3A_76 = tpu.memref_slice %arg3[%dma_start3A_74, %dma_start3A_75] : memref<10240x16xf32, #tpu.memory_space<hbm>> -> memref<10240x16xf32, #tpu.memory_space<hbm>>
    tpu.enqueue_indirect_dma source(%dma_start3A_76 : memref<10240x16xf32, #tpu.memory_space<hbm>>) target(%dma_start3A_70 : memref<112x16xf32, #tpu.memory_space<vmem>>) offsets(%dma_start3A_73 : memref<112xi32, #tpu.memory_space<vmem>>) semaphore(%arg15 : memref<!tpu.dma_semaphore, #tpu.memory_space<semaphore_mem>>)
    %dma_start3A_77 = arith.constant 0 : i32
    %dma_start3A_78 = arith.constant 0 : i32
    %dma_start3A_79 = arith.constant 0 : i32
    %dma_start3A_80 = arith.constant 0 : i32
    %dma_start3A_81 = arith.constant 0 : i32
    %dma_start3A_82 = tpu.memref_slice %arg8[%dma_start3A_79, %dma_start3A_80, %dma_start3A_81] : memref<2x112x64xbf16, #tpu.memory_space<vmem>> -> memref<1x112x64xbf16, #tpu.memory_space<vmem>>
    %dma_start3A_83 = tpu.memref_squeeze %dma_start3A_82 : memref<1x112x64xbf16, #tpu.memory_space<vmem>> -> memref<112x64xbf16, #tpu.memory_space<vmem>>
    %dma_start3A_84 = arith.constant 0 : i32
    %dma_start3A_85 = tpu.memref_slice %arg6[%dma_start3A_77, %dma_start3A_78, %dma_start3A_84] : memref<4x2x112xi32, #tpu.memory_space<vmem>> -> memref<1x1x112xi32, #tpu.memory_space<vmem>>
    %dma_start3A_86 = tpu.memref_squeeze %dma_start3A_85 : memref<1x1x112xi32, #tpu.memory_space<vmem>> -> memref<112xi32, #tpu.memory_space<vmem>>
    %dma_start3A_87 = arith.constant 0 : i32
    %dma_start3A_88 = arith.constant 0 : i32
    %dma_start3A_89 = tpu.memref_slice %arg2[%dma_start3A_87, %dma_start3A_88] : memref<10000x64xbf16, #tpu.memory_space<hbm>> -> memref<10000x64xbf16, #tpu.memory_space<hbm>>
    tpu.enqueue_indirect_dma source(%dma_start3A_89 : memref<10000x64xbf16, #tpu.memory_space<hbm>>) target(%dma_start3A_83 : memref<112x64xbf16, #tpu.memory_space<vmem>>) offsets(%dma_start3A_86 : memref<112xi32, #tpu.memory_space<vmem>>) semaphore(%arg15 : memref<!tpu.dma_semaphore, #tpu.memory_space<semaphore_mem>>)
    %scan3A_90 = arith.constant 0 : i32
    %scan3A_91 = arith.constant 23 : i32
    %scan3A_92 = arith.addi %scan3A_90, %scan3A_91 : i32
    %scan3A_93 = arith.constant 1 : i32
    scf.for %scan3A_104 = %scan3A_90 to %scan3A_92 step %scan3A_93  : i32 {
      %mul3A_105 = arith.constant 1 : i32
      %mul3A_106 = arith.muli %scan3A_104, %mul3A_105 : i32
      %add3A_107 = arith.constant 0 : i32
      %add3A_108 = arith.addi %add3A_107, %mul3A_106 : i32
      %mul3A_109 = arith.constant 4 : i32
      %mul3A_110 = arith.muli %mul3A_109, %add3A_108 : i32
      %add3A_111 = arith.constant 0 : i32
      %add3A_112 = arith.addi %mul3A_110, %add3A_111 : i32
      %add3A_113 = arith.constant 1 : i32
      %add3A_114 = arith.addi %add3A_112, %add3A_113 : i32
      %lt3A = arith.constant 92 : i32
      %lt3A_115 = arith.cmpi slt, %add3A_114, %lt3A : i32
      %convert_element_type3A = arith.extui %lt3A_115 : i1 to i32
      %cond3A = arith.constant 0 : i32
      %cond3A_116 = arith.cmpi ne, %convert_element_type3A, %cond3A : i32
      scf.if %cond3A_116 {
        %dma_wait3A_353 = arith.constant 1 : i32
        %dma_wait3A_354 = arith.constant 0 : i32
        %dma_wait3A_355 = arith.constant 0 : i32
        %dma_wait3A_356 = tpu.memref_slice %arg6[%dma_wait3A_353, %dma_wait3A_354, %dma_wait3A_355] : memref<4x2x112xi32, #tpu.memory_space<vmem>> -> memref<1x2x112xi32, #tpu.memory_space<vmem>>
        %dma_wait3A_357 = tpu.memref_squeeze %dma_wait3A_356 : memref<1x2x112xi32, #tpu.memory_space<vmem>> -> memref<2x112xi32, #tpu.memory_space<vmem>>
        %dma_wait3A_358 = arith.constant 0 : i32
        %dma_wait3A_359 = arith.constant 0 : i32
        %dma_wait3A_360 = tpu.memref_slice %arg4[%dma_wait3A_358, %dma_wait3A_359] : memref<2x329728xi32, #tpu.memory_space<hbm>> -> memref<2x112xi32, #tpu.memory_space<hbm>>
        %dma_wait3A_361 = arith.constant 0 : i32
        %dma_wait3A_362 = arith.constant 0 : i32
        %dma_wait3A_363 = tpu.memref_slice %arg6[%dma_wait3A_353, %dma_wait3A_361, %dma_wait3A_362] : memref<4x2x112xi32, #tpu.memory_space<vmem>> -> memref<1x2x112xi32, #tpu.memory_space<vmem>>
        %dma_wait3A_364 = tpu.memref_squeeze %dma_wait3A_363 : memref<1x2x112xi32, #tpu.memory_space<vmem>> -> memref<2x112xi32, #tpu.memory_space<vmem>>
        %dma_wait3A_365 = arith.constant 0 : i32
        %dma_wait3A_366 = arith.constant 0 : i32
        %dma_wait3A_367 = tpu.memref_slice %arg4[%dma_wait3A_365, %dma_wait3A_366] : memref<2x329728xi32, #tpu.memory_space<hbm>> -> memref<2x112xi32, #tpu.memory_space<hbm>>
        tpu.wait_dma2 semaphore(%arg12 : memref<!tpu.dma_semaphore, #tpu.memory_space<semaphore_mem>>) src(%dma_wait3A_367 : memref<2x112xi32, #tpu.memory_space<hbm>>) dst(%dma_wait3A_364 : memref<2x112xi32, #tpu.memory_space<vmem>>)
        %dma_start3A_368 = arith.constant 1 : i32
        %dma_start3A_369 = arith.constant 1 : i32
        %dma_start3A_370 = arith.constant 1 : i32
        %dma_start3A_371 = arith.constant 0 : i32
        %dma_start3A_372 = arith.constant 0 : i32
        %dma_start3A_373 = tpu.memref_slice %arg7[%dma_start3A_370, %dma_start3A_371, %dma_start3A_372] : memref<2x112x16xf32, #tpu.memory_space<vmem>> -> memref<1x112x16xf32, #tpu.memory_space<vmem>>
        %dma_start3A_374 = tpu.memref_squeeze %dma_start3A_373 : memref<1x112x16xf32, #tpu.memory_space<vmem>> -> memref<112x16xf32, #tpu.memory_space<vmem>>
        %dma_start3A_375 = arith.constant 0 : i32
        %dma_start3A_376 = tpu.memref_slice %arg6[%dma_start3A_368, %dma_start3A_369, %dma_start3A_375] : memref<4x2x112xi32, #tpu.memory_space<vmem>> -> memref<1x1x112xi32, #tpu.memory_space<vmem>>
        %dma_start3A_377 = tpu.memref_squeeze %dma_start3A_376 : memref<1x1x112xi32, #tpu.memory_space<vmem>> -> memref<112xi32, #tpu.memory_space<vmem>>
        %dma_start3A_378 = arith.constant 0 : i32
        %dma_start3A_379 = arith.constant 0 : i32
        %dma_start3A_380 = tpu.memref_slice %arg3[%dma_start3A_378, %dma_start3A_379] : memref<10240x16xf32, #tpu.memory_space<hbm>> -> memref<10240x16xf32, #tpu.memory_space<hbm>>
        tpu.enqueue_indirect_dma source(%dma_start3A_380 : memref<10240x16xf32, #tpu.memory_space<hbm>>) target(%dma_start3A_374 : memref<112x16xf32, #tpu.memory_space<vmem>>) offsets(%dma_start3A_377 : memref<112xi32, #tpu.memory_space<vmem>>) semaphore(%arg16 : memref<!tpu.dma_semaphore, #tpu.memory_space<semaphore_mem>>)
        %dma_start3A_381 = arith.constant 1 : i32
        %dma_start3A_382 = arith.constant 0 : i32
        %dma_start3A_383 = arith.constant 1 : i32
        %dma_start3A_384 = arith.constant 0 : i32
        %dma_start3A_385 = arith.constant 0 : i32
        %dma_start3A_386 = tpu.memref_slice %arg8[%dma_start3A_383, %dma_start3A_384, %dma_start3A_385] : memref<2x112x64xbf16, #tpu.memory_space<vmem>> -> memref<1x112x64xbf16, #tpu.memory_space<vmem>>
        %dma_start3A_387 = tpu.memref_squeeze %dma_start3A_386 : memref<1x112x64xbf16, #tpu.memory_space<vmem>> -> memref<112x64xbf16, #tpu.memory_space<vmem>>
        %dma_start3A_388 = arith.constant 0 : i32
        %dma_start3A_389 = tpu.memref_slice %arg6[%dma_start3A_381, %dma_start3A_382, %dma_start3A_388] : memref<4x2x112xi32, #tpu.memory_space<vmem>> -> memref<1x1x112xi32, #tpu.memory_space<vmem>>
        %dma_start3A_390 = tpu.memref_squeeze %dma_start3A_389 : memref<1x1x112xi32, #tpu.memory_space<vmem>> -> memref<112xi32, #tpu.memory_space<vmem>>
        %dma_start3A_391 = arith.constant 0 : i32
        %dma_start3A_392 = arith.constant 0 : i32
        %dma_start3A_393 = tpu.memref_slice %arg2[%dma_start3A_391, %dma_start3A_392] : memref<10000x64xbf16, #tpu.memory_space<hbm>> -> memref<10000x64xbf16, #tpu.memory_space<hbm>>
        tpu.enqueue_indirect_dma source(%dma_start3A_393 : memref<10000x64xbf16, #tpu.memory_space<hbm>>) target(%dma_start3A_387 : memref<112x64xbf16, #tpu.memory_space<vmem>>) offsets(%dma_start3A_390 : memref<112xi32, #tpu.memory_space<vmem>>) semaphore(%arg16 : memref<!tpu.dma_semaphore, #tpu.memory_space<semaphore_mem>>)
      } else {
      }
      %add3A_117 = arith.constant 2 : i32
      %add3A_118 = arith.addi %add3A_112, %add3A_117 : i32
      %lt3A_119 = arith.constant 92 : i32
      %lt3A_120 = arith.cmpi slt, %add3A_118, %lt3A_119 : i32
      %convert_element_type3A_121 = arith.extui %lt3A_120 : i1 to i32
      %cond3A_122 = arith.constant 0 : i32
      %cond3A_123 = arith.cmpi ne, %convert_element_type3A_121, %cond3A_122 : i32
      scf.if %cond3A_123 {
        %add3A_353 = arith.constant 2 : i32
        %add3A_354 = arith.addi %add3A_112, %add3A_353 : i32
        %mul3A_355 = arith.constant 112 : i32
        %mul3A_356 = arith.muli %add3A_354, %mul3A_355 : i32
        %add3A_357 = arith.addi %mul3A_4, %mul3A_356 : i32
        %dma_start3A_358 = arith.constant 2 : i32
        %dma_start3A_359 = arith.constant 0 : i32
        %dma_start3A_360 = arith.constant 0 : i32
        %dma_start3A_361 = tpu.memref_slice %arg6[%dma_start3A_358, %dma_start3A_359, %dma_start3A_360] : memref<4x2x112xi32, #tpu.memory_space<vmem>> -> memref<1x2x112xi32, #tpu.memory_space<vmem>>
        %dma_start3A_362 = tpu.memref_squeeze %dma_start3A_361 : memref<1x2x112xi32, #tpu.memory_space<vmem>> -> memref<2x112xi32, #tpu.memory_space<vmem>>
        %dma_start3A_363 = arith.constant 0 : i32
        %dma_start3A_364 = tpu.memref_slice %arg4[%dma_start3A_363, %add3A_357] : memref<2x329728xi32, #tpu.memory_space<hbm>> -> memref<2x112xi32, #tpu.memory_space<hbm>>
        %dma_start3A_365 = arith.constant 0 : i32
        %dma_start3A_366 = arith.constant 0 : i32
        %dma_start3A_367 = tpu.memref_slice %arg6[%dma_start3A_358, %dma_start3A_365, %dma_start3A_366] : memref<4x2x112xi32, #tpu.memory_space<vmem>> -> memref<1x2x112xi32, #tpu.memory_space<vmem>>
        %dma_start3A_368 = tpu.memref_squeeze %dma_start3A_367 : memref<1x2x112xi32, #tpu.memory_space<vmem>> -> memref<2x112xi32, #tpu.memory_space<vmem>>
        %dma_start3A_369 = arith.constant 0 : i32
        %dma_start3A_370 = tpu.memref_slice %arg4[%dma_start3A_369, %add3A_357] : memref<2x329728xi32, #tpu.memory_space<hbm>> -> memref<2x112xi32, #tpu.memory_space<hbm>>
        tpu.enqueue_dma source(%dma_start3A_370 : memref<2x112xi32, #tpu.memory_space<hbm>>) target(%dma_start3A_368 : memref<2x112xi32, #tpu.memory_space<vmem>>) target_semaphore(%arg13 : memref<!tpu.dma_semaphore, #tpu.memory_space<semaphore_mem>>)
      } else {
      }
      %dma_wait3A_124 = arith.constant 0 : i32
      %dma_wait3A_125 = arith.constant 1 : i32
      %dma_wait3A_126 = arith.constant 0 : i32
      %dma_wait3A_127 = arith.constant 0 : i32
      %dma_wait3A_128 = arith.constant 0 : i32
      %dma_wait3A_129 = tpu.memref_slice %arg7[%dma_wait3A_126, %dma_wait3A_127, %dma_wait3A_128] : memref<2x112x16xf32, #tpu.memory_space<vmem>> -> memref<1x112x16xf32, #tpu.memory_space<vmem>>
      %dma_wait3A_130 = tpu.memref_squeeze %dma_wait3A_129 : memref<1x112x16xf32, #tpu.memory_space<vmem>> -> memref<112x16xf32, #tpu.memory_space<vmem>>
      %dma_wait3A_131 = arith.constant 0 : i32
      %dma_wait3A_132 = tpu.memref_slice %arg6[%dma_wait3A_124, %dma_wait3A_125, %dma_wait3A_131] : memref<4x2x112xi32, #tpu.memory_space<vmem>> -> memref<1x1x112xi32, #tpu.memory_space<vmem>>
      %dma_wait3A_133 = tpu.memref_squeeze %dma_wait3A_132 : memref<1x1x112xi32, #tpu.memory_space<vmem>> -> memref<112xi32, #tpu.memory_space<vmem>>
      %dma_wait3A_134 = arith.constant 0 : i32
      %dma_wait3A_135 = arith.constant 0 : i32
      %dma_wait3A_136 = tpu.memref_slice %arg3[%dma_wait3A_134, %dma_wait3A_135] : memref<10240x16xf32, #tpu.memory_space<hbm>> -> memref<10240x16xf32, #tpu.memory_space<hbm>>
      tpu.wait_indirect_dma semaphore(%arg15 : memref<!tpu.dma_semaphore, #tpu.memory_space<semaphore_mem>>) src(%dma_wait3A_136 : memref<10240x16xf32, #tpu.memory_space<hbm>>) dst(%dma_wait3A_130 : memref<112x16xf32, #tpu.memory_space<vmem>>)
      %dma_wait3A_137 = arith.constant 0 : i32
      %dma_wait3A_138 = arith.constant 0 : i32
      %dma_wait3A_139 = arith.constant 0 : i32
      %dma_wait3A_140 = arith.constant 0 : i32
      %dma_wait3A_141 = arith.constant 0 : i32
      %dma_wait3A_142 = tpu.memref_slice %arg8[%dma_wait3A_139, %dma_wait3A_140, %dma_wait3A_141] : memref<2x112x64xbf16, #tpu.memory_space<vmem>> -> memref<1x112x64xbf16, #tpu.memory_space<vmem>>
      %dma_wait3A_143 = tpu.memref_squeeze %dma_wait3A_142 : memref<1x112x64xbf16, #tpu.memory_space<vmem>> -> memref<112x64xbf16, #tpu.memory_space<vmem>>
      %dma_wait3A_144 = arith.constant 0 : i32
      %dma_wait3A_145 = tpu.memref_slice %arg6[%dma_wait3A_137, %dma_wait3A_138, %dma_wait3A_144] : memref<4x2x112xi32, #tpu.memory_space<vmem>> -> memref<1x1x112xi32, #tpu.memory_space<vmem>>
      %dma_wait3A_146 = tpu.memref_squeeze %dma_wait3A_145 : memref<1x1x112xi32, #tpu.memory_space<vmem>> -> memref<112xi32, #tpu.memory_space<vmem>>
      %dma_wait3A_147 = arith.constant 0 : i32
      %dma_wait3A_148 = arith.constant 0 : i32
      %dma_wait3A_149 = tpu.memref_slice %arg2[%dma_wait3A_147, %dma_wait3A_148] : memref<10000x64xbf16, #tpu.memory_space<hbm>> -> memref<10000x64xbf16, #tpu.memory_space<hbm>>
      tpu.wait_indirect_dma semaphore(%arg15 : memref<!tpu.dma_semaphore, #tpu.memory_space<semaphore_mem>>) src(%dma_wait3A_149 : memref<10000x64xbf16, #tpu.memory_space<hbm>>) dst(%dma_wait3A_143 : memref<112x64xbf16, #tpu.memory_space<vmem>>)
      %ge3A = arith.constant 1 : i32
      %ge3A_150 = arith.cmpi sge, %add3A_112, %ge3A : i32
      %convert_element_type3A_151 = arith.extui %ge3A_150 : i1 to i32
      %cond3A_152 = arith.constant 0 : i32
      %cond3A_153 = arith.cmpi ne, %convert_element_type3A_151, %cond3A_152 : i32
      scf.if %cond3A_153 {
        %dma_wait3A_353 = arith.constant 3 : i32
        %dma_wait3A_354 = arith.constant 1 : i32
        %dma_wait3A_355 = arith.constant 0 : i32
        %dma_wait3A_356 = tpu.memref_slice %arg6[%dma_wait3A_353, %dma_wait3A_354, %dma_wait3A_355] : memref<4x2x112xi32, #tpu.memory_space<vmem>> -> memref<1x1x112xi32, #tpu.memory_space<vmem>>
        %dma_wait3A_357 = tpu.memref_squeeze %dma_wait3A_356 : memref<1x1x112xi32, #tpu.memory_space<vmem>> -> memref<112xi32, #tpu.memory_space<vmem>>
        %dma_wait3A_358 = arith.constant 0 : i32
        %dma_wait3A_359 = arith.constant 0 : i32
        %dma_wait3A_360 = tpu.memref_slice %arg10[%dma_wait3A_358, %dma_wait3A_359] : memref<10240x48xf32, #tpu.memory_space<vmem_shared>> -> memref<10240x48xf32, #tpu.memory_space<vmem_shared>>
        tpu.wait_indirect_dma semaphore(%arg17 : memref<!tpu.dma_semaphore, #tpu.memory_space<semaphore_mem>>) src(%arg9 : memref<112x48xf32, #tpu.memory_space<vmem>>) dst(%dma_wait3A_360 : memref<10240x48xf32, #tpu.memory_space<vmem_shared>>)
      } else {
      }
      %scan3A_154 = arith.constant 0 : i32
      %scan3A_155 = arith.constant 112 : i32
      %scan3A_156 = arith.addi %scan3A_154, %scan3A_155 : i32
      %scan3A_157 = arith.constant 1 : i32
      scf.for %scan3A_353 = %scan3A_154 to %scan3A_156 step %scan3A_157  : i32 {
        %mul3A_354 = arith.constant 1 : i32
        %mul3A_355 = arith.muli %scan3A_353, %mul3A_354 : i32
        %add3A_356 = arith.constant 0 : i32
        %add3A_357 = arith.addi %add3A_356, %mul3A_355 : i32
        %get3A = arith.constant 0 : i32
        %get3A_358 = arith.index_cast %get3A : i32 to index
        %get3A_359 = arith.index_cast %add3A_357 : i32 to index
        %get3A_360 = arith.constant 32 : index
        %get3A_361 = tpu.vector_load %arg8[%get3A_358, %get3A_359, %get3A_360] {strides = array<i32>} : memref<2x112x64xbf16, #tpu.memory_space<vmem>>, vector<32xbf16>,
        %unpack3A = tpu.unpack_subelements %get3A_361, 0 {pack_format = #tpu.pack_format<interleaved>} : vector<32xbf16> -> vector<16xf32>
        %unpack3A_362 = tpu.unpack_subelements %get3A_361, 1 {pack_format = #tpu.pack_format<interleaved>} : vector<32xbf16> -> vector<16xf32>
        %get3A_363 = arith.constant 0 : i32
        %get3A_364 = arith.index_cast %get3A_363 : i32 to index
        %get3A_365 = arith.index_cast %add3A_357 : i32 to index
        %get3A_366 = arith.constant 0 : index
        %get3A_367 = tpu.vector_load %arg7[%get3A_364, %get3A_365, %get3A_366] {strides = array<i32>} : memref<2x112x16xf32, #tpu.memory_space<vmem>>, vector<16xf32>,
        %add3A_368 = arith.addf %unpack3A, %get3A_367 : vector<16xf32>
        %mul3A_369 = arith.constant 2.000000e-01 : f32
        %mul3A_370 = vector.broadcast %mul3A_369 : f32 to vector<16xf32>
        %mul3A_371 = arith.mulf %mul3A_370, %add3A_368 : vector<16xf32>
        %max3A = arith.maximumf %add3A_368, %mul3A_371 : vector<16xf32>
        %exp3A = math.exp %max3A : vector<16xf32>
        %swap3A = arith.index_cast %add3A_357 : i32 to index
        %swap3A_372 = arith.constant 32 : index
        %swap3A_373 = tpu.vector_load %arg9[%swap3A, %swap3A_372] {strides = array<i32>} : memref<112x48xf32, #tpu.memory_space<vmem>>, vector<16xf32>,
        tpu.vector_store %arg9[%swap3A, %swap3A_372], %exp3A {strides = array<i32>} : memref<112x48xf32, #tpu.memory_space<vmem>>, vector<16xf32>,
        %get3A_374 = arith.constant 0 : i32
        %get3A_375 = arith.index_cast %get3A_374 : i32 to index
        %get3A_376 = arith.index_cast %add3A_357 : i32 to index
        %get3A_377 = arith.constant 0 : index
        %get3A_378 = tpu.vector_load %arg8[%get3A_375, %get3A_376, %get3A_377] {strides = array<i32>} : memref<2x112x64xbf16, #tpu.memory_space<vmem>>, vector<32xbf16>,
        %unpack3A_379 = tpu.unpack_subelements %get3A_378, 0 {pack_format = #tpu.pack_format<interleaved>} : vector<32xbf16> -> vector<16xf32>
        %unpack3A_380 = tpu.unpack_subelements %get3A_378, 1 {pack_format = #tpu.pack_format<interleaved>} : vector<32xbf16> -> vector<16xf32>
        %broadcast_in_dim3A = arith.constant 0 : i32
        %broadcast_in_dim3A_381 = vector.broadcast %broadcast_in_dim3A : i32 to vector<16x1xi32>
        %gather3A = vector.shape_cast %broadcast_in_dim3A_381 : vector<16x1xi32> to vector<16xi32>
        %gather3A_382 = tpu.dynamic_gather %exp3A[%gather3A] in [0] : vector<16xf32>, vector<16xi32> -> vector<16xf32>
        %broadcast_in_dim3A_383 = arith.constant 0 : i32
        %broadcast_in_dim3A_384 = vector.broadcast %broadcast_in_dim3A_383 : i32 to vector<16x1xi32>
        %gather3A_385 = vector.shape_cast %broadcast_in_dim3A_384 : vector<16x1xi32> to vector<16xi32>
        %gather3A_386 = tpu.dynamic_gather %exp3A[%gather3A_385] in [0] : vector<16xf32>, vector<16xi32> -> vector<16xf32>
        %mul3A_387 = arith.mulf %unpack3A_379, %gather3A_382 : vector<16xf32>
        %swap3A_388 = arith.index_cast %add3A_357 : i32 to index
        %swap3A_389 = arith.constant 0 : index
        %swap3A_390 = tpu.vector_load %arg9[%swap3A_388, %swap3A_389] {strides = array<i32>} : memref<112x48xf32, #tpu.memory_space<vmem>>, vector<16xf32>,
        tpu.vector_store %arg9[%swap3A_388, %swap3A_389], %mul3A_387 {strides = array<i32>} : memref<112x48xf32, #tpu.memory_space<vmem>>, vector<16xf32>,
        %mul3A_391 = arith.mulf %unpack3A_380, %gather3A_386 : vector<16xf32>
        %swap3A_392 = arith.index_cast %add3A_357 : i32 to index
        %swap3A_393 = arith.constant 16 : index
        %swap3A_394 = tpu.vector_load %arg9[%swap3A_392, %swap3A_393] {strides = array<i32>} : memref<112x48xf32, #tpu.memory_space<vmem>>, vector<16xf32>,
        tpu.vector_store %arg9[%swap3A_392, %swap3A_393], %mul3A_391 {strides = array<i32>} : memref<112x48xf32, #tpu.memory_space<vmem>>, vector<16xf32>,
      }
      %scan3A_158 = arith.constant 112 : i32
      %dma_start3A_159 = arith.constant 0 : i32
      %dma_start3A_160 = arith.constant 1 : i32
      %dma_start3A_161 = arith.constant 0 : i32
      %dma_start3A_162 = tpu.memref_slice %arg6[%dma_start3A_159, %dma_start3A_160, %dma_start3A_161] : memref<4x2x112xi32, #tpu.memory_space<vmem>> -> memref<1x1x112xi32, #tpu.memory_space<vmem>>
      %dma_start3A_163 = tpu.memref_squeeze %dma_start3A_162 : memref<1x1x112xi32, #tpu.memory_space<vmem>> -> memref<112xi32, #tpu.memory_space<vmem>>
      %dma_start3A_164 = arith.constant 0 : i32
      %dma_start3A_165 = arith.constant 0 : i32
      %dma_start3A_166 = tpu.memref_slice %arg10[%dma_start3A_164, %dma_start3A_165] : memref<10240x48xf32, #tpu.memory_space<vmem_shared>> -> memref<10240x48xf32, #tpu.memory_space<vmem_shared>>
      tpu.enqueue_indirect_dma source(%arg9 : memref<112x48xf32, #tpu.memory_space<vmem>>) target(%dma_start3A_166 : memref<10240x48xf32, #tpu.memory_space<vmem_shared>>) offsets(%dma_start3A_163 : memref<112xi32, #tpu.memory_space<vmem>>) semaphore(%arg17 : memref<!tpu.dma_semaphore, #tpu.memory_space<semaphore_mem>>) {add = true}
      %mul3A_167 = arith.constant 4 : i32
      %mul3A_168 = arith.muli %mul3A_167, %add3A_108 : i32
      %add3A_169 = arith.constant 1 : i32
      %add3A_170 = arith.addi %mul3A_168, %add3A_169 : i32
      %add3A_171 = arith.constant 1 : i32
      %add3A_172 = arith.addi %add3A_170, %add3A_171 : i32
      %lt3A_173 = arith.constant 92 : i32
      %lt3A_174 = arith.cmpi slt, %add3A_172, %lt3A_173 : i32
      %convert_element_type3A_175 = arith.extui %lt3A_174 : i1 to i32
      %cond3A_176 = arith.constant 0 : i32
      %cond3A_177 = arith.cmpi ne, %convert_element_type3A_175, %cond3A_176 : i32
      scf.if %cond3A_177 {
        %dma_wait3A_353 = arith.constant 2 : i32
        %dma_wait3A_354 = arith.constant 0 : i32
        %dma_wait3A_355 = arith.constant 0 : i32
        %dma_wait3A_356 = tpu.memref_slice %arg6[%dma_wait3A_353, %dma_wait3A_354, %dma_wait3A_355] : memref<4x2x112xi32, #tpu.memory_space<vmem>> -> memref<1x2x112xi32, #tpu.memory_space<vmem>>
        %dma_wait3A_357 = tpu.memref_squeeze %dma_wait3A_356 : memref<1x2x112xi32, #tpu.memory_space<vmem>> -> memref<2x112xi32, #tpu.memory_space<vmem>>
        %dma_wait3A_358 = arith.constant 0 : i32
        %dma_wait3A_359 = arith.constant 0 : i32
        %dma_wait3A_360 = tpu.memref_slice %arg4[%dma_wait3A_358, %dma_wait3A_359] : memref<2x329728xi32, #tpu.memory_space<hbm>> -> memref<2x112xi32, #tpu.memory_space<hbm>>
        %dma_wait3A_361 = arith.constant 0 : i32
        %dma_wait3A_362 = arith.constant 0 : i32
        %dma_wait3A_363 = tpu.memref_slice %arg6[%dma_wait3A_353, %dma_wait3A_361, %dma_wait3A_362] : memref<4x2x112xi32, #tpu.memory_space<vmem>> -> memref<1x2x112xi32, #tpu.memory_space<vmem>>
        %dma_wait3A_364 = tpu.memref_squeeze %dma_wait3A_363 : memref<1x2x112xi32, #tpu.memory_space<vmem>> -> memref<2x112xi32, #tpu.memory_space<vmem>>
        %dma_wait3A_365 = arith.constant 0 : i32
        %dma_wait3A_366 = arith.constant 0 : i32
        %dma_wait3A_367 = tpu.memref_slice %arg4[%dma_wait3A_365, %dma_wait3A_366] : memref<2x329728xi32, #tpu.memory_space<hbm>> -> memref<2x112xi32, #tpu.memory_space<hbm>>
        tpu.wait_dma2 semaphore(%arg13 : memref<!tpu.dma_semaphore, #tpu.memory_space<semaphore_mem>>) src(%dma_wait3A_367 : memref<2x112xi32, #tpu.memory_space<hbm>>) dst(%dma_wait3A_364 : memref<2x112xi32, #tpu.memory_space<vmem>>)
        %dma_start3A_368 = arith.constant 2 : i32
        %dma_start3A_369 = arith.constant 1 : i32
        %dma_start3A_370 = arith.constant 0 : i32
        %dma_start3A_371 = arith.constant 0 : i32
        %dma_start3A_372 = arith.constant 0 : i32
        %dma_start3A_373 = tpu.memref_slice %arg7[%dma_start3A_370, %dma_start3A_371, %dma_start3A_372] : memref<2x112x16xf32, #tpu.memory_space<vmem>> -> memref<1x112x16xf32, #tpu.memory_space<vmem>>
        %dma_start3A_374 = tpu.memref_squeeze %dma_start3A_373 : memref<1x112x16xf32, #tpu.memory_space<vmem>> -> memref<112x16xf32, #tpu.memory_space<vmem>>
        %dma_start3A_375 = arith.constant 0 : i32
        %dma_start3A_376 = tpu.memref_slice %arg6[%dma_start3A_368, %dma_start3A_369, %dma_start3A_375] : memref<4x2x112xi32, #tpu.memory_space<vmem>> -> memref<1x1x112xi32, #tpu.memory_space<vmem>>
        %dma_start3A_377 = tpu.memref_squeeze %dma_start3A_376 : memref<1x1x112xi32, #tpu.memory_space<vmem>> -> memref<112xi32, #tpu.memory_space<vmem>>
        %dma_start3A_378 = arith.constant 0 : i32
        %dma_start3A_379 = arith.constant 0 : i32
        %dma_start3A_380 = tpu.memref_slice %arg3[%dma_start3A_378, %dma_start3A_379] : memref<10240x16xf32, #tpu.memory_space<hbm>> -> memref<10240x16xf32, #tpu.memory_space<hbm>>
        tpu.enqueue_indirect_dma source(%dma_start3A_380 : memref<10240x16xf32, #tpu.memory_space<hbm>>) target(%dma_start3A_374 : memref<112x16xf32, #tpu.memory_space<vmem>>) offsets(%dma_start3A_377 : memref<112xi32, #tpu.memory_space<vmem>>) semaphore(%arg15 : memref<!tpu.dma_semaphore, #tpu.memory_space<semaphore_mem>>)
        %dma_start3A_381 = arith.constant 2 : i32
        %dma_start3A_382 = arith.constant 0 : i32
        %dma_start3A_383 = arith.constant 0 : i32
        %dma_start3A_384 = arith.constant 0 : i32
        %dma_start3A_385 = arith.constant 0 : i32
        %dma_start3A_386 = tpu.memref_slice %arg8[%dma_start3A_383, %dma_start3A_384, %dma_start3A_385] : memref<2x112x64xbf16, #tpu.memory_space<vmem>> -> memref<1x112x64xbf16, #tpu.memory_space<vmem>>
        %dma_start3A_387 = tpu.memref_squeeze %dma_start3A_386 : memref<1x112x64xbf16, #tpu.memory_space<vmem>> -> memref<112x64xbf16, #tpu.memory_space<vmem>>
        %dma_start3A_388 = arith.constant 0 : i32
        %dma_start3A_389 = tpu.memref_slice %arg6[%dma_start3A_381, %dma_start3A_382, %dma_start3A_388] : memref<4x2x112xi32, #tpu.memory_space<vmem>> -> memref<1x1x112xi32, #tpu.memory_space<vmem>>
        %dma_start3A_390 = tpu.memref_squeeze %dma_start3A_389 : memref<1x1x112xi32, #tpu.memory_space<vmem>> -> memref<112xi32, #tpu.memory_space<vmem>>
        %dma_start3A_391 = arith.constant 0 : i32
        %dma_start3A_392 = arith.constant 0 : i32
        %dma_start3A_393 = tpu.memref_slice %arg2[%dma_start3A_391, %dma_start3A_392] : memref<10000x64xbf16, #tpu.memory_space<hbm>> -> memref<10000x64xbf16, #tpu.memory_space<hbm>>
        tpu.enqueue_indirect_dma source(%dma_start3A_393 : memref<10000x64xbf16, #tpu.memory_space<hbm>>) target(%dma_start3A_387 : memref<112x64xbf16, #tpu.memory_space<vmem>>) offsets(%dma_start3A_390 : memref<112xi32, #tpu.memory_space<vmem>>) semaphore(%arg15 : memref<!tpu.dma_semaphore, #tpu.memory_space<semaphore_mem>>)
      } else {
      }
      %add3A_178 = arith.constant 2 : i32
      %add3A_179 = arith.addi %add3A_170, %add3A_178 : i32
      %lt3A_180 = arith.constant 92 : i32
      %lt3A_181 = arith.cmpi slt, %add3A_179, %lt3A_180 : i32
      %convert_element_type3A_182 = arith.extui %lt3A_181 : i1 to i32
      %cond3A_183 = arith.constant 0 : i32
      %cond3A_184 = arith.cmpi ne, %convert_element_type3A_182, %cond3A_183 : i32
      scf.if %cond3A_184 {
        %add3A_353 = arith.constant 2 : i32
        %add3A_354 = arith.addi %add3A_170, %add3A_353 : i32
        %mul3A_355 = arith.constant 112 : i32
        %mul3A_356 = arith.muli %add3A_354, %mul3A_355 : i32
        %add3A_357 = arith.addi %mul3A_4, %mul3A_356 : i32
        %dma_start3A_358 = arith.constant 3 : i32
        %dma_start3A_359 = arith.constant 0 : i32
        %dma_start3A_360 = arith.constant 0 : i32
        %dma_start3A_361 = tpu.memref_slice %arg6[%dma_start3A_358, %dma_start3A_359, %dma_start3A_360] : memref<4x2x112xi32, #tpu.memory_space<vmem>> -> memref<1x2x112xi32, #tpu.memory_space<vmem>>
        %dma_start3A_362 = tpu.memref_squeeze %dma_start3A_361 : memref<1x2x112xi32, #tpu.memory_space<vmem>> -> memref<2x112xi32, #tpu.memory_space<vmem>>
        %dma_start3A_363 = arith.constant 0 : i32
        %dma_start3A_364 = tpu.memref_slice %arg4[%dma_start3A_363, %add3A_357] : memref<2x329728xi32, #tpu.memory_space<hbm>> -> memref<2x112xi32, #tpu.memory_space<hbm>>
        %dma_start3A_365 = arith.constant 0 : i32
        %dma_start3A_366 = arith.constant 0 : i32
        %dma_start3A_367 = tpu.memref_slice %arg6[%dma_start3A_358, %dma_start3A_365, %dma_start3A_366] : memref<4x2x112xi32, #tpu.memory_space<vmem>> -> memref<1x2x112xi32, #tpu.memory_space<vmem>>
        %dma_start3A_368 = tpu.memref_squeeze %dma_start3A_367 : memref<1x2x112xi32, #tpu.memory_space<vmem>> -> memref<2x112xi32, #tpu.memory_space<vmem>>
        %dma_start3A_369 = arith.constant 0 : i32
        %dma_start3A_370 = tpu.memref_slice %arg4[%dma_start3A_369, %add3A_357] : memref<2x329728xi32, #tpu.memory_space<hbm>> -> memref<2x112xi32, #tpu.memory_space<hbm>>
        tpu.enqueue_dma source(%dma_start3A_370 : memref<2x112xi32, #tpu.memory_space<hbm>>) target(%dma_start3A_368 : memref<2x112xi32, #tpu.memory_space<vmem>>) target_semaphore(%arg14 : memref<!tpu.dma_semaphore, #tpu.memory_space<semaphore_mem>>)
      } else {
      }
      %dma_wait3A_185 = arith.constant 1 : i32
      %dma_wait3A_186 = arith.constant 1 : i32
      %dma_wait3A_187 = arith.constant 1 : i32
      %dma_wait3A_188 = arith.constant 0 : i32
      %dma_wait3A_189 = arith.constant 0 : i32
      %dma_wait3A_190 = tpu.memref_slice %arg7[%dma_wait3A_187, %dma_wait3A_188, %dma_wait3A_189] : memref<2x112x16xf32, #tpu.memory_space<vmem>> -> memref<1x112x16xf32, #tpu.memory_space<vmem>>
      %dma_wait3A_191 = tpu.memref_squeeze %dma_wait3A_190 : memref<1x112x16xf32, #tpu.memory_space<vmem>> -> memref<112x16xf32, #tpu.memory_space<vmem>>
      %dma_wait3A_192 = arith.constant 0 : i32
      %dma_wait3A_193 = tpu.memref_slice %arg6[%dma_wait3A_185, %dma_wait3A_186, %dma_wait3A_192] : memref<4x2x112xi32, #tpu.memory_space<vmem>> -> memref<1x1x112xi32, #tpu.memory_space<vmem>>
      %dma_wait3A_194 = tpu.memref_squeeze %dma_wait3A_193 : memref<1x1x112xi32, #tpu.memory_space<vmem>> -> memref<112xi32, #tpu.memory_space<vmem>>
      %dma_wait3A_195 = arith.constant 0 : i32
      %dma_wait3A_196 = arith.constant 0 : i32
      %dma_wait3A_197 = tpu.memref_slice %arg3[%dma_wait3A_195, %dma_wait3A_196] : memref<10240x16xf32, #tpu.memory_space<hbm>> -> memref<10240x16xf32, #tpu.memory_space<hbm>>
      tpu.wait_indirect_dma semaphore(%arg16 : memref<!tpu.dma_semaphore, #tpu.memory_space<semaphore_mem>>) src(%dma_wait3A_197 : memref<10240x16xf32, #tpu.memory_space<hbm>>) dst(%dma_wait3A_191 : memref<112x16xf32, #tpu.memory_space<vmem>>)
      %dma_wait3A_198 = arith.constant 1 : i32
      %dma_wait3A_199 = arith.constant 0 : i32
      %dma_wait3A_200 = arith.constant 1 : i32
      %dma_wait3A_201 = arith.constant 0 : i32
      %dma_wait3A_202 = arith.constant 0 : i32
      %dma_wait3A_203 = tpu.memref_slice %arg8[%dma_wait3A_200, %dma_wait3A_201, %dma_wait3A_202] : memref<2x112x64xbf16, #tpu.memory_space<vmem>> -> memref<1x112x64xbf16, #tpu.memory_space<vmem>>
      %dma_wait3A_204 = tpu.memref_squeeze %dma_wait3A_203 : memref<1x112x64xbf16, #tpu.memory_space<vmem>> -> memref<112x64xbf16, #tpu.memory_space<vmem>>
      %dma_wait3A_205 = arith.constant 0 : i32
      %dma_wait3A_206 = tpu.memref_slice %arg6[%dma_wait3A_198, %dma_wait3A_199, %dma_wait3A_205] : memref<4x2x112xi32, #tpu.memory_space<vmem>> -> memref<1x1x112xi32, #tpu.memory_space<vmem>>
      %dma_wait3A_207 = tpu.memref_squeeze %dma_wait3A_206 : memref<1x1x112xi32, #tpu.memory_space<vmem>> -> memref<112xi32, #tpu.memory_space<vmem>>
      %dma_wait3A_208 = arith.constant 0 : i32
      %dma_wait3A_209 = arith.constant 0 : i32
      %dma_wait3A_210 = tpu.memref_slice %arg2[%dma_wait3A_208, %dma_wait3A_209] : memref<10000x64xbf16, #tpu.memory_space<hbm>> -> memref<10000x64xbf16, #tpu.memory_space<hbm>>
      tpu.wait_indirect_dma semaphore(%arg16 : memref<!tpu.dma_semaphore, #tpu.memory_space<semaphore_mem>>) src(%dma_wait3A_210 : memref<10000x64xbf16, #tpu.memory_space<hbm>>) dst(%dma_wait3A_204 : memref<112x64xbf16, #tpu.memory_space<vmem>>)
      %ge3A_211 = arith.constant 1 : i32
      %ge3A_212 = arith.cmpi sge, %add3A_170, %ge3A_211 : i32
      %convert_element_type3A_213 = arith.extui %ge3A_212 : i1 to i32
      %cond3A_214 = arith.constant 0 : i32
      %cond3A_215 = arith.cmpi ne, %convert_element_type3A_213, %cond3A_214 : i32
      scf.if %cond3A_215 {
        %dma_wait3A_353 = arith.constant 0 : i32
        %dma_wait3A_354 = arith.constant 1 : i32
        %dma_wait3A_355 = arith.constant 0 : i32
        %dma_wait3A_356 = tpu.memref_slice %arg6[%dma_wait3A_353, %dma_wait3A_354, %dma_wait3A_355] : memref<4x2x112xi32, #tpu.memory_space<vmem>> -> memref<1x1x112xi32, #tpu.memory_space<vmem>>
        %dma_wait3A_357 = tpu.memref_squeeze %dma_wait3A_356 : memref<1x1x112xi32, #tpu.memory_space<vmem>> -> memref<112xi32, #tpu.memory_space<vmem>>
        %dma_wait3A_358 = arith.constant 0 : i32
        %dma_wait3A_359 = arith.constant 0 : i32
        %dma_wait3A_360 = tpu.memref_slice %arg10[%dma_wait3A_358, %dma_wait3A_359] : memref<10240x48xf32, #tpu.memory_space<vmem_shared>> -> memref<10240x48xf32, #tpu.memory_space<vmem_shared>>
        tpu.wait_indirect_dma semaphore(%arg17 : memref<!tpu.dma_semaphore, #tpu.memory_space<semaphore_mem>>) src(%arg9 : memref<112x48xf32, #tpu.memory_space<vmem>>) dst(%dma_wait3A_360 : memref<10240x48xf32, #tpu.memory_space<vmem_shared>>)
      } else {
      }
      %scan3A_216 = arith.constant 0 : i32
      %scan3A_217 = arith.constant 112 : i32
      %scan3A_218 = arith.addi %scan3A_216, %scan3A_217 : i32
      %scan3A_219 = arith.constant 1 : i32
      scf.for %scan3A_353 = %scan3A_216 to %scan3A_218 step %scan3A_219  : i32 {
        %mul3A_354 = arith.constant 1 : i32
        %mul3A_355 = arith.muli %scan3A_353, %mul3A_354 : i32
        %add3A_356 = arith.constant 0 : i32
        %add3A_357 = arith.addi %add3A_356, %mul3A_355 : i32
        %get3A = arith.constant 1 : i32
        %get3A_358 = arith.index_cast %get3A : i32 to index
        %get3A_359 = arith.index_cast %add3A_357 : i32 to index
        %get3A_360 = arith.constant 32 : index
        %get3A_361 = tpu.vector_load %arg8[%get3A_358, %get3A_359, %get3A_360] {strides = array<i32>} : memref<2x112x64xbf16, #tpu.memory_space<vmem>>, vector<32xbf16>,
        %unpack3A = tpu.unpack_subelements %get3A_361, 0 {pack_format = #tpu.pack_format<interleaved>} : vector<32xbf16> -> vector<16xf32>
        %unpack3A_362 = tpu.unpack_subelements %get3A_361, 1 {pack_format = #tpu.pack_format<interleaved>} : vector<32xbf16> -> vector<16xf32>
        %get3A_363 = arith.constant 1 : i32
        %get3A_364 = arith.index_cast %get3A_363 : i32 to index
        %get3A_365 = arith.index_cast %add3A_357 : i32 to index
        %get3A_366 = arith.constant 0 : index
        %get3A_367 = tpu.vector_load %arg7[%get3A_364, %get3A_365, %get3A_366] {strides = array<i32>} : memref<2x112x16xf32, #tpu.memory_space<vmem>>, vector<16xf32>,
        %add3A_368 = arith.addf %unpack3A, %get3A_367 : vector<16xf32>
        %mul3A_369 = arith.constant 2.000000e-01 : f32
        %mul3A_370 = vector.broadcast %mul3A_369 : f32 to vector<16xf32>
        %mul3A_371 = arith.mulf %mul3A_370, %add3A_368 : vector<16xf32>
        %max3A = arith.maximumf %add3A_368, %mul3A_371 : vector<16xf32>
        %exp3A = math.exp %max3A : vector<16xf32>
        %swap3A = arith.index_cast %add3A_357 : i32 to index
        %swap3A_372 = arith.constant 32 : index
        %swap3A_373 = tpu.vector_load %arg9[%swap3A, %swap3A_372] {strides = array<i32>} : memref<112x48xf32, #tpu.memory_space<vmem>>, vector<16xf32>,
        tpu.vector_store %arg9[%swap3A, %swap3A_372], %exp3A {strides = array<i32>} : memref<112x48xf32, #tpu.memory_space<vmem>>, vector<16xf32>,
        %get3A_374 = arith.constant 1 : i32
        %get3A_375 = arith.index_cast %get3A_374 : i32 to index
        %get3A_376 = arith.index_cast %add3A_357 : i32 to index
        %get3A_377 = arith.constant 0 : index
        %get3A_378 = tpu.vector_load %arg8[%get3A_375, %get3A_376, %get3A_377] {strides = array<i32>} : memref<2x112x64xbf16, #tpu.memory_space<vmem>>, vector<32xbf16>,
        %unpack3A_379 = tpu.unpack_subelements %get3A_378, 0 {pack_format = #tpu.pack_format<interleaved>} : vector<32xbf16> -> vector<16xf32>
        %unpack3A_380 = tpu.unpack_subelements %get3A_378, 1 {pack_format = #tpu.pack_format<interleaved>} : vector<32xbf16> -> vector<16xf32>
        %broadcast_in_dim3A = arith.constant 0 : i32
        %broadcast_in_dim3A_381 = vector.broadcast %broadcast_in_dim3A : i32 to vector<16x1xi32>
        %gather3A = vector.shape_cast %broadcast_in_dim3A_381 : vector<16x1xi32> to vector<16xi32>
        %gather3A_382 = tpu.dynamic_gather %exp3A[%gather3A] in [0] : vector<16xf32>, vector<16xi32> -> vector<16xf32>
        %broadcast_in_dim3A_383 = arith.constant 0 : i32
        %broadcast_in_dim3A_384 = vector.broadcast %broadcast_in_dim3A_383 : i32 to vector<16x1xi32>
        %gather3A_385 = vector.shape_cast %broadcast_in_dim3A_384 : vector<16x1xi32> to vector<16xi32>
        %gather3A_386 = tpu.dynamic_gather %exp3A[%gather3A_385] in [0] : vector<16xf32>, vector<16xi32> -> vector<16xf32>
        %mul3A_387 = arith.mulf %unpack3A_379, %gather3A_382 : vector<16xf32>
        %swap3A_388 = arith.index_cast %add3A_357 : i32 to index
        %swap3A_389 = arith.constant 0 : index
        %swap3A_390 = tpu.vector_load %arg9[%swap3A_388, %swap3A_389] {strides = array<i32>} : memref<112x48xf32, #tpu.memory_space<vmem>>, vector<16xf32>,
        tpu.vector_store %arg9[%swap3A_388, %swap3A_389], %mul3A_387 {strides = array<i32>} : memref<112x48xf32, #tpu.memory_space<vmem>>, vector<16xf32>,
        %mul3A_391 = arith.mulf %unpack3A_380, %gather3A_386 : vector<16xf32>
        %swap3A_392 = arith.index_cast %add3A_357 : i32 to index
        %swap3A_393 = arith.constant 16 : index
        %swap3A_394 = tpu.vector_load %arg9[%swap3A_392, %swap3A_393] {strides = array<i32>} : memref<112x48xf32, #tpu.memory_space<vmem>>, vector<16xf32>,
        tpu.vector_store %arg9[%swap3A_392, %swap3A_393], %mul3A_391 {strides = array<i32>} : memref<112x48xf32, #tpu.memory_space<vmem>>, vector<16xf32>,
      }
      %scan3A_220 = arith.constant 112 : i32
      %dma_start3A_221 = arith.constant 1 : i32
      %dma_start3A_222 = arith.constant 1 : i32
      %dma_start3A_223 = arith.constant 0 : i32
      %dma_start3A_224 = tpu.memref_slice %arg6[%dma_start3A_221, %dma_start3A_222, %dma_start3A_223] : memref<4x2x112xi32, #tpu.memory_space<vmem>> -> memref<1x1x112xi32, #tpu.memory_space<vmem>>
      %dma_start3A_225 = tpu.memref_squeeze %dma_start3A_224 : memref<1x1x112xi32, #tpu.memory_space<vmem>> -> memref<112xi32, #tpu.memory_space<vmem>>
      %dma_start3A_226 = arith.constant 0 : i32
      %dma_start3A_227 = arith.constant 0 : i32
      %dma_start3A_228 = tpu.memref_slice %arg10[%dma_start3A_226, %dma_start3A_227] : memref<10240x48xf32, #tpu.memory_space<vmem_shared>> -> memref<10240x48xf32, #tpu.memory_space<vmem_shared>>
      tpu.enqueue_indirect_dma source(%arg9 : memref<112x48xf32, #tpu.memory_space<vmem>>) target(%dma_start3A_228 : memref<10240x48xf32, #tpu.memory_space<vmem_shared>>) offsets(%dma_start3A_225 : memref<112xi32, #tpu.memory_space<vmem>>) semaphore(%arg17 : memref<!tpu.dma_semaphore, #tpu.memory_space<semaphore_mem>>) {add = true}
      %mul3A_229 = arith.constant 4 : i32
      %mul3A_230 = arith.muli %mul3A_229, %add3A_108 : i32
      %add3A_231 = arith.constant 2 : i32
      %add3A_232 = arith.addi %mul3A_230, %add3A_231 : i32
      %add3A_233 = arith.constant 1 : i32
      %add3A_234 = arith.addi %add3A_232, %add3A_233 : i32
      %lt3A_235 = arith.constant 92 : i32
      %lt3A_236 = arith.cmpi slt, %add3A_234, %lt3A_235 : i32
      %convert_element_type3A_237 = arith.extui %lt3A_236 : i1 to i32
      %cond3A_238 = arith.constant 0 : i32
      %cond3A_239 = arith.cmpi ne, %convert_element_type3A_237, %cond3A_238 : i32
      scf.if %cond3A_239 {
        %dma_wait3A_353 = arith.constant 3 : i32
        %dma_wait3A_354 = arith.constant 0 : i32
        %dma_wait3A_355 = arith.constant 0 : i32
        %dma_wait3A_356 = tpu.memref_slice %arg6[%dma_wait3A_353, %dma_wait3A_354, %dma_wait3A_355] : memref<4x2x112xi32, #tpu.memory_space<vmem>> -> memref<1x2x112xi32, #tpu.memory_space<vmem>>
        %dma_wait3A_357 = tpu.memref_squeeze %dma_wait3A_356 : memref<1x2x112xi32, #tpu.memory_space<vmem>> -> memref<2x112xi32, #tpu.memory_space<vmem>>
        %dma_wait3A_358 = arith.constant 0 : i32
        %dma_wait3A_359 = arith.constant 0 : i32
        %dma_wait3A_360 = tpu.memref_slice %arg4[%dma_wait3A_358, %dma_wait3A_359] : memref<2x329728xi32, #tpu.memory_space<hbm>> -> memref<2x112xi32, #tpu.memory_space<hbm>>
        %dma_wait3A_361 = arith.constant 0 : i32
        %dma_wait3A_362 = arith.constant 0 : i32
        %dma_wait3A_363 = tpu.memref_slice %arg6[%dma_wait3A_353, %dma_wait3A_361, %dma_wait3A_362] : memref<4x2x112xi32, #tpu.memory_space<vmem>> -> memref<1x2x112xi32, #tpu.memory_space<vmem>>
        %dma_wait3A_364 = tpu.memref_squeeze %dma_wait3A_363 : memref<1x2x112xi32, #tpu.memory_space<vmem>> -> memref<2x112xi32, #tpu.memory_space<vmem>>
        %dma_wait3A_365 = arith.constant 0 : i32
        %dma_wait3A_366 = arith.constant 0 : i32
        %dma_wait3A_367 = tpu.memref_slice %arg4[%dma_wait3A_365, %dma_wait3A_366] : memref<2x329728xi32, #tpu.memory_space<hbm>> -> memref<2x112xi32, #tpu.memory_space<hbm>>
        tpu.wait_dma2 semaphore(%arg14 : memref<!tpu.dma_semaphore, #tpu.memory_space<semaphore_mem>>) src(%dma_wait3A_367 : memref<2x112xi32, #tpu.memory_space<hbm>>) dst(%dma_wait3A_364 : memref<2x112xi32, #tpu.memory_space<vmem>>)
        %dma_start3A_368 = arith.constant 3 : i32
        %dma_start3A_369 = arith.constant 1 : i32
        %dma_start3A_370 = arith.constant 1 : i32
        %dma_start3A_371 = arith.constant 0 : i32
        %dma_start3A_372 = arith.constant 0 : i32
        %dma_start3A_373 = tpu.memref_slice %arg7[%dma_start3A_370, %dma_start3A_371, %dma_start3A_372] : memref<2x112x16xf32, #tpu.memory_space<vmem>> -> memref<1x112x16xf32, #tpu.memory_space<vmem>>
        %dma_start3A_374 = tpu.memref_squeeze %dma_start3A_373 : memref<1x112x16xf32, #tpu.memory_space<vmem>> -> memref<112x16xf32, #tpu.memory_space<vmem>>
        %dma_start3A_375 = arith.constant 0 : i32
        %dma_start3A_376 = tpu.memref_slice %arg6[%dma_start3A_368, %dma_start3A_369, %dma_start3A_375] : memref<4x2x112xi32, #tpu.memory_space<vmem>> -> memref<1x1x112xi32, #tpu.memory_space<vmem>>
        %dma_start3A_377 = tpu.memref_squeeze %dma_start3A_376 : memref<1x1x112xi32, #tpu.memory_space<vmem>> -> memref<112xi32, #tpu.memory_space<vmem>>
        %dma_start3A_378 = arith.constant 0 : i32
        %dma_start3A_379 = arith.constant 0 : i32
        %dma_start3A_380 = tpu.memref_slice %arg3[%dma_start3A_378, %dma_start3A_379] : memref<10240x16xf32, #tpu.memory_space<hbm>> -> memref<10240x16xf32, #tpu.memory_space<hbm>>
        tpu.enqueue_indirect_dma source(%dma_start3A_380 : memref<10240x16xf32, #tpu.memory_space<hbm>>) target(%dma_start3A_374 : memref<112x16xf32, #tpu.memory_space<vmem>>) offsets(%dma_start3A_377 : memref<112xi32, #tpu.memory_space<vmem>>) semaphore(%arg16 : memref<!tpu.dma_semaphore, #tpu.memory_space<semaphore_mem>>)
        %dma_start3A_381 = arith.constant 3 : i32
        %dma_start3A_382 = arith.constant 0 : i32
        %dma_start3A_383 = arith.constant 1 : i32
        %dma_start3A_384 = arith.constant 0 : i32
        %dma_start3A_385 = arith.constant 0 : i32
        %dma_start3A_386 = tpu.memref_slice %arg8[%dma_start3A_383, %dma_start3A_384, %dma_start3A_385] : memref<2x112x64xbf16, #tpu.memory_space<vmem>> -> memref<1x112x64xbf16, #tpu.memory_space<vmem>>
        %dma_start3A_387 = tpu.memref_squeeze %dma_start3A_386 : memref<1x112x64xbf16, #tpu.memory_space<vmem>> -> memref<112x64xbf16, #tpu.memory_space<vmem>>
        %dma_start3A_388 = arith.constant 0 : i32
        %dma_start3A_389 = tpu.memref_slice %arg6[%dma_start3A_381, %dma_start3A_382, %dma_start3A_388] : memref<4x2x112xi32, #tpu.memory_space<vmem>> -> memref<1x1x112xi32, #tpu.memory_space<vmem>>
        %dma_start3A_390 = tpu.memref_squeeze %dma_start3A_389 : memref<1x1x112xi32, #tpu.memory_space<vmem>> -> memref<112xi32, #tpu.memory_space<vmem>>
        %dma_start3A_391 = arith.constant 0 : i32
        %dma_start3A_392 = arith.constant 0 : i32
        %dma_start3A_393 = tpu.memref_slice %arg2[%dma_start3A_391, %dma_start3A_392] : memref<10000x64xbf16, #tpu.memory_space<hbm>> -> memref<10000x64xbf16, #tpu.memory_space<hbm>>
        tpu.enqueue_indirect_dma source(%dma_start3A_393 : memref<10000x64xbf16, #tpu.memory_space<hbm>>) target(%dma_start3A_387 : memref<112x64xbf16, #tpu.memory_space<vmem>>) offsets(%dma_start3A_390 : memref<112xi32, #tpu.memory_space<vmem>>) semaphore(%arg16 : memref<!tpu.dma_semaphore, #tpu.memory_space<semaphore_mem>>)
      } else {
      }
      %add3A_240 = arith.constant 2 : i32
      %add3A_241 = arith.addi %add3A_232, %add3A_240 : i32
      %lt3A_242 = arith.constant 92 : i32
      %lt3A_243 = arith.cmpi slt, %add3A_241, %lt3A_242 : i32
      %convert_element_type3A_244 = arith.extui %lt3A_243 : i1 to i32
      %cond3A_245 = arith.constant 0 : i32
      %cond3A_246 = arith.cmpi ne, %convert_element_type3A_244, %cond3A_245 : i32
      scf.if %cond3A_246 {
        %add3A_353 = arith.constant 2 : i32
        %add3A_354 = arith.addi %add3A_232, %add3A_353 : i32
        %mul3A_355 = arith.constant 112 : i32
        %mul3A_356 = arith.muli %add3A_354, %mul3A_355 : i32
        %add3A_357 = arith.addi %mul3A_4, %mul3A_356 : i32
        %dma_start3A_358 = arith.constant 0 : i32
        %dma_start3A_359 = arith.constant 0 : i32
        %dma_start3A_360 = arith.constant 0 : i32
        %dma_start3A_361 = tpu.memref_slice %arg6[%dma_start3A_358, %dma_start3A_359, %dma_start3A_360] : memref<4x2x112xi32, #tpu.memory_space<vmem>> -> memref<1x2x112xi32, #tpu.memory_space<vmem>>
        %dma_start3A_362 = tpu.memref_squeeze %dma_start3A_361 : memref<1x2x112xi32, #tpu.memory_space<vmem>> -> memref<2x112xi32, #tpu.memory_space<vmem>>
        %dma_start3A_363 = arith.constant 0 : i32
        %dma_start3A_364 = tpu.memref_slice %arg4[%dma_start3A_363, %add3A_357] : memref<2x329728xi32, #tpu.memory_space<hbm>> -> memref<2x112xi32, #tpu.memory_space<hbm>>
        %dma_start3A_365 = arith.constant 0 : i32
        %dma_start3A_366 = arith.constant 0 : i32
        %dma_start3A_367 = tpu.memref_slice %arg6[%dma_start3A_358, %dma_start3A_365, %dma_start3A_366] : memref<4x2x112xi32, #tpu.memory_space<vmem>> -> memref<1x2x112xi32, #tpu.memory_space<vmem>>
        %dma_start3A_368 = tpu.memref_squeeze %dma_start3A_367 : memref<1x2x112xi32, #tpu.memory_space<vmem>> -> memref<2x112xi32, #tpu.memory_space<vmem>>
        %dma_start3A_369 = arith.constant 0 : i32
        %dma_start3A_370 = tpu.memref_slice %arg4[%dma_start3A_369, %add3A_357] : memref<2x329728xi32, #tpu.memory_space<hbm>> -> memref<2x112xi32, #tpu.memory_space<hbm>>
        tpu.enqueue_dma source(%dma_start3A_370 : memref<2x112xi32, #tpu.memory_space<hbm>>) target(%dma_start3A_368 : memref<2x112xi32, #tpu.memory_space<vmem>>) target_semaphore(%arg11 : memref<!tpu.dma_semaphore, #tpu.memory_space<semaphore_mem>>)
      } else {
      }
      %dma_wait3A_247 = arith.constant 2 : i32
      %dma_wait3A_248 = arith.constant 1 : i32
      %dma_wait3A_249 = arith.constant 0 : i32
      %dma_wait3A_250 = arith.constant 0 : i32
      %dma_wait3A_251 = arith.constant 0 : i32
      %dma_wait3A_252 = tpu.memref_slice %arg7[%dma_wait3A_249, %dma_wait3A_250, %dma_wait3A_251] : memref<2x112x16xf32, #tpu.memory_space<vmem>> -> memref<1x112x16xf32, #tpu.memory_space<vmem>>
      %dma_wait3A_253 = tpu.memref_squeeze %dma_wait3A_252 : memref<1x112x16xf32, #tpu.memory_space<vmem>> -> memref<112x16xf32, #tpu.memory_space<vmem>>
      %dma_wait3A_254 = arith.constant 0 : i32
      %dma_wait3A_255 = tpu.memref_slice %arg6[%dma_wait3A_247, %dma_wait3A_248, %dma_wait3A_254] : memref<4x2x112xi32, #tpu.memory_space<vmem>> -> memref<1x1x112xi32, #tpu.memory_space<vmem>>
      %dma_wait3A_256 = tpu.memref_squeeze %dma_wait3A_255 : memref<1x1x112xi32, #tpu.memory_space<vmem>> -> memref<112xi32, #tpu.memory_space<vmem>>
      %dma_wait3A_257 = arith.constant 0 : i32
      %dma_wait3A_258 = arith.constant 0 : i32
      %dma_wait3A_259 = tpu.memref_slice %arg3[%dma_wait3A_257, %dma_wait3A_258] : memref<10240x16xf32, #tpu.memory_space<hbm>> -> memref<10240x16xf32, #tpu.memory_space<hbm>>
      tpu.wait_indirect_dma semaphore(%arg15 : memref<!tpu.dma_semaphore, #tpu.memory_space<semaphore_mem>>) src(%dma_wait3A_259 : memref<10240x16xf32, #tpu.memory_space<hbm>>) dst(%dma_wait3A_253 : memref<112x16xf32, #tpu.memory_space<vmem>>)
      %dma_wait3A_260 = arith.constant 2 : i32
      %dma_wait3A_261 = arith.constant 0 : i32
      %dma_wait3A_262 = arith.constant 0 : i32
      %dma_wait3A_263 = arith.constant 0 : i32
      %dma_wait3A_264 = arith.constant 0 : i32
      %dma_wait3A_265 = tpu.memref_slice %arg8[%dma_wait3A_262, %dma_wait3A_263, %dma_wait3A_264] : memref<2x112x64xbf16, #tpu.memory_space<vmem>> -> memref<1x112x64xbf16, #tpu.memory_space<vmem>>
      %dma_wait3A_266 = tpu.memref_squeeze %dma_wait3A_265 : memref<1x112x64xbf16, #tpu.memory_space<vmem>> -> memref<112x64xbf16, #tpu.memory_space<vmem>>
      %dma_wait3A_267 = arith.constant 0 : i32
      %dma_wait3A_268 = tpu.memref_slice %arg6[%dma_wait3A_260, %dma_wait3A_261, %dma_wait3A_267] : memref<4x2x112xi32, #tpu.memory_space<vmem>> -> memref<1x1x112xi32, #tpu.memory_space<vmem>>
      %dma_wait3A_269 = tpu.memref_squeeze %dma_wait3A_268 : memref<1x1x112xi32, #tpu.memory_space<vmem>> -> memref<112xi32, #tpu.memory_space<vmem>>
      %dma_wait3A_270 = arith.constant 0 : i32
      %dma_wait3A_271 = arith.constant 0 : i32
      %dma_wait3A_272 = tpu.memref_slice %arg2[%dma_wait3A_270, %dma_wait3A_271] : memref<10000x64xbf16, #tpu.memory_space<hbm>> -> memref<10000x64xbf16, #tpu.memory_space<hbm>>
      tpu.wait_indirect_dma semaphore(%arg15 : memref<!tpu.dma_semaphore, #tpu.memory_space<semaphore_mem>>) src(%dma_wait3A_272 : memref<10000x64xbf16, #tpu.memory_space<hbm>>) dst(%dma_wait3A_266 : memref<112x64xbf16, #tpu.memory_space<vmem>>)
      %ge3A_273 = arith.constant 1 : i32
      %ge3A_274 = arith.cmpi sge, %add3A_232, %ge3A_273 : i32
      %convert_element_type3A_275 = arith.extui %ge3A_274 : i1 to i32
      %cond3A_276 = arith.constant 0 : i32
      %cond3A_277 = arith.cmpi ne, %convert_element_type3A_275, %cond3A_276 : i32
      scf.if %cond3A_277 {
        %dma_wait3A_353 = arith.constant 1 : i32
        %dma_wait3A_354 = arith.constant 1 : i32
        %dma_wait3A_355 = arith.constant 0 : i32
        %dma_wait3A_356 = tpu.memref_slice %arg6[%dma_wait3A_353, %dma_wait3A_354, %dma_wait3A_355] : memref<4x2x112xi32, #tpu.memory_space<vmem>> -> memref<1x1x112xi32, #tpu.memory_space<vmem>>
        %dma_wait3A_357 = tpu.memref_squeeze %dma_wait3A_356 : memref<1x1x112xi32, #tpu.memory_space<vmem>> -> memref<112xi32, #tpu.memory_space<vmem>>
        %dma_wait3A_358 = arith.constant 0 : i32
        %dma_wait3A_359 = arith.constant 0 : i32
        %dma_wait3A_360 = tpu.memref_slice %arg10[%dma_wait3A_358, %dma_wait3A_359] : memref<10240x48xf32, #tpu.memory_space<vmem_shared>> -> memref<10240x48xf32, #tpu.memory_space<vmem_shared>>
        tpu.wait_indirect_dma semaphore(%arg17 : memref<!tpu.dma_semaphore, #tpu.memory_space<semaphore_mem>>) src(%arg9 : memref<112x48xf32, #tpu.memory_space<vmem>>) dst(%dma_wait3A_360 : memref<10240x48xf32, #tpu.memory_space<vmem_shared>>)
      } else {
      }
      %scan3A_278 = arith.constant 0 : i32
      %scan3A_279 = arith.constant 112 : i32
      %scan3A_280 = arith.addi %scan3A_278, %scan3A_279 : i32
      %scan3A_281 = arith.constant 1 : i32
      scf.for %scan3A_353 = %scan3A_278 to %scan3A_280 step %scan3A_281  : i32 {
        %mul3A_354 = arith.constant 1 : i32
        %mul3A_355 = arith.muli %scan3A_353, %mul3A_354 : i32
        %add3A_356 = arith.constant 0 : i32
        %add3A_357 = arith.addi %add3A_356, %mul3A_355 : i32
        %get3A = arith.constant 0 : i32
        %get3A_358 = arith.index_cast %get3A : i32 to index
        %get3A_359 = arith.index_cast %add3A_357 : i32 to index
        %get3A_360 = arith.constant 32 : index
        %get3A_361 = tpu.vector_load %arg8[%get3A_358, %get3A_359, %get3A_360] {strides = array<i32>} : memref<2x112x64xbf16, #tpu.memory_space<vmem>>, vector<32xbf16>,
        %unpack3A = tpu.unpack_subelements %get3A_361, 0 {pack_format = #tpu.pack_format<interleaved>} : vector<32xbf16> -> vector<16xf32>
        %unpack3A_362 = tpu.unpack_subelements %get3A_361, 1 {pack_format = #tpu.pack_format<interleaved>} : vector<32xbf16> -> vector<16xf32>
        %get3A_363 = arith.constant 0 : i32
        %get3A_364 = arith.index_cast %get3A_363 : i32 to index
        %get3A_365 = arith.index_cast %add3A_357 : i32 to index
        %get3A_366 = arith.constant 0 : index
        %get3A_367 = tpu.vector_load %arg7[%get3A_364, %get3A_365, %get3A_366] {strides = array<i32>} : memref<2x112x16xf32, #tpu.memory_space<vmem>>, vector<16xf32>,
        %add3A_368 = arith.addf %unpack3A, %get3A_367 : vector<16xf32>
        %mul3A_369 = arith.constant 2.000000e-01 : f32
        %mul3A_370 = vector.broadcast %mul3A_369 : f32 to vector<16xf32>
        %mul3A_371 = arith.mulf %mul3A_370, %add3A_368 : vector<16xf32>
        %max3A = arith.maximumf %add3A_368, %mul3A_371 : vector<16xf32>
        %exp3A = math.exp %max3A : vector<16xf32>
        %swap3A = arith.index_cast %add3A_357 : i32 to index
        %swap3A_372 = arith.constant 32 : index
        %swap3A_373 = tpu.vector_load %arg9[%swap3A, %swap3A_372] {strides = array<i32>} : memref<112x48xf32, #tpu.memory_space<vmem>>, vector<16xf32>,
        tpu.vector_store %arg9[%swap3A, %swap3A_372], %exp3A {strides = array<i32>} : memref<112x48xf32, #tpu.memory_space<vmem>>, vector<16xf32>,
        %get3A_374 = arith.constant 0 : i32
        %get3A_375 = arith.index_cast %get3A_374 : i32 to index
        %get3A_376 = arith.index_cast %add3A_357 : i32 to index
        %get3A_377 = arith.constant 0 : index
        %get3A_378 = tpu.vector_load %arg8[%get3A_375, %get3A_376, %get3A_377] {strides = array<i32>} : memref<2x112x64xbf16, #tpu.memory_space<vmem>>, vector<32xbf16>,
        %unpack3A_379 = tpu.unpack_subelements %get3A_378, 0 {pack_format = #tpu.pack_format<interleaved>} : vector<32xbf16> -> vector<16xf32>
        %unpack3A_380 = tpu.unpack_subelements %get3A_378, 1 {pack_format = #tpu.pack_format<interleaved>} : vector<32xbf16> -> vector<16xf32>
        %broadcast_in_dim3A = arith.constant 0 : i32
        %broadcast_in_dim3A_381 = vector.broadcast %broadcast_in_dim3A : i32 to vector<16x1xi32>
        %gather3A = vector.shape_cast %broadcast_in_dim3A_381 : vector<16x1xi32> to vector<16xi32>
        %gather3A_382 = tpu.dynamic_gather %exp3A[%gather3A] in [0] : vector<16xf32>, vector<16xi32> -> vector<16xf32>
        %broadcast_in_dim3A_383 = arith.constant 0 : i32
        %broadcast_in_dim3A_384 = vector.broadcast %broadcast_in_dim3A_383 : i32 to vector<16x1xi32>
        %gather3A_385 = vector.shape_cast %broadcast_in_dim3A_384 : vector<16x1xi32> to vector<16xi32>
        %gather3A_386 = tpu.dynamic_gather %exp3A[%gather3A_385] in [0] : vector<16xf32>, vector<16xi32> -> vector<16xf32>
        %mul3A_387 = arith.mulf %unpack3A_379, %gather3A_382 : vector<16xf32>
        %swap3A_388 = arith.index_cast %add3A_357 : i32 to index
        %swap3A_389 = arith.constant 0 : index
        %swap3A_390 = tpu.vector_load %arg9[%swap3A_388, %swap3A_389] {strides = array<i32>} : memref<112x48xf32, #tpu.memory_space<vmem>>, vector<16xf32>,
        tpu.vector_store %arg9[%swap3A_388, %swap3A_389], %mul3A_387 {strides = array<i32>} : memref<112x48xf32, #tpu.memory_space<vmem>>, vector<16xf32>,
        %mul3A_391 = arith.mulf %unpack3A_380, %gather3A_386 : vector<16xf32>
        %swap3A_392 = arith.index_cast %add3A_357 : i32 to index
        %swap3A_393 = arith.constant 16 : index
        %swap3A_394 = tpu.vector_load %arg9[%swap3A_392, %swap3A_393] {strides = array<i32>} : memref<112x48xf32, #tpu.memory_space<vmem>>, vector<16xf32>,
        tpu.vector_store %arg9[%swap3A_392, %swap3A_393], %mul3A_391 {strides = array<i32>} : memref<112x48xf32, #tpu.memory_space<vmem>>, vector<16xf32>,
      }
      %scan3A_282 = arith.constant 112 : i32
      %dma_start3A_283 = arith.constant 2 : i32
      %dma_start3A_284 = arith.constant 1 : i32
      %dma_start3A_285 = arith.constant 0 : i32
      %dma_start3A_286 = tpu.memref_slice %arg6[%dma_start3A_283, %dma_start3A_284, %dma_start3A_285] : memref<4x2x112xi32, #tpu.memory_space<vmem>> -> memref<1x1x112xi32, #tpu.memory_space<vmem>>
      %dma_start3A_287 = tpu.memref_squeeze %dma_start3A_286 : memref<1x1x112xi32, #tpu.memory_space<vmem>> -> memref<112xi32, #tpu.memory_space<vmem>>
      %dma_start3A_288 = arith.constant 0 : i32
      %dma_start3A_289 = arith.constant 0 : i32
      %dma_start3A_290 = tpu.memref_slice %arg10[%dma_start3A_288, %dma_start3A_289] : memref<10240x48xf32, #tpu.memory_space<vmem_shared>> -> memref<10240x48xf32, #tpu.memory_space<vmem_shared>>
      tpu.enqueue_indirect_dma source(%arg9 : memref<112x48xf32, #tpu.memory_space<vmem>>) target(%dma_start3A_290 : memref<10240x48xf32, #tpu.memory_space<vmem_shared>>) offsets(%dma_start3A_287 : memref<112xi32, #tpu.memory_space<vmem>>) semaphore(%arg17 : memref<!tpu.dma_semaphore, #tpu.memory_space<semaphore_mem>>) {add = true}
      %mul3A_291 = arith.constant 4 : i32
      %mul3A_292 = arith.muli %mul3A_291, %add3A_108 : i32
      %add3A_293 = arith.constant 3 : i32
      %add3A_294 = arith.addi %mul3A_292, %add3A_293 : i32
      %add3A_295 = arith.constant 1 : i32
      %add3A_296 = arith.addi %add3A_294, %add3A_295 : i32
      %lt3A_297 = arith.constant 92 : i32
      %lt3A_298 = arith.cmpi slt, %add3A_296, %lt3A_297 : i32
      %convert_element_type3A_299 = arith.extui %lt3A_298 : i1 to i32
      %cond3A_300 = arith.constant 0 : i32
      %cond3A_301 = arith.cmpi ne, %convert_element_type3A_299, %cond3A_300 : i32
      scf.if %cond3A_301 {
        %dma_wait3A_353 = arith.constant 0 : i32
        %dma_wait3A_354 = arith.constant 0 : i32
        %dma_wait3A_355 = arith.constant 0 : i32
        %dma_wait3A_356 = tpu.memref_slice %arg6[%dma_wait3A_353, %dma_wait3A_354, %dma_wait3A_355] : memref<4x2x112xi32, #tpu.memory_space<vmem>> -> memref<1x2x112xi32, #tpu.memory_space<vmem>>
        %dma_wait3A_357 = tpu.memref_squeeze %dma_wait3A_356 : memref<1x2x112xi32, #tpu.memory_space<vmem>> -> memref<2x112xi32, #tpu.memory_space<vmem>>
        %dma_wait3A_358 = arith.constant 0 : i32
        %dma_wait3A_359 = arith.constant 0 : i32
        %dma_wait3A_360 = tpu.memref_slice %arg4[%dma_wait3A_358, %dma_wait3A_359] : memref<2x329728xi32, #tpu.memory_space<hbm>> -> memref<2x112xi32, #tpu.memory_space<hbm>>
        %dma_wait3A_361 = arith.constant 0 : i32
        %dma_wait3A_362 = arith.constant 0 : i32
        %dma_wait3A_363 = tpu.memref_slice %arg6[%dma_wait3A_353, %dma_wait3A_361, %dma_wait3A_362] : memref<4x2x112xi32, #tpu.memory_space<vmem>> -> memref<1x2x112xi32, #tpu.memory_space<vmem>>
        %dma_wait3A_364 = tpu.memref_squeeze %dma_wait3A_363 : memref<1x2x112xi32, #tpu.memory_space<vmem>> -> memref<2x112xi32, #tpu.memory_space<vmem>>
        %dma_wait3A_365 = arith.constant 0 : i32
        %dma_wait3A_366 = arith.constant 0 : i32
        %dma_wait3A_367 = tpu.memref_slice %arg4[%dma_wait3A_365, %dma_wait3A_366] : memref<2x329728xi32, #tpu.memory_space<hbm>> -> memref<2x112xi32, #tpu.memory_space<hbm>>
        tpu.wait_dma2 semaphore(%arg11 : memref<!tpu.dma_semaphore, #tpu.memory_space<semaphore_mem>>) src(%dma_wait3A_367 : memref<2x112xi32, #tpu.memory_space<hbm>>) dst(%dma_wait3A_364 : memref<2x112xi32, #tpu.memory_space<vmem>>)
        %dma_start3A_368 = arith.constant 0 : i32
        %dma_start3A_369 = arith.constant 1 : i32
        %dma_start3A_370 = arith.constant 0 : i32
        %dma_start3A_371 = arith.constant 0 : i32
        %dma_start3A_372 = arith.constant 0 : i32
        %dma_start3A_373 = tpu.memref_slice %arg7[%dma_start3A_370, %dma_start3A_371, %dma_start3A_372] : memref<2x112x16xf32, #tpu.memory_space<vmem>> -> memref<1x112x16xf32, #tpu.memory_space<vmem>>
        %dma_start3A_374 = tpu.memref_squeeze %dma_start3A_373 : memref<1x112x16xf32, #tpu.memory_space<vmem>> -> memref<112x16xf32, #tpu.memory_space<vmem>>
        %dma_start3A_375 = arith.constant 0 : i32
        %dma_start3A_376 = tpu.memref_slice %arg6[%dma_start3A_368, %dma_start3A_369, %dma_start3A_375] : memref<4x2x112xi32, #tpu.memory_space<vmem>> -> memref<1x1x112xi32, #tpu.memory_space<vmem>>
        %dma_start3A_377 = tpu.memref_squeeze %dma_start3A_376 : memref<1x1x112xi32, #tpu.memory_space<vmem>> -> memref<112xi32, #tpu.memory_space<vmem>>
        %dma_start3A_378 = arith.constant 0 : i32
        %dma_start3A_379 = arith.constant 0 : i32
        %dma_start3A_380 = tpu.memref_slice %arg3[%dma_start3A_378, %dma_start3A_379] : memref<10240x16xf32, #tpu.memory_space<hbm>> -> memref<10240x16xf32, #tpu.memory_space<hbm>>
        tpu.enqueue_indirect_dma source(%dma_start3A_380 : memref<10240x16xf32, #tpu.memory_space<hbm>>) target(%dma_start3A_374 : memref<112x16xf32, #tpu.memory_space<vmem>>) offsets(%dma_start3A_377 : memref<112xi32, #tpu.memory_space<vmem>>) semaphore(%arg15 : memref<!tpu.dma_semaphore, #tpu.memory_space<semaphore_mem>>)
        %dma_start3A_381 = arith.constant 0 : i32
        %dma_start3A_382 = arith.constant 0 : i32
        %dma_start3A_383 = arith.constant 0 : i32
        %dma_start3A_384 = arith.constant 0 : i32
        %dma_start3A_385 = arith.constant 0 : i32
        %dma_start3A_386 = tpu.memref_slice %arg8[%dma_start3A_383, %dma_start3A_384, %dma_start3A_385] : memref<2x112x64xbf16, #tpu.memory_space<vmem>> -> memref<1x112x64xbf16, #tpu.memory_space<vmem>>
        %dma_start3A_387 = tpu.memref_squeeze %dma_start3A_386 : memref<1x112x64xbf16, #tpu.memory_space<vmem>> -> memref<112x64xbf16, #tpu.memory_space<vmem>>
        %dma_start3A_388 = arith.constant 0 : i32
        %dma_start3A_389 = tpu.memref_slice %arg6[%dma_start3A_381, %dma_start3A_382, %dma_start3A_388] : memref<4x2x112xi32, #tpu.memory_space<vmem>> -> memref<1x1x112xi32, #tpu.memory_space<vmem>>
        %dma_start3A_390 = tpu.memref_squeeze %dma_start3A_389 : memref<1x1x112xi32, #tpu.memory_space<vmem>> -> memref<112xi32, #tpu.memory_space<vmem>>
        %dma_start3A_391 = arith.constant 0 : i32
        %dma_start3A_392 = arith.constant 0 : i32
        %dma_start3A_393 = tpu.memref_slice %arg2[%dma_start3A_391, %dma_start3A_392] : memref<10000x64xbf16, #tpu.memory_space<hbm>> -> memref<10000x64xbf16, #tpu.memory_space<hbm>>
        tpu.enqueue_indirect_dma source(%dma_start3A_393 : memref<10000x64xbf16, #tpu.memory_space<hbm>>) target(%dma_start3A_387 : memref<112x64xbf16, #tpu.memory_space<vmem>>) offsets(%dma_start3A_390 : memref<112xi32, #tpu.memory_space<vmem>>) semaphore(%arg15 : memref<!tpu.dma_semaphore, #tpu.memory_space<semaphore_mem>>)
      } else {
      }
      %add3A_302 = arith.constant 2 : i32
      %add3A_303 = arith.addi %add3A_294, %add3A_302 : i32
      %lt3A_304 = arith.constant 92 : i32
      %lt3A_305 = arith.cmpi slt, %add3A_303, %lt3A_304 : i32
      %convert_element_type3A_306 = arith.extui %lt3A_305 : i1 to i32
      %cond3A_307 = arith.constant 0 : i32
      %cond3A_308 = arith.cmpi ne, %convert_element_type3A_306, %cond3A_307 : i32
      scf.if %cond3A_308 {
        %add3A_353 = arith.constant 2 : i32
        %add3A_354 = arith.addi %add3A_294, %add3A_353 : i32
        %mul3A_355 = arith.constant 112 : i32
        %mul3A_356 = arith.muli %add3A_354, %mul3A_355 : i32
        %add3A_357 = arith.addi %mul3A_4, %mul3A_356 : i32
        %dma_start3A_358 = arith.constant 1 : i32
        %dma_start3A_359 = arith.constant 0 : i32
        %dma_start3A_360 = arith.constant 0 : i32
        %dma_start3A_361 = tpu.memref_slice %arg6[%dma_start3A_358, %dma_start3A_359, %dma_start3A_360] : memref<4x2x112xi32, #tpu.memory_space<vmem>> -> memref<1x2x112xi32, #tpu.memory_space<vmem>>
        %dma_start3A_362 = tpu.memref_squeeze %dma_start3A_361 : memref<1x2x112xi32, #tpu.memory_space<vmem>> -> memref<2x112xi32, #tpu.memory_space<vmem>>
        %dma_start3A_363 = arith.constant 0 : i32
        %dma_start3A_364 = tpu.memref_slice %arg4[%dma_start3A_363, %add3A_357] : memref<2x329728xi32, #tpu.memory_space<hbm>> -> memref<2x112xi32, #tpu.memory_space<hbm>>
        %dma_start3A_365 = arith.constant 0 : i32
        %dma_start3A_366 = arith.constant 0 : i32
        %dma_start3A_367 = tpu.memref_slice %arg6[%dma_start3A_358, %dma_start3A_365, %dma_start3A_366] : memref<4x2x112xi32, #tpu.memory_space<vmem>> -> memref<1x2x112xi32, #tpu.memory_space<vmem>>
        %dma_start3A_368 = tpu.memref_squeeze %dma_start3A_367 : memref<1x2x112xi32, #tpu.memory_space<vmem>> -> memref<2x112xi32, #tpu.memory_space<vmem>>
        %dma_start3A_369 = arith.constant 0 : i32
        %dma_start3A_370 = tpu.memref_slice %arg4[%dma_start3A_369, %add3A_357] : memref<2x329728xi32, #tpu.memory_space<hbm>> -> memref<2x112xi32, #tpu.memory_space<hbm>>
        tpu.enqueue_dma source(%dma_start3A_370 : memref<2x112xi32, #tpu.memory_space<hbm>>) target(%dma_start3A_368 : memref<2x112xi32, #tpu.memory_space<vmem>>) target_semaphore(%arg12 : memref<!tpu.dma_semaphore, #tpu.memory_space<semaphore_mem>>)
      } else {
      }
      %dma_wait3A_309 = arith.constant 3 : i32
      %dma_wait3A_310 = arith.constant 1 : i32
      %dma_wait3A_311 = arith.constant 1 : i32
      %dma_wait3A_312 = arith.constant 0 : i32
      %dma_wait3A_313 = arith.constant 0 : i32
      %dma_wait3A_314 = tpu.memref_slice %arg7[%dma_wait3A_311, %dma_wait3A_312, %dma_wait3A_313] : memref<2x112x16xf32, #tpu.memory_space<vmem>> -> memref<1x112x16xf32, #tpu.memory_space<vmem>>
      %dma_wait3A_315 = tpu.memref_squeeze %dma_wait3A_314 : memref<1x112x16xf32, #tpu.memory_space<vmem>> -> memref<112x16xf32, #tpu.memory_space<vmem>>
      %dma_wait3A_316 = arith.constant 0 : i32
      %dma_wait3A_317 = tpu.memref_slice %arg6[%dma_wait3A_309, %dma_wait3A_310, %dma_wait3A_316] : memref<4x2x112xi32, #tpu.memory_space<vmem>> -> memref<1x1x112xi32, #tpu.memory_space<vmem>>
      %dma_wait3A_318 = tpu.memref_squeeze %dma_wait3A_317 : memref<1x1x112xi32, #tpu.memory_space<vmem>> -> memref<112xi32, #tpu.memory_space<vmem>>
      %dma_wait3A_319 = arith.constant 0 : i32
      %dma_wait3A_320 = arith.constant 0 : i32
      %dma_wait3A_321 = tpu.memref_slice %arg3[%dma_wait3A_319, %dma_wait3A_320] : memref<10240x16xf32, #tpu.memory_space<hbm>> -> memref<10240x16xf32, #tpu.memory_space<hbm>>
      tpu.wait_indirect_dma semaphore(%arg16 : memref<!tpu.dma_semaphore, #tpu.memory_space<semaphore_mem>>) src(%dma_wait3A_321 : memref<10240x16xf32, #tpu.memory_space<hbm>>) dst(%dma_wait3A_315 : memref<112x16xf32, #tpu.memory_space<vmem>>)
      %dma_wait3A_322 = arith.constant 3 : i32
      %dma_wait3A_323 = arith.constant 0 : i32
      %dma_wait3A_324 = arith.constant 1 : i32
      %dma_wait3A_325 = arith.constant 0 : i32
      %dma_wait3A_326 = arith.constant 0 : i32
      %dma_wait3A_327 = tpu.memref_slice %arg8[%dma_wait3A_324, %dma_wait3A_325, %dma_wait3A_326] : memref<2x112x64xbf16, #tpu.memory_space<vmem>> -> memref<1x112x64xbf16, #tpu.memory_space<vmem>>
      %dma_wait3A_328 = tpu.memref_squeeze %dma_wait3A_327 : memref<1x112x64xbf16, #tpu.memory_space<vmem>> -> memref<112x64xbf16, #tpu.memory_space<vmem>>
      %dma_wait3A_329 = arith.constant 0 : i32
      %dma_wait3A_330 = tpu.memref_slice %arg6[%dma_wait3A_322, %dma_wait3A_323, %dma_wait3A_329] : memref<4x2x112xi32, #tpu.memory_space<vmem>> -> memref<1x1x112xi32, #tpu.memory_space<vmem>>
      %dma_wait3A_331 = tpu.memref_squeeze %dma_wait3A_330 : memref<1x1x112xi32, #tpu.memory_space<vmem>> -> memref<112xi32, #tpu.memory_space<vmem>>
      %dma_wait3A_332 = arith.constant 0 : i32
      %dma_wait3A_333 = arith.constant 0 : i32
      %dma_wait3A_334 = tpu.memref_slice %arg2[%dma_wait3A_332, %dma_wait3A_333] : memref<10000x64xbf16, #tpu.memory_space<hbm>> -> memref<10000x64xbf16, #tpu.memory_space<hbm>>
      tpu.wait_indirect_dma semaphore(%arg16 : memref<!tpu.dma_semaphore, #tpu.memory_space<semaphore_mem>>) src(%dma_wait3A_334 : memref<10000x64xbf16, #tpu.memory_space<hbm>>) dst(%dma_wait3A_328 : memref<112x64xbf16, #tpu.memory_space<vmem>>)
      %ge3A_335 = arith.constant 1 : i32
      %ge3A_336 = arith.cmpi sge, %add3A_294, %ge3A_335 : i32
      %convert_element_type3A_337 = arith.extui %ge3A_336 : i1 to i32
      %cond3A_338 = arith.constant 0 : i32
      %cond3A_339 = arith.cmpi ne, %convert_element_type3A_337, %cond3A_338 : i32
      scf.if %cond3A_339 {
        %dma_wait3A_353 = arith.constant 2 : i32
        %dma_wait3A_354 = arith.constant 1 : i32
        %dma_wait3A_355 = arith.constant 0 : i32
        %dma_wait3A_356 = tpu.memref_slice %arg6[%dma_wait3A_353, %dma_wait3A_354, %dma_wait3A_355] : memref<4x2x112xi32, #tpu.memory_space<vmem>> -> memref<1x1x112xi32, #tpu.memory_space<vmem>>
        %dma_wait3A_357 = tpu.memref_squeeze %dma_wait3A_356 : memref<1x1x112xi32, #tpu.memory_space<vmem>> -> memref<112xi32, #tpu.memory_space<vmem>>
        %dma_wait3A_358 = arith.constant 0 : i32
        %dma_wait3A_359 = arith.constant 0 : i32
        %dma_wait3A_360 = tpu.memref_slice %arg10[%dma_wait3A_358, %dma_wait3A_359] : memref<10240x48xf32, #tpu.memory_space<vmem_shared>> -> memref<10240x48xf32, #tpu.memory_space<vmem_shared>>
        tpu.wait_indirect_dma semaphore(%arg17 : memref<!tpu.dma_semaphore, #tpu.memory_space<semaphore_mem>>) src(%arg9 : memref<112x48xf32, #tpu.memory_space<vmem>>) dst(%dma_wait3A_360 : memref<10240x48xf32, #tpu.memory_space<vmem_shared>>)
      } else {
      }
      %scan3A_340 = arith.constant 0 : i32
      %scan3A_341 = arith.constant 112 : i32
      %scan3A_342 = arith.addi %scan3A_340, %scan3A_341 : i32
      %scan3A_343 = arith.constant 1 : i32
      scf.for %scan3A_353 = %scan3A_340 to %scan3A_342 step %scan3A_343  : i32 {
        %mul3A_354 = arith.constant 1 : i32
        %mul3A_355 = arith.muli %scan3A_353, %mul3A_354 : i32
        %add3A_356 = arith.constant 0 : i32
        %add3A_357 = arith.addi %add3A_356, %mul3A_355 : i32
        %get3A = arith.constant 1 : i32
        %get3A_358 = arith.index_cast %get3A : i32 to index
        %get3A_359 = arith.index_cast %add3A_357 : i32 to index
        %get3A_360 = arith.constant 32 : index
        %get3A_361 = tpu.vector_load %arg8[%get3A_358, %get3A_359, %get3A_360] {strides = array<i32>} : memref<2x112x64xbf16, #tpu.memory_space<vmem>>, vector<32xbf16>,
        %unpack3A = tpu.unpack_subelements %get3A_361, 0 {pack_format = #tpu.pack_format<interleaved>} : vector<32xbf16> -> vector<16xf32>
        %unpack3A_362 = tpu.unpack_subelements %get3A_361, 1 {pack_format = #tpu.pack_format<interleaved>} : vector<32xbf16> -> vector<16xf32>
        %get3A_363 = arith.constant 1 : i32
        %get3A_364 = arith.index_cast %get3A_363 : i32 to index
        %get3A_365 = arith.index_cast %add3A_357 : i32 to index
        %get3A_366 = arith.constant 0 : index
        %get3A_367 = tpu.vector_load %arg7[%get3A_364, %get3A_365, %get3A_366] {strides = array<i32>} : memref<2x112x16xf32, #tpu.memory_space<vmem>>, vector<16xf32>,
        %add3A_368 = arith.addf %unpack3A, %get3A_367 : vector<16xf32>
        %mul3A_369 = arith.constant 2.000000e-01 : f32
        %mul3A_370 = vector.broadcast %mul3A_369 : f32 to vector<16xf32>
        %mul3A_371 = arith.mulf %mul3A_370, %add3A_368 : vector<16xf32>
        %max3A = arith.maximumf %add3A_368, %mul3A_371 : vector<16xf32>
        %exp3A = math.exp %max3A : vector<16xf32>
        %swap3A = arith.index_cast %add3A_357 : i32 to index
        %swap3A_372 = arith.constant 32 : index
        %swap3A_373 = tpu.vector_load %arg9[%swap3A, %swap3A_372] {strides = array<i32>} : memref<112x48xf32, #tpu.memory_space<vmem>>, vector<16xf32>,
        tpu.vector_store %arg9[%swap3A, %swap3A_372], %exp3A {strides = array<i32>} : memref<112x48xf32, #tpu.memory_space<vmem>>, vector<16xf32>,
        %get3A_374 = arith.constant 1 : i32
        %get3A_375 = arith.index_cast %get3A_374 : i32 to index
        %get3A_376 = arith.index_cast %add3A_357 : i32 to index
        %get3A_377 = arith.constant 0 : index
        %get3A_378 = tpu.vector_load %arg8[%get3A_375, %get3A_376, %get3A_377] {strides = array<i32>} : memref<2x112x64xbf16, #tpu.memory_space<vmem>>, vector<32xbf16>,
        %unpack3A_379 = tpu.unpack_subelements %get3A_378, 0 {pack_format = #tpu.pack_format<interleaved>} : vector<32xbf16> -> vector<16xf32>
        %unpack3A_380 = tpu.unpack_subelements %get3A_378, 1 {pack_format = #tpu.pack_format<interleaved>} : vector<32xbf16> -> vector<16xf32>
        %broadcast_in_dim3A = arith.constant 0 : i32
        %broadcast_in_dim3A_381 = vector.broadcast %broadcast_in_dim3A : i32 to vector<16x1xi32>
        %gather3A = vector.shape_cast %broadcast_in_dim3A_381 : vector<16x1xi32> to vector<16xi32>
        %gather3A_382 = tpu.dynamic_gather %exp3A[%gather3A] in [0] : vector<16xf32>, vector<16xi32> -> vector<16xf32>
        %broadcast_in_dim3A_383 = arith.constant 0 : i32
        %broadcast_in_dim3A_384 = vector.broadcast %broadcast_in_dim3A_383 : i32 to vector<16x1xi32>
        %gather3A_385 = vector.shape_cast %broadcast_in_dim3A_384 : vector<16x1xi32> to vector<16xi32>
        %gather3A_386 = tpu.dynamic_gather %exp3A[%gather3A_385] in [0] : vector<16xf32>, vector<16xi32> -> vector<16xf32>
        %mul3A_387 = arith.mulf %unpack3A_379, %gather3A_382 : vector<16xf32>
        %swap3A_388 = arith.index_cast %add3A_357 : i32 to index
        %swap3A_389 = arith.constant 0 : index
        %swap3A_390 = tpu.vector_load %arg9[%swap3A_388, %swap3A_389] {strides = array<i32>} : memref<112x48xf32, #tpu.memory_space<vmem>>, vector<16xf32>,
        tpu.vector_store %arg9[%swap3A_388, %swap3A_389], %mul3A_387 {strides = array<i32>} : memref<112x48xf32, #tpu.memory_space<vmem>>, vector<16xf32>,
        %mul3A_391 = arith.mulf %unpack3A_380, %gather3A_386 : vector<16xf32>
        %swap3A_392 = arith.index_cast %add3A_357 : i32 to index
        %swap3A_393 = arith.constant 16 : index
        %swap3A_394 = tpu.vector_load %arg9[%swap3A_392, %swap3A_393] {strides = array<i32>} : memref<112x48xf32, #tpu.memory_space<vmem>>, vector<16xf32>,
        tpu.vector_store %arg9[%swap3A_392, %swap3A_393], %mul3A_391 {strides = array<i32>} : memref<112x48xf32, #tpu.memory_space<vmem>>, vector<16xf32>,
      }
      %scan3A_344 = arith.constant 112 : i32
      %dma_start3A_345 = arith.constant 3 : i32
      %dma_start3A_346 = arith.constant 1 : i32
      %dma_start3A_347 = arith.constant 0 : i32
      %dma_start3A_348 = tpu.memref_slice %arg6[%dma_start3A_345, %dma_start3A_346, %dma_start3A_347] : memref<4x2x112xi32, #tpu.memory_space<vmem>> -> memref<1x1x112xi32, #tpu.memory_space<vmem>>
      %dma_start3A_349 = tpu.memref_squeeze %dma_start3A_348 : memref<1x1x112xi32, #tpu.memory_space<vmem>> -> memref<112xi32, #tpu.memory_space<vmem>>
      %dma_start3A_350 = arith.constant 0 : i32
      %dma_start3A_351 = arith.constant 0 : i32
      %dma_start3A_352 = tpu.memref_slice %arg10[%dma_start3A_350, %dma_start3A_351] : memref<10240x48xf32, #tpu.memory_space<vmem_shared>> -> memref<10240x48xf32, #tpu.memory_space<vmem_shared>>
      tpu.enqueue_indirect_dma source(%arg9 : memref<112x48xf32, #tpu.memory_space<vmem>>) target(%dma_start3A_352 : memref<10240x48xf32, #tpu.memory_space<vmem_shared>>) offsets(%dma_start3A_349 : memref<112xi32, #tpu.memory_space<vmem>>) semaphore(%arg17 : memref<!tpu.dma_semaphore, #tpu.memory_space<semaphore_mem>>) {add = true}
    }
    %scan3A_94 = arith.constant 23 : i32
    %dma_wait3A_95 = arith.constant 3 : i32
    %dma_wait3A_96 = arith.constant 1 : i32
    %dma_wait3A_97 = arith.constant 0 : i32
    %dma_wait3A_98 = tpu.memref_slice %arg6[%dma_wait3A_95, %dma_wait3A_96, %dma_wait3A_97] : memref<4x2x112xi32, #tpu.memory_space<vmem>> -> memref<1x1x112xi32, #tpu.memory_space<vmem>>
    %dma_wait3A_99 = tpu.memref_squeeze %dma_wait3A_98 : memref<1x1x112xi32, #tpu.memory_space<vmem>> -> memref<112xi32, #tpu.memory_space<vmem>>
    %dma_wait3A_100 = arith.constant 0 : i32
    %dma_wait3A_101 = arith.constant 0 : i32
    %dma_wait3A_102 = tpu.memref_slice %arg10[%dma_wait3A_100, %dma_wait3A_101] : memref<10240x48xf32, #tpu.memory_space<vmem_shared>> -> memref<10240x48xf32, #tpu.memory_space<vmem_shared>>
    tpu.wait_indirect_dma semaphore(%arg17 : memref<!tpu.dma_semaphore, #tpu.memory_space<semaphore_mem>>) src(%arg9 : memref<112x48xf32, #tpu.memory_space<vmem>>) dst(%dma_wait3A_102 : memref<10240x48xf32, #tpu.memory_space<vmem_shared>>)
    %barrier3A_103 = arith.constant 0 : index
    tpu.barrier barrier_id(%barrier3A_103)
    "tpu.region"() ({
      %run_scoped3A = tpu.sem_alloc : memref<!tpu.dma_semaphore, #tpu.memory_space<semaphore_mem>>
      %dma_start3A_104 = arith.constant 0 : i32
      %dma_start3A_105 = tpu.memref_slice %arg5[%arg0, %mul3A_2, %dma_start3A_104] : memref<2x10240x48xf32, #tpu.memory_space<hbm>> -> memref<1x640x48xf32, #tpu.memory_space<hbm>>
      %dma_start3A_106 = tpu.memref_squeeze %dma_start3A_105 : memref<1x640x48xf32, #tpu.memory_space<hbm>> -> memref<640x48xf32, #tpu.memory_space<hbm>>
      %dma_start3A_107 = arith.constant 0 : i32
      %dma_start3A_108 = tpu.memref_slice %arg10[%mul3A_2, %dma_start3A_107] : memref<10240x48xf32, #tpu.memory_space<vmem_shared>> -> memref<640x48xf32, #tpu.memory_space<vmem_shared>>
      tpu.enqueue_dma source(%dma_start3A_108 : memref<640x48xf32, #tpu.memory_space<vmem_shared>>) target(%dma_start3A_106 : memref<640x48xf32, #tpu.memory_space<hbm>>) target_semaphore(%run_scoped3A : memref<!tpu.dma_semaphore, #tpu.memory_space<semaphore_mem>>)
      %dma_wait3A_109 = arith.constant 0 : i32
      %dma_wait3A_110 = tpu.memref_slice %arg5[%arg0, %mul3A_2, %dma_wait3A_109] : memref<2x10240x48xf32, #tpu.memory_space<hbm>> -> memref<1x640x48xf32, #tpu.memory_space<hbm>>
      %dma_wait3A_111 = tpu.memref_squeeze %dma_wait3A_110 : memref<1x640x48xf32, #tpu.memory_space<hbm>> -> memref<640x48xf32, #tpu.memory_space<hbm>>
      %dma_wait3A_112 = arith.constant 0 : i32
      %dma_wait3A_113 = tpu.memref_slice %arg10[%mul3A_2, %dma_wait3A_112] : memref<10240x48xf32, #tpu.memory_space<vmem_shared>> -> memref<640x48xf32, #tpu.memory_space<vmem_shared>>
      tpu.wait_dma2 semaphore(%run_scoped3A : memref<!tpu.dma_semaphore, #tpu.memory_space<semaphore_mem>>) src(%dma_wait3A_113 : memref<640x48xf32, #tpu.memory_space<vmem_shared>>) dst(%dma_wait3A_111 : memref<640x48xf32, #tpu.memory_space<hbm>>)
      tpu.yield
    }) : () -> ()
    return
  }
}

module attributes {stable_mosaic.version = 14 : i64} {
  func.func @_dense1_body(%arg0: i32, %arg1: memref<1000x128xf32, #tpu.memory_space<vmem>>, %arg2: memref<128x128xf32, #tpu.memory_space<vmem>>, %arg3: memref<8x16xf32, #tpu.memory_space<vmem>>, %arg4: memref<8x16xf32, #tpu.memory_space<vmem>>, %arg5: memref<1000x160xbf16, #tpu.memory_space<vmem>>, %arg6: memref<1000x16xf32, #tpu.memory_space<vmem>>) attributes {dimension_semantics = [#tpu.dimension_semantics<arbitrary>], iteration_bounds = array<i64: 10>, scalar_prefetch = 0 : i64, scratch_operands = 0 : i64, tpu.core_type = #tpu.core_type<tc>, window_params = [{transform_indices = @transform_0, window_bounds = array<i64: 1000, 128>}, {pipeline_mode = #tpu.pipeline_mode<synchronous>, transform_indices = @transform_1, window_bounds = array<i64: 128, 128>}, {pipeline_mode = #tpu.pipeline_mode<synchronous>, transform_indices = @transform_2, window_bounds = array<i64: 8, 16>}, {pipeline_mode = #tpu.pipeline_mode<synchronous>, transform_indices = @transform_3, window_bounds = array<i64: 8, 16>}, {transform_indices = @transform_4, window_bounds = array<i64: 1000, 160>}, {transform_indices = @transform_5, window_bounds = array<i64: 1000, 16>}]} {
    %get3A = arith.constant 0 : index
    %get3A_0 = arith.constant 0 : index
    %get3A_1 = vector.load %arg1[%get3A, %get3A_0] : memref<1000x128xf32, #tpu.memory_space<vmem>>, vector<1000x128xf32>
    %get3A_2 = arith.constant 0 : index
    %get3A_3 = arith.constant 0 : index
    %get3A_4 = vector.load %arg2[%get3A_2, %get3A_3] : memref<128x128xf32, #tpu.memory_space<vmem>>, vector<128x128xf32>
    %dot_general3A = arith.constant dense<0.000000e+00> : vector<1000x128xf32>
    %dot_general3A_5 = tpu.matmul %get3A_1, %get3A_4, %dot_general3A {dimension_numbers = #tpu.dot_dimension_numbers<[1], [0], [0], [1], [0, 0, 1, 1], [], []>, precision = #tpu.contract_precision<fp32>, transpose_lhs_hint = false} : vector<1000x128xf32>, vector<128x128xf32>, vector<1000x128xf32> -> vector<1000x128xf32>
    %reshape3A = vector.shape_cast %dot_general3A_5 : vector<1000x128xf32> to vector<1000x8x16xf32>
    %get3A_6 = arith.constant 0 : index
    %get3A_7 = arith.constant 0 : index
    %get3A_8 = vector.load %arg3[%get3A_6, %get3A_7] : memref<8x16xf32, #tpu.memory_space<vmem>>, vector<8x16xf32>
    %broadcast_in_dim3A = vector.shape_cast %get3A_8 : vector<8x16xf32> to vector<1x8x16xf32>
    %mul3A = vector.broadcast %broadcast_in_dim3A : vector<1x8x16xf32> to vector<1000x8x16xf32>
    %mul3A_9 = arith.mulf %reshape3A, %mul3A : vector<1000x8x16xf32>
    %reduce_sum3A = arith.constant dense<0.000000e+00> : vector<1000x8xf32>
    %reduce_sum3A_10 = vector.multi_reduction <add>, %mul3A_9, %reduce_sum3A [2] : vector<1000x8x16xf32> to vector<1000x8xf32>
    %get3A_11 = arith.constant 0 : index
    %get3A_12 = arith.constant 0 : index
    %get3A_13 = vector.load %arg4[%get3A_11, %get3A_12] : memref<8x16xf32, #tpu.memory_space<vmem>>, vector<8x16xf32>
    %broadcast_in_dim3A_14 = vector.shape_cast %get3A_13 : vector<8x16xf32> to vector<1x8x16xf32>
    %mul3A_15 = vector.broadcast %broadcast_in_dim3A_14 : vector<1x8x16xf32> to vector<1000x8x16xf32>
    %mul3A_16 = arith.mulf %reshape3A, %mul3A_15 : vector<1000x8x16xf32>
    %reduce_sum3A_17 = arith.constant dense<0.000000e+00> : vector<1000x8xf32>
    %reduce_sum3A_18 = vector.multi_reduction <add>, %mul3A_16, %reduce_sum3A_17 [2] : vector<1000x8x16xf32> to vector<1000x8xf32>
    %broadcast_in_dim3A_19 = arith.constant 0.000000e+00 : f32
    %broadcast_in_dim3A_20 = vector.broadcast %broadcast_in_dim3A_19 : f32 to vector<1000x8xf32>
    %concatenate3A = tpu.concatenate %reduce_sum3A_10, %broadcast_in_dim3A_20 in 1 : vector<1000x8xf32>, vector<1000x8xf32> -> vector<1000x16xf32>
    %broadcast_in_dim3A_21 = arith.constant 0.000000e+00 : f32
    %broadcast_in_dim3A_22 = vector.broadcast %broadcast_in_dim3A_21 : f32 to vector<1000x16xf32>
    %stack3A = vector.shape_cast %concatenate3A : vector<1000x16xf32> to vector<1000x16x1xf32>
    %stack3A_23 = vector.shape_cast %broadcast_in_dim3A_22 : vector<1000x16xf32> to vector<1000x16x1xf32>
    %stack3A_24 = tpu.concatenate %stack3A, %stack3A_23 in 2 : vector<1000x16x1xf32>, vector<1000x16x1xf32> -> vector<1000x16x2xf32>
    %reshape3A_25 = vector.shape_cast %stack3A_24 : vector<1000x16x2xf32> to vector<1000x32xf32>
    %reshape3A_26 = vector.shape_cast %dot_general3A_5 : vector<1000x128xf32> to vector<1000x4x2x16xf32>
    %transpose3A = tpu.transpose %reshape3A_26, [0, 1, 3, 2] : vector<1000x4x2x16xf32> -> vector<1000x4x16x2xf32>
    %reshape3A_27 = vector.shape_cast %transpose3A : vector<1000x4x16x2xf32> to vector<1000x128xf32>
    %concatenate3A_28 = tpu.concatenate %reshape3A_27, %reshape3A_25 in 1 : vector<1000x128xf32>, vector<1000x32xf32> -> vector<1000x160xf32>
    %convert_element_type3A = arith.truncf %concatenate3A_28 : vector<1000x160xf32> to vector<1000x160xbf16>
    %swap3A = arith.constant 0 : index
    %swap3A_29 = arith.constant 0 : index
    %swap3A_30 = vector.load %arg5[%swap3A, %swap3A_29] : memref<1000x160xbf16, #tpu.memory_space<vmem>>, vector<1000x160xbf16>
    tpu.vector_store %arg5[%swap3A, %swap3A_29], %convert_element_type3A {strides = array<i32>} : memref<1000x160xbf16, #tpu.memory_space<vmem>>, vector<1000x160xbf16>,
    %concatenate3A_31 = tpu.concatenate %reduce_sum3A_18, %broadcast_in_dim3A_20 in 1 : vector<1000x8xf32>, vector<1000x8xf32> -> vector<1000x16xf32>
    %swap3A_32 = arith.constant 0 : index
    %swap3A_33 = arith.constant 0 : index
    %swap3A_34 = vector.load %arg6[%swap3A_32, %swap3A_33] : memref<1000x16xf32, #tpu.memory_space<vmem>>, vector<1000x16xf32>
    tpu.vector_store %arg6[%swap3A_32, %swap3A_33], %concatenate3A_31 {strides = array<i32>} : memref<1000x16xf32, #tpu.memory_space<vmem>>, vector<1000x16xf32>,
    return
  }
  func.func @transform_0(%arg0: i32) -> (i32, i32) {
    %c0_i32 = arith.constant 0 : i32
    %c0_i32_0 = arith.constant 0 : i32
    return %arg0, %c0_i32 : i32, i32
  }
  func.func @transform_1(%arg0: i32) -> (i32, i32) {
    %c0_i32 = arith.constant 0 : i32
    %c0_i32_0 = arith.constant 0 : i32
    %c0_i32_1 = arith.constant 0 : i32
    return %c0_i32, %c0_i32_0 : i32, i32
  }
  func.func @transform_2(%arg0: i32) -> (i32, i32) {
    %c0_i32 = arith.constant 0 : i32
    %c0_i32_0 = arith.constant 0 : i32
    %c0_i32_1 = arith.constant 0 : i32
    return %c0_i32, %c0_i32_0 : i32, i32
  }
  func.func @transform_3(%arg0: i32) -> (i32, i32) {
    %c0_i32 = arith.constant 0 : i32
    %c0_i32_0 = arith.constant 0 : i32
    %c0_i32_1 = arith.constant 0 : i32
    return %c0_i32, %c0_i32_0 : i32, i32
  }
  func.func @transform_4(%arg0: i32) -> (i32, i32) {
    %c0_i32 = arith.constant 0 : i32
    %c0_i32_0 = arith.constant 0 : i32
    return %arg0, %c0_i32 : i32, i32
  }
  func.func @transform_5(%arg0: i32) -> (i32, i32) {
    %c0_i32 = arith.constant 0 : i32
    %c0_i32_0 = arith.constant 0 : i32
    return %arg0, %c0_i32 : i32, i32
  }
}

module attributes {stable_mosaic.version = 14 : i64} {
  func.func @_epi1_body(%arg0: i32, %arg1: memref<2x1000x144xf32, #tpu.memory_space<vmem>>, %arg2: memref<128xf32, #tpu.memory_space<vmem>>, %arg3: memref<128x32xf32, #tpu.memory_space<vmem>>, %arg4: memref<1x32xf32, #tpu.memory_space<vmem>>, %arg5: memref<1x32xf32, #tpu.memory_space<vmem>>, %arg6: memref<1000x64xbf16, #tpu.memory_space<vmem>>, %arg7: memref<1000x16xf32, #tpu.memory_space<vmem>>) attributes {dimension_semantics = [#tpu.dimension_semantics<arbitrary>], iteration_bounds = array<i64: 10>, scalar_prefetch = 0 : i64, scratch_operands = 0 : i64, tpu.core_type = #tpu.core_type<tc>, window_params = [{transform_indices = @transform_0, window_bounds = array<i64: 2, 1000, 144>}, {pipeline_mode = #tpu.pipeline_mode<synchronous>, transform_indices = @transform_1, window_bounds = array<i64: 128>}, {pipeline_mode = #tpu.pipeline_mode<synchronous>, transform_indices = @transform_2, window_bounds = array<i64: 128, 32>}, {pipeline_mode = #tpu.pipeline_mode<synchronous>, transform_indices = @transform_3, window_bounds = array<i64: 1, 32>}, {pipeline_mode = #tpu.pipeline_mode<synchronous>, transform_indices = @transform_4, window_bounds = array<i64: 1, 32>}, {transform_indices = @transform_5, window_bounds = array<i64: 1000, 64>}, {transform_indices = @transform_6, window_bounds = array<i64: 1000, 16>}]} {
    %get3A = arith.constant 0 : index
    %get3A_0 = arith.constant 0 : index
    %get3A_1 = arith.constant 0 : index
    %get3A_2 = vector.load %arg1[%get3A, %get3A_0, %get3A_1] : memref<2x1000x144xf32, #tpu.memory_space<vmem>>, vector<1x1000x128xf32>
    %get3A_3 = vector.shape_cast %get3A_2 : vector<1x1000x128xf32> to vector<1000x128xf32>
    %get3A_4 = arith.constant 1 : index
    %get3A_5 = arith.constant 0 : index
    %get3A_6 = arith.constant 0 : index
    %get3A_7 = vector.load %arg1[%get3A_4, %get3A_5, %get3A_6] : memref<2x1000x144xf32, #tpu.memory_space<vmem>>, vector<1x1000x128xf32>
    %get3A_8 = vector.shape_cast %get3A_7 : vector<1x1000x128xf32> to vector<1000x128xf32>
    %add3A = arith.addf %get3A_3, %get3A_8 : vector<1000x128xf32>
    %get3A_9 = arith.constant 0 : index
    %get3A_10 = arith.constant 0 : index
    %get3A_11 = arith.constant 128 : index
    %get3A_12 = vector.load %arg1[%get3A_9, %get3A_10, %get3A_11] : memref<2x1000x144xf32, #tpu.memory_space<vmem>>, vector<1x1000x8xf32>
    %get3A_13 = vector.shape_cast %get3A_12 : vector<1x1000x8xf32> to vector<1000x8xf32>
    %get3A_14 = arith.constant 1 : index
    %get3A_15 = arith.constant 0 : index
    %get3A_16 = arith.constant 128 : index
    %get3A_17 = vector.load %arg1[%get3A_14, %get3A_15, %get3A_16] : memref<2x1000x144xf32, #tpu.memory_space<vmem>>, vector<1x1000x8xf32>
    %get3A_18 = vector.shape_cast %get3A_17 : vector<1x1000x8xf32> to vector<1000x8xf32>
    %add3A_19 = arith.addf %get3A_13, %get3A_18 : vector<1000x8xf32>
    %reshape3A = vector.shape_cast %add3A : vector<1000x128xf32> to vector<1000x8x16xf32>
    %broadcast_in_dim3A = vector.shape_cast %add3A_19 : vector<1000x8xf32> to vector<1000x8x1xf32>
    %add3A_20 = arith.constant 9.99999971E-10 : f32
    %add3A_21 = vector.broadcast %add3A_20 : f32 to vector<1000x8x1xf32>
    %add3A_22 = arith.addf %broadcast_in_dim3A, %add3A_21 : vector<1000x8x1xf32>
    %div3A = vector.broadcast %add3A_22 : vector<1000x8x1xf32> to vector<1000x8x16xf32>
    %div3A_23 = arith.divf %reshape3A, %div3A : vector<1000x8x16xf32>
    %reshape3A_24 = vector.shape_cast %div3A_23 : vector<1000x8x16xf32> to vector<1000x128xf32>
    %get3A_25 = arith.constant 0 : index
    %get3A_26 = vector.load %arg2[%get3A_25] : memref<128xf32, #tpu.memory_space<vmem>>, vector<128xf32>
    %broadcast_in_dim3A_27 = vector.shape_cast %get3A_26 : vector<128xf32> to vector<1x128xf32>
    %add3A_28 = vector.broadcast %broadcast_in_dim3A_27 : vector<1x128xf32> to vector<1000x128xf32>
    %add3A_29 = arith.addf %reshape3A_24, %add3A_28 : vector<1000x128xf32>
    %max3A = arith.constant 0.000000e+00 : f32
    %max3A_30 = vector.broadcast %max3A : f32 to vector<1000x128xf32>
    %max3A_31 = arith.maximumf %add3A_29, %max3A_30 : vector<1000x128xf32>
    %get3A_32 = arith.constant 0 : index
    %get3A_33 = arith.constant 0 : index
    %get3A_34 = vector.load %arg3[%get3A_32, %get3A_33] : memref<128x32xf32, #tpu.memory_space<vmem>>, vector<128x32xf32>
    %dot_general3A = arith.constant dense<0.000000e+00> : vector<1000x32xf32>
    %dot_general3A_35 = tpu.matmul %max3A_31, %get3A_34, %dot_general3A {dimension_numbers = #tpu.dot_dimension_numbers<[1], [0], [0], [1], [0, 0, 1, 1], [], []>, precision = #tpu.contract_precision<fp32>, transpose_lhs_hint = false} : vector<1000x128xf32>, vector<128x32xf32>, vector<1000x32xf32> -> vector<1000x32xf32>
    %reshape3A_36 = vector.shape_cast %dot_general3A_35 : vector<1000x32xf32> to vector<1000x1x32xf32>
    %get3A_37 = arith.constant 0 : index
    %get3A_38 = arith.constant 0 : index
    %get3A_39 = vector.load %arg4[%get3A_37, %get3A_38] : memref<1x32xf32, #tpu.memory_space<vmem>>, vector<1x32xf32>
    %broadcast_in_dim3A_40 = vector.shape_cast %get3A_39 : vector<1x32xf32> to vector<1x1x32xf32>
    %mul3A = vector.broadcast %broadcast_in_dim3A_40 : vector<1x1x32xf32> to vector<1000x1x32xf32>
    %mul3A_41 = arith.mulf %reshape3A_36, %mul3A : vector<1000x1x32xf32>
    %reduce_sum3A = arith.constant dense<0.000000e+00> : vector<1000x1xf32>
    %reduce_sum3A_42 = vector.multi_reduction <add>, %mul3A_41, %reduce_sum3A [2] : vector<1000x1x32xf32> to vector<1000x1xf32>
    %get3A_43 = arith.constant 0 : index
    %get3A_44 = arith.constant 0 : index
    %get3A_45 = vector.load %arg5[%get3A_43, %get3A_44] : memref<1x32xf32, #tpu.memory_space<vmem>>, vector<1x32xf32>
    %broadcast_in_dim3A_46 = vector.shape_cast %get3A_45 : vector<1x32xf32> to vector<1x1x32xf32>
    %mul3A_47 = vector.broadcast %broadcast_in_dim3A_46 : vector<1x1x32xf32> to vector<1000x1x32xf32>
    %mul3A_48 = arith.mulf %reshape3A_36, %mul3A_47 : vector<1000x1x32xf32>
    %reduce_sum3A_49 = arith.constant dense<0.000000e+00> : vector<1000x1xf32>
    %reduce_sum3A_50 = vector.multi_reduction <add>, %mul3A_48, %reduce_sum3A_49 [2] : vector<1000x1x32xf32> to vector<1000x1xf32>
    %broadcast_in_dim3A_51 = arith.constant 0.000000e+00 : f32
    %broadcast_in_dim3A_52 = vector.broadcast %broadcast_in_dim3A_51 : f32 to vector<1000x15xf32>
    %concatenate3A = tpu.concatenate %reduce_sum3A_42, %broadcast_in_dim3A_52 in 1 : vector<1000x1xf32>, vector<1000x15xf32> -> vector<1000x16xf32>
    %broadcast_in_dim3A_53 = arith.constant 0.000000e+00 : f32
    %broadcast_in_dim3A_54 = vector.broadcast %broadcast_in_dim3A_53 : f32 to vector<1000x16xf32>
    %stack3A = vector.shape_cast %concatenate3A : vector<1000x16xf32> to vector<1000x16x1xf32>
    %stack3A_55 = vector.shape_cast %broadcast_in_dim3A_54 : vector<1000x16xf32> to vector<1000x16x1xf32>
    %stack3A_56 = tpu.concatenate %stack3A, %stack3A_55 in 2 : vector<1000x16x1xf32>, vector<1000x16x1xf32> -> vector<1000x16x2xf32>
    %reshape3A_57 = vector.shape_cast %stack3A_56 : vector<1000x16x2xf32> to vector<1000x32xf32>
    %reshape3A_58 = vector.shape_cast %dot_general3A_35 : vector<1000x32xf32> to vector<1000x1x2x16xf32>
    %transpose3A = tpu.transpose %reshape3A_58, [0, 1, 3, 2] : vector<1000x1x2x16xf32> -> vector<1000x1x16x2xf32>
    %reshape3A_59 = vector.shape_cast %transpose3A : vector<1000x1x16x2xf32> to vector<1000x32xf32>
    %concatenate3A_60 = tpu.concatenate %reshape3A_59, %reshape3A_57 in 1 : vector<1000x32xf32>, vector<1000x32xf32> -> vector<1000x64xf32>
    %convert_element_type3A = arith.truncf %concatenate3A_60 : vector<1000x64xf32> to vector<1000x64xbf16>
    %swap3A = arith.constant 0 : index
    %swap3A_61 = arith.constant 0 : index
    %swap3A_62 = vector.load %arg6[%swap3A, %swap3A_61] : memref<1000x64xbf16, #tpu.memory_space<vmem>>, vector<1000x64xbf16>
    tpu.vector_store %arg6[%swap3A, %swap3A_61], %convert_element_type3A {strides = array<i32>} : memref<1000x64xbf16, #tpu.memory_space<vmem>>, vector<1000x64xbf16>,
    %concatenate3A_63 = tpu.concatenate %reduce_sum3A_50, %broadcast_in_dim3A_52 in 1 : vector<1000x1xf32>, vector<1000x15xf32> -> vector<1000x16xf32>
    %swap3A_64 = arith.constant 0 : index
    %swap3A_65 = arith.constant 0 : index
    %swap3A_66 = vector.load %arg7[%swap3A_64, %swap3A_65] : memref<1000x16xf32, #tpu.memory_space<vmem>>, vector<1000x16xf32>
    tpu.vector_store %arg7[%swap3A_64, %swap3A_65], %concatenate3A_63 {strides = array<i32>} : memref<1000x16xf32, #tpu.memory_space<vmem>>, vector<1000x16xf32>,
    return
  }
  func.func @transform_0(%arg0: i32) -> (i32, i32, i32) {
    %c0_i32 = arith.constant 0 : i32
    %c0_i32_0 = arith.constant 0 : i32
    %c0_i32_1 = arith.constant 0 : i32
    return %c0_i32, %arg0, %c0_i32_0 : i32, i32, i32
  }
  func.func @transform_1(%arg0: i32) -> i32 {
    %c0_i32 = arith.constant 0 : i32
    %c0_i32_0 = arith.constant 0 : i32
    return %c0_i32 : i32
  }
  func.func @transform_2(%arg0: i32) -> (i32, i32) {
    %c0_i32 = arith.constant 0 : i32
    %c0_i32_0 = arith.constant 0 : i32
    %c0_i32_1 = arith.constant 0 : i32
    return %c0_i32, %c0_i32_0 : i32, i32
  }
  func.func @transform_3(%arg0: i32) -> (i32, i32) {
    %c0_i32 = arith.constant 0 : i32
    %c0_i32_0 = arith.constant 0 : i32
    %c0_i32_1 = arith.constant 0 : i32
    return %c0_i32, %c0_i32_0 : i32, i32
  }
  func.func @transform_4(%arg0: i32) -> (i32, i32) {
    %c0_i32 = arith.constant 0 : i32
    %c0_i32_0 = arith.constant 0 : i32
    %c0_i32_1 = arith.constant 0 : i32
    return %c0_i32, %c0_i32_0 : i32, i32
  }
  func.func @transform_5(%arg0: i32) -> (i32, i32) {
    %c0_i32 = arith.constant 0 : i32
    %c0_i32_0 = arith.constant 0 : i32
    return %arg0, %c0_i32 : i32, i32
  }
  func.func @transform_6(%arg0: i32) -> (i32, i32) {
    %c0_i32 = arith.constant 0 : i32
    %c0_i32_0 = arith.constant 0 : i32
    return %arg0, %c0_i32 : i32, i32
  }
}

module attributes {stable_mosaic.version = 14 : i64} {
  func.func @_epi2_body(%arg0: i32, %arg1: memref<2x1000x48xf32, #tpu.memory_space<vmem>>, %arg2: memref<32xf32, #tpu.memory_space<vmem>>, %arg3: memref<1000x32xf32, #tpu.memory_space<vmem>>) attributes {dimension_semantics = [#tpu.dimension_semantics<arbitrary>], iteration_bounds = array<i64: 10>, scalar_prefetch = 0 : i64, scratch_operands = 0 : i64, tpu.core_type = #tpu.core_type<tc>, window_params = [{transform_indices = @transform_0, window_bounds = array<i64: 2, 1000, 48>}, {pipeline_mode = #tpu.pipeline_mode<synchronous>, transform_indices = @transform_1, window_bounds = array<i64: 32>}, {transform_indices = @transform_2, window_bounds = array<i64: 1000, 32>}]} {
    %get3A = arith.constant 0 : index
    %get3A_0 = arith.constant 0 : index
    %get3A_1 = arith.constant 0 : index
    %get3A_2 = vector.load %arg1[%get3A, %get3A_0, %get3A_1] : memref<2x1000x48xf32, #tpu.memory_space<vmem>>, vector<1x1000x32xf32>
    %get3A_3 = vector.shape_cast %get3A_2 : vector<1x1000x32xf32> to vector<1000x32xf32>
    %get3A_4 = arith.constant 1 : index
    %get3A_5 = arith.constant 0 : index
    %get3A_6 = arith.constant 0 : index
    %get3A_7 = vector.load %arg1[%get3A_4, %get3A_5, %get3A_6] : memref<2x1000x48xf32, #tpu.memory_space<vmem>>, vector<1x1000x32xf32>
    %get3A_8 = vector.shape_cast %get3A_7 : vector<1x1000x32xf32> to vector<1000x32xf32>
    %add3A = arith.addf %get3A_3, %get3A_8 : vector<1000x32xf32>
    %get3A_9 = arith.constant 0 : index
    %get3A_10 = arith.constant 0 : index
    %get3A_11 = arith.constant 32 : index
    %get3A_12 = vector.load %arg1[%get3A_9, %get3A_10, %get3A_11] : memref<2x1000x48xf32, #tpu.memory_space<vmem>>, vector<1x1000x1xf32>
    %get3A_13 = vector.shape_cast %get3A_12 : vector<1x1000x1xf32> to vector<1000x1xf32>
    %get3A_14 = arith.constant 1 : index
    %get3A_15 = arith.constant 0 : index
    %get3A_16 = arith.constant 32 : index
    %get3A_17 = vector.load %arg1[%get3A_14, %get3A_15, %get3A_16] : memref<2x1000x48xf32, #tpu.memory_space<vmem>>, vector<1x1000x1xf32>
    %get3A_18 = vector.shape_cast %get3A_17 : vector<1x1000x1xf32> to vector<1000x1xf32>
    %add3A_19 = arith.addf %get3A_13, %get3A_18 : vector<1000x1xf32>
    %add3A_20 = arith.constant 9.99999971E-10 : f32
    %add3A_21 = vector.broadcast %add3A_20 : f32 to vector<1000x1xf32>
    %add3A_22 = arith.addf %add3A_19, %add3A_21 : vector<1000x1xf32>
    %div3A = vector.broadcast %add3A_22 : vector<1000x1xf32> to vector<1000x32xf32>
    %div3A_23 = arith.divf %add3A, %div3A : vector<1000x32xf32>
    %get3A_24 = arith.constant 0 : index
    %get3A_25 = vector.load %arg2[%get3A_24] : memref<32xf32, #tpu.memory_space<vmem>>, vector<32xf32>
    %broadcast_in_dim3A = vector.shape_cast %get3A_25 : vector<32xf32> to vector<1x32xf32>
    %add3A_26 = vector.broadcast %broadcast_in_dim3A : vector<1x32xf32> to vector<1000x32xf32>
    %add3A_27 = arith.addf %div3A_23, %add3A_26 : vector<1000x32xf32>
    %reduce_max3A = arith.constant dense<0xFF800000> : vector<1000xf32>
    %reduce_max3A_28 = vector.multi_reduction <maximumf>, %add3A_27, %reduce_max3A [1] : vector<1000x32xf32> to vector<1000xf32>
    %broadcast_in_dim3A_29 = vector.shape_cast %reduce_max3A_28 : vector<1000xf32> to vector<1000x1xf32>
    %sub3A = vector.broadcast %broadcast_in_dim3A_29 : vector<1000x1xf32> to vector<1000x32xf32>
    %sub3A_30 = arith.subf %add3A_27, %sub3A : vector<1000x32xf32>
    %exp3A = math.exp %sub3A_30 : vector<1000x32xf32>
    %sub3A_31 = vector.broadcast %broadcast_in_dim3A_29 : vector<1000x1xf32> to vector<1000x32xf32>
    %sub3A_32 = arith.subf %add3A_27, %sub3A_31 : vector<1000x32xf32>
    %reduce_sum3A = arith.constant dense<0.000000e+00> : vector<1000xf32>
    %reduce_sum3A_33 = vector.multi_reduction <add>, %exp3A, %reduce_sum3A [1] : vector<1000x32xf32> to vector<1000xf32>
    %broadcast_in_dim3A_34 = vector.shape_cast %reduce_sum3A_33 : vector<1000xf32> to vector<1000x1xf32>
    %log3A = math.log %broadcast_in_dim3A_34 : vector<1000x1xf32>
    %sub3A_35 = vector.broadcast %log3A : vector<1000x1xf32> to vector<1000x32xf32>
    %sub3A_36 = arith.subf %sub3A_32, %sub3A_35 : vector<1000x32xf32>
    %swap3A = arith.constant 0 : index
    %swap3A_37 = arith.constant 0 : index
    %swap3A_38 = vector.load %arg3[%swap3A, %swap3A_37] : memref<1000x32xf32, #tpu.memory_space<vmem>>, vector<1000x32xf32>
    tpu.vector_store %arg3[%swap3A, %swap3A_37], %sub3A_36 {strides = array<i32>} : memref<1000x32xf32, #tpu.memory_space<vmem>>, vector<1000x32xf32>,
    return
  }
  func.func @transform_0(%arg0: i32) -> (i32, i32, i32) {
    %c0_i32 = arith.constant 0 : i32
    %c0_i32_0 = arith.constant 0 : i32
    %c0_i32_1 = arith.constant 0 : i32
    return %c0_i32, %arg0, %c0_i32_0 : i32, i32, i32
  }
  func.func @transform_1(%arg0: i32) -> i32 {
    %c0_i32 = arith.constant 0 : i32
    %c0_i32_0 = arith.constant 0 : i32
    return %c0_i32 : i32
  }
  func.func @transform_2(%arg0: i32) -> (i32, i32) {
    %c0_i32 = arith.constant 0 : i32
    %c0_i32_0 = arith.constant 0 : i32
    return %arg0, %c0_i32 : i32, i32
  }
}

</mosaic_0001>

<sc_bundles>
// kernel: kernel.10.cloned.1.call-start
scs
__scs_entry_jumppad:
0x0: {  	(pc) =	sbr.rel $0x88, $3  }
0x1: {  	(tag) =	ssettag $0x0;
	lr =	simm.s32 $0x1  }
0x2: {  	[smem:$0x3F97] =	sst lr;
	_ =	strace $0xD0000000  }
0x3: {  	_ = 	snop  }
0x4: {  	_ = 	snop  }
0x5: {  	_ = 	snop  }
0x6: {  	_ = 	snop  }
0x7: {  	_ = 	snop  }
__scs_overlays_trampoline_lowered:
0x8: {  	[smem:$0x3FA6] =	sst s0  }
0x9: {  	[smem:$0x3FA7] =	sst s1  }
0xa: {  	[smem:$0x3FA8] =	sst s2  }
0xb: {  	[smem:$0x3FA9] =	sst s3  }
0xc: {  	[smem:$0x3FAA] =	sst s4  }
0xd: {  	[smem:$0x3FAB] =	sst s5  }
0xe: {  	[smem:$0x3FAC] =	sst s6  }
0xf: {  	[smem:$0x3FAD] =	sst s7  }
0x10: {  	[smem:$0x3FAE] =	sst s8  }
0x11: {  	[smem:$0x3FAF] =	sst s9;
	s0 =	simm.s32 @!p0 $0x0  }
0x12: {  	s1 =	sld [smem:$0x3F95];
	s0 =	simm.s32 @p0 $0x1  }
0x13: {  	[smem:$0x3FB0] =	sst s0;
	s0 =	simm.s32 @!p1 $0x0  }
0x14: {  	s2 =	sld [smem:$0x3F94];
	s0 =	simm.s32 @p1 $0x1  }
0x15: {  	[smem:$0x3FB1] =	sst s0;
	s0 =	simm.s32 @!p2 $0x0  }
0x16: {  	s3 =	sld [smem:$0x3FDB];
	s0 =	simm.s32 @p2 $0x1  }
0x17: {  	s4 =	simm.s32 $0x1BF5;
	[smem:$0x3FB3] =	sst s0  }
0x18: {  	s0 =	sld [smem:$0x3F96];
	_ =	swait.ge [sflag:s4], $0x0  }
0x19: {  	s7 =	sld [smem:$0x3F97]  }
0x1a: {  	s8 =	sadd.s32 $0xFFFFE003, lr  }
0x1b: {  	s9 =	sadd.s32 $0xFFFFFEF7, lr;
	s5 =	simm.s32 $0xFFFFFFFF;
	p2 =	slt.u32 s8, $0xFFFFF086  }
0x1c: {  	p1 =	slt.u32 s9, $0xF7A;
	s5 =	simm.s32 @!p2 $0x0  }
0x1d: {  	s5 =	simm.s32 @p1 $0x1;
	p0 =	seq.s32 s7, s2  }
0x1e: {  	s7 =	smul.u32 @!p0 $0xF7A, s2;
	p2 =	seq.s32 @!p0 s5, $0x0  }
0x1f: {  	s9 =	smul.u32 $0xF7A, s1;
	s8 =	simm.s32 @!p0 $0x1BF5;
	p2 =	por !p2, p0  }
0x20: {  	[sflag:s8] =	ssyncset.s32 @!p0 $0xFFFFF086;
	s6 =	sadd.s32 @!p0 s3, s7;
	s7 =	simm.s32 @!p0 $0x108  }
0x21: {  	s3 =	sadd.s32 s3, s9;
	s6 =	sadd.s32 @!p0 $0x88, s6;
	s7 =	simm.s32 @p2 $0x1082  }
0x22: {  	[simem:s7], [sflag:s8] =	dma.local @!p0 [hbm:s6], $0xF7A  }
0x23: {  	s9 =	sor.u32 $0xD0000000, s2;
	s6 =	simm.s32 $0x108;
	_ =	swait.ge @!p0 [sflag:s8], $0x0  }
0x24: {  	s3 =	sadd.s32 $0x88, s3;
	s6 =	simm.s32 @!p1 $0x1082;
	[sflag:s4] =	ssyncset.s32 $0xFFFFF086  }
0x25: {  	[simem:s6], [sflag:s4] =	dma.local [hbm:s3], $0xF7A  }
0x26: {  	[smem:$0x3F97] =	sst s1;
	(tag) =	ssettag s2;
	_ =	strace s9  }
0x27: {  	s1 =	sld [smem:$0x3FA7]  }
0x28: {  	s2 =	sld [smem:$0x3FA8]  }
0x29: {  	s4 =	sld [smem:$0x3FAA]  }
0x2a: {  	p0 =	seq.s32 s5, $0x0;
	s5 =	sld [smem:$0x3FAB]  }
0x2b: {  	s6 =	sld [smem:$0x3FAC]  }
0x2c: {  	s7 =	sld [smem:$0x3FAD]  }
0x2d: {  	s3 =	simm.s32 $0x108;
	s8 =	sld [smem:$0x3FAE]  }
0x2e: {  	s3 =	simm.s32 @!p0 $0x1082;
	s9 =	sld [smem:$0x3FAF]  }
0x2f: {  	lr =	sadd.s32 s0, s3;
	s0 =	sld [smem:$0x3FA6]  }
0x30: {  	s3 =	sld [smem:$0x3FA9]  }
0x31: {  	[smem:$0x3FB2] =	sst s10  }
0x32: {  	s10 =	sld [smem:$0x3FB0];
	_ =	sdelay $0x3  }
0x33: {  	p0 =	seq.s32 s10, $0x1;
	s10 =	sld [smem:$0x3FB2];
	_ =	sdelay $0x3  }
0x34: {  	[smem:$0x3FB2] =	sst s10  }
0x35: {  	s10 =	sld [smem:$0x3FB1];
	_ =	sdelay $0x3  }
0x36: {  	p1 =	seq.s32 s10, $0x1;
	s10 =	sld [smem:$0x3FB2];
	_ =	sdelay $0x3  }
0x37: {  	[smem:$0x3FB2] =	sst s10  }
0x38: {  	s10 =	sld [smem:$0x3FB3]  }
0x39: {  	_ = 	snop;
	(pc) =	sbr.ind lr, $3  }
0x3a: {  	_ = 	snop  }
0x3b: {  	_ = 	snop  }
0x3c: {  	p2 =	seq.s32 s10, $0x1;
	s10 =	sld [smem:$0x3FB2]  }
0x3d: {  	_ =	shalt  }
0x3e: {  	_ =	shalt  }
0x3f: {  	_ =	shalt  }
0x40: {  	_ =	shalt  }
0x41: {  	_ =	shalt  }
0x42: {  	_ =	shalt  }
0x43: {  	_ =	shalt  }
0x44: {  	_ =	shalt  }
0x45: {  	_ =	shalt  }
0x46: {  	_ =	shalt  }
0x47: {  	_ =	shalt  }
0x48: {  	_ =	shalt  }
0x49: {  	_ =	shalt  }
0x4a: {  	_ =	shalt  }
0x4b: {  	_ =	shalt  }
0x4c: {  	_ =	shalt  }
0x4d: {  	_ =	shalt  }
0x4e: {  	_ =	shalt  }
0x4f: {  	_ =	shalt  }
0x50: {  	_ =	shalt  }
0x51: {  	_ =	shalt  }
0x52: {  	_ =	shalt  }
0x53: {  	_ =	shalt  }
0x54: {  	_ =	shalt  }
0x55: {  	_ =	shalt  }
0x56: {  	_ =	shalt  }
0x57: {  	_ =	shalt  }
0x58: {  	_ =	shalt  }
0x59: {  	_ =	shalt  }
0x5a: {  	_ =	shalt  }
0x5b: {  	_ =	shalt  }
0x5c: {  	_ =	shalt  }
0x5d: {  	_ =	shalt  }
0x5e: {  	_ =	shalt  }
0x5f: {  	_ =	shalt  }
0x60: {  	_ =	shalt  }
0x61: {  	_ =	shalt  }
0x62: {  	_ =	shalt  }
0x63: {  	_ =	shalt  }
0x64: {  	_ =	shalt  }
0x65: {  	_ =	shalt  }
0x66: {  	_ =	shalt  }
0x67: {  	_ =	shalt  }
0x68: {  	_ =	shalt  }
0x69: {  	_ =	shalt  }
0x6a: {  	_ =	shalt  }
0x6b: {  	_ =	shalt  }
0x6c: {  	_ =	shalt  }
0x6d: {  	_ =	shalt  }
0x6e: {  	_ =	shalt  }
0x6f: {  	_ =	shalt  }
0x70: {  	_ =	shalt  }
0x71: {  	_ =	shalt  }
0x72: {  	_ =	shalt  }
0x73: {  	_ =	shalt  }
0x74: {  	_ =	shalt  }
0x75: {  	_ =	shalt  }
0x76: {  	_ =	shalt  }
0x77: {  	_ =	shalt  }
0x78: {  	_ =	shalt  }
0x79: {  	_ =	shalt  }
0x7a: {  	_ =	shalt  }
0x7b: {  	_ =	shalt  }
0x7c: {  	_ =	shalt  }
0x7d: {  	_ =	shalt  }
0x7e: {  	_ =	shalt  }
0x7f: {  	_ =	shalt  }
0x80: {  	_ =	shalt  }
0x81: {  	_ =	shalt  }
0x82: {  	_ =	shalt  }
0x83: {  	_ =	shalt  }
0x84: {  	_ =	shalt  }
0x85: {  	_ =	shalt  }
0x86: {  	_ =	shalt  }
0x87: {  	_ =	shalt  }
.Lfunc_end0:
.L_simem_size_0:
called_computation.1_lowered:
.L_overlay_start_0:
0x88: {  	s2 =	sld [smem:$0x3FD9]  }
0x89: {  	s3 =	sld [smem:$0x3FFE];
	_ =	sdelay $0x1  }
0x8a: {  	s1 =	srdreg.scid  }
0x8b: {  	s0 =	sand.u32 $0x1, s1  }
0x8c: {  	s17 =	sshll.u32 s0, $0xA;
	s2 =	sadd.s32 s3, s2  }
0x8d: {  	s2 =	sadd.s32 s2, s17  }
0x8e: {  	[smem:$0x3FBE] =	sst s2  }
0x8f: {  	_ = 	snop  }
0x90: {  	s2 =	sld [smem:$0x3FD0];
	(tm) =	ssettm $0x1  }
0x91: {  	s18 =	sld [smem:$0x3FFB];
	_ =	sdelay $0x3  }
0x92: {  	_ =	strace s18  }
0x93: {  	s3 =	sld [smem:$0x3FFC];
	_ =	sdelay $0x3  }
0x94: {  	_ =	strace s3  }
0x95: {  	s3 =	sld [smem:$0x3FFD];
	_ =	sdelay $0x3  }
0x96: {  	_ =	strace s3  }
0x97: {  	_ =	strace $0x8FFFFFFF  }
0x98: {  	s19 =	sld [smem:$0x3FDB];
	_ =	sdelay $0x1  }
0x99: {  	s4 =	simm.s32 $_scs_section_size  }
0x9a: {  	s5 =	simm.s32 $_size__tile_overlayer_lowered;
	s6 =	simm.s32 $_tile_overlayer_lowered  }
0x9b: {  	s22 =	simm.s32 $0x1BFF;
	s21 =	sshll.u32 s6, $0x1;
	s3 =	sadd.s32 s4, s19  }
0x9c: {  	s7 =	simm.s32 $0x0;
	s20 =	sshll.u32 s5, $0x1;
	s5 =	sadd.s32 s21, s3  }
0x9d: {  	[timem:s7], [sflag:s22] =	dma.local [hbm:s5], s20  }
0x9e: {  	_ =	swait.ge [sflag:s22], s20  }
0x9f: {  	s4 =	ssub.s32 $0x0, s20;
	[sflag:s22] =	ssyncset.done $0x0  }
0xa0: {  	[sflag:s22] =	ssyncadd.s32 s4;
	_ =	sdelay $0x1  }
0xa1: {  	s23 =	simm.s32 $0x1B8B  }
0xa2: {  	_ =	swait.ge [sflag:s23], $0x1  }
0xa3: {  	[sflag:s23] =	ssyncset.done $0x0  }
0xa4: {  	s25 =	simm.s32 $0x1B8E;
	s24 =	sld [smem:$0x3FFE];
	[sflag:s23] =	ssyncadd.s32 $0xFFFFFFFF  }
0xa5: {  	s26 =	simm.s32 $execute0_lowered;
	[smem:$0x3FD2] =	sst s25  }
0xa6: {  	s5 =	sshll.u32 s26, $0x1;
	_ =	strace $0x80000049;
	[dreg:$0x1] =	wrdreg $0xFFFFFFFF  }
0xa7: {  	s28 =	simm.s32 $_size_execute0_lowered;
	s3 =	sadd.s32 s3, s5;
	[dreg:$0x0] =	wrdreg $0x0  }
0xa8: {  	s5 =	sshll.u32 s28, $0x1;
	[dreg:$0x2] =	wrdreg s3  }
0xa9: {  	[dreg:$0x3] =	wrdreg s5  }
0xaa: {  	[dreg:$0x4] =	wrdreg $0xC0  }
0xab: {  	_ =	task [dreg:s7], $0x5FFFF  }
0xac: {  	[dreg:$0x1] =	wrdreg $0xFFFFFFFF  }
0xad: {  	[dreg:$0x0] =	wrdreg $0x60  }
0xae: {  	[dreg:$0x2] =	wrdreg s2  }
0xaf: {  	[dreg:$0x3] =	wrdreg s24  }
0xb0: {  	[dreg:$0x4] =	wrdreg $0x42800  }
0xb1: {  	[dreg:$0x5] =	wrdreg $0x9  }
0xb2: {  	_ =	task.clear_ibuf [dreg:s7], $0x6FFFF;
	_ =	strace $0x90000049  }
0xb3: {  	s29 =	simm.s32 $0x9;
	_ =	strace $0x8000004B  }
0xb4: {  	_ =	swait.ge [sflag:s29], $0x1  }
0xb5: {  	[sflag:s29] =	ssyncadd.s32 $0xFFFFFFFF  }
0xb6: {  	_ =	strace $0x9000004B  }
0xb7: {  	_ =	sfence  }
0xb8: {  	s30 =	sld [smem:$0x0];
	_ =	sdelay $0x2  }
0xb9: {  	s31 =	sshll.u32 s1, $0xD;
	s1 =	sshrl.u32 s1, $0x2  }
0xba: {  	s3 =	sand.u32 $0x4000, s31;
	s1 =	sadd.s32 s1, s30  }
0xbb: {  	s0 =	sor.u32 s3, s0;
	s1 =	sshll.u32 s1, $0x11  }
0xbc: {  	s0 =	sor.u32 s1, s0  }
0xbd: {  	s0 =	sadd.s32 $0x8F2B, s0  }
0xbe: {  	[sflag:s0] =	ssyncadd.remote.s32 $0x1  }
0xbf: {  	_ =	sfence.sel $0xFFFF  }
0xc0: {  	[dreg:$0x0] =	wrdreg $0xFFFFFFFF;
	(pc) =	sbr.abs _section_cstart, $3  }
0xc1: {  	[dreg:$0x1] =	wrdreg $0xFFFFFFFF  }
0xc2: {  	_ =	task.clear_ibuf [dreg:s7], $0x2FFFF;
	_ =	strace $0x9FFFFFFF  }
0xc3: {  	(tm) =	ssettm $0x7FFFFFFF  }
tec
execute0_lowered:
.L_overlay_start_1:
0x0: {  	(tag) =	ssettag $0x1  }
0x1: {  	s1 =	rddreg [dreg:$0x0]  }
0x2: {  	s0 =	rddreg [dreg:$0x1]  }
0x3: {  	s3 =	rddreg [dreg:$0x2];
	s2 =	srdreg.scid  }
0x4: {  	s10 =	stileid.u32;
	s22 =	simm.s32 $0x0;
	s30 =	simm.s32 $0x2  }
0x5: {  	s31 =	simm.s32 $0x150;
	s12 =	simm.s32 $0x230;
	s13 =	simm.s32 $0x2A0  }
0x6: {  	s14 =	simm.s32 $0x6;
	s19 =	simm.s32 $0x7;
	s11 =	simm.s32 $0x310  }
0x7: {  	s2 =	sand.u32 $0x1, s2;
	s4 =	smul.u32 $0x7800, s10;
	[smem:$0x7FF] =	sst s22  }
0x8: {  	s5 =	sadd.s32 $0x2000, s0;
	s6 =	sadd.s32 $0x1A800, s0;
	s9 =	smul.u32 $0x1E000, s10  }
0x9: {  	s7 =	smul.u32 $0x78000, s2;
	s8 =	sshll.u32 s2, $0x4;
	s2 =	ssub.s32 $0x2, s2  }
0xa: {  	_ =	strace $0x8000004A;
	s8 =	sor.u32 s10, s8;
	s20 =	sshrl.u32 s2, $0x1  }
0xb: {  	s9 =	sshrl.u32 s9, $0x2;
	s25 =	sadd.s32 s4, s3;
	s10 =	simm.s32 $0x3  }
0xc: {  	s7 =	sadd.s32 s4, s7;
	s8 =	smul.u32 $0x2840, s8;
	s2 =	ssub.s32 s2, s20  }
0xd: {  	s21 =	sadd.s32 s9, s3;
	s20 =	simm.s32 $0x4;
	[dreg:$0x5] =	wrdreg s25  }
0xe: {  	s7 =	sshrl.u32 s7, $0x3;
	s23 =	sadd.s32 $0x1500, s21;
	s9 =	sadd.s32 $0x2A00, s21  }
0xf: {  	s26 =	sadd.s32 $0x3F00, s21;
	s28 =	sadd.s32 $0x5400, s21;
	[dreg:$0x6] =	wrdreg s23  }
0x10: {  	s29 =	smax.u32 s2, $0x1;
	s2 =	simm.s32 $0x1F80;
	[dreg:$0x7] =	wrdreg s9  }
0x11: {  	s0 =	sadd.s32 s7, s0;
	s24 =	sshrl.u32 s8, $0x3;
	[dreg:$0x8] =	wrdreg s26  }
0x12: {  	[dreg:$0xa] =	wrdreg s28;
	s7 =	sadd.s32 $0x6900, s21;
	s15 =	sadd.s32 $0xE0, s8  }
0x13: {  	s16 =	sadd.s32 $0x150, s8;
	s17 =	sadd.s32 $0x1C0, s8;
	s18 =	sadd.s32 $0x230, s8  }
0x14: {  	[dreg:$0xe] =	wrdreg s29;
	s21 =	simm.s32 $0x2D80;
	s26 =	simm.s32 $0x8  }
0x15: {  	s23 =	simm.s32 $0x70;
	s4 =	sadd.s32 s6, s24;
	[dreg:$0xb] =	wrdreg s7  }
0x16: {  	s8 =	simm.s32 $0x1C0;
	s0 =	sadd.s32 $0x2EA00, s0;
	[dreg:$0x9] =	wrdreg s4  }
0x17: {  	s9 =	simm.s32 $0x5;
	s4 =	sadd.s32 $0xE, s4;
	[dreg:$0xd] =	wrdreg s0  }
0x18: {  	v0 =	vimm.f32 $0.0e+00;
	v1 =	vimm.s32 $0x0;
	s24 =	simm.s32 $0x50800;
	s0 =	simm.s32 $0xA80;
	[dreg:$0xc] =	wrdreg s4  }
.LBB2_1:
0x19: {  	[dreg:$0x4] =	wrdreg s22;
	s4 =	simm.s32 $0xC0;
	s7 =	simm.s32 $0x0  }
.LBB2_2:
0x1a: {  	p0 =	sne.s32 s4, $0x5340;
	[tilespmem:s7+$0x2DA0] =	vst v0;
	s22 =	smov.u32 s4;
	s4 =	sadd.s32 $0xC0, s4  }
.Ltmp0:
0x1b: {  	[tilespmem:s7+$0x2D80] =	vst v0;
	(pc) =	sbr.rel @p0 .LBB2_2-.Ltmp0, $2  }
0x1c: {  	[tilespmem:s7+$0x2D90] =	vst v0;
	_ =	sdelay $0x2  }
0x1d: {  	s7 =	sshra.s32 s22, $0x2  }
0x1e: {  	[tilespmem:s7+$0x2DA0] =	vst v0  }
0x1f: {  	[tilespmem:s7+$0x2D80] =	vst v0  }
0x20: {  	[tilespmem:s7+$0x2D90] =	vst v0  }
0x21: {  	[spmem:s25] =	stream.linear.scatter [tilespmem:s21], [sflag:$0x8], $0x1500, $0x38;
	[tilespmem:$0xBA80] =	vst v63  }
0x22: {  	_ =	swait.ge [sflag:s26], $0x1500  }
0x23: {  	[sflag:s26] =	ssyncset.done $0x0  }
0x24: {  	s4 =	rddreg [dreg:$0x6];
	[sflag:s26] =	ssyncadd.s32 $0xFFFFEB00  }
0x25: {  	[spmem:s4] =	stream.linear.scatter [tilespmem:s21], [sflag:$0x8], $0x1500, $0x38;
	[tilespmem:$0xBA80] =	vst v63  }
0x26: {  	_ =	swait.ge [sflag:s26], $0x1500  }
0x27: {  	[sflag:s26] =	ssyncset.done $0x0  }
0x28: {  	s7 =	rddreg [dreg:$0x7];
	[sflag:s26] =	ssyncadd.s32 $0xFFFFEB00  }
0x29: {  	[spmem:s7] =	stream.linear.scatter [tilespmem:s21], [sflag:$0x8], $0x1500, $0x38;
	[tilespmem:$0xBA80] =	vst v63  }
0x2a: {  	_ =	swait.ge [sflag:s26], $0x1500  }
0x2b: {  	[sflag:s26] =	ssyncset.done $0x0  }
0x2c: {  	s22 =	rddreg [dreg:$0x8];
	[sflag:s26] =	ssyncadd.s32 $0xFFFFEB00  }
0x2d: {  	[spmem:s22] =	stream.linear.scatter [tilespmem:s21], [sflag:$0x8], $0x1500, $0x38;
	[tilespmem:$0xBA80] =	vst v63  }
0x2e: {  	_ =	swait.ge [sflag:s26], $0x1500  }
0x2f: {  	[sflag:s26] =	ssyncset.done $0x0  }
0x30: {  	s25 =	rddreg [dreg:$0xa];
	[sflag:s26] =	ssyncadd.s32 $0xFFFFEB00  }
0x31: {  	[spmem:s25] =	stream.linear.scatter [tilespmem:s21], [sflag:$0x8], $0x1500, $0x38;
	[tilespmem:$0xBA80] =	vst v63  }
0x32: {  	_ =	swait.ge [sflag:s26], $0x1500  }
0x33: {  	[sflag:s26] =	ssyncset.done $0x0  }
0x34: {  	s28 =	rddreg [dreg:$0xb];
	[sflag:s26] =	ssyncadd.s32 $0xFFFFEB00  }
0x35: {  	[spmem:s28] =	stream.linear.scatter [tilespmem:s21], [sflag:$0x8], $0xF00, $0x38;
	[tilespmem:$0xBA80] =	vst v63  }
0x36: {  	_ =	swait.ge [sflag:s26], $0xF00  }
0x37: {  	[sflag:s26] =	ssyncset.done $0x0  }
0x38: {  	[sflag:s26] =	ssyncadd.s32 $0xFFFFF100  }
0x39: {  	[bflag:$0x0] =	sbarrier.arrive $0xFFFF  }
0x3a: {  	s26 =	simm.s32 $0x0;
	s29 =	rddreg [dreg:$0x9]  }
0x3b: {  	[tilespmem:s26], [sflag:$0x1] =	stream.strided.gather [hbm4b:s29+s23], $0xE0, s24, s23, $0x38;
	[tilespmem:$0xBA80] =	vst v63  }
0x3c: {  	s22 =	simm.s32 $0xE0;
	s25 =	simm.s32 $0x1;
	s7 =	rddreg [dreg:$0xc]  }
0x3d: {  	[tilespmem:s22], [sflag:$0x2] =	stream.strided.gather [hbm4b:s7+s23], $0xE0, s24, s23, $0x38;
	[tilespmem:$0xBA80] =	vst v63  }
0x3e: {  	_ =	swait.ge [sflag:s25], $0xE0  }
0x3f: {  	[sflag:s25] =	ssyncset.done $0x0  }
0x40: {  	s28 =	simm.s32 $0x380;
	[sflag:s25] =	ssyncadd.s32 $0xFFFFFF20  }
0x41: {  	[tilespmem:s28], [sflag:$0x5] =	stream.indirect.gather [hbm4b:s5+s23], $0x10, s23, s23, $0xb8;
	[tilespmem:$0xBA80] =	vst v63  }
0x42: {  	s29 =	simm.s32 $0x1180  }
0x43: {  	[tilespmem:s29], [sflag:$0x5] =	stream.indirect.gather [hbm4b:s1+s23], $0x20, s26, s23, $0xb8;
	[tilespmem:$0xBA80] =	vst v63  }
.LBB2_4:
0x44: {  	_ =	swait.ge [sflag:s30], $0xE0  }
0x45: {  	[sflag:s30] =	ssyncset.done $0x0  }
0x46: {  	s7 =	smul.u32 $0x1C0, s26;
	[sflag:s30] =	ssyncadd.s32 $0xFFFFFF20  }
0x47: {  	[tilespmem:s0], [sflag:$0x6] =	stream.indirect.gather [hbm4b:s5+s23], $0x10, s31, s23, $0xb8;
	[tilespmem:$0xBA80] =	vst v63  }
0x48: {  	s4 =	simm.s32 $0xE0;
	s29 =	sadd.s32 s7, s15  }
0x49: {  	[tilespmem:s2], [sflag:$0x6] =	stream.indirect.gather [hbm4b:s1+s23], $0x20, s4, s23, $0xb8;
	[tilespmem:$0xBA80] =	vst v63  }
0x4a: {  	s4 =	sshrl.u32 s29, $0x3  }
0x4b: {  	s4 =	sadd.s32 s6, s4  }
0x4c: {  	[tilespmem:s8], [sflag:$0x3] =	stream.strided.gather [hbm4b:s4+s23], $0xE0, s24, s23, $0x38;
	[tilespmem:$0xBA80] =	vst v63  }
0x4d: {  	_ =	swait.ge [sflag:s9], $0x700  }
0x4e: {  	[sflag:s9] =	ssyncset.done $0x0  }
0x4f: {  	[sflag:s9] =	ssyncadd.s32 $0xFFFFF900  }
0x50: {  	_ =	swait.ge [sflag:s9], $0xE00  }
0x51: {  	p0 =	seq.s32 s26, $0x0;
	[sflag:s9] =	ssyncset.done $0x0  }
0x52: {  	s4 =	simm.s32 @!p0 $0x7;
	[sflag:s9] =	ssyncadd.s32 $0xFFFFF200  }
0x53: {  	_ =	swait.ge @!p0 [sflag:s4], $0x1500  }
0x54: {  	[sflag:s4] =	ssyncset.done @!p0 $0x0  }
0x55: {  	[sflag:s4] =	ssyncadd.s32 @!p0 $0xFFFFEB00;
	s4 =	simm.s32 $0x1190  }
0x56: {  	s22 =	simm.s32 $0x0;
	v2 =	vld [tilespmem:s4+$0x0]  }
0x57: {  	v3 =	vld [tilespmem:s22+$0x380];
	_ =	sdelay $0x3  }
0x58: {  	v2 =	vunpack.i.l.bf16.f32 v2  }
0x59: {  	v2 =	vadd.f32 v3, v2;
	_ =	sdelay $0x1  }
0x5a: {  	v3 =	vmul.f32 $2.000000030e-01, v2;
	_ =	sdelay $0x1  }
0x5b: {  	v2 =	vmax.f32 v2, v3  }
0x5c: {  	v2 =	vmul.f32 $1.442695020e+00, v2;
	_ =	sdelay $0x1  }
0x5d: {  	(erf) = vpow2.f32 v2;
	_ =	sdelay $0x8  }
0x5e: {  	s22 =	simm.s32 $0x2DA0;
	v2 =	vpop (erf)  }
0x5f: {  	[tilespmem:s22+$0x0] =	vst v2  }
0x60: {  	v3 =	vld [tilespmem:s4+$0xFFFFFFF0];
	_ =	sdelay $0x3  }
0x61: {  	v2 =	vperm.xlane v2, v1  }
0x62: {  	v4 =	vunpack.i.u.bf16.f32 v3;
	v3 =	vunpack.i.l.bf16.f32 v3  }
0x63: {  	s25 =	simm.s32 $0x40;
	s28 =	simm.s32 $0x2DA0;
	v3 =	vmul.f32 v2, v3;
	v2 =	vmul.f32 v2, v4  }
.LBB2_5:
0x64: {  	_ = 	snop  }
0x65: {  	p0 =	sne.s32 s25, $0x1BC0;
	s28 =	sadd.s32 $0x30, s28;
	s4 =	sadd.s32 $0x20, s4;
	[tilespmem:s22+$0xFFFFFFE0] =	vst v3  }
0x66: {  	s29 =	smov.u32 s25;
	s25 =	sadd.s32 $0x40, s25;
	[tilespmem:s22+$0xFFFFFFF0] =	vst v2;
	s22 =	smov.u32 s28  }
0x67: {  	s29 =	sshra.s32 s29, $0x2;
	v2 =	vld [tilespmem:s4+$0x0]  }
0x68: {  	v3 =	vld [tilespmem:s29+$0x380];
	_ =	sdelay $0x3  }
0x69: {  	v2 =	vunpack.i.l.bf16.f32 v2  }
0x6a: {  	v2 =	vadd.f32 v3, v2;
	_ =	sdelay $0x1  }
0x6b: {  	v3 =	vmul.f32 $2.000000030e-01, v2;
	_ =	sdelay $0x1  }
0x6c: {  	v2 =	vmax.f32 v2, v3  }
0x6d: {  	v2 =	vmul.f32 $1.442695020e+00, v2;
	_ =	sdelay $0x1  }
0x6e: {  	(erf) = vpow2.f32 v2;
	_ =	sdelay $0x8  }
0x6f: {  	v2 =	vpop (erf)  }
0x70: {  	[tilespmem:s28+$0x0] =	vst v2  }
0x71: {  	v3 =	vld [tilespmem:s4+$0xFFFFFFF0];
	_ =	sdelay $0x1  }
.Ltmp1:
0x72: {  	(pc) =	sbr.rel @p0 .LBB2_5-.Ltmp1, $4  }
0x73: {  	_ = 	snop  }
0x74: {  	v2 =	vperm.xlane v2, v1  }
0x75: {  	v4 =	vunpack.i.u.bf16.f32 v3;
	v3 =	vunpack.i.l.bf16.f32 v3  }
0x76: {  	v3 =	vmul.f32 v2, v3;
	v2 =	vmul.f32 v2, v4  }
0x77: {  	_ = 	snop  }
0x78: {  	[tilespmem:s22+$0xFFFFFFE0] =	vst v3  }
0x79: {  	[tilespmem:s22+$0xFFFFFFF0] =	vst v2  }
0x7a: {  	[spmem:s3] =	stream.indirect.scatter.add.f32 [tilespmem:s21], [sflag:$0x7], $0x30, s23, s23, $0xb8;
	[tilespmem:$0xBA80] =	vst v63  }
0x7b: {  	_ =	swait.ge [sflag:s10], $0xE0  }
0x7c: {  	[sflag:s10] =	ssyncset.done $0x0  }
0x7d: {  	s4 =	simm.s32 $0x380;
	s25 =	sadd.s32 s7, s16;
	[sflag:s10] =	ssyncadd.s32 $0xFFFFFF20  }
0x7e: {  	[tilespmem:s4], [sflag:$0x5] =	stream.indirect.gather [hbm4b:s5+s23], $0x10, s12, s23, $0xb8;
	[tilespmem:$0xBA80] =	vst v63  }
0x7f: {  	s22 =	simm.s32 $0x1180;
	s4 =	sshrl.u32 s25, $0x3  }
0x80: {  	[tilespmem:s22], [sflag:$0x5] =	stream.indirect.gather [hbm4b:s1+s23], $0x20, s8, s23, $0xb8;
	[tilespmem:$0xBA80] =	vst v63  }
0x81: {  	s4 =	sadd.s32 s6, s4  }
0x82: {  	[tilespmem:s13], [sflag:$0x4] =	stream.strided.gather [hbm4b:s4+s23], $0xE0, s24, s23, $0x38;
	[tilespmem:$0xBA80] =	vst v63  }
0x83: {  	_ =	swait.ge [sflag:s14], $0x700  }
0x84: {  	[sflag:s14] =	ssyncset.done $0x0  }
0x85: {  	[sflag:s14] =	ssyncadd.s32 $0xFFFFF900  }
0x86: {  	_ =	swait.ge [sflag:s14], $0xE00  }
0x87: {  	[sflag:s14] =	ssyncset.done $0x0  }
0x88: {  	[sflag:s14] =	ssyncadd.s32 $0xFFFFF200  }
0x89: {  	_ =	swait.ge [sflag:s19], $0x1500  }
0x8a: {  	[sflag:s19] =	ssyncset.done $0x0  }
0x8b: {  	s4 =	simm.s32 $0x1F90;
	[sflag:s19] =	ssyncadd.s32 $0xFFFFEB00  }
0x8c: {  	s29 =	simm.s32 $0x0;
	v2 =	vld [tilespmem:s4+$0x0]  }
0x8d: {  	v3 =	vld [tilespmem:s29+$0xA80];
	_ =	sdelay $0x3  }
0x8e: {  	v2 =	vunpack.i.l.bf16.f32 v2  }
0x8f: {  	v2 =	vadd.f32 v3, v2;
	_ =	sdelay $0x1  }
0x90: {  	v3 =	vmul.f32 $2.000000030e-01, v2;
	_ =	sdelay $0x1  }
0x91: {  	v2 =	vmax.f32 v2, v3  }
0x92: {  	v2 =	vmul.f32 $1.442695020e+00, v2;
	_ =	sdelay $0x1  }
0x93: {  	(erf) = vpow2.f32 v2;
	_ =	sdelay $0x8  }
0x94: {  	s22 =	simm.s32 $0x2DA0;
	v2 =	vpop (erf)  }
0x95: {  	[tilespmem:s22+$0x0] =	vst v2  }
0x96: {  	v3 =	vld [tilespmem:s4+$0xFFFFFFF0];
	_ =	sdelay $0x3  }
0x97: {  	v2 =	vperm.xlane v2, v1  }
0x98: {  	v4 =	vunpack.i.u.bf16.f32 v3;
	v3 =	vunpack.i.l.bf16.f32 v3  }
0x99: {  	s28 =	simm.s32 $0x2DA0;
	s25 =	simm.s32 $0x40;
	v3 =	vmul.f32 v2, v3;
	v2 =	vmul.f32 v2, v4  }
.LBB2_7:
0x9a: {  	_ = 	snop  }
0x9b: {  	p0 =	sne.s32 s25, $0x1BC0;
	s28 =	sadd.s32 $0x30, s28;
	s4 =	sadd.s32 $0x20, s4;
	[tilespmem:s22+$0xFFFFFFE0] =	vst v3  }
0x9c: {  	s29 =	smov.u32 s25;
	s25 =	sadd.s32 $0x40, s25;
	[tilespmem:s22+$0xFFFFFFF0] =	vst v2;
	s22 =	smov.u32 s28  }
0x9d: {  	s29 =	sshra.s32 s29, $0x2;
	v2 =	vld [tilespmem:s4+$0x0]  }
0x9e: {  	v3 =	vld [tilespmem:s29+$0xA80];
	_ =	sdelay $0x3  }
0x9f: {  	v2 =	vunpack.i.l.bf16.f32 v2  }
0xa0: {  	v2 =	vadd.f32 v3, v2;
	_ =	sdelay $0x1  }
0xa1: {  	v3 =	vmul.f32 $2.000000030e-01, v2;
	_ =	sdelay $0x1  }
0xa2: {  	v2 =	vmax.f32 v2, v3  }
0xa3: {  	v2 =	vmul.f32 $1.442695020e+00, v2;
	_ =	sdelay $0x1  }
0xa4: {  	(erf) = vpow2.f32 v2;
	_ =	sdelay $0x8  }
0xa5: {  	v2 =	vpop (erf)  }
0xa6: {  	[tilespmem:s28+$0x0] =	vst v2  }
0xa7: {  	v3 =	vld [tilespmem:s4+$0xFFFFFFF0];
	_ =	sdelay $0x1  }
.Ltmp2:
0xa8: {  	(pc) =	sbr.rel @p0 .LBB2_7-.Ltmp2, $4  }
0xa9: {  	_ = 	snop  }
0xaa: {  	v2 =	vperm.xlane v2, v1  }
0xab: {  	v4 =	vunpack.i.u.bf16.f32 v3;
	v3 =	vunpack.i.l.bf16.f32 v3  }
0xac: {  	v3 =	vmul.f32 v2, v3;
	v2 =	vmul.f32 v2, v4  }
0xad: {  	_ = 	snop  }
0xae: {  	[tilespmem:s22+$0xFFFFFFE0] =	vst v3  }
0xaf: {  	[tilespmem:s22+$0xFFFFFFF0] =	vst v2  }
0xb0: {  	[spmem:s3] =	stream.indirect.scatter.add.f32 [tilespmem:s21], [sflag:$0x7], $0x30, s31, s23, $0xb8;
	[tilespmem:$0xBA80] =	vst v63  }
0xb1: {  	_ =	swait.ge [sflag:s20], $0xE0  }
0xb2: {  	p0 =	seq.s32 s26, $0x16;
	[sflag:s20] =	ssyncset.done $0x0  }
0xb3: {  	s4 =	sadd.s32 @!p0 s7, s17;
	[sflag:s20] =	ssyncadd.s32 $0xFFFFFF20  }
0xb4: {  	[tilespmem:s0], [sflag:$0x6] =	stream.indirect.gather [hbm4b:s5+s23], $0x10, s11, s23, $0xb8;
	[tilespmem:$0xBA80] =	vst v63  }
0xb5: {  	s22 =	simm.s32 @!p0 $0x70;
	s4 =	sshrl.u32 @!p0 s4, $0x3  }
0xb6: {  	[tilespmem:s2], [sflag:$0x6] =	stream.indirect.gather [hbm4b:s1+s23], $0x20, s13, s23, $0xb8;
	[tilespmem:$0xBA80] =	vst v63  }
0xb7: {  	s25 =	simm.s32 @!p0 $0x50800;
	s28 =	simm.s32 @!p0 $0x0;
	s4 =	sadd.s32 @!p0 s6, s4  }
0xb8: {  	[tilespmem:s28], [sflag:$0x1] =	stream.strided.gather @!p0 [hbm4b:s4+s22], $0xE0, s25, s22, $0x38;
	[tilespmem:$0xBA80] =	vst v63  }
0xb9: {  	_ =	swait.ge [sflag:s9], $0x700  }
0xba: {  	[sflag:s9] =	ssyncset.done $0x0  }
0xbb: {  	[sflag:s9] =	ssyncadd.s32 $0xFFFFF900  }
0xbc: {  	_ =	swait.ge [sflag:s9], $0xE00  }
0xbd: {  	[sflag:s9] =	ssyncset.done $0x0  }
0xbe: {  	[sflag:s9] =	ssyncadd.s32 $0xFFFFF200  }
0xbf: {  	_ =	swait.ge [sflag:s19], $0x1500  }
0xc0: {  	[sflag:s19] =	ssyncset.done $0x0  }
0xc1: {  	s4 =	simm.s32 $0x1190;
	[sflag:s19] =	ssyncadd.s32 $0xFFFFEB00  }
0xc2: {  	s29 =	simm.s32 $0x0;
	v2 =	vld [tilespmem:s4+$0x0]  }
0xc3: {  	v3 =	vld [tilespmem:s29+$0x380];
	_ =	sdelay $0x3  }
0xc4: {  	v2 =	vunpack.i.l.bf16.f32 v2  }
0xc5: {  	v2 =	vadd.f32 v3, v2;
	_ =	sdelay $0x1  }
0xc6: {  	v3 =	vmul.f32 $2.000000030e-01, v2;
	_ =	sdelay $0x1  }
0xc7: {  	v2 =	vmax.f32 v2, v3  }
0xc8: {  	v2 =	vmul.f32 $1.442695020e+00, v2;
	_ =	sdelay $0x1  }
0xc9: {  	(erf) = vpow2.f32 v2;
	_ =	sdelay $0x8  }
0xca: {  	s22 =	simm.s32 $0x2DA0;
	v2 =	vpop (erf)  }
0xcb: {  	[tilespmem:s22+$0x0] =	vst v2  }
0xcc: {  	v3 =	vld [tilespmem:s4+$0xFFFFFFF0];
	_ =	sdelay $0x3  }
0xcd: {  	v2 =	vperm.xlane v2, v1  }
0xce: {  	v4 =	vunpack.i.u.bf16.f32 v3;
	v3 =	vunpack.i.l.bf16.f32 v3  }
0xcf: {  	s25 =	simm.s32 $0x40;
	s28 =	simm.s32 $0x2DA0;
	v3 =	vmul.f32 v2, v3;
	v2 =	vmul.f32 v2, v4  }
.LBB2_9:
0xd0: {  	_ = 	snop  }
0xd1: {  	p1 =	sne.s32 s25, $0x1BC0;
	s28 =	sadd.s32 $0x30, s28;
	s4 =	sadd.s32 $0x20, s4;
	[tilespmem:s22+$0xFFFFFFE0] =	vst v3  }
0xd2: {  	s29 =	smov.u32 s25;
	s25 =	sadd.s32 $0x40, s25;
	[tilespmem:s22+$0xFFFFFFF0] =	vst v2;
	s22 =	smov.u32 s28  }
0xd3: {  	s29 =	sshra.s32 s29, $0x2;
	v2 =	vld [tilespmem:s4+$0x0]  }
0xd4: {  	v3 =	vld [tilespmem:s29+$0x380];
	_ =	sdelay $0x3  }
0xd5: {  	v2 =	vunpack.i.l.bf16.f32 v2  }
0xd6: {  	v2 =	vadd.f32 v3, v2;
	_ =	sdelay $0x1  }
0xd7: {  	v3 =	vmul.f32 $2.000000030e-01, v2;
	_ =	sdelay $0x1  }
0xd8: {  	v2 =	vmax.f32 v2, v3  }
0xd9: {  	v2 =	vmul.f32 $1.442695020e+00, v2;
	_ =	sdelay $0x1  }
0xda: {  	(erf) = vpow2.f32 v2;
	_ =	sdelay $0x8  }
0xdb: {  	v2 =	vpop (erf)  }
0xdc: {  	[tilespmem:s28+$0x0] =	vst v2  }
0xdd: {  	v3 =	vld [tilespmem:s4+$0xFFFFFFF0];
	_ =	sdelay $0x1  }
.Ltmp3:
0xde: {  	(pc) =	sbr.rel @p1 .LBB2_9-.Ltmp3, $4  }
0xdf: {  	_ = 	snop  }
0xe0: {  	v2 =	vperm.xlane v2, v1  }
0xe1: {  	v4 =	vunpack.i.u.bf16.f32 v3;
	v3 =	vunpack.i.l.bf16.f32 v3  }
0xe2: {  	v3 =	vmul.f32 v2, v3;
	v2 =	vmul.f32 v2, v4  }
0xe3: {  	_ = 	snop  }
0xe4: {  	[tilespmem:s22+$0xFFFFFFE0] =	vst v3  }
0xe5: {  	s4 =	simm.s32 @!p0 $0x1;
	[tilespmem:s22+$0xFFFFFFF0] =	vst v2  }
0xe6: {  	[spmem:s3] =	stream.indirect.scatter.add.f32 [tilespmem:s21], [sflag:$0x7], $0x30, s12, s23, $0xb8;
	[tilespmem:$0xBA80] =	vst v63  }
0xe7: {  	_ =	swait.ge @!p0 [sflag:s4], $0xE0  }
0xe8: {  	s7 =	sadd.s32 @!p0 s7, s18;
	[sflag:s4] =	ssyncset.done @!p0 $0x0  }
0xe9: {  	s22 =	simm.s32 @!p0 $0x380;
	[sflag:s4] =	ssyncadd.s32 @!p0 $0xFFFFFF20;
	s4 =	simm.s32 @!p0 $0x70  }
0xea: {  	[tilespmem:s22], [sflag:$0x5] =	stream.indirect.gather @!p0 [hbm4b:s5+s4], $0x10, s4, s4, $0xb8;
	[tilespmem:$0xBA80] =	vst v63  }
0xeb: {  	s25 =	simm.s32 @!p0 $0x1180;
	s7 =	sshrl.u32 @!p0 s7, $0x3;
	s22 =	simm.s32 @!p0 $0x0  }
0xec: {  	[tilespmem:s25], [sflag:$0x5] =	stream.indirect.gather @!p0 [hbm4b:s1+s4], $0x20, s22, s4, $0xb8;
	[tilespmem:$0xBA80] =	vst v63  }
0xed: {  	s7 =	sadd.s32 @!p0 s6, s7;
	s22 =	simm.s32 @!p0 $0x50800;
	s25 =	simm.s32 @!p0 $0xE0  }
0xee: {  	[tilespmem:s25], [sflag:$0x2] =	stream.strided.gather @!p0 [hbm4b:s7+s4], $0xE0, s22, s4, $0x38;
	[tilespmem:$0xBA80] =	vst v63  }
0xef: {  	_ =	swait.ge [sflag:s14], $0x700  }
0xf0: {  	[sflag:s14] =	ssyncset.done $0x0  }
0xf1: {  	[sflag:s14] =	ssyncadd.s32 $0xFFFFF900  }
0xf2: {  	_ =	swait.ge [sflag:s14], $0xE00  }
0xf3: {  	[sflag:s14] =	ssyncset.done $0x0  }
0xf4: {  	[sflag:s14] =	ssyncadd.s32 $0xFFFFF200  }
0xf5: {  	_ =	swait.ge [sflag:s19], $0x1500  }
0xf6: {  	[sflag:s19] =	ssyncset.done $0x0  }
0xf7: {  	s4 =	simm.s32 $0x1F90;
	[sflag:s19] =	ssyncadd.s32 $0xFFFFEB00  }
0xf8: {  	s29 =	simm.s32 $0x0;
	v2 =	vld [tilespmem:s4+$0x0]  }
0xf9: {  	v3 =	vld [tilespmem:s29+$0xA80];
	_ =	sdelay $0x3  }
0xfa: {  	v2 =	vunpack.i.l.bf16.f32 v2  }
0xfb: {  	v2 =	vadd.f32 v3, v2;
	_ =	sdelay $0x1  }
0xfc: {  	v3 =	vmul.f32 $2.000000030e-01, v2;
	_ =	sdelay $0x1  }
0xfd: {  	v2 =	vmax.f32 v2, v3  }
0xfe: {  	v2 =	vmul.f32 $1.442695020e+00, v2;
	_ =	sdelay $0x1  }
0xff: {  	(erf) = vpow2.f32 v2;
	_ =	sdelay $0x8  }
0x100: {  	s7 =	simm.s32 $0x2DA0;
	v2 =	vpop (erf)  }
0x101: {  	[tilespmem:s7+$0x0] =	vst v2  }
0x102: {  	v3 =	vld [tilespmem:s4+$0xFFFFFFF0];
	_ =	sdelay $0x3  }
0x103: {  	v2 =	vperm.xlane v2, v1  }
0x104: {  	v4 =	vunpack.i.u.bf16.f32 v3;
	v3 =	vunpack.i.l.bf16.f32 v3  }
0x105: {  	s22 =	simm.s32 $0x40;
	s25 =	simm.s32 $0x2DA0;
	v3 =	vmul.f32 v2, v3;
	v2 =	vmul.f32 v2, v4  }
.LBB2_11:
0x106: {  	_ = 	snop  }
0x107: {  	p0 =	sne.s32 s22, $0x1BC0;
	s25 =	sadd.s32 $0x30, s25;
	s4 =	sadd.s32 $0x20, s4;
	[tilespmem:s7+$0xFFFFFFE0] =	vst v3  }
0x108: {  	s28 =	smov.u32 s22;
	s22 =	sadd.s32 $0x40, s22;
	[tilespmem:s7+$0xFFFFFFF0] =	vst v2;
	s7 =	smov.u32 s25  }
0x109: {  	s28 =	sshra.s32 s28, $0x2;
	v2 =	vld [tilespmem:s4+$0x0]  }
0x10a: {  	v3 =	vld [tilespmem:s28+$0xA80];
	_ =	sdelay $0x3  }
0x10b: {  	v2 =	vunpack.i.l.bf16.f32 v2  }
0x10c: {  	v2 =	vadd.f32 v3, v2;
	_ =	sdelay $0x1  }
0x10d: {  	v3 =	vmul.f32 $2.000000030e-01, v2;
	_ =	sdelay $0x1  }
0x10e: {  	v2 =	vmax.f32 v2, v3  }
0x10f: {  	v2 =	vmul.f32 $1.442695020e+00, v2;
	_ =	sdelay $0x1  }
0x110: {  	(erf) = vpow2.f32 v2;
	_ =	sdelay $0x8  }
0x111: {  	v2 =	vpop (erf)  }
0x112: {  	[tilespmem:s25+$0x0] =	vst v2  }
0x113: {  	v3 =	vld [tilespmem:s4+$0xFFFFFFF0];
	_ =	sdelay $0x1  }
.Ltmp4:
0x114: {  	(pc) =	sbr.rel @p0 .LBB2_11-.Ltmp4, $4  }
0x115: {  	_ = 	snop  }
0x116: {  	v2 =	vperm.xlane v2, v1  }
0x117: {  	v4 =	vunpack.i.u.bf16.f32 v3;
	v3 =	vunpack.i.l.bf16.f32 v3  }
0x118: {  	v3 =	vmul.f32 v2, v3;
	v2 =	vmul.f32 v2, v4  }
0x119: {  	s26 =	sadd.s32 $0x1, s26  }
0x11a: {  	p0 =	sne.s32 s26, $0x17  }
.Ltmp5:
0x11b: {  	_ = 	snop;
	(pc) =	sbr.rel @p0 .LBB2_4-.Ltmp5, $4  }
0x11c: {  	_ = 	snop  }
0x11d: {  	[tilespmem:s7+$0xFFFFFFE0] =	vst v3  }
0x11e: {  	[tilespmem:s7+$0xFFFFFFF0] =	vst v2  }
0x11f: {  	[spmem:s3] =	stream.indirect.scatter.add.f32 [tilespmem:s21], [sflag:$0x7], $0x30, s11, s23, $0xb8;
	[tilespmem:$0xBA80] =	vst v63  }
0x120: {  	_ =	swait.ge [sflag:s19], $0x1500  }
0x121: {  	[sflag:s19] =	ssyncset.done $0x0  }
0x122: {  	[sflag:s19] =	ssyncadd.s32 $0xFFFFEB00  }
0x123: {  	s4 =	stileid.u32;
	[bflag:$0x0] =	sbarrier.arrive $0xFFFF  }
0x124: {  	s26 =	simm.s32 $0x8;
	s4 =	sshll.u32 s4, $0x6;
	s25 =	rddreg [dreg:$0x5]  }
0x125: {  	s4 =	sor.u32 $0x1C08, s4;
	s22 =	rddreg [dreg:$0xd];
	s7 =	sshrl.u32 s25, $0x3  }
0x126: {  	[hbm:s22], [sflag:s4] =	dma.local [spmem:s7], $0xF00  }
0x127: {  	_ =	swait.ge [sflag:s26], $0xF00  }
0x128: {  	s28 =	rddreg [dreg:$0x4]  }
0x129: {  	s29 =	rddreg [dreg:$0xe];
	s22 =	sadd.s32 $0x1, s28  }
0x12a: {  	p0 =	sne.s32 s22, s29  }
.Ltmp6:
0x12b: {  	_ = 	snop;
	(pc) =	sbr.rel @p0 .LBB2_1-.Ltmp6, $3  }
0x12c: {  	_ =	sdelay $0x1  }
0x12d: {  	[sflag:s26] =	ssyncset.done $0x0  }
0x12e: {  	[sflag:s26] =	ssyncadd.s32 $0xFFFFF100  }
0x12f: {  	_ =	sfence.sel $0x180000  }
0x130: {  	[bflag:$0x0] =	sbarrier.arrive $0xFFFF  }
0x131: {  	_ =	strace $0x9000004A  }
0x132: {  	s0 =	stileid.u32;
	[bflag:$0x2] =	sbarrier.arrive $0xFFFF  }
0x133: {  	p0 =	sne.s32 s0, $0x0;
	s0 =	rddreg [dreg:$0x3]  }
0x134: {  	s0 =	sadd.s32 @!p0 $0x100000, s0  }
0x135: {  	[sflag:s0] =	ssyncadd.tile.s32 @!p0 $0x1;
	_ =	shalt  }
.Lfunc_end2:
_tile_overlayer_lowered:
.L_overlay_start_2:
0x136: {  	(tag) =	ssettag $0x2  }
0x137: {  	s0 =	rddreg [dreg:$0x0];
	s2 =	stileid.u32  }
0x138: {  	s1 =	rddreg [dreg:$0x1];
	p0 =	sne.s32 s2, $0x0  }
0x139: {  	s3 =	rddreg [dreg:$0x2];
	[bflag:$0x3] =	sbarrier.arrive $0xFFFF;
	s2 =	simm.s32 @!p0 $0x1C08  }
0x13a: {  	[timem:s3], [sflag:s2] =	dma.local @!p0 [hbm:s0], s1  }
0x13b: {  	s0 =	simm.s32 @!p0 $0x8  }
0x13c: {  	_ =	swait.ge @!p0 [sflag:s0], s1  }
0x13d: {  	s1 =	ssub.s32 @!p0 $0x0, s1;
	[sflag:s0] =	ssyncset.done @!p0 $0x0  }
0x13e: {  	[sflag:s0] =	ssyncadd.s32 @!p0 s1  }
0x13f: {  	[bflag:$0x3] =	sbarrier.arrive $0xFFFF  }
0x140: {  	_ =	shalt  }

// kernel: kernel.7.cloned.1.call-start
scs
__scs_entry_jumppad:
0x0: {  	(pc) =	sbr.rel $0x88, $3  }
0x1: {  	(tag) =	ssettag $0x0;
	lr =	simm.s32 $0x1  }
0x2: {  	[smem:$0x3F97] =	sst lr;
	_ =	strace $0xD0000000  }
0x3: {  	_ = 	snop  }
0x4: {  	_ = 	snop  }
0x5: {  	_ = 	snop  }
0x6: {  	_ = 	snop  }
0x7: {  	_ = 	snop  }
__scs_overlays_trampoline_lowered:
0x8: {  	[smem:$0x3FA6] =	sst s0  }
0x9: {  	[smem:$0x3FA7] =	sst s1  }
0xa: {  	[smem:$0x3FA8] =	sst s2  }
0xb: {  	[smem:$0x3FA9] =	sst s3  }
0xc: {  	[smem:$0x3FAA] =	sst s4  }
0xd: {  	[smem:$0x3FAB] =	sst s5  }
0xe: {  	[smem:$0x3FAC] =	sst s6  }
0xf: {  	[smem:$0x3FAD] =	sst s7  }
0x10: {  	[smem:$0x3FAE] =	sst s8  }
0x11: {  	[smem:$0x3FAF] =	sst s9;
	s0 =	simm.s32 @!p0 $0x0  }
0x12: {  	s1 =	sld [smem:$0x3F95];
	s0 =	simm.s32 @p0 $0x1  }
0x13: {  	[smem:$0x3FB0] =	sst s0;
	s0 =	simm.s32 @!p1 $0x0  }
0x14: {  	s2 =	sld [smem:$0x3F94];
	s0 =	simm.s32 @p1 $0x1  }
0x15: {  	[smem:$0x3FB1] =	sst s0;
	s0 =	simm.s32 @!p2 $0x0  }
0x16: {  	s3 =	sld [smem:$0x3FDB];
	s0 =	simm.s32 @p2 $0x1  }
0x17: {  	s4 =	simm.s32 $0x1BF5;
	[smem:$0x3FB3] =	sst s0  }
0x18: {  	s0 =	sld [smem:$0x3F96];
	_ =	swait.ge [sflag:s4], $0x0  }
0x19: {  	s7 =	sld [smem:$0x3F97]  }
0x1a: {  	s8 =	sadd.s32 $0xFFFFE003, lr  }
0x1b: {  	s9 =	sadd.s32 $0xFFFFFEF7, lr;
	s5 =	simm.s32 $0xFFFFFFFF;
	p2 =	slt.u32 s8, $0xFFFFF086  }
0x1c: {  	p1 =	slt.u32 s9, $0xF7A;
	s5 =	simm.s32 @!p2 $0x0  }
0x1d: {  	s5 =	simm.s32 @p1 $0x1;
	p0 =	seq.s32 s7, s2  }
0x1e: {  	s7 =	smul.u32 @!p0 $0xF7A, s2;
	p2 =	seq.s32 @!p0 s5, $0x0  }
0x1f: {  	s9 =	smul.u32 $0xF7A, s1;
	s8 =	simm.s32 @!p0 $0x1BF5;
	p2 =	por !p2, p0  }
0x20: {  	[sflag:s8] =	ssyncset.s32 @!p0 $0xFFFFF086;
	s6 =	sadd.s32 @!p0 s3, s7;
	s7 =	simm.s32 @!p0 $0x108  }
0x21: {  	s3 =	sadd.s32 s3, s9;
	s6 =	sadd.s32 @!p0 $0x88, s6;
	s7 =	simm.s32 @p2 $0x1082  }
0x22: {  	[simem:s7], [sflag:s8] =	dma.local @!p0 [hbm:s6], $0xF7A  }
0x23: {  	s9 =	sor.u32 $0xD0000000, s2;
	s6 =	simm.s32 $0x108;
	_ =	swait.ge @!p0 [sflag:s8], $0x0  }
0x24: {  	s3 =	sadd.s32 $0x88, s3;
	s6 =	simm.s32 @!p1 $0x1082;
	[sflag:s4] =	ssyncset.s32 $0xFFFFF086  }
0x25: {  	[simem:s6], [sflag:s4] =	dma.local [hbm:s3], $0xF7A  }
0x26: {  	[smem:$0x3F97] =	sst s1;
	(tag) =	ssettag s2;
	_ =	strace s9  }
0x27: {  	s1 =	sld [smem:$0x3FA7]  }
0x28: {  	s2 =	sld [smem:$0x3FA8]  }
0x29: {  	s4 =	sld [smem:$0x3FAA]  }
0x2a: {  	p0 =	seq.s32 s5, $0x0;
	s5 =	sld [smem:$0x3FAB]  }
0x2b: {  	s6 =	sld [smem:$0x3FAC]  }
0x2c: {  	s7 =	sld [smem:$0x3FAD]  }
0x2d: {  	s3 =	simm.s32 $0x108;
	s8 =	sld [smem:$0x3FAE]  }
0x2e: {  	s3 =	simm.s32 @!p0 $0x1082;
	s9 =	sld [smem:$0x3FAF]  }
0x2f: {  	lr =	sadd.s32 s0, s3;
	s0 =	sld [smem:$0x3FA6]  }
0x30: {  	s3 =	sld [smem:$0x3FA9]  }
0x31: {  	[smem:$0x3FB2] =	sst s10  }
0x32: {  	s10 =	sld [smem:$0x3FB0];
	_ =	sdelay $0x3  }
0x33: {  	p0 =	seq.s32 s10, $0x1;
	s10 =	sld [smem:$0x3FB2];
	_ =	sdelay $0x3  }
0x34: {  	[smem:$0x3FB2] =	sst s10  }
0x35: {  	s10 =	sld [smem:$0x3FB1];
	_ =	sdelay $0x3  }
0x36: {  	p1 =	seq.s32 s10, $0x1;
	s10 =	sld [smem:$0x3FB2];
	_ =	sdelay $0x3  }
0x37: {  	[smem:$0x3FB2] =	sst s10  }
0x38: {  	s10 =	sld [smem:$0x3FB3]  }
0x39: {  	_ = 	snop;
	(pc) =	sbr.ind lr, $3  }
0x3a: {  	_ = 	snop  }
0x3b: {  	_ = 	snop  }
0x3c: {  	p2 =	seq.s32 s10, $0x1;
	s10 =	sld [smem:$0x3FB2]  }
0x3d: {  	_ =	shalt  }
0x3e: {  	_ =	shalt  }
0x3f: {  	_ =	shalt  }
0x40: {  	_ =	shalt  }
0x41: {  	_ =	shalt  }
0x42: {  	_ =	shalt  }
0x43: {  	_ =	shalt  }
0x44: {  	_ =	shalt  }
0x45: {  	_ =	shalt  }
0x46: {  	_ =	shalt  }
0x47: {  	_ =	shalt  }
0x48: {  	_ =	shalt  }
0x49: {  	_ =	shalt  }
0x4a: {  	_ =	shalt  }
0x4b: {  	_ =	shalt  }
0x4c: {  	_ =	shalt  }
0x4d: {  	_ =	shalt  }
0x4e: {  	_ =	shalt  }
0x4f: {  	_ =	shalt  }
0x50: {  	_ =	shalt  }
0x51: {  	_ =	shalt  }
0x52: {  	_ =	shalt  }
0x53: {  	_ =	shalt  }
0x54: {  	_ =	shalt  }
0x55: {  	_ =	shalt  }
0x56: {  	_ =	shalt  }
0x57: {  	_ =	shalt  }
0x58: {  	_ =	shalt  }
0x59: {  	_ =	shalt  }
0x5a: {  	_ =	shalt  }
0x5b: {  	_ =	shalt  }
0x5c: {  	_ =	shalt  }
0x5d: {  	_ =	shalt  }
0x5e: {  	_ =	shalt  }
0x5f: {  	_ =	shalt  }
0x60: {  	_ =	shalt  }
0x61: {  	_ =	shalt  }
0x62: {  	_ =	shalt  }
0x63: {  	_ =	shalt  }
0x64: {  	_ =	shalt  }
0x65: {  	_ =	shalt  }
0x66: {  	_ =	shalt  }
0x67: {  	_ =	shalt  }
0x68: {  	_ =	shalt  }
0x69: {  	_ =	shalt  }
0x6a: {  	_ =	shalt  }
0x6b: {  	_ =	shalt  }
0x6c: {  	_ =	shalt  }
0x6d: {  	_ =	shalt  }
0x6e: {  	_ =	shalt  }
0x6f: {  	_ =	shalt  }
0x70: {  	_ =	shalt  }
0x71: {  	_ =	shalt  }
0x72: {  	_ =	shalt  }
0x73: {  	_ =	shalt  }
0x74: {  	_ =	shalt  }
0x75: {  	_ =	shalt  }
0x76: {  	_ =	shalt  }
0x77: {  	_ =	shalt  }
0x78: {  	_ =	shalt  }
0x79: {  	_ =	shalt  }
0x7a: {  	_ =	shalt  }
0x7b: {  	_ =	shalt  }
0x7c: {  	_ =	shalt  }
0x7d: {  	_ =	shalt  }
0x7e: {  	_ =	shalt  }
0x7f: {  	_ =	shalt  }
0x80: {  	_ =	shalt  }
0x81: {  	_ =	shalt  }
0x82: {  	_ =	shalt  }
0x83: {  	_ =	shalt  }
0x84: {  	_ =	shalt  }
0x85: {  	_ =	shalt  }
0x86: {  	_ =	shalt  }
0x87: {  	_ =	shalt  }
.Lfunc_end0:
.L_simem_size_0:
called_computation_lowered:
.L_overlay_start_0:
0x88: {  	s2 =	sld [smem:$0x3FD9]  }
0x89: {  	s3 =	sld [smem:$0x3FFE];
	_ =	sdelay $0x1  }
0x8a: {  	s1 =	srdreg.scid  }
0x8b: {  	s0 =	sand.u32 $0x1, s1  }
0x8c: {  	s17 =	sshll.u32 s0, $0xA;
	s2 =	sadd.s32 s3, s2  }
0x8d: {  	s2 =	sadd.s32 s2, s17  }
0x8e: {  	[smem:$0x3FBE] =	sst s2  }
0x8f: {  	_ = 	snop  }
0x90: {  	s2 =	sld [smem:$0x3FD0];
	(tm) =	ssettm $0x1  }
0x91: {  	s18 =	sld [smem:$0x3FFB];
	_ =	sdelay $0x3  }
0x92: {  	_ =	strace s18  }
0x93: {  	s3 =	sld [smem:$0x3FFC];
	_ =	sdelay $0x3  }
0x94: {  	_ =	strace s3  }
0x95: {  	s3 =	sld [smem:$0x3FFD];
	_ =	sdelay $0x3  }
0x96: {  	_ =	strace s3  }
0x97: {  	_ =	strace $0x8FFFFFFF  }
0x98: {  	s19 =	sld [smem:$0x3FDB];
	_ =	sdelay $0x1  }
0x99: {  	s4 =	simm.s32 $_scs_section_size  }
0x9a: {  	s5 =	simm.s32 $_size__tile_overlayer_lowered;
	s6 =	simm.s32 $_tile_overlayer_lowered  }
0x9b: {  	s22 =	simm.s32 $0x1BFF;
	s21 =	sshll.u32 s6, $0x1;
	s3 =	sadd.s32 s4, s19  }
0x9c: {  	s7 =	simm.s32 $0x0;
	s20 =	sshll.u32 s5, $0x1;
	s5 =	sadd.s32 s21, s3  }
0x9d: {  	[timem:s7], [sflag:s22] =	dma.local [hbm:s5], s20  }
0x9e: {  	_ =	swait.ge [sflag:s22], s20  }
0x9f: {  	s4 =	ssub.s32 $0x0, s20;
	[sflag:s22] =	ssyncset.done $0x0  }
0xa0: {  	[sflag:s22] =	ssyncadd.s32 s4;
	_ =	sdelay $0x1  }
0xa1: {  	s23 =	simm.s32 $0x1B8B  }
0xa2: {  	_ =	swait.ge [sflag:s23], $0x1  }
0xa3: {  	[sflag:s23] =	ssyncset.done $0x0  }
0xa4: {  	s25 =	simm.s32 $0x1B8E;
	s24 =	sld [smem:$0x3FFE];
	[sflag:s23] =	ssyncadd.s32 $0xFFFFFFFF  }
0xa5: {  	s26 =	simm.s32 $execute0_lowered;
	[smem:$0x3FD2] =	sst s25  }
0xa6: {  	s5 =	sshll.u32 s26, $0x1;
	_ =	strace $0x80000046;
	[dreg:$0x1] =	wrdreg $0xFFFFFFFF  }
0xa7: {  	s28 =	simm.s32 $_size_execute0_lowered;
	s3 =	sadd.s32 s3, s5;
	[dreg:$0x0] =	wrdreg $0x0  }
0xa8: {  	s5 =	sshll.u32 s28, $0x1;
	[dreg:$0x2] =	wrdreg s3  }
0xa9: {  	[dreg:$0x3] =	wrdreg s5  }
0xaa: {  	[dreg:$0x4] =	wrdreg $0xC0  }
0xab: {  	_ =	task [dreg:s7], $0x5FFFF  }
0xac: {  	[dreg:$0x1] =	wrdreg $0xFFFFFFFF  }
0xad: {  	[dreg:$0x0] =	wrdreg $0x60  }
0xae: {  	[dreg:$0x2] =	wrdreg s24  }
0xaf: {  	[dreg:$0x3] =	wrdreg s2  }
0xb0: {  	[dreg:$0x4] =	wrdreg $0x96800  }
0xb1: {  	[dreg:$0x5] =	wrdreg $0x9  }
0xb2: {  	_ =	task.clear_ibuf [dreg:s7], $0x6FFFF;
	_ =	strace $0x90000046  }
0xb3: {  	s29 =	simm.s32 $0x9;
	_ =	strace $0x80000048  }
0xb4: {  	_ =	swait.ge [sflag:s29], $0x1  }
0xb5: {  	[sflag:s29] =	ssyncadd.s32 $0xFFFFFFFF  }
0xb6: {  	_ =	strace $0x90000048  }
0xb7: {  	_ =	sfence  }
0xb8: {  	s30 =	sld [smem:$0x0];
	_ =	sdelay $0x2  }
0xb9: {  	s31 =	sshll.u32 s1, $0xD;
	s1 =	sshrl.u32 s1, $0x2  }
0xba: {  	s3 =	sand.u32 $0x4000, s31;
	s1 =	sadd.s32 s1, s30  }
0xbb: {  	s0 =	sor.u32 s3, s0;
	s1 =	sshll.u32 s1, $0x11  }
0xbc: {  	s0 =	sor.u32 s1, s0  }
0xbd: {  	s0 =	sadd.s32 $0x8F2B, s0  }
0xbe: {  	[sflag:s0] =	ssyncadd.remote.s32 $0x1  }
0xbf: {  	_ =	sfence.sel $0xFFFF  }
0xc0: {  	[dreg:$0x0] =	wrdreg $0xFFFFFFFF;
	(pc) =	sbr.abs _section_cstart, $3  }
0xc1: {  	[dreg:$0x1] =	wrdreg $0xFFFFFFFF  }
0xc2: {  	_ =	task.clear_ibuf [dreg:s7], $0x2FFFF;
	_ =	strace $0x9FFFFFFF  }
0xc3: {  	(tm) =	ssettm $0x7FFFFFFF  }
tec
execute0_lowered:
.L_overlay_start_1:
0x0: {  	(tag) =	ssettag $0x1  }
0x1: {  	s0 =	rddreg [dreg:$0x0]  }
0x2: {  	s2 =	rddreg [dreg:$0x1]  }
0x3: {  	s3 =	rddreg [dreg:$0x2];
	s1 =	srdreg.scid  }
0x4: {  	s10 =	stileid.u32;
	s22 =	simm.s32 $0x0;
	s30 =	simm.s32 $0x2  }
0x5: {  	s31 =	simm.s32 $0x150;
	s12 =	simm.s32 $0x230;
	s13 =	simm.s32 $0x2A0  }
0x6: {  	s14 =	simm.s32 $0x6;
	s19 =	simm.s32 $0x7;
	s11 =	simm.s32 $0x310  }
0x7: {  	s1 =	sand.u32 $0x1, s1;
	s4 =	smul.u32 $0x16800, s10;
	[smem:$0x7FF] =	sst s22  }
0x8: {  	s5 =	sadd.s32 $0x2000, s0;
	s6 =	sadd.s32 $0x1A800, s0;
	s9 =	smul.u32 $0x5A000, s10  }
0x9: {  	s7 =	smul.u32 $0x168000, s1;
	s8 =	sshll.u32 s1, $0x4;
	s1 =	ssub.s32 $0x2, s1  }
0xa: {  	_ =	strace $0x80000047;
	s8 =	sor.u32 s10, s8;
	s20 =	sshrl.u32 s1, $0x1  }
0xb: {  	s9 =	sshrl.u32 s9, $0x2;
	s25 =	sadd.s32 s4, s3;
	s10 =	simm.s32 $0x3  }
0xc: {  	s7 =	sadd.s32 s4, s7;
	s8 =	smul.u32 $0x2840, s8;
	s1 =	ssub.s32 s1, s20  }
0xd: {  	s21 =	sadd.s32 s9, s3;
	s20 =	simm.s32 $0x4;
	[dreg:$0x5] =	wrdreg s25  }
0xe: {  	s7 =	sshrl.u32 s7, $0x3;
	s23 =	sadd.s32 $0x3F00, s21;
	s9 =	sadd.s32 $0x7E00, s21  }
0xf: {  	s26 =	sadd.s32 $0xBD00, s21;
	s28 =	sadd.s32 $0xFC00, s21;
	[dreg:$0x6] =	wrdreg s23  }
0x10: {  	s29 =	smax.u32 s1, $0x1;
	s1 =	simm.s32 $0x3480;
	[dreg:$0x7] =	wrdreg s9  }
0x11: {  	s0 =	sadd.s32 s7, s0;
	s24 =	sshrl.u32 s8, $0x3;
	[dreg:$0x8] =	wrdreg s26  }
0x12: {  	[dreg:$0xa] =	wrdreg s28;
	s7 =	sadd.s32 $0x13B00, s21;
	s15 =	sadd.s32 $0xE0, s8  }
0x13: {  	s16 =	sadd.s32 $0x150, s8;
	s17 =	sadd.s32 $0x1C0, s8;
	s18 =	sadd.s32 $0x230, s8  }
0x14: {  	[dreg:$0xe] =	wrdreg s29;
	s21 =	simm.s32 $0x5780;
	s26 =	simm.s32 $0x8  }
0x15: {  	s23 =	simm.s32 $0x70;
	s4 =	sadd.s32 s6, s24;
	[dreg:$0xb] =	wrdreg s7  }
0x16: {  	v0 =	vimm.f32 $0.0e+00;
	v1 =	vimm.s32 $0x0;
	v2 =	vimm.s32 $0x1;
	s8 =	simm.s32 $0x1C0;
	s0 =	sadd.s32 $0x2EA00, s0;
	[dreg:$0x9] =	wrdreg s4  }
0x17: {  	v3 =	vimm.s32 $0x2;
	v4 =	vimm.s32 $0x3;
	v5 =	vimm.s32 $0x4;
	s9 =	simm.s32 $0x5;
	s4 =	sadd.s32 $0xE, s4;
	[dreg:$0xd] =	wrdreg s0  }
0x18: {  	v6 =	vimm.s32 $0x5;
	v7 =	vimm.s32 $0x6;
	v8 =	vimm.s32 $0x7;
	s24 =	simm.s32 $0x50800;
	s0 =	simm.s32 $0xA80;
	[dreg:$0xc] =	wrdreg s4  }
.LBB2_1:
0x19: {  	[dreg:$0x4] =	wrdreg s22;
	s4 =	simm.s32 $0x0;
	s7 =	simm.s32 $0x240  }
.LBB2_2:
0x1a: {  	p0 =	sne.s32 s7, $0xF9C0;
	[tilespmem:s4+$0x5800] =	vst v0  }
0x1b: {  	[tilespmem:s4+$0x5780] =	vst v0  }
0x1c: {  	[tilespmem:s4+$0x5790] =	vst v0  }
0x1d: {  	[tilespmem:s4+$0x57A0] =	vst v0  }
.Ltmp0:
0x1e: {  	[tilespmem:s4+$0x57B0] =	vst v0;
	(pc) =	sbr.rel @p0 .LBB2_2-.Ltmp0, $4  }
0x1f: {  	[tilespmem:s4+$0x57C0] =	vst v0  }
0x20: {  	[tilespmem:s4+$0x57D0] =	vst v0  }
0x21: {  	[tilespmem:s4+$0x57E0] =	vst v0  }
0x22: {  	[tilespmem:s4+$0x57F0] =	vst v0;
	s4 =	sshra.s32 s7, $0x2;
	s7 =	sadd.s32 $0x240, s7  }
0x23: {  	[tilespmem:s4+$0x5800] =	vst v0  }
0x24: {  	[tilespmem:s4+$0x5780] =	vst v0  }
0x25: {  	[tilespmem:s4+$0x5790] =	vst v0  }
0x26: {  	[tilespmem:s4+$0x57A0] =	vst v0  }
0x27: {  	[tilespmem:s4+$0x57B0] =	vst v0  }
0x28: {  	[tilespmem:s4+$0x57C0] =	vst v0  }
0x29: {  	[tilespmem:s4+$0x57D0] =	vst v0  }
0x2a: {  	[tilespmem:s4+$0x57E0] =	vst v0  }
0x2b: {  	[tilespmem:s4+$0x57F0] =	vst v0  }
0x2c: {  	[spmem:s25] =	stream.linear.scatter [tilespmem:s21], [sflag:$0x8], $0x3F00, $0x38;
	[tilespmem:$0x1FE80] =	vst v63  }
0x2d: {  	_ =	swait.ge [sflag:s26], $0x3F00  }
0x2e: {  	[sflag:s26] =	ssyncset.done $0x0  }
0x2f: {  	s7 =	rddreg [dreg:$0x6];
	[sflag:s26] =	ssyncadd.s32 $0xFFFFC100  }
0x30: {  	[spmem:s7] =	stream.linear.scatter [tilespmem:s21], [sflag:$0x8], $0x3F00, $0x38;
	[tilespmem:$0x1FE80] =	vst v63  }
0x31: {  	_ =	swait.ge [sflag:s26], $0x3F00  }
0x32: {  	[sflag:s26] =	ssyncset.done $0x0  }
0x33: {  	s22 =	rddreg [dreg:$0x7];
	[sflag:s26] =	ssyncadd.s32 $0xFFFFC100  }
0x34: {  	[spmem:s22] =	stream.linear.scatter [tilespmem:s21], [sflag:$0x8], $0x3F00, $0x38;
	[tilespmem:$0x1FE80] =	vst v63  }
0x35: {  	_ =	swait.ge [sflag:s26], $0x3F00  }
0x36: {  	[sflag:s26] =	ssyncset.done $0x0  }
0x37: {  	s25 =	rddreg [dreg:$0x8];
	[sflag:s26] =	ssyncadd.s32 $0xFFFFC100  }
0x38: {  	[spmem:s25] =	stream.linear.scatter [tilespmem:s21], [sflag:$0x8], $0x3F00, $0x38;
	[tilespmem:$0x1FE80] =	vst v63  }
0x39: {  	_ =	swait.ge [sflag:s26], $0x3F00  }
0x3a: {  	[sflag:s26] =	ssyncset.done $0x0  }
0x3b: {  	s28 =	rddreg [dreg:$0xa];
	[sflag:s26] =	ssyncadd.s32 $0xFFFFC100  }
0x3c: {  	[spmem:s28] =	stream.linear.scatter [tilespmem:s21], [sflag:$0x8], $0x3F00, $0x38;
	[tilespmem:$0x1FE80] =	vst v63  }
0x3d: {  	_ =	swait.ge [sflag:s26], $0x3F00  }
0x3e: {  	[sflag:s26] =	ssyncset.done $0x0  }
0x3f: {  	s29 =	rddreg [dreg:$0xb];
	[sflag:s26] =	ssyncadd.s32 $0xFFFFC100  }
0x40: {  	[spmem:s29] =	stream.linear.scatter [tilespmem:s21], [sflag:$0x8], $0x2D00, $0x38;
	[tilespmem:$0x1FE80] =	vst v63  }
0x41: {  	_ =	swait.ge [sflag:s26], $0x2D00  }
0x42: {  	[sflag:s26] =	ssyncset.done $0x0  }
0x43: {  	[sflag:s26] =	ssyncadd.s32 $0xFFFFD300  }
0x44: {  	[bflag:$0x0] =	sbarrier.arrive $0xFFFF  }
0x45: {  	s26 =	simm.s32 $0x0;
	s7 =	rddreg [dreg:$0x9]  }
0x46: {  	[tilespmem:s26], [sflag:$0x1] =	stream.strided.gather [hbm4b:s7+s23], $0xE0, s24, s23, $0x38;
	[tilespmem:$0x1FE80] =	vst v63  }
0x47: {  	s25 =	simm.s32 $0x1;
	s22 =	rddreg [dreg:$0xc];
	s7 =	simm.s32 $0xE0  }
0x48: {  	[tilespmem:s7], [sflag:$0x2] =	stream.strided.gather [hbm4b:s22+s23], $0xE0, s24, s23, $0x38;
	[tilespmem:$0x1FE80] =	vst v63  }
0x49: {  	_ =	swait.ge [sflag:s25], $0xE0  }
0x4a: {  	[sflag:s25] =	ssyncset.done $0x0  }
0x4b: {  	s28 =	simm.s32 $0x380;
	[sflag:s25] =	ssyncadd.s32 $0xFFFFFF20  }
0x4c: {  	[tilespmem:s28], [sflag:$0x5] =	stream.indirect.gather [hbm4b:s2+s23], $0x10, s23, s23, $0xb8;
	[tilespmem:$0x1FE80] =	vst v63  }
0x4d: {  	s29 =	simm.s32 $0x1180  }
0x4e: {  	[tilespmem:s29], [sflag:$0x5] =	stream.indirect.gather [hbm4b:s5+s23], $0x50, s26, s23, $0xb8;
	[tilespmem:$0x1FE80] =	vst v63  }
.LBB2_4:
0x4f: {  	_ =	swait.ge [sflag:s30], $0xE0  }
0x50: {  	[sflag:s30] =	ssyncset.done $0x0  }
0x51: {  	s7 =	smul.u32 $0x1C0, s26;
	[sflag:s30] =	ssyncadd.s32 $0xFFFFFF20  }
0x52: {  	[tilespmem:s0], [sflag:$0x6] =	stream.indirect.gather [hbm4b:s2+s23], $0x10, s31, s23, $0xb8;
	[tilespmem:$0x1FE80] =	vst v63  }
0x53: {  	s4 =	simm.s32 $0xE0;
	s29 =	sadd.s32 s7, s15  }
0x54: {  	[tilespmem:s1], [sflag:$0x6] =	stream.indirect.gather [hbm4b:s5+s23], $0x50, s4, s23, $0xb8;
	[tilespmem:$0x1FE80] =	vst v63  }
0x55: {  	s4 =	sshrl.u32 s29, $0x3  }
0x56: {  	s4 =	sadd.s32 s6, s4  }
0x57: {  	[tilespmem:s8], [sflag:$0x3] =	stream.strided.gather [hbm4b:s4+s23], $0xE0, s24, s23, $0x38;
	[tilespmem:$0x1FE80] =	vst v63  }
0x58: {  	_ =	swait.ge [sflag:s9], $0x700  }
0x59: {  	[sflag:s9] =	ssyncset.done $0x0  }
0x5a: {  	[sflag:s9] =	ssyncadd.s32 $0xFFFFF900  }
0x5b: {  	_ =	swait.ge [sflag:s9], $0x2300  }
0x5c: {  	p0 =	seq.s32 s26, $0x0;
	[sflag:s9] =	ssyncset.done $0x0  }
0x5d: {  	s4 =	simm.s32 @!p0 $0x7;
	[sflag:s9] =	ssyncadd.s32 $0xFFFFDD00  }
0x5e: {  	_ =	swait.ge @!p0 [sflag:s4], $0x3F00  }
0x5f: {  	[sflag:s4] =	ssyncset.done @!p0 $0x0  }
0x60: {  	[sflag:s4] =	ssyncadd.s32 @!p0 $0xFFFFC100;
	s4 =	simm.s32 $0x11A0  }
0x61: {  	s22 =	simm.s32 $0x0;
	v9 =	vld [tilespmem:s4+$0x20]  }
0x62: {  	v10 =	vld [tilespmem:s22+$0x380];
	_ =	sdelay $0x3  }
0x63: {  	v9 =	vunpack.i.l.bf16.f32 v9  }
0x64: {  	v9 =	vadd.f32 v10, v9;
	_ =	sdelay $0x1  }
0x65: {  	v10 =	vmul.f32 $2.000000030e-01, v9;
	_ =	sdelay $0x1  }
0x66: {  	v9 =	vmax.f32 v9, v10  }
0x67: {  	v9 =	vmul.f32 $1.442695020e+00, v9;
	_ =	sdelay $0x1  }
0x68: {  	(erf) = vpow2.f32 v9;
	_ =	sdelay $0x8  }
0x69: {  	s22 =	simm.s32 $0x57C0;
	v10 =	vpop (erf)  }
0x6a: {  	[tilespmem:s22+$0x40] =	vst v10  }
0x6b: {  	v9 =	vld [tilespmem:s4+$0xFFFFFFE0];
	_ =	sdelay $0x3  }
0x6c: {  	v11 =	vperm.xlane v10, v1  }
0x6d: {  	v12 =	vperm.xlane v10, v2;
	v13 =	vunpack.i.l.bf16.f32 v9  }
0x6e: {  	v9 =	vunpack.i.u.bf16.f32 v9;
	v11 =	vmul.f32 v11, v13  }
0x6f: {  	v9 =	vmul.f32 v12, v9  }
0x70: {  	[tilespmem:s22+$0xFFFFFFC0] =	vst v11  }
0x71: {  	[tilespmem:s22+$0xFFFFFFD0] =	vst v9  }
0x72: {  	v9 =	vld [tilespmem:s4+$0xFFFFFFF0];
	_ =	sdelay $0x3  }
0x73: {  	v11 =	vperm.xlane v10, v3  }
0x74: {  	v60 =	vperm.xlane v10, v4;
	v61 =	vunpack.i.l.bf16.f32 v9  }
0x75: {  	v9 =	vunpack.i.u.bf16.f32 v9;
	v11 =	vmul.f32 v11, v61  }
0x76: {  	v9 =	vmul.f32 v60, v9  }
0x77: {  	[tilespmem:s22+$0xFFFFFFE0] =	vst v11  }
0x78: {  	[tilespmem:s22+$0xFFFFFFF0] =	vst v9  }
0x79: {  	v9 =	vld [tilespmem:s4+$0x0];
	_ =	sdelay $0x3  }
0x7a: {  	v11 =	vperm.xlane v10, v5  }
0x7b: {  	v62 =	vperm.xlane v10, v6;
	v63 =	vunpack.i.l.bf16.f32 v9  }
0x7c: {  	v9 =	vunpack.i.u.bf16.f32 v9;
	v11 =	vmul.f32 v11, v63  }
0x7d: {  	v9 =	vmul.f32 v62, v9  }
0x7e: {  	[tilespmem:s22+$0x0] =	vst v11  }
0x7f: {  	[tilespmem:s22+$0x10] =	vst v9  }
0x80: {  	v11 =	vld [tilespmem:s4+$0x10]  }
0x81: {  	s28 =	simm.s32 $0x40;
	s25 =	simm.s32 $0x57C0;
	v9 =	vperm.xlane v10, v7;
	v10 =	vperm.xlane v10, v8  }
.LBB2_5:
0x82: {  	_ =	sdelay $0x2  }
0x83: {  	p0 =	sne.s32 s28, $0x1BC0;
	s22 =	sadd.s32 $0x90, s22;
	s4 =	sadd.s32 $0x50, s4;
	v12 =	vunpack.i.u.bf16.f32 v11;
	v11 =	vunpack.i.l.bf16.f32 v11  }
0x84: {  	s29 =	smov.u32 s28;
	s28 =	sadd.s32 $0x40, s28;
	v9 =	vmul.f32 v9, v11;
	v10 =	vmul.f32 v10, v12;
	_ =	sdelay $0x1  }
0x85: {  	[tilespmem:s25+$0x20] =	vst v9  }
0x86: {  	[tilespmem:s25+$0x30] =	vst v10;
	s25 =	smov.u32 s22  }
0x87: {  	s29 =	sshra.s32 s29, $0x2;
	v9 =	vld [tilespmem:s4+$0x20]  }
0x88: {  	v10 =	vld [tilespmem:s29+$0x380];
	_ =	sdelay $0x3  }
0x89: {  	v9 =	vunpack.i.l.bf16.f32 v9  }
0x8a: {  	v9 =	vadd.f32 v10, v9;
	_ =	sdelay $0x1  }
0x8b: {  	v10 =	vmul.f32 $2.000000030e-01, v9;
	_ =	sdelay $0x1  }
0x8c: {  	v9 =	vmax.f32 v9, v10  }
0x8d: {  	v9 =	vmul.f32 $1.442695020e+00, v9;
	_ =	sdelay $0x1  }
0x8e: {  	(erf) = vpow2.f32 v9;
	_ =	sdelay $0x8  }
0x8f: {  	v10 =	vpop (erf)  }
0x90: {  	[tilespmem:s22+$0x40] =	vst v10  }
0x91: {  	v9 =	vld [tilespmem:s4+$0xFFFFFFE0];
	_ =	sdelay $0x3  }
0x92: {  	v11 =	vperm.xlane v10, v1;
	v12 =	vperm.xlane v10, v2  }
0x93: {  	v13 =	vunpack.i.u.bf16.f32 v9;
	v9 =	vunpack.i.l.bf16.f32 v9  }
0x94: {  	v9 =	vmul.f32 v11, v9;
	v11 =	vmul.f32 v12, v13;
	_ =	sdelay $0x1  }
0x95: {  	[tilespmem:s22+$0xFFFFFFC0] =	vst v9  }
0x96: {  	[tilespmem:s22+$0xFFFFFFD0] =	vst v11  }
0x97: {  	v9 =	vld [tilespmem:s4+$0xFFFFFFF0];
	_ =	sdelay $0x2  }
0x98: {  	v12 =	vperm.xlane v10, v4;
	v11 =	vperm.xlane v10, v3;
	_ =	sdelay $0x1  }
0x99: {  	v13 =	vunpack.i.u.bf16.f32 v9;
	v9 =	vunpack.i.l.bf16.f32 v9  }
0x9a: {  	v9 =	vmul.f32 v11, v9;
	v11 =	vmul.f32 v12, v13;
	_ =	sdelay $0x1  }
0x9b: {  	[tilespmem:s22+$0xFFFFFFE0] =	vst v9  }
0x9c: {  	[tilespmem:s22+$0xFFFFFFF0] =	vst v11  }
0x9d: {  	v9 =	vld [tilespmem:s4+$0x0];
	_ =	sdelay $0x1  }
0x9e: {  	v12 =	vperm.xlane v10, v6;
	v11 =	vperm.xlane v10, v5;
	_ =	sdelay $0x2  }
0x9f: {  	v13 =	vunpack.i.u.bf16.f32 v9;
	v9 =	vunpack.i.l.bf16.f32 v9  }
0xa0: {  	v9 =	vmul.f32 v11, v9;
	v11 =	vmul.f32 v12, v13  }
.Ltmp1:
0xa1: {  	(pc) =	sbr.rel @p0 .LBB2_5-.Ltmp1, $4  }
0xa2: {  	[tilespmem:s22+$0x0] =	vst v9  }
0xa3: {  	[tilespmem:s22+$0x10] =	vst v11  }
0xa4: {  	v11 =	vld [tilespmem:s4+$0x10]  }
0xa5: {  	v9 =	vperm.xlane v10, v7;
	v10 =	vperm.xlane v10, v8  }
0xa6: {  	_ =	sdelay $0x2  }
0xa7: {  	v12 =	vunpack.i.l.bf16.f32 v11  }
0xa8: {  	v11 =	vunpack.i.u.bf16.f32 v11;
	v9 =	vmul.f32 v9, v12  }
0xa9: {  	v10 =	vmul.f32 v10, v11  }
0xaa: {  	[tilespmem:s25+$0x20] =	vst v9  }
0xab: {  	[tilespmem:s25+$0x30] =	vst v10  }
0xac: {  	[spmem:s3] =	stream.indirect.scatter.add.f32 [tilespmem:s21], [sflag:$0x7], $0x90, s23, s23, $0xb8;
	[tilespmem:$0x1FE80] =	vst v63  }
0xad: {  	_ =	swait.ge [sflag:s10], $0xE0  }
0xae: {  	[sflag:s10] =	ssyncset.done $0x0  }
0xaf: {  	s4 =	simm.s32 $0x380;
	s29 =	sadd.s32 s7, s16;
	[sflag:s10] =	ssyncadd.s32 $0xFFFFFF20  }
0xb0: {  	[tilespmem:s4], [sflag:$0x5] =	stream.indirect.gather [hbm4b:s2+s23], $0x10, s12, s23, $0xb8;
	[tilespmem:$0x1FE80] =	vst v63  }
0xb1: {  	s25 =	simm.s32 $0x1180;
	s4 =	sshrl.u32 s29, $0x3  }
0xb2: {  	[tilespmem:s25], [sflag:$0x5] =	stream.indirect.gather [hbm4b:s5+s23], $0x50, s8, s23, $0xb8;
	[tilespmem:$0x1FE80] =	vst v63  }
0xb3: {  	s4 =	sadd.s32 s6, s4  }
0xb4: {  	[tilespmem:s13], [sflag:$0x4] =	stream.strided.gather [hbm4b:s4+s23], $0xE0, s24, s23, $0x38;
	[tilespmem:$0x1FE80] =	vst v63  }
0xb5: {  	_ =	swait.ge [sflag:s14], $0x700  }
0xb6: {  	[sflag:s14] =	ssyncset.done $0x0  }
0xb7: {  	[sflag:s14] =	ssyncadd.s32 $0xFFFFF900  }
0xb8: {  	_ =	swait.ge [sflag:s14], $0x2300  }
0xb9: {  	[sflag:s14] =	ssyncset.done $0x0  }
0xba: {  	[sflag:s14] =	ssyncadd.s32 $0xFFFFDD00  }
0xbb: {  	_ =	swait.ge [sflag:s19], $0x3F00  }
0xbc: {  	[sflag:s19] =	ssyncset.done $0x0  }
0xbd: {  	s4 =	simm.s32 $0x34C0;
	[sflag:s19] =	ssyncadd.s32 $0xFFFFC100  }
0xbe: {  	s22 =	simm.s32 $0x0;
	v9 =	vld [tilespmem:s4+$0x0]  }
0xbf: {  	v10 =	vld [tilespmem:s22+$0xA80];
	_ =	sdelay $0x3  }
0xc0: {  	v9 =	vunpack.i.l.bf16.f32 v9  }
0xc1: {  	v9 =	vadd.f32 v10, v9;
	_ =	sdelay $0x1  }
0xc2: {  	v10 =	vmul.f32 $2.000000030e-01, v9;
	_ =	sdelay $0x1  }
0xc3: {  	v9 =	vmax.f32 v9, v10  }
0xc4: {  	v9 =	vmul.f32 $1.442695020e+00, v9;
	_ =	sdelay $0x1  }
0xc5: {  	(erf) = vpow2.f32 v9;
	_ =	sdelay $0x8  }
0xc6: {  	s22 =	simm.s32 $0x57C0;
	v10 =	vpop (erf)  }
0xc7: {  	[tilespmem:s22+$0x40] =	vst v10  }
0xc8: {  	v9 =	vld [tilespmem:s4+$0xFFFFFFC0];
	_ =	sdelay $0x3  }
0xc9: {  	v11 =	vperm.xlane v10, v1  }
0xca: {  	v59 =	vperm.xlane v10, v2;
	v13 =	vunpack.i.l.bf16.f32 v9  }
0xcb: {  	v9 =	vunpack.i.u.bf16.f32 v9;
	v11 =	vmul.f32 v11, v13  }
0xcc: {  	v9 =	vmul.f32 v59, v9  }
0xcd: {  	[tilespmem:s22+$0xFFFFFFC0] =	vst v11  }
0xce: {  	[tilespmem:s22+$0xFFFFFFD0] =	vst v9  }
0xcf: {  	v9 =	vld [tilespmem:s4+$0xFFFFFFD0];
	_ =	sdelay $0x3  }
0xd0: {  	v11 =	vperm.xlane v10, v3  }
0xd1: {  	v60 =	vperm.xlane v10, v4;
	v61 =	vunpack.i.l.bf16.f32 v9  }
0xd2: {  	v9 =	vunpack.i.u.bf16.f32 v9;
	v11 =	vmul.f32 v11, v61  }
0xd3: {  	v9 =	vmul.f32 v60, v9  }
0xd4: {  	[tilespmem:s22+$0xFFFFFFE0] =	vst v11  }
0xd5: {  	[tilespmem:s22+$0xFFFFFFF0] =	vst v9  }
0xd6: {  	v9 =	vld [tilespmem:s4+$0xFFFFFFE0];
	_ =	sdelay $0x3  }
0xd7: {  	v11 =	vperm.xlane v10, v5  }
0xd8: {  	v62 =	vperm.xlane v10, v6;
	v63 =	vunpack.i.l.bf16.f32 v9  }
0xd9: {  	v9 =	vunpack.i.u.bf16.f32 v9;
	v11 =	vmul.f32 v11, v63  }
0xda: {  	v9 =	vmul.f32 v62, v9  }
0xdb: {  	[tilespmem:s22+$0x0] =	vst v11  }
0xdc: {  	[tilespmem:s22+$0x10] =	vst v9  }
0xdd: {  	v11 =	vld [tilespmem:s4+$0xFFFFFFF0]  }
0xde: {  	s28 =	simm.s32 $0x40;
	s25 =	simm.s32 $0x57C0;
	v9 =	vperm.xlane v10, v7;
	v10 =	vperm.xlane v10, v8  }
.LBB2_7:
0xdf: {  	_ =	sdelay $0x2  }
0xe0: {  	p0 =	sne.s32 s28, $0x1BC0;
	s22 =	sadd.s32 $0x90, s22;
	s4 =	sadd.s32 $0x50, s4;
	v12 =	vunpack.i.u.bf16.f32 v11;
	v11 =	vunpack.i.l.bf16.f32 v11  }
0xe1: {  	s29 =	smov.u32 s28;
	s28 =	sadd.s32 $0x40, s28;
	v9 =	vmul.f32 v9, v11;
	v10 =	vmul.f32 v10, v12;
	_ =	sdelay $0x1  }
0xe2: {  	[tilespmem:s25+$0x20] =	vst v9  }
0xe3: {  	[tilespmem:s25+$0x30] =	vst v10;
	s25 =	smov.u32 s22  }
0xe4: {  	s29 =	sshra.s32 s29, $0x2;
	v9 =	vld [tilespmem:s4+$0x0]  }
0xe5: {  	v10 =	vld [tilespmem:s29+$0xA80];
	_ =	sdelay $0x3  }
0xe6: {  	v9 =	vunpack.i.l.bf16.f32 v9  }
0xe7: {  	v9 =	vadd.f32 v10, v9;
	_ =	sdelay $0x1  }
0xe8: {  	v10 =	vmul.f32 $2.000000030e-01, v9;
	_ =	sdelay $0x1  }
0xe9: {  	v9 =	vmax.f32 v9, v10  }
0xea: {  	v9 =	vmul.f32 $1.442695020e+00, v9;
	_ =	sdelay $0x1  }
0xeb: {  	(erf) = vpow2.f32 v9;
	_ =	sdelay $0x8  }
0xec: {  	v10 =	vpop (erf)  }
0xed: {  	[tilespmem:s22+$0x40] =	vst v10  }
0xee: {  	v9 =	vld [tilespmem:s4+$0xFFFFFFC0];
	_ =	sdelay $0x3  }
0xef: {  	v11 =	vperm.xlane v10, v1;
	v12 =	vperm.xlane v10, v2  }
0xf0: {  	v13 =	vunpack.i.u.bf16.f32 v9;
	v9 =	vunpack.i.l.bf16.f32 v9  }
0xf1: {  	v9 =	vmul.f32 v11, v9;
	v11 =	vmul.f32 v12, v13;
	_ =	sdelay $0x1  }
0xf2: {  	[tilespmem:s22+$0xFFFFFFC0] =	vst v9  }
0xf3: {  	[tilespmem:s22+$0xFFFFFFD0] =	vst v11  }
0xf4: {  	v9 =	vld [tilespmem:s4+$0xFFFFFFD0];
	_ =	sdelay $0x2  }
0xf5: {  	v12 =	vperm.xlane v10, v4;
	v11 =	vperm.xlane v10, v3;
	_ =	sdelay $0x1  }
0xf6: {  	v13 =	vunpack.i.u.bf16.f32 v9;
	v9 =	vunpack.i.l.bf16.f32 v9  }
0xf7: {  	v9 =	vmul.f32 v11, v9;
	v11 =	vmul.f32 v12, v13;
	_ =	sdelay $0x1  }
0xf8: {  	[tilespmem:s22+$0xFFFFFFE0] =	vst v9  }
0xf9: {  	[tilespmem:s22+$0xFFFFFFF0] =	vst v11  }
0xfa: {  	v9 =	vld [tilespmem:s4+$0xFFFFFFE0];
	_ =	sdelay $0x1  }
0xfb: {  	v12 =	vperm.xlane v10, v6;
	v11 =	vperm.xlane v10, v5;
	_ =	sdelay $0x2  }
0xfc: {  	v13 =	vunpack.i.u.bf16.f32 v9;
	v9 =	vunpack.i.l.bf16.f32 v9  }
0xfd: {  	v9 =	vmul.f32 v11, v9;
	v11 =	vmul.f32 v12, v13  }
.Ltmp2:
0xfe: {  	(pc) =	sbr.rel @p0 .LBB2_7-.Ltmp2, $4  }
0xff: {  	[tilespmem:s22+$0x0] =	vst v9  }
0x100: {  	[tilespmem:s22+$0x10] =	vst v11  }
0x101: {  	v11 =	vld [tilespmem:s4+$0xFFFFFFF0]  }
0x102: {  	v9 =	vperm.xlane v10, v7;
	v10 =	vperm.xlane v10, v8  }
0x103: {  	_ =	sdelay $0x2  }
0x104: {  	v12 =	vunpack.i.l.bf16.f32 v11  }
0x105: {  	v11 =	vunpack.i.u.bf16.f32 v11;
	v9 =	vmul.f32 v9, v12  }
0x106: {  	v10 =	vmul.f32 v10, v11  }
0x107: {  	[tilespmem:s25+$0x20] =	vst v9  }
0x108: {  	[tilespmem:s25+$0x30] =	vst v10  }
0x109: {  	[spmem:s3] =	stream.indirect.scatter.add.f32 [tilespmem:s21], [sflag:$0x7], $0x90, s31, s23, $0xb8;
	[tilespmem:$0x1FE80] =	vst v63  }
0x10a: {  	_ =	swait.ge [sflag:s20], $0xE0  }
0x10b: {  	p0 =	seq.s32 s26, $0x16;
	[sflag:s20] =	ssyncset.done $0x0  }
0x10c: {  	s4 =	sadd.s32 @!p0 s7, s17;
	[sflag:s20] =	ssyncadd.s32 $0xFFFFFF20  }
0x10d: {  	[tilespmem:s0], [sflag:$0x6] =	stream.indirect.gather [hbm4b:s2+s23], $0x10, s11, s23, $0xb8;
	[tilespmem:$0x1FE80] =	vst v63  }
0x10e: {  	s22 =	simm.s32 @!p0 $0x70;
	s4 =	sshrl.u32 @!p0 s4, $0x3  }
0x10f: {  	[tilespmem:s1], [sflag:$0x6] =	stream.indirect.gather [hbm4b:s5+s23], $0x50, s13, s23, $0xb8;
	[tilespmem:$0x1FE80] =	vst v63  }
0x110: {  	s28 =	simm.s32 @!p0 $0x0;
	s4 =	sadd.s32 @!p0 s6, s4;
	s25 =	simm.s32 @!p0 $0x50800  }
0x111: {  	[tilespmem:s28], [sflag:$0x1] =	stream.strided.gather @!p0 [hbm4b:s4+s22], $0xE0, s25, s22, $0x38;
	[tilespmem:$0x1FE80] =	vst v63  }
0x112: {  	_ =	swait.ge [sflag:s9], $0x700  }
0x113: {  	[sflag:s9] =	ssyncset.done $0x0  }
0x114: {  	[sflag:s9] =	ssyncadd.s32 $0xFFFFF900  }
0x115: {  	_ =	swait.ge [sflag:s9], $0x2300  }
0x116: {  	[sflag:s9] =	ssyncset.done $0x0  }
0x117: {  	[sflag:s9] =	ssyncadd.s32 $0xFFFFDD00  }
0x118: {  	_ =	swait.ge [sflag:s19], $0x3F00  }
0x119: {  	[sflag:s19] =	ssyncset.done $0x0  }
0x11a: {  	s4 =	simm.s32 $0x11A0;
	[sflag:s19] =	ssyncadd.s32 $0xFFFFC100  }
0x11b: {  	s29 =	simm.s32 $0x0;
	v9 =	vld [tilespmem:s4+$0x20]  }
0x11c: {  	v10 =	vld [tilespmem:s29+$0x380];
	_ =	sdelay $0x3  }
0x11d: {  	v9 =	vunpack.i.l.bf16.f32 v9  }
0x11e: {  	v9 =	vadd.f32 v10, v9;
	_ =	sdelay $0x1  }
0x11f: {  	v10 =	vmul.f32 $2.000000030e-01, v9;
	_ =	sdelay $0x1  }
0x120: {  	v9 =	vmax.f32 v9, v10  }
0x121: {  	v9 =	vmul.f32 $1.442695020e+00, v9;
	_ =	sdelay $0x1  }
0x122: {  	(erf) = vpow2.f32 v9;
	_ =	sdelay $0x8  }
0x123: {  	s22 =	simm.s32 $0x57C0;
	v10 =	vpop (erf)  }
0x124: {  	[tilespmem:s22+$0x40] =	vst v10  }
0x125: {  	v9 =	vld [tilespmem:s4+$0xFFFFFFE0];
	_ =	sdelay $0x3  }
0x126: {  	v11 =	vperm.xlane v10, v1  }
0x127: {  	v59 =	vperm.xlane v10, v2;
	v13 =	vunpack.i.l.bf16.f32 v9  }
0x128: {  	v9 =	vunpack.i.u.bf16.f32 v9;
	v11 =	vmul.f32 v11, v13  }
0x129: {  	v9 =	vmul.f32 v59, v9  }
0x12a: {  	[tilespmem:s22+$0xFFFFFFC0] =	vst v11  }
0x12b: {  	[tilespmem:s22+$0xFFFFFFD0] =	vst v9  }
0x12c: {  	v9 =	vld [tilespmem:s4+$0xFFFFFFF0];
	_ =	sdelay $0x3  }
0x12d: {  	v11 =	vperm.xlane v10, v3  }
0x12e: {  	v60 =	vperm.xlane v10, v4;
	v61 =	vunpack.i.l.bf16.f32 v9  }
0x12f: {  	v9 =	vunpack.i.u.bf16.f32 v9;
	v11 =	vmul.f32 v11, v61  }
0x130: {  	v9 =	vmul.f32 v60, v9  }
0x131: {  	[tilespmem:s22+$0xFFFFFFE0] =	vst v11  }
0x132: {  	[tilespmem:s22+$0xFFFFFFF0] =	vst v9  }
0x133: {  	v9 =	vld [tilespmem:s4+$0x0];
	_ =	sdelay $0x3  }
0x134: {  	v11 =	vperm.xlane v10, v5  }
0x135: {  	v62 =	vperm.xlane v10, v6;
	v63 =	vunpack.i.l.bf16.f32 v9  }
0x136: {  	v9 =	vunpack.i.u.bf16.f32 v9;
	v11 =	vmul.f32 v11, v63  }
0x137: {  	v9 =	vmul.f32 v62, v9  }
0x138: {  	[tilespmem:s22+$0x0] =	vst v11  }
0x139: {  	[tilespmem:s22+$0x10] =	vst v9  }
0x13a: {  	v11 =	vld [tilespmem:s4+$0x10]  }
0x13b: {  	s28 =	simm.s32 $0x40;
	s25 =	simm.s32 $0x57C0;
	v9 =	vperm.xlane v10, v7;
	v10 =	vperm.xlane v10, v8  }
.LBB2_9:
0x13c: {  	_ =	sdelay $0x2  }
0x13d: {  	p1 =	sne.s32 s28, $0x1BC0;
	s22 =	sadd.s32 $0x90, s22;
	s4 =	sadd.s32 $0x50, s4;
	v12 =	vunpack.i.u.bf16.f32 v11;
	v11 =	vunpack.i.l.bf16.f32 v11  }
0x13e: {  	s29 =	smov.u32 s28;
	s28 =	sadd.s32 $0x40, s28;
	v9 =	vmul.f32 v9, v11;
	v10 =	vmul.f32 v10, v12;
	_ =	sdelay $0x1  }
0x13f: {  	[tilespmem:s25+$0x20] =	vst v9  }
0x140: {  	[tilespmem:s25+$0x30] =	vst v10;
	s25 =	smov.u32 s22  }
0x141: {  	s29 =	sshra.s32 s29, $0x2;
	v9 =	vld [tilespmem:s4+$0x20]  }
0x142: {  	v10 =	vld [tilespmem:s29+$0x380];
	_ =	sdelay $0x3  }
0x143: {  	v9 =	vunpack.i.l.bf16.f32 v9  }
0x144: {  	v9 =	vadd.f32 v10, v9;
	_ =	sdelay $0x1  }
0x145: {  	v10 =	vmul.f32 $2.000000030e-01, v9;
	_ =	sdelay $0x1  }
0x146: {  	v9 =	vmax.f32 v9, v10  }
0x147: {  	v9 =	vmul.f32 $1.442695020e+00, v9;
	_ =	sdelay $0x1  }
0x148: {  	(erf) = vpow2.f32 v9;
	_ =	sdelay $0x8  }
0x149: {  	v10 =	vpop (erf)  }
0x14a: {  	[tilespmem:s22+$0x40] =	vst v10  }
0x14b: {  	v9 =	vld [tilespmem:s4+$0xFFFFFFE0];
	_ =	sdelay $0x3  }
0x14c: {  	v11 =	vperm.xlane v10, v1;
	v12 =	vperm.xlane v10, v2  }
0x14d: {  	v13 =	vunpack.i.u.bf16.f32 v9;
	v9 =	vunpack.i.l.bf16.f32 v9  }
0x14e: {  	v9 =	vmul.f32 v11, v9;
	v11 =	vmul.f32 v12, v13;
	_ =	sdelay $0x1  }
0x14f: {  	[tilespmem:s22+$0xFFFFFFC0] =	vst v9  }
0x150: {  	[tilespmem:s22+$0xFFFFFFD0] =	vst v11  }
0x151: {  	v9 =	vld [tilespmem:s4+$0xFFFFFFF0];
	_ =	sdelay $0x2  }
0x152: {  	v12 =	vperm.xlane v10, v4;
	v11 =	vperm.xlane v10, v3;
	_ =	sdelay $0x1  }
0x153: {  	v13 =	vunpack.i.u.bf16.f32 v9;
	v9 =	vunpack.i.l.bf16.f32 v9  }
0x154: {  	v9 =	vmul.f32 v11, v9;
	v11 =	vmul.f32 v12, v13;
	_ =	sdelay $0x1  }
0x155: {  	[tilespmem:s22+$0xFFFFFFE0] =	vst v9  }
0x156: {  	[tilespmem:s22+$0xFFFFFFF0] =	vst v11  }
0x157: {  	v9 =	vld [tilespmem:s4+$0x0];
	_ =	sdelay $0x1  }
0x158: {  	v12 =	vperm.xlane v10, v6;
	v11 =	vperm.xlane v10, v5;
	_ =	sdelay $0x2  }
0x159: {  	v13 =	vunpack.i.u.bf16.f32 v9;
	v9 =	vunpack.i.l.bf16.f32 v9  }
0x15a: {  	v9 =	vmul.f32 v11, v9;
	v11 =	vmul.f32 v12, v13  }
.Ltmp3:
0x15b: {  	(pc) =	sbr.rel @p1 .LBB2_9-.Ltmp3, $4  }
0x15c: {  	[tilespmem:s22+$0x0] =	vst v9  }
0x15d: {  	[tilespmem:s22+$0x10] =	vst v11  }
0x15e: {  	v11 =	vld [tilespmem:s4+$0x10]  }
0x15f: {  	v9 =	vperm.xlane v10, v7;
	v10 =	vperm.xlane v10, v8  }
0x160: {  	_ =	sdelay $0x2  }
0x161: {  	v12 =	vunpack.i.l.bf16.f32 v11  }
0x162: {  	v11 =	vunpack.i.u.bf16.f32 v11;
	v9 =	vmul.f32 v9, v12  }
0x163: {  	v10 =	vmul.f32 v10, v11  }
0x164: {  	[tilespmem:s25+$0x20] =	vst v9  }
0x165: {  	s4 =	simm.s32 @!p0 $0x1;
	[tilespmem:s25+$0x30] =	vst v10  }
0x166: {  	[spmem:s3] =	stream.indirect.scatter.add.f32 [tilespmem:s21], [sflag:$0x7], $0x90, s12, s23, $0xb8;
	[tilespmem:$0x1FE80] =	vst v63  }
0x167: {  	_ =	swait.ge @!p0 [sflag:s4], $0xE0  }
0x168: {  	s22 =	simm.s32 @!p0 $0x380;
	[sflag:s4] =	ssyncset.done @!p0 $0x0  }
0x169: {  	s7 =	sadd.s32 @!p0 s7, s18;
	[sflag:s4] =	ssyncadd.s32 @!p0 $0xFFFFFF20;
	s4 =	simm.s32 @!p0 $0x70  }
0x16a: {  	[tilespmem:s22], [sflag:$0x5] =	stream.indirect.gather @!p0 [hbm4b:s2+s4], $0x10, s4, s4, $0xb8;
	[tilespmem:$0x1FE80] =	vst v63  }
0x16b: {  	s7 =	sshrl.u32 @!p0 s7, $0x3;
	s25 =	simm.s32 @!p0 $0x1180;
	s22 =	simm.s32 @!p0 $0x0  }
0x16c: {  	[tilespmem:s25], [sflag:$0x5] =	stream.indirect.gather @!p0 [hbm4b:s5+s4], $0x50, s22, s4, $0xb8;
	[tilespmem:$0x1FE80] =	vst v63  }
0x16d: {  	s7 =	sadd.s32 @!p0 s6, s7;
	s22 =	simm.s32 @!p0 $0x50800;
	s25 =	simm.s32 @!p0 $0xE0  }
0x16e: {  	[tilespmem:s25], [sflag:$0x2] =	stream.strided.gather @!p0 [hbm4b:s7+s4], $0xE0, s22, s4, $0x38;
	[tilespmem:$0x1FE80] =	vst v63  }
0x16f: {  	_ =	swait.ge [sflag:s14], $0x700  }
0x170: {  	[sflag:s14] =	ssyncset.done $0x0  }
0x171: {  	[sflag:s14] =	ssyncadd.s32 $0xFFFFF900  }
0x172: {  	_ =	swait.ge [sflag:s14], $0x2300  }
0x173: {  	[sflag:s14] =	ssyncset.done $0x0  }
0x174: {  	[sflag:s14] =	ssyncadd.s32 $0xFFFFDD00  }
0x175: {  	_ =	swait.ge [sflag:s19], $0x3F00  }
0x176: {  	[sflag:s19] =	ssyncset.done $0x0  }
0x177: {  	s4 =	simm.s32 $0x34C0;
	[sflag:s19] =	ssyncadd.s32 $0xFFFFC100  }
0x178: {  	s29 =	simm.s32 $0x0;
	v9 =	vld [tilespmem:s4+$0x0]  }
0x179: {  	v10 =	vld [tilespmem:s29+$0xA80];
	_ =	sdelay $0x3  }
0x17a: {  	v9 =	vunpack.i.l.bf16.f32 v9  }
0x17b: {  	v9 =	vadd.f32 v10, v9;
	_ =	sdelay $0x1  }
0x17c: {  	v10 =	vmul.f32 $2.000000030e-01, v9;
	_ =	sdelay $0x1  }
0x17d: {  	v9 =	vmax.f32 v9, v10  }
0x17e: {  	v9 =	vmul.f32 $1.442695020e+00, v9;
	_ =	sdelay $0x1  }
0x17f: {  	(erf) = vpow2.f32 v9;
	_ =	sdelay $0x8  }
0x180: {  	s7 =	simm.s32 $0x57C0;
	v10 =	vpop (erf)  }
0x181: {  	[tilespmem:s7+$0x40] =	vst v10  }
0x182: {  	v9 =	vld [tilespmem:s4+$0xFFFFFFC0];
	_ =	sdelay $0x3  }
0x183: {  	v11 =	vperm.xlane v10, v1  }
0x184: {  	v59 =	vperm.xlane v10, v2;
	v13 =	vunpack.i.l.bf16.f32 v9  }
0x185: {  	v9 =	vunpack.i.u.bf16.f32 v9;
	v11 =	vmul.f32 v11, v13  }
0x186: {  	v9 =	vmul.f32 v59, v9  }
0x187: {  	[tilespmem:s7+$0xFFFFFFC0] =	vst v11  }
0x188: {  	[tilespmem:s7+$0xFFFFFFD0] =	vst v9  }
0x189: {  	v9 =	vld [tilespmem:s4+$0xFFFFFFD0];
	_ =	sdelay $0x3  }
0x18a: {  	v11 =	vperm.xlane v10, v3  }
0x18b: {  	v60 =	vperm.xlane v10, v4;
	v61 =	vunpack.i.l.bf16.f32 v9  }
0x18c: {  	v9 =	vunpack.i.u.bf16.f32 v9;
	v11 =	vmul.f32 v11, v61  }
0x18d: {  	v9 =	vmul.f32 v60, v9  }
0x18e: {  	[tilespmem:s7+$0xFFFFFFE0] =	vst v11  }
0x18f: {  	[tilespmem:s7+$0xFFFFFFF0] =	vst v9  }
0x190: {  	v9 =	vld [tilespmem:s4+$0xFFFFFFE0];
	_ =	sdelay $0x3  }
0x191: {  	v11 =	vperm.xlane v10, v5  }
0x192: {  	v62 =	vperm.xlane v10, v6;
	v63 =	vunpack.i.l.bf16.f32 v9  }
0x193: {  	v9 =	vunpack.i.u.bf16.f32 v9;
	v11 =	vmul.f32 v11, v63  }
0x194: {  	v9 =	vmul.f32 v62, v9  }
0x195: {  	[tilespmem:s7+$0x0] =	vst v11  }
0x196: {  	[tilespmem:s7+$0x10] =	vst v9  }
0x197: {  	v11 =	vld [tilespmem:s4+$0xFFFFFFF0]  }
0x198: {  	s25 =	simm.s32 $0x40;
	s22 =	simm.s32 $0x57C0;
	v9 =	vperm.xlane v10, v7;
	v10 =	vperm.xlane v10, v8  }
.LBB2_11:
0x199: {  	_ =	sdelay $0x2  }
0x19a: {  	p0 =	sne.s32 s25, $0x1BC0;
	s7 =	sadd.s32 $0x90, s7;
	s4 =	sadd.s32 $0x50, s4;
	v12 =	vunpack.i.u.bf16.f32 v11;
	v11 =	vunpack.i.l.bf16.f32 v11  }
0x19b: {  	s28 =	smov.u32 s25;
	s25 =	sadd.s32 $0x40, s25;
	v9 =	vmul.f32 v9, v11;
	v10 =	vmul.f32 v10, v12;
	_ =	sdelay $0x1  }
0x19c: {  	[tilespmem:s22+$0x20] =	vst v9  }
0x19d: {  	[tilespmem:s22+$0x30] =	vst v10;
	s22 =	smov.u32 s7  }
0x19e: {  	s28 =	sshra.s32 s28, $0x2;
	v9 =	vld [tilespmem:s4+$0x0]  }
0x19f: {  	v10 =	vld [tilespmem:s28+$0xA80];
	_ =	sdelay $0x3  }
0x1a0: {  	v9 =	vunpack.i.l.bf16.f32 v9  }
0x1a1: {  	v9 =	vadd.f32 v10, v9;
	_ =	sdelay $0x1  }
0x1a2: {  	v10 =	vmul.f32 $2.000000030e-01, v9;
	_ =	sdelay $0x1  }
0x1a3: {  	v9 =	vmax.f32 v9, v10  }
0x1a4: {  	v9 =	vmul.f32 $1.442695020e+00, v9;
	_ =	sdelay $0x1  }
0x1a5: {  	(erf) = vpow2.f32 v9;
	_ =	sdelay $0x8  }
0x1a6: {  	v10 =	vpop (erf)  }
0x1a7: {  	[tilespmem:s7+$0x40] =	vst v10  }
0x1a8: {  	v9 =	vld [tilespmem:s4+$0xFFFFFFC0];
	_ =	sdelay $0x3  }
0x1a9: {  	v11 =	vperm.xlane v10, v1;
	v12 =	vperm.xlane v10, v2  }
0x1aa: {  	v13 =	vunpack.i.u.bf16.f32 v9;
	v9 =	vunpack.i.l.bf16.f32 v9  }
0x1ab: {  	v9 =	vmul.f32 v11, v9;
	v11 =	vmul.f32 v12, v13;
	_ =	sdelay $0x1  }
0x1ac: {  	[tilespmem:s7+$0xFFFFFFC0] =	vst v9  }
0x1ad: {  	[tilespmem:s7+$0xFFFFFFD0] =	vst v11  }
0x1ae: {  	v9 =	vld [tilespmem:s4+$0xFFFFFFD0];
	_ =	sdelay $0x2  }
0x1af: {  	v12 =	vperm.xlane v10, v4;
	v11 =	vperm.xlane v10, v3;
	_ =	sdelay $0x1  }
0x1b0: {  	v13 =	vunpack.i.u.bf16.f32 v9;
	v9 =	vunpack.i.l.bf16.f32 v9  }
0x1b1: {  	v9 =	vmul.f32 v11, v9;
	v11 =	vmul.f32 v12, v13;
	_ =	sdelay $0x1  }
0x1b2: {  	[tilespmem:s7+$0xFFFFFFE0] =	vst v9  }
0x1b3: {  	[tilespmem:s7+$0xFFFFFFF0] =	vst v11  }
0x1b4: {  	v9 =	vld [tilespmem:s4+$0xFFFFFFE0];
	_ =	sdelay $0x1  }
0x1b5: {  	v12 =	vperm.xlane v10, v6;
	v11 =	vperm.xlane v10, v5;
	_ =	sdelay $0x2  }
0x1b6: {  	v13 =	vunpack.i.u.bf16.f32 v9;
	v9 =	vunpack.i.l.bf16.f32 v9  }
0x1b7: {  	v9 =	vmul.f32 v11, v9;
	v11 =	vmul.f32 v12, v13  }
.Ltmp4:
0x1b8: {  	(pc) =	sbr.rel @p0 .LBB2_11-.Ltmp4, $4  }
0x1b9: {  	[tilespmem:s7+$0x0] =	vst v9  }
0x1ba: {  	[tilespmem:s7+$0x10] =	vst v11  }
0x1bb: {  	v11 =	vld [tilespmem:s4+$0xFFFFFFF0]  }
0x1bc: {  	v9 =	vperm.xlane v10, v7;
	v10 =	vperm.xlane v10, v8  }
0x1bd: {  	_ =	sdelay $0x1  }
0x1be: {  	s26 =	sadd.s32 $0x1, s26  }
0x1bf: {  	p0 =	sne.s32 s26, $0x17;
	v12 =	vunpack.i.l.bf16.f32 v11  }
.Ltmp5:
0x1c0: {  	v11 =	vunpack.i.u.bf16.f32 v11;
	v9 =	vmul.f32 v9, v12;
	(pc) =	sbr.rel @p0 .LBB2_4-.Ltmp5, $4  }
0x1c1: {  	v10 =	vmul.f32 v10, v11  }
0x1c2: {  	[tilespmem:s22+$0x20] =	vst v9  }
0x1c3: {  	[tilespmem:s22+$0x30] =	vst v10  }
0x1c4: {  	[spmem:s3] =	stream.indirect.scatter.add.f32 [tilespmem:s21], [sflag:$0x7], $0x90, s11, s23, $0xb8;
	[tilespmem:$0x1FE80] =	vst v63  }
0x1c5: {  	_ =	swait.ge [sflag:s19], $0x3F00  }
0x1c6: {  	[sflag:s19] =	ssyncset.done $0x0  }
0x1c7: {  	[sflag:s19] =	ssyncadd.s32 $0xFFFFC100  }
0x1c8: {  	s4 =	stileid.u32;
	[bflag:$0x0] =	sbarrier.arrive $0xFFFF  }
0x1c9: {  	s26 =	simm.s32 $0x8;
	s4 =	sshll.u32 s4, $0x6;
	s25 =	rddreg [dreg:$0x5]  }
0x1ca: {  	s4 =	sor.u32 $0x1C08, s4;
	s22 =	rddreg [dreg:$0xd];
	s7 =	sshrl.u32 s25, $0x3  }
0x1cb: {  	[hbm:s22], [sflag:s4] =	dma.local [spmem:s7], $0x2D00  }
0x1cc: {  	_ =	swait.ge [sflag:s26], $0x2D00  }
0x1cd: {  	s28 =	rddreg [dreg:$0x4]  }
0x1ce: {  	s29 =	rddreg [dreg:$0xe];
	s22 =	sadd.s32 $0x1, s28  }
0x1cf: {  	p0 =	sne.s32 s22, s29  }
.Ltmp6:
0x1d0: {  	_ = 	snop;
	(pc) =	sbr.rel @p0 .LBB2_1-.Ltmp6, $3  }
0x1d1: {  	_ =	sdelay $0x1  }
0x1d2: {  	[sflag:s26] =	ssyncset.done $0x0  }
0x1d3: {  	[sflag:s26] =	ssyncadd.s32 $0xFFFFD300  }
0x1d4: {  	_ =	sfence.sel $0x180000  }
0x1d5: {  	[bflag:$0x0] =	sbarrier.arrive $0xFFFF  }
0x1d6: {  	_ =	strace $0x90000047  }
0x1d7: {  	s0 =	stileid.u32;
	[bflag:$0x2] =	sbarrier.arrive $0xFFFF  }
0x1d8: {  	p0 =	sne.s32 s0, $0x0;
	s0 =	rddreg [dreg:$0x3]  }
0x1d9: {  	s0 =	sadd.s32 @!p0 $0x100000, s0  }
0x1da: {  	[sflag:s0] =	ssyncadd.tile.s32 @!p0 $0x1;
	_ =	shalt  }
.Lfunc_end2:
_tile_overlayer_lowered:
.L_overlay_start_2:
0x1db: {  	(tag) =	ssettag $0x2  }
0x1dc: {  	s0 =	rddreg [dreg:$0x0];
	s2 =	stileid.u32  }
0x1dd: {  	s1 =	rddreg [dreg:$0x1];
	p0 =	sne.s32 s2, $0x0  }
0x1de: {  	s3 =	rddreg [dreg:$0x2];
	[bflag:$0x3] =	sbarrier.arrive $0xFFFF;
	s2 =	simm.s32 @!p0 $0x1C08  }
0x1df: {  	[timem:s3], [sflag:s2] =	dma.local @!p0 [hbm:s0], s1  }
0x1e0: {  	s0 =	simm.s32 @!p0 $0x8  }
0x1e1: {  	_ =	swait.ge @!p0 [sflag:s0], s1  }
0x1e2: {  	s1 =	ssub.s32 @!p0 $0x0, s1;
	[sflag:s0] =	ssyncset.done @!p0 $0x0  }
0x1e3: {  	[sflag:s0] =	ssyncadd.s32 @!p0 s1  }
0x1e4: {  	[bflag:$0x3] =	sbarrier.arrive $0xFFFF  }
0x1e5: {  	_ =	shalt  }

</sc_bundles>
